<compile_context>
chip_gen: v7x
topology: tpu7x:2x2x1
jax: 0.10.2.dev20260603
libtpu: 0.0.44.dev20260713+nightly
codegen_flags: <defaults>
</compile_context>

<pallas_src>
import functools

import jax
import jax.numpy as jnp
from jax import lax
from jax.experimental import pallas as pl
from jax.experimental.pallas import tpu as pltpu
from jax.experimental.pallas import tpu_sc as plsc

B, N, PD, K, OUT = 8, 2048, 2, 20, 10
CB = 8
BN = 512
CN = 512
NW = 32
IDXW = 128
NCHUNK = CB * N * K // IDXW


def _s2(a, b):
    return jnp.minimum(a, b), jnp.maximum(a, b)


def _s4(a, b):
    s1 = jnp.minimum(a[0], b[0])
    t = jnp.maximum(a[0], b[0])
    u = jnp.minimum(a[1], b[1])
    s4 = jnp.maximum(a[1], b[1])
    return s1, jnp.minimum(t, u), jnp.maximum(t, u), s4


def _m45(a, b):
    m1 = jnp.minimum(a[0], b[3])
    m2 = jnp.minimum(a[1], b[2])
    m3 = jnp.minimum(a[2], b[1])
    m4 = jnp.minimum(a[3], b[0])
    p5 = jnp.minimum(
        jnp.minimum(jnp.maximum(a[0], b[3]), jnp.maximum(a[1], b[2])),
        jnp.minimum(jnp.maximum(a[2], b[1]), jnp.maximum(a[3], b[0])))
    x1, x3 = _s2(m1, m3)
    x2, x4 = _s2(m2, m4)
    r1, r2 = _s2(x1, x2)
    r3, r4 = _s2(x3, x4)
    return r1, r2, r3, r4, p5


def _top5of8(cols):
    p01 = _s2(cols[0], cols[1])
    p23 = _s2(cols[2], cols[3])
    p45 = _s2(cols[4], cols[5])
    p67 = _s2(cols[6], cols[7])
    return _m45(_s4(p01, p23), _s4(p45, p67))


def _topk_write(distT, out_ref, base):
    key = lax.bitcast_convert_type(distT, jnp.int32)
    key = key ^ ((key >> 31) & jnp.int32(0x7FFFFFFF))
    row = lax.broadcasted_iota(jnp.int32, distT.shape, 0)
    key = (key & jnp.int32(~2047)) | row
    s = [key[c * 128:(c + 1) * 128, :] for c in range(16)]
    p1a, p2a, p3a, p4a, p5a = _top5of8(s[:8])
    p1b, p2b, p3b, p4b, p5b = _top5of8(s[8:])
    inf = jnp.int32(0x7FFFFFFF)
    tau = None
    for t in range(K):
        m = jnp.min(jnp.minimum(p1a, p1b), axis=0)
        out_ref[0, t, :] = (m & 2047) + base
        tau = m
        mb = m[None, :]
        sa = p1a == mb
        sb = p1b == mb
        p1a = jnp.where(sa, p2a, p1a)
        p2a = jnp.where(sa, p3a, p2a)
        p3a = jnp.where(sa, p4a, p3a)
        p4a = jnp.where(sa, inf, p4a)
        p1b = jnp.where(sb, p2b, p1b)
        p2b = jnp.where(sb, p3b, p2b)
        p3b = jnp.where(sb, p4b, p3b)
        p4b = jnp.where(sb, inf, p4b)
    tb = tau[None, :]
    bad = jnp.logical_or(jnp.any(p5a <= tb), jnp.any(p5b <= tb))

    @pl.when(bad)
    def _():
        kk = key
        for t in range(K):
            m = jnp.min(kk, axis=0)
            out_ref[0, t, :] = (m & 2047) + base
            kk = jnp.where(kk == m[None, :], inf, kk)


def _knn1_kernel(dP_ref, dT_ref, out_ref):
    b = pl.program_id(0)
    xc0 = dP_ref[0, :, 0:1]
    xc1 = dP_ref[0, :, 1:2]
    xr0 = dT_ref[0, 0:1, :]
    xr1 = dT_ref[0, 1:2, :]
    d2c = xc0 * xc0 + xc1 * xc1
    distT = d2c - 2.0 * (xc0 * xr0 + xc1 * xr1)
    _topk_write(distT, out_ref, b * N)


def _knn1(dT, dP, interpret=False):
    return pl.pallas_call(
        _knn1_kernel,
        grid=(CB, N // BN),
        in_specs=[
            pl.BlockSpec((1, N, 16), lambda b, n: (b, 0, 0)),
            pl.BlockSpec((1, 8, BN), lambda b, n: (b, 0, n)),
        ],
        out_specs=pl.BlockSpec((1, K, BN), lambda b, n: (b, 0, n)),
        out_shape=jax.ShapeDtypeStruct((CB, K, N), jnp.int32),
        interpret=interpret,
    )(dP, dT)


def _knn2_kernel(x1f_ref, x1b_ref, Wq_ref, Wp_ref, b2_ref,
                 idx_ref, q_ref, p_ref):
    b = pl.program_id(0)
    xf = x1f_ref[0]
    xr = x1b_ref[0]
    d2c = jnp.sum(xf * xf, axis=1, keepdims=True)
    g = lax.dot_general(xf.astype(jnp.bfloat16), xr.astype(jnp.bfloat16),
                        (((1,), (1,)), ((), ())),
                        preferred_element_type=jnp.float32)
    distT = d2c - 2.0 * g
    _topk_write(distT, idx_ref, b * N)
    q_ref[0] = jnp.dot(xr, Wq_ref[...], preferred_element_type=jnp.float32)
    p_ref[0] = (jnp.dot(xr, Wp_ref[...], preferred_element_type=jnp.float32)
                + b2_ref[...])


def _knn2(x1, Wq, Wp, b2, interpret=False):
    return pl.pallas_call(
        _knn2_kernel,
        grid=(CB, N // BN),
        in_specs=[
            pl.BlockSpec((1, N, 64), lambda b, n: (b, 0, 0)),
            pl.BlockSpec((1, BN, 64), lambda b, n: (b, n, 0)),
            pl.BlockSpec((64, 128), lambda b, n: (0, 0)),
            pl.BlockSpec((64, 128), lambda b, n: (0, 0)),
            pl.BlockSpec((1, 128), lambda b, n: (0, 0)),
        ],
        out_specs=[
            pl.BlockSpec((1, K, BN), lambda b, n: (b, 0, n)),
            pl.BlockSpec((1, BN, 128), lambda b, n: (b, n, 0)),
            pl.BlockSpec((1, BN, 128), lambda b, n: (b, n, 0)),
        ],
        out_shape=[
            jax.ShapeDtypeStruct((CB, K, N), jnp.int32),
            jax.ShapeDtypeStruct((CB, N, 128), jnp.float32),
            jax.ShapeDtypeStruct((CB, N, 128), jnp.float32),
        ],
        interpret=interpret,
    )(x1, x1, Wq, Wp, b2)


def _conv1_kernel(dP_ref, g_ref, W1_ref, b1_ref, W2_ref, b2_ref,
                  W3_ref, b3_ref, out_ref):
    xi0 = dP_ref[0, :, 0:1]
    xi1 = dP_ref[0, :, 1:2]
    xj0 = g_ref[0, :, :, 0:1]
    xj1 = g_ref[0, :, :, 1:2]
    w = W1_ref[...]
    w2 = w[2:3, :].reshape(1, 1, 64)
    w3 = w[3:4, :].reshape(1, 1, 64)
    zi = (xi0 * (w[0:1, :] - w[2:3, :]) + xi1 * (w[1:2, :] - w[3:4, :])
          + b1_ref[...])
    h1 = zi[None] + xj0 * w2 + xj1 * w3
    h1 = jnp.maximum(h1, 0.0).reshape(K * CN, 64)
    h2 = jnp.maximum(
        jnp.dot(h1, W2_ref[...], preferred_element_type=jnp.float32)
        + b2_ref[...], 0.0)
    h3 = jnp.maximum(
        jnp.dot(h2, W3_ref[...], preferred_element_type=jnp.float32)
        + b3_ref[...], 0.0)
    out_ref[0] = jnp.max(h3.reshape(K, CN, 64), axis=0)


def _conv1(dP, ptsg, W1, b1, W2, b2, W3, b3, interpret=False):
    return pl.pallas_call(
        _conv1_kernel,
        grid=(CB, N // CN),
        in_specs=[
            pl.BlockSpec((1, CN, 16), lambda b, n: (b, n, 0)),
            pl.BlockSpec((1, K, CN, 16), lambda b, n: (b, 0, n, 0)),
            pl.BlockSpec((4, 64), lambda b, n: (0, 0)),
            pl.BlockSpec((1, 64), lambda b, n: (0, 0)),
            pl.BlockSpec((64, 64), lambda b, n: (0, 0)),
            pl.BlockSpec((1, 64), lambda b, n: (0, 0)),
            pl.BlockSpec((64, 64), lambda b, n: (0, 0)),
            pl.BlockSpec((1, 64), lambda b, n: (0, 0)),
        ],
        out_specs=pl.BlockSpec((1, CN, 64), lambda b, n: (b, n, 0)),
        out_shape=jax.ShapeDtypeStruct((CB, N, 64), jnp.float32),
        interpret=interpret,
    )(dP, ptsg, W1, b1, W2, b2, W3, b3)


def _lin1pool_kernel(x1_ref, p_ref, qg_ref, Wa_ref, Wb_ref, bl_ref,
                     W1_ref, b1_ref, W2_ref, b2_ref, W3_ref, b3_ref,
                     pool_ref, out_ref):
    b = pl.program_id(0)
    nblk = pl.program_id(1)
    m = jnp.max(qg_ref[0], axis=0).astype(jnp.float32)
    x2 = jnp.maximum(p_ref[0] + m, 0.0)
    y = (jnp.dot(x1_ref[0], Wa_ref[...], preferred_element_type=jnp.float32)
         + jnp.dot(x2, Wb_ref[...], preferred_element_type=jnp.float32)
         + bl_ref[...])
    cm = jnp.max(y, axis=0, keepdims=True)

    @pl.when(nblk == 0)
    def _():
        pool_ref[pl.ds(b, 1), :] = cm

    @pl.when(nblk != 0)
    def _():
        pool_ref[pl.ds(b, 1), :] = jnp.maximum(pool_ref[pl.ds(b, 1), :], cm)

    @pl.when(jnp.logical_and(b == CB - 1, nblk == N // CN - 1))
    def _():
        h = jnp.maximum(
            jnp.dot(pool_ref[...], W1_ref[...],
                    preferred_element_type=jnp.float32) + b1_ref[...], 0.0)
        h = jnp.maximum(
            jnp.dot(h, W2_ref[...], preferred_element_type=jnp.float32)
            + b2_ref[...], 0.0)
        o = (jnp.dot(h, W3_ref[...], preferred_element_type=jnp.float32)
             + b3_ref[...])
        om = o - jnp.max(o, axis=1, keepdims=True)
        out_ref[...] = om - jnp.log(
            jnp.sum(jnp.exp(om), axis=1, keepdims=True))


def _lin1pool(x1, p, qg, Wa, Wb, bl, W1, b1, W2, b2, W3, b3,
              interpret=False):
    return pl.pallas_call(
        _lin1pool_kernel,
        grid=(CB, N // CN),
        in_specs=[
            pl.BlockSpec((1, CN, 64), lambda b, n: (b, n, 0)),
            pl.BlockSpec((1, CN, 128), lambda b, n: (b, n, 0)),
            pl.BlockSpec((1, K, CN, 128), lambda b, n: (b, 0, n, 0)),
            pl.BlockSpec((64, 1024), lambda b, n: (0, 0)),
            pl.BlockSpec((128, 1024), lambda b, n: (0, 0)),
            pl.BlockSpec((1, 1024), lambda b, n: (0, 0)),
            pl.BlockSpec((1024, 512), lambda b, n: (0, 0)),
            pl.BlockSpec((1, 512), lambda b, n: (0, 0)),
            pl.BlockSpec((512, 256), lambda b, n: (0, 0)),
            pl.BlockSpec((1, 256), lambda b, n: (0, 0)),
            pl.BlockSpec((256, OUT), lambda b, n: (0, 0)),
            pl.BlockSpec((1, OUT), lambda b, n: (0, 0)),
        ],
        out_specs=[
            pl.BlockSpec((CB, 1024), lambda b, n: (0, 0)),
            pl.BlockSpec((CB, OUT), lambda b, n: (0, 0)),
        ],
        out_shape=[
            jax.ShapeDtypeStruct((CB, 1024), jnp.float32),
            jax.ShapeDtypeStruct((CB, OUT), jnp.float32),
        ],
        interpret=interpret,
    )(x1, p, qg, Wa, Wb, bl, W1, b1, W2, b2, W3, b3)


@functools.lru_cache(maxsize=None)
def _sc_gather_build(D, dtype_name):
    dtype = jnp.dtype(dtype_name)
    cpw = NCHUNK // NW
    nbuf = 4
    mesh = plsc.VectorSubcoreMesh(core_axis_name="c", subcore_axis_name="s")

    @functools.partial(
        pl.kernel,
        out_type=jax.ShapeDtypeStruct((NCHUNK, IDXW, D), dtype),
        mesh=mesh,
        scratch_types=[
            pltpu.VMEM((cpw, IDXW), jnp.int32),
            pltpu.VMEM((nbuf, IDXW, D), dtype),
            pltpu.SemaphoreType.DMA((nbuf,)),
        ],
        compiler_params=pltpu.CompilerParams(use_tc_tiling_on_sc=False),
    )
    def gather_k(table_hbm, idx_hbm, out_hbm, idx_v, rows_v, sems):
        wid = lax.axis_index("s") * 2 + lax.axis_index("c")
        base = wid * cpw
        pltpu.sync_copy(idx_hbm.at[pl.ds(base, cpw)], idx_v)
        for bb in range(nbuf):
            pltpu.make_async_copy(
                table_hbm.at[idx_v.at[bb]], rows_v.at[bb], sems.at[bb]).start()

        def body(i, carry):
            for bb in range(nbuf):
                c = i * nbuf + bb
                pltpu.make_async_copy(
                    table_hbm.at[idx_v.at[c]], rows_v.at[bb],
                    sems.at[bb]).wait()
                pltpu.sync_copy(rows_v.at[bb], out_hbm.at[base + c])
                nxt = c + nbuf

                @pl.when(nxt < cpw)
                def _():
                    pltpu.make_async_copy(
                        table_hbm.at[idx_v.at[nxt]], rows_v.at[bb],
                        sems.at[bb]).start()
            return carry

        lax.fori_loop(0, cpw // nbuf, body, 0)

    return gather_k


def _gather_rows(table, idx2d):
    return _sc_gather_build(table.shape[-1], table.dtype.name)(table, idx2d)


def kernel(data, c1_W1, c1_b1, c1_W2, c1_b2, c1_W3, c1_b3, c2_W1, c2_b1,
           lin1_W, lin1_b, m_W1, m_b1, m_W2, m_b2, m_W3, m_b3):
    f32 = jnp.float32
    data = data.astype(f32)
    dP = jnp.pad(data, ((0, 0), (0, 0), (0, 16 - PD)))
    dT = jnp.pad(data.transpose(0, 2, 1), ((0, 0), (0, 8 - PD), (0, 0)))
    Wq = c2_W1[64:]
    Wp = c2_W1[:64] - c2_W1[64:]
    idx1 = _knn1(dT, dP)
    ptsg = _gather_rows(dP.reshape(CB * N, 16), idx1.reshape(NCHUNK, IDXW))
    ptsg = ptsg.reshape(CB, K, N, 16)
    x1 = _conv1(dP, ptsg, c1_W1, c1_b1.reshape(1, 64), c1_W2,
                c1_b2.reshape(1, 64), c1_W3, c1_b3.reshape(1, 64))
    idx2, q, p = _knn2(x1, Wq, Wp, c2_b1.reshape(1, 128))
    qg = _gather_rows(q.reshape(CB * N, 128), idx2.reshape(NCHUNK, IDXW))
    qg = qg.reshape(CB, K, N, 128)
    _, out = _lin1pool(x1, p, qg, lin1_W[:64], lin1_W[64:],
                       lin1_b.reshape(1, 1024), m_W1, m_b1.reshape(1, 512),
                       m_W2, m_b2.reshape(1, 256), m_W3,
                       m_b3.reshape(1, OUT))
    return out

# --- scband reference (transcript-rebuilt; emitter-appended) ---
"""Pipeline reference for scband-tracking-net-9758165697242 (READ-ONLY COPY).

The authoritative reference and input builder live on the scoring server;
editing this copy changes nothing except your own understanding.
"""

import jax, jax.numpy as jnp
import numpy as np

B, N, PD, K, OUT = 8, 2048, 2, 20, 10

def _init_lin(key, fi, fo):
    k1, k2 = jax.random.split(key)
    s = 1.0 / np.sqrt(fi)
    W = jax.random.uniform(k1, (fi, fo), jnp.float32, -s, s)
    b = jax.random.uniform(k2, (fo,), jnp.float32, -s, s)
    return W, b

def setup_inputs(seed: int = 0):
    key = jax.random.key(seed)
    ks = jax.random.split(key, 10)
    inp = {}
    inp["data"] = jax.random.normal(ks[0], (B, N, PD), dtype=jnp.float32)
    inp["c1_W1"], inp["c1_b1"] = _init_lin(ks[1], 2 * PD, 64)
    inp["c1_W2"], inp["c1_b2"] = _init_lin(ks[2], 64, 64)
    inp["c1_W3"], inp["c1_b3"] = _init_lin(ks[3], 64, 64)
    inp["c2_W1"], inp["c2_b1"] = _init_lin(ks[4], 2 * 64, 128)
    inp["lin1_W"], inp["lin1_b"] = _init_lin(ks[5], 128 + 64, 1024)
    inp["m_W1"], inp["m_b1"] = _init_lin(ks[6], 1024, 512)
    inp["m_W2"], inp["m_b2"] = _init_lin(ks[7], 512, 256)
    inp["m_W3"], inp["m_b3"] = _init_lin(ks[8], 256, OUT)
    return inp

def _knn_idx(x, k):
    # per-cloud k nearest neighbors (self included, as in torch_cluster.knn)
    d2 = jnp.sum(x * x, axis=-1)
    dist = d2[:, :, None] + d2[:, None, :] - 2.0 * jnp.einsum('bnd,bmd->bnm', x, x)
    _, idx = jax.lax.top_k(-dist, k)
    return idx  # [B, N, k]

def _edge_conv(x, idx, mlp_fn):
    # x: [B, N, d]; idx: [B, N, k]
    xj = jax.vmap(lambda xb, ib: xb[ib])(x, idx)            # gather neighbors [B, N, k, d]
    xi = jnp.broadcast_to(x[:, :, None, :], xj.shape)
    msg = mlp_fn(jnp.concatenate([xi, xj - xi], axis=-1))
    return jnp.max(msg, axis=2)                             # max aggregation

def reference(data, c1_W1, c1_b1, c1_W2, c1_b2, c1_W3, c1_b3, c2_W1, c2_b1,
              lin1_W, lin1_b, m_W1, m_b1, m_W2, m_b2, m_W3, m_b3):
    def mlp1(h):
        h = jax.nn.relu(h @ c1_W1 + c1_b1)
        h = jax.nn.relu(h @ c1_W2 + c1_b2)
        h = jax.nn.relu(h @ c1_W3 + c1_b3)
        return h

    def mlp2(h):
        return jax.nn.relu(h @ c2_W1 + c2_b1)

    idx1 = _knn_idx(data, K)
    x1 = _edge_conv(data, idx1, mlp1)        # [B, N, 64]
    idx2 = _knn_idx(x1, K)
    x2 = _edge_conv(x1, idx2, mlp2)          # [B, N, 128]
    out = jnp.concatenate([x1, x2], axis=-1) @ lin1_W + lin1_b  # [B, N, 1024]
    out = jnp.max(out, axis=1)               # global_max_pool -> [B, 1024]
    out = jax.nn.relu(out @ m_W1 + m_b1)
    out = jax.nn.relu(out @ m_W2 + m_b2)
    out = out @ m_W3 + m_b3
    return jax.nn.log_softmax(out, axis=1)

if __name__ == "__main__":
    import jax
    _d = setup_inputs()
    print(jax.jit(kernel)(*tuple(_d.values())))

</pallas_src>

<mosaic_0001>
#map = affine_map<(d0, d1) -> (0, 0)>
#map1 = affine_map<(d0, d1) -> (0, 0, 0)>
module attributes {stable_mosaic.version = 14 : i64} {
  func.func @gather_k(%arg0: i32, %arg1: i32, %arg2: memref<16384x16xf32, #tpu.memory_space<hbm>>, %arg3: memref<2560x128xi32, #tpu.memory_space<hbm>>, %arg4: memref<2560x128x16xf32, #tpu.memory_space<hbm>>, %arg5: memref<80x128xi32, #tpu.memory_space<vmem>>, %arg6: memref<4x128x16xf32, #tpu.memory_space<vmem>>, %arg7: memref<4x!tpu.dma_semaphore, #tpu.memory_space<semaphore_mem>>) attributes {dimension_semantics = [#tpu.dimension_semantics<core_parallel>, #tpu.dimension_semantics<subcore_parallel>], iteration_bounds = array<i64: 2, 16>, scalar_prefetch = 0 : i64, scratch_operands = 3 : i64, tpu.core_type = #tpu.core_type<sc_vector_subcore>, window_params = [{transform_indices = #map}, {transform_indices = #map}, {transform_indices = #map1}]} {
    %mul3A = arith.constant 2 : i32
    %mul3A_0 = arith.muli %arg1, %mul3A : i32
    %add3A = arith.addi %mul3A_0, %arg0 : i32
    %mul3A_1 = arith.constant 80 : i32
    %mul3A_2 = arith.muli %add3A, %mul3A_1 : i32
    "tpu.region"() ({
      %run_scoped3A = tpu.sem_alloc : memref<!tpu.dma_semaphore, #tpu.memory_space<semaphore_mem>>
      %dma_start3A_67 = arith.constant 0 : i32
      %dma_start3A_68 = tpu.memref_slice %arg3[%mul3A_2, %dma_start3A_67] : memref<2560x128xi32, #tpu.memory_space<hbm>> -> memref<80x128xi32, #tpu.memory_space<hbm>>
      %dma_start3A_69 = arith.constant 0 : i32
      %dma_start3A_70 = tpu.memref_slice %arg3[%mul3A_2, %dma_start3A_69] : memref<2560x128xi32, #tpu.memory_space<hbm>> -> memref<80x128xi32, #tpu.memory_space<hbm>>
      tpu.enqueue_dma source(%dma_start3A_70 : memref<80x128xi32, #tpu.memory_space<hbm>>) target(%arg5 : memref<80x128xi32, #tpu.memory_space<vmem>>) target_semaphore(%run_scoped3A : memref<!tpu.dma_semaphore, #tpu.memory_space<semaphore_mem>>)
      %dma_wait3A = arith.constant 0 : i32
      %dma_wait3A_71 = tpu.memref_slice %arg3[%mul3A_2, %dma_wait3A] : memref<2560x128xi32, #tpu.memory_space<hbm>> -> memref<80x128xi32, #tpu.memory_space<hbm>>
      %dma_wait3A_72 = arith.constant 0 : i32
      %dma_wait3A_73 = tpu.memref_slice %arg3[%mul3A_2, %dma_wait3A_72] : memref<2560x128xi32, #tpu.memory_space<hbm>> -> memref<80x128xi32, #tpu.memory_space<hbm>>
      tpu.wait_dma2 semaphore(%run_scoped3A : memref<!tpu.dma_semaphore, #tpu.memory_space<semaphore_mem>>) src(%dma_wait3A_73 : memref<80x128xi32, #tpu.memory_space<hbm>>) dst(%arg5 : memref<80x128xi32, #tpu.memory_space<vmem>>)
      tpu.yield
    }) : () -> ()
    %dma_start3A = arith.constant 0 : i32
    %dma_start3A_3 = arith.constant 0 : i32
    %dma_start3A_4 = arith.constant 0 : i32
    %dma_start3A_5 = arith.constant 0 : i32
    %dma_start3A_6 = arith.constant 0 : i32
    %dma_start3A_7 = tpu.memref_slice %arg6[%dma_start3A_3, %dma_start3A_5, %dma_start3A_6] : memref<4x128x16xf32, #tpu.memory_space<vmem>> -> memref<1x128x16xf32, #tpu.memory_space<vmem>>
    %dma_start3A_8 = tpu.memref_squeeze %dma_start3A_7 : memref<1x128x16xf32, #tpu.memory_space<vmem>> -> memref<128x16xf32, #tpu.memory_space<vmem>>
    %dma_start3A_9 = arith.constant 0 : i32
    %dma_start3A_10 = tpu.memref_slice %arg5[%dma_start3A, %dma_start3A_9] : memref<80x128xi32, #tpu.memory_space<vmem>> -> memref<1x128xi32, #tpu.memory_space<vmem>>
    %dma_start3A_11 = tpu.memref_squeeze %dma_start3A_10 : memref<1x128xi32, #tpu.memory_space<vmem>> -> memref<128xi32, #tpu.memory_space<vmem>>
    %dma_start3A_12 = arith.constant 0 : i32
    %dma_start3A_13 = arith.constant 0 : i32
    %dma_start3A_14 = tpu.memref_slice %arg2[%dma_start3A_12, %dma_start3A_13] : memref<16384x16xf32, #tpu.memory_space<hbm>> -> memref<16384x16xf32, #tpu.memory_space<hbm>>
    %dma_start3A_15 = tpu.memref_slice %arg7[%dma_start3A_4] : memref<4x!tpu.dma_semaphore, #tpu.memory_space<semaphore_mem>> -> memref<1x!tpu.dma_semaphore, #tpu.memory_space<semaphore_mem>>
    %dma_start3A_16 = tpu.memref_squeeze %dma_start3A_15 : memref<1x!tpu.dma_semaphore, #tpu.memory_space<semaphore_mem>> -> memref<!tpu.dma_semaphore, #tpu.memory_space<semaphore_mem>>
    tpu.enqueue_indirect_dma source(%dma_start3A_14 : memref<16384x16xf32, #tpu.memory_space<hbm>>) target(%dma_start3A_8 : memref<128x16xf32, #tpu.memory_space<vmem>>) offsets(%dma_start3A_11 : memref<128xi32, #tpu.memory_space<vmem>>) semaphore(%dma_start3A_16 : memref<!tpu.dma_semaphore, #tpu.memory_space<semaphore_mem>>)
    %dma_start3A_17 = arith.constant 1 : i32
    %dma_start3A_18 = arith.constant 1 : i32
    %dma_start3A_19 = arith.constant 1 : i32
    %dma_start3A_20 = arith.constant 0 : i32
    %dma_start3A_21 = arith.constant 0 : i32
    %dma_start3A_22 = tpu.memref_slice %arg6[%dma_start3A_18, %dma_start3A_20, %dma_start3A_21] : memref<4x128x16xf32, #tpu.memory_space<vmem>> -> memref<1x128x16xf32, #tpu.memory_space<vmem>>
    %dma_start3A_23 = tpu.memref_squeeze %dma_start3A_22 : memref<1x128x16xf32, #tpu.memory_space<vmem>> -> memref<128x16xf32, #tpu.memory_space<vmem>>
    %dma_start3A_24 = arith.constant 0 : i32
    %dma_start3A_25 = tpu.memref_slice %arg5[%dma_start3A_17, %dma_start3A_24] : memref<80x128xi32, #tpu.memory_space<vmem>> -> memref<1x128xi32, #tpu.memory_space<vmem>>
    %dma_start3A_26 = tpu.memref_squeeze %dma_start3A_25 : memref<1x128xi32, #tpu.memory_space<vmem>> -> memref<128xi32, #tpu.memory_space<vmem>>
    %dma_start3A_27 = arith.constant 0 : i32
    %dma_start3A_28 = arith.constant 0 : i32
    %dma_start3A_29 = tpu.memref_slice %arg2[%dma_start3A_27, %dma_start3A_28] : memref<16384x16xf32, #tpu.memory_space<hbm>> -> memref<16384x16xf32, #tpu.memory_space<hbm>>
    %dma_start3A_30 = tpu.memref_slice %arg7[%dma_start3A_19] : memref<4x!tpu.dma_semaphore, #tpu.memory_space<semaphore_mem>> -> memref<1x!tpu.dma_semaphore, #tpu.memory_space<semaphore_mem>>
    %dma_start3A_31 = tpu.memref_squeeze %dma_start3A_30 : memref<1x!tpu.dma_semaphore, #tpu.memory_space<semaphore_mem>> -> memref<!tpu.dma_semaphore, #tpu.memory_space<semaphore_mem>>
    tpu.enqueue_indirect_dma source(%dma_start3A_29 : memref<16384x16xf32, #tpu.memory_space<hbm>>) target(%dma_start3A_23 : memref<128x16xf32, #tpu.memory_space<vmem>>) offsets(%dma_start3A_26 : memref<128xi32, #tpu.memory_space<vmem>>) semaphore(%dma_start3A_31 : memref<!tpu.dma_semaphore, #tpu.memory_space<semaphore_mem>>)
    %dma_start3A_32 = arith.constant 2 : i32
    %dma_start3A_33 = arith.constant 2 : i32
    %dma_start3A_34 = arith.constant 2 : i32
    %dma_start3A_35 = arith.constant 0 : i32
    %dma_start3A_36 = arith.constant 0 : i32
    %dma_start3A_37 = tpu.memref_slice %arg6[%dma_start3A_33, %dma_start3A_35, %dma_start3A_36] : memref<4x128x16xf32, #tpu.memory_space<vmem>> -> memref<1x128x16xf32, #tpu.memory_space<vmem>>
    %dma_start3A_38 = tpu.memref_squeeze %dma_start3A_37 : memref<1x128x16xf32, #tpu.memory_space<vmem>> -> memref<128x16xf32, #tpu.memory_space<vmem>>
    %dma_start3A_39 = arith.constant 0 : i32
    %dma_start3A_40 = tpu.memref_slice %arg5[%dma_start3A_32, %dma_start3A_39] : memref<80x128xi32, #tpu.memory_space<vmem>> -> memref<1x128xi32, #tpu.memory_space<vmem>>
    %dma_start3A_41 = tpu.memref_squeeze %dma_start3A_40 : memref<1x128xi32, #tpu.memory_space<vmem>> -> memref<128xi32, #tpu.memory_space<vmem>>
    %dma_start3A_42 = arith.constant 0 : i32
    %dma_start3A_43 = arith.constant 0 : i32
    %dma_start3A_44 = tpu.memref_slice %arg2[%dma_start3A_42, %dma_start3A_43] : memref<16384x16xf32, #tpu.memory_space<hbm>> -> memref<16384x16xf32, #tpu.memory_space<hbm>>
    %dma_start3A_45 = tpu.memref_slice %arg7[%dma_start3A_34] : memref<4x!tpu.dma_semaphore, #tpu.memory_space<semaphore_mem>> -> memref<1x!tpu.dma_semaphore, #tpu.memory_space<semaphore_mem>>
    %dma_start3A_46 = tpu.memref_squeeze %dma_start3A_45 : memref<1x!tpu.dma_semaphore, #tpu.memory_space<semaphore_mem>> -> memref<!tpu.dma_semaphore, #tpu.memory_space<semaphore_mem>>
    tpu.enqueue_indirect_dma source(%dma_start3A_44 : memref<16384x16xf32, #tpu.memory_space<hbm>>) target(%dma_start3A_38 : memref<128x16xf32, #tpu.memory_space<vmem>>) offsets(%dma_start3A_41 : memref<128xi32, #tpu.memory_space<vmem>>) semaphore(%dma_start3A_46 : memref<!tpu.dma_semaphore, #tpu.memory_space<semaphore_mem>>)
    %dma_start3A_47 = arith.constant 3 : i32
    %dma_start3A_48 = arith.constant 3 : i32
    %dma_start3A_49 = arith.constant 3 : i32
    %dma_start3A_50 = arith.constant 0 : i32
    %dma_start3A_51 = arith.constant 0 : i32
    %dma_start3A_52 = tpu.memref_slice %arg6[%dma_start3A_48, %dma_start3A_50, %dma_start3A_51] : memref<4x128x16xf32, #tpu.memory_space<vmem>> -> memref<1x128x16xf32, #tpu.memory_space<vmem>>
    %dma_start3A_53 = tpu.memref_squeeze %dma_start3A_52 : memref<1x128x16xf32, #tpu.memory_space<vmem>> -> memref<128x16xf32, #tpu.memory_space<vmem>>
    %dma_start3A_54 = arith.constant 0 : i32
    %dma_start3A_55 = tpu.memref_slice %arg5[%dma_start3A_47, %dma_start3A_54] : memref<80x128xi32, #tpu.memory_space<vmem>> -> memref<1x128xi32, #tpu.memory_space<vmem>>
    %dma_start3A_56 = tpu.memref_squeeze %dma_start3A_55 : memref<1x128xi32, #tpu.memory_space<vmem>> -> memref<128xi32, #tpu.memory_space<vmem>>
    %dma_start3A_57 = arith.constant 0 : i32
    %dma_start3A_58 = arith.constant 0 : i32
    %dma_start3A_59 = tpu.memref_slice %arg2[%dma_start3A_57, %dma_start3A_58] : memref<16384x16xf32, #tpu.memory_space<hbm>> -> memref<16384x16xf32, #tpu.memory_space<hbm>>
    %dma_start3A_60 = tpu.memref_slice %arg7[%dma_start3A_49] : memref<4x!tpu.dma_semaphore, #tpu.memory_space<semaphore_mem>> -> memref<1x!tpu.dma_semaphore, #tpu.memory_space<semaphore_mem>>
    %dma_start3A_61 = tpu.memref_squeeze %dma_start3A_60 : memref<1x!tpu.dma_semaphore, #tpu.memory_space<semaphore_mem>> -> memref<!tpu.dma_semaphore, #tpu.memory_space<semaphore_mem>>
    tpu.enqueue_indirect_dma source(%dma_start3A_59 : memref<16384x16xf32, #tpu.memory_space<hbm>>) target(%dma_start3A_53 : memref<128x16xf32, #tpu.memory_space<vmem>>) offsets(%dma_start3A_56 : memref<128xi32, #tpu.memory_space<vmem>>) semaphore(%dma_start3A_61 : memref<!tpu.dma_semaphore, #tpu.memory_space<semaphore_mem>>)
    %scan3A = arith.constant 0 : i32
    %scan3A_62 = arith.constant 0 : i32
    %scan3A_63 = arith.constant 20 : i32
    %scan3A_64 = arith.addi %scan3A_62, %scan3A_63 : i32
    %scan3A_65 = arith.constant 1 : i32
    scf.for %scan3A_67 = %scan3A_62 to %scan3A_64 step %scan3A_65  : i32 {
      %mul3A_68 = arith.constant 4 : i32
      %mul3A_69 = arith.muli %scan3A_67, %mul3A_68 : i32
      %add3A_70 = arith.constant 0 : i32
      %add3A_71 = arith.addi %mul3A_69, %add3A_70 : i32
      %dma_wait3A = arith.constant 0 : i32
      %dma_wait3A_72 = arith.constant 0 : i32
      %dma_wait3A_73 = arith.constant 0 : i32
      %dma_wait3A_74 = arith.constant 0 : i32
      %dma_wait3A_75 = tpu.memref_slice %arg6[%dma_wait3A, %dma_wait3A_73, %dma_wait3A_74] : memref<4x128x16xf32, #tpu.memory_space<vmem>> -> memref<1x128x16xf32, #tpu.memory_space<vmem>>
      %dma_wait3A_76 = tpu.memref_squeeze %dma_wait3A_75 : memref<1x128x16xf32, #tpu.memory_space<vmem>> -> memref<128x16xf32, #tpu.memory_space<vmem>>
      %dma_wait3A_77 = arith.constant 0 : i32
      %dma_wait3A_78 = tpu.memref_slice %arg5[%add3A_71, %dma_wait3A_77] : memref<80x128xi32, #tpu.memory_space<vmem>> -> memref<1x128xi32, #tpu.memory_space<vmem>>
      %dma_wait3A_79 = tpu.memref_squeeze %dma_wait3A_78 : memref<1x128xi32, #tpu.memory_space<vmem>> -> memref<128xi32, #tpu.memory_space<vmem>>
      %dma_wait3A_80 = arith.constant 0 : i32
      %dma_wait3A_81 = arith.constant 0 : i32
      %dma_wait3A_82 = tpu.memref_slice %arg2[%dma_wait3A_80, %dma_wait3A_81] : memref<16384x16xf32, #tpu.memory_space<hbm>> -> memref<16384x16xf32, #tpu.memory_space<hbm>>
      %dma_wait3A_83 = tpu.memref_slice %arg7[%dma_wait3A_72] : memref<4x!tpu.dma_semaphore, #tpu.memory_space<semaphore_mem>> -> memref<1x!tpu.dma_semaphore, #tpu.memory_space<semaphore_mem>>
      %dma_wait3A_84 = tpu.memref_squeeze %dma_wait3A_83 : memref<1x!tpu.dma_semaphore, #tpu.memory_space<semaphore_mem>> -> memref<!tpu.dma_semaphore, #tpu.memory_space<semaphore_mem>>
      tpu.wait_indirect_dma semaphore(%dma_wait3A_84 : memref<!tpu.dma_semaphore, #tpu.memory_space<semaphore_mem>>) src(%dma_wait3A_82 : memref<16384x16xf32, #tpu.memory_space<hbm>>) dst(%dma_wait3A_76 : memref<128x16xf32, #tpu.memory_space<vmem>>)
      %add3A_85 = arith.addi %mul3A_2, %add3A_71 : i32
      %run_scoped3A = arith.constant 0 : i32
      "tpu.region"() ({
        %run_scoped3A_171 = tpu.sem_alloc : memref<!tpu.dma_semaphore, #tpu.memory_space<semaphore_mem>>
        %dma_start3A_172 = arith.constant 0 : i32
        %dma_start3A_173 = arith.constant 0 : i32
        %dma_start3A_174 = tpu.memref_slice %arg6[%run_scoped3A, %dma_start3A_172, %dma_start3A_173] : memref<4x128x16xf32, #tpu.memory_space<vmem>> -> memref<1x128x16xf32, #tpu.memory_space<vmem>>
        %dma_start3A_175 = tpu.memref_squeeze %dma_start3A_174 : memref<1x128x16xf32, #tpu.memory_space<vmem>> -> memref<128x16xf32, #tpu.memory_space<vmem>>
        %dma_start3A_176 = arith.constant 0 : i32
        %dma_start3A_177 = arith.constant 0 : i32
        %dma_start3A_178 = tpu.memref_slice %arg4[%add3A_85, %dma_start3A_176, %dma_start3A_177] : memref<2560x128x16xf32, #tpu.memory_space<hbm>> -> memref<1x128x16xf32, #tpu.memory_space<hbm>>
        %dma_start3A_179 = tpu.memref_squeeze %dma_start3A_178 : memref<1x128x16xf32, #tpu.memory_space<hbm>> -> memref<128x16xf32, #tpu.memory_space<hbm>>
        %dma_start3A_180 = arith.constant 0 : i32
        %dma_start3A_181 = arith.constant 0 : i32
        %dma_start3A_182 = tpu.memref_slice %arg4[%add3A_85, %dma_start3A_180, %dma_start3A_181] : memref<2560x128x16xf32, #tpu.memory_space<hbm>> -> memref<1x128x16xf32, #tpu.memory_space<hbm>>
        %dma_start3A_183 = tpu.memref_squeeze %dma_start3A_182 : memref<1x128x16xf32, #tpu.memory_space<hbm>> -> memref<128x16xf32, #tpu.memory_space<hbm>>
        %dma_start3A_184 = arith.constant 0 : i32
        %dma_start3A_185 = arith.constant 0 : i32
        %dma_start3A_186 = tpu.memref_slice %arg6[%run_scoped3A, %dma_start3A_184, %dma_start3A_185] : memref<4x128x16xf32, #tpu.memory_space<vmem>> -> memref<1x128x16xf32, #tpu.memory_space<vmem>>
        %dma_start3A_187 = tpu.memref_squeeze %dma_start3A_186 : memref<1x128x16xf32, #tpu.memory_space<vmem>> -> memref<128x16xf32, #tpu.memory_space<vmem>>
        tpu.enqueue_dma source(%dma_start3A_187 : memref<128x16xf32, #tpu.memory_space<vmem>>) target(%dma_start3A_183 : memref<128x16xf32, #tpu.memory_space<hbm>>) target_semaphore(%run_scoped3A_171 : memref<!tpu.dma_semaphore, #tpu.memory_space<semaphore_mem>>)
        %dma_wait3A_188 = arith.constant 0 : i32
        %dma_wait3A_189 = arith.constant 0 : i32
        %dma_wait3A_190 = tpu.memref_slice %arg6[%run_scoped3A, %dma_wait3A_188, %dma_wait3A_189] : memref<4x128x16xf32, #tpu.memory_space<vmem>> -> memref<1x128x16xf32, #tpu.memory_space<vmem>>
        %dma_wait3A_191 = tpu.memref_squeeze %dma_wait3A_190 : memref<1x128x16xf32, #tpu.memory_space<vmem>> -> memref<128x16xf32, #tpu.memory_space<vmem>>
        %dma_wait3A_192 = arith.constant 0 : i32
        %dma_wait3A_193 = arith.constant 0 : i32
        %dma_wait3A_194 = tpu.memref_slice %arg4[%add3A_85, %dma_wait3A_192, %dma_wait3A_193] : memref<2560x128x16xf32, #tpu.memory_space<hbm>> -> memref<1x128x16xf32, #tpu.memory_space<hbm>>
        %dma_wait3A_195 = tpu.memref_squeeze %dma_wait3A_194 : memref<1x128x16xf32, #tpu.memory_space<hbm>> -> memref<128x16xf32, #tpu.memory_space<hbm>>
        %dma_wait3A_196 = arith.constant 0 : i32
        %dma_wait3A_197 = arith.constant 0 : i32
        %dma_wait3A_198 = tpu.memref_slice %arg4[%add3A_85, %dma_wait3A_196, %dma_wait3A_197] : memref<2560x128x16xf32, #tpu.memory_space<hbm>> -> memref<1x128x16xf32, #tpu.memory_space<hbm>>
        %dma_wait3A_199 = tpu.memref_squeeze %dma_wait3A_198 : memref<1x128x16xf32, #tpu.memory_space<hbm>> -> memref<128x16xf32, #tpu.memory_space<hbm>>
        %dma_wait3A_200 = arith.constant 0 : i32
        %dma_wait3A_201 = arith.constant 0 : i32
        %dma_wait3A_202 = tpu.memref_slice %arg6[%run_scoped3A, %dma_wait3A_200, %dma_wait3A_201] : memref<4x128x16xf32, #tpu.memory_space<vmem>> -> memref<1x128x16xf32, #tpu.memory_space<vmem>>
        %dma_wait3A_203 = tpu.memref_squeeze %dma_wait3A_202 : memref<1x128x16xf32, #tpu.memory_space<vmem>> -> memref<128x16xf32, #tpu.memory_space<vmem>>
        tpu.wait_dma2 semaphore(%run_scoped3A_171 : memref<!tpu.dma_semaphore, #tpu.memory_space<semaphore_mem>>) src(%dma_wait3A_203 : memref<128x16xf32, #tpu.memory_space<vmem>>) dst(%dma_wait3A_199 : memref<128x16xf32, #tpu.memory_space<hbm>>)
        tpu.yield
      }) : () -> ()
      %add3A_86 = arith.constant 4 : i32
      %add3A_87 = arith.addi %add3A_71, %add3A_86 : i32
      %lt3A = arith.constant 80 : i32
      %lt3A_88 = arith.cmpi slt, %add3A_87, %lt3A : i32
      %convert_element_type3A = arith.extui %lt3A_88 : i1 to i32
      %cond3A = arith.constant 0 : i32
      %cond3A_89 = arith.cmpi ne, %convert_element_type3A, %cond3A : i32
      scf.if %cond3A_89 {
        %dma_start3A_171 = arith.constant 0 : i32
        %dma_start3A_172 = arith.constant 0 : i32
        %dma_start3A_173 = arith.constant 0 : i32
        %dma_start3A_174 = arith.constant 0 : i32
        %dma_start3A_175 = tpu.memref_slice %arg6[%dma_start3A_171, %dma_start3A_173, %dma_start3A_174] : memref<4x128x16xf32, #tpu.memory_space<vmem>> -> memref<1x128x16xf32, #tpu.memory_space<vmem>>
        %dma_start3A_176 = tpu.memref_squeeze %dma_start3A_175 : memref<1x128x16xf32, #tpu.memory_space<vmem>> -> memref<128x16xf32, #tpu.memory_space<vmem>>
        %dma_start3A_177 = arith.constant 0 : i32
        %dma_start3A_178 = tpu.memref_slice %arg5[%add3A_87, %dma_start3A_177] : memref<80x128xi32, #tpu.memory_space<vmem>> -> memref<1x128xi32, #tpu.memory_space<vmem>>
        %dma_start3A_179 = tpu.memref_squeeze %dma_start3A_178 : memref<1x128xi32, #tpu.memory_space<vmem>> -> memref<128xi32, #tpu.memory_space<vmem>>
        %dma_start3A_180 = arith.constant 0 : i32
        %dma_start3A_181 = arith.constant 0 : i32
        %dma_start3A_182 = tpu.memref_slice %arg2[%dma_start3A_180, %dma_start3A_181] : memref<16384x16xf32, #tpu.memory_space<hbm>> -> memref<16384x16xf32, #tpu.memory_space<hbm>>
        %dma_start3A_183 = tpu.memref_slice %arg7[%dma_start3A_172] : memref<4x!tpu.dma_semaphore, #tpu.memory_space<semaphore_mem>> -> memref<1x!tpu.dma_semaphore, #tpu.memory_space<semaphore_mem>>
        %dma_start3A_184 = tpu.memref_squeeze %dma_start3A_183 : memref<1x!tpu.dma_semaphore, #tpu.memory_space<semaphore_mem>> -> memref<!tpu.dma_semaphore, #tpu.memory_space<semaphore_mem>>
        tpu.enqueue_indirect_dma source(%dma_start3A_182 : memref<16384x16xf32, #tpu.memory_space<hbm>>) target(%dma_start3A_176 : memref<128x16xf32, #tpu.memory_space<vmem>>) offsets(%dma_start3A_179 : memref<128xi32, #tpu.memory_space<vmem>>) semaphore(%dma_start3A_184 : memref<!tpu.dma_semaphore, #tpu.memory_space<semaphore_mem>>)
      } else {
      }
      %mul3A_90 = arith.constant 4 : i32
      %mul3A_91 = arith.muli %scan3A_67, %mul3A_90 : i32
      %add3A_92 = arith.constant 1 : i32
      %add3A_93 = arith.addi %mul3A_91, %add3A_92 : i32
      %dma_wait3A_94 = arith.constant 1 : i32
      %dma_wait3A_95 = arith.constant 1 : i32
      %dma_wait3A_96 = arith.constant 0 : i32
      %dma_wait3A_97 = arith.constant 0 : i32
      %dma_wait3A_98 = tpu.memref_slice %arg6[%dma_wait3A_94, %dma_wait3A_96, %dma_wait3A_97] : memref<4x128x16xf32, #tpu.memory_space<vmem>> -> memref<1x128x16xf32, #tpu.memory_space<vmem>>
      %dma_wait3A_99 = tpu.memref_squeeze %dma_wait3A_98 : memref<1x128x16xf32, #tpu.memory_space<vmem>> -> memref<128x16xf32, #tpu.memory_space<vmem>>
      %dma_wait3A_100 = arith.constant 0 : i32
      %dma_wait3A_101 = tpu.memref_slice %arg5[%add3A_93, %dma_wait3A_100] : memref<80x128xi32, #tpu.memory_space<vmem>> -> memref<1x128xi32, #tpu.memory_space<vmem>>
      %dma_wait3A_102 = tpu.memref_squeeze %dma_wait3A_101 : memref<1x128xi32, #tpu.memory_space<vmem>> -> memref<128xi32, #tpu.memory_space<vmem>>
      %dma_wait3A_103 = arith.constant 0 : i32
      %dma_wait3A_104 = arith.constant 0 : i32
      %dma_wait3A_105 = tpu.memref_slice %arg2[%dma_wait3A_103, %dma_wait3A_104] : memref<16384x16xf32, #tpu.memory_space<hbm>> -> memref<16384x16xf32, #tpu.memory_space<hbm>>
      %dma_wait3A_106 = tpu.memref_slice %arg7[%dma_wait3A_95] : memref<4x!tpu.dma_semaphore, #tpu.memory_space<semaphore_mem>> -> memref<1x!tpu.dma_semaphore, #tpu.memory_space<semaphore_mem>>
      %dma_wait3A_107 = tpu.memref_squeeze %dma_wait3A_106 : memref<1x!tpu.dma_semaphore, #tpu.memory_space<semaphore_mem>> -> memref<!tpu.dma_semaphore, #tpu.memory_space<semaphore_mem>>
      tpu.wait_indirect_dma semaphore(%dma_wait3A_107 : memref<!tpu.dma_semaphore, #tpu.memory_space<semaphore_mem>>) src(%dma_wait3A_105 : memref<16384x16xf32, #tpu.memory_space<hbm>>) dst(%dma_wait3A_99 : memref<128x16xf32, #tpu.memory_space<vmem>>)
      %add3A_108 = arith.addi %mul3A_2, %add3A_93 : i32
      %run_scoped3A_109 = arith.constant 1 : i32
      "tpu.region"() ({
        %run_scoped3A_171 = tpu.sem_alloc : memref<!tpu.dma_semaphore, #tpu.memory_space<semaphore_mem>>
        %dma_start3A_172 = arith.constant 0 : i32
        %dma_start3A_173 = arith.constant 0 : i32
        %dma_start3A_174 = tpu.memref_slice %arg6[%run_scoped3A_109, %dma_start3A_172, %dma_start3A_173] : memref<4x128x16xf32, #tpu.memory_space<vmem>> -> memref<1x128x16xf32, #tpu.memory_space<vmem>>
        %dma_start3A_175 = tpu.memref_squeeze %dma_start3A_174 : memref<1x128x16xf32, #tpu.memory_space<vmem>> -> memref<128x16xf32, #tpu.memory_space<vmem>>
        %dma_start3A_176 = arith.constant 0 : i32
        %dma_start3A_177 = arith.constant 0 : i32
        %dma_start3A_178 = tpu.memref_slice %arg4[%add3A_108, %dma_start3A_176, %dma_start3A_177] : memref<2560x128x16xf32, #tpu.memory_space<hbm>> -> memref<1x128x16xf32, #tpu.memory_space<hbm>>
        %dma_start3A_179 = tpu.memref_squeeze %dma_start3A_178 : memref<1x128x16xf32, #tpu.memory_space<hbm>> -> memref<128x16xf32, #tpu.memory_space<hbm>>
        %dma_start3A_180 = arith.constant 0 : i32
        %dma_start3A_181 = arith.constant 0 : i32
        %dma_start3A_182 = tpu.memref_slice %arg4[%add3A_108, %dma_start3A_180, %dma_start3A_181] : memref<2560x128x16xf32, #tpu.memory_space<hbm>> -> memref<1x128x16xf32, #tpu.memory_space<hbm>>
        %dma_start3A_183 = tpu.memref_squeeze %dma_start3A_182 : memref<1x128x16xf32, #tpu.memory_space<hbm>> -> memref<128x16xf32, #tpu.memory_space<hbm>>
        %dma_start3A_184 = arith.constant 0 : i32
        %dma_start3A_185 = arith.constant 0 : i32
        %dma_start3A_186 = tpu.memref_slice %arg6[%run_scoped3A_109, %dma_start3A_184, %dma_start3A_185] : memref<4x128x16xf32, #tpu.memory_space<vmem>> -> memref<1x128x16xf32, #tpu.memory_space<vmem>>
        %dma_start3A_187 = tpu.memref_squeeze %dma_start3A_186 : memref<1x128x16xf32, #tpu.memory_space<vmem>> -> memref<128x16xf32, #tpu.memory_space<vmem>>
        tpu.enqueue_dma source(%dma_start3A_187 : memref<128x16xf32, #tpu.memory_space<vmem>>) target(%dma_start3A_183 : memref<128x16xf32, #tpu.memory_space<hbm>>) target_semaphore(%run_scoped3A_171 : memref<!tpu.dma_semaphore, #tpu.memory_space<semaphore_mem>>)
        %dma_wait3A_188 = arith.constant 0 : i32
        %dma_wait3A_189 = arith.constant 0 : i32
        %dma_wait3A_190 = tpu.memref_slice %arg6[%run_scoped3A_109, %dma_wait3A_188, %dma_wait3A_189] : memref<4x128x16xf32, #tpu.memory_space<vmem>> -> memref<1x128x16xf32, #tpu.memory_space<vmem>>
        %dma_wait3A_191 = tpu.memref_squeeze %dma_wait3A_190 : memref<1x128x16xf32, #tpu.memory_space<vmem>> -> memref<128x16xf32, #tpu.memory_space<vmem>>
        %dma_wait3A_192 = arith.constant 0 : i32
        %dma_wait3A_193 = arith.constant 0 : i32
        %dma_wait3A_194 = tpu.memref_slice %arg4[%add3A_108, %dma_wait3A_192, %dma_wait3A_193] : memref<2560x128x16xf32, #tpu.memory_space<hbm>> -> memref<1x128x16xf32, #tpu.memory_space<hbm>>
        %dma_wait3A_195 = tpu.memref_squeeze %dma_wait3A_194 : memref<1x128x16xf32, #tpu.memory_space<hbm>> -> memref<128x16xf32, #tpu.memory_space<hbm>>
        %dma_wait3A_196 = arith.constant 0 : i32
        %dma_wait3A_197 = arith.constant 0 : i32
        %dma_wait3A_198 = tpu.memref_slice %arg4[%add3A_108, %dma_wait3A_196, %dma_wait3A_197] : memref<2560x128x16xf32, #tpu.memory_space<hbm>> -> memref<1x128x16xf32, #tpu.memory_space<hbm>>
        %dma_wait3A_199 = tpu.memref_squeeze %dma_wait3A_198 : memref<1x128x16xf32, #tpu.memory_space<hbm>> -> memref<128x16xf32, #tpu.memory_space<hbm>>
        %dma_wait3A_200 = arith.constant 0 : i32
        %dma_wait3A_201 = arith.constant 0 : i32
        %dma_wait3A_202 = tpu.memref_slice %arg6[%run_scoped3A_109, %dma_wait3A_200, %dma_wait3A_201] : memref<4x128x16xf32, #tpu.memory_space<vmem>> -> memref<1x128x16xf32, #tpu.memory_space<vmem>>
        %dma_wait3A_203 = tpu.memref_squeeze %dma_wait3A_202 : memref<1x128x16xf32, #tpu.memory_space<vmem>> -> memref<128x16xf32, #tpu.memory_space<vmem>>
        tpu.wait_dma2 semaphore(%run_scoped3A_171 : memref<!tpu.dma_semaphore, #tpu.memory_space<semaphore_mem>>) src(%dma_wait3A_203 : memref<128x16xf32, #tpu.memory_space<vmem>>) dst(%dma_wait3A_199 : memref<128x16xf32, #tpu.memory_space<hbm>>)
        tpu.yield
      }) : () -> ()
      %add3A_110 = arith.constant 4 : i32
      %add3A_111 = arith.addi %add3A_93, %add3A_110 : i32
      %lt3A_112 = arith.constant 80 : i32
      %lt3A_113 = arith.cmpi slt, %add3A_111, %lt3A_112 : i32
      %convert_element_type3A_114 = arith.extui %lt3A_113 : i1 to i32
      %cond3A_115 = arith.constant 0 : i32
      %cond3A_116 = arith.cmpi ne, %convert_element_type3A_114, %cond3A_115 : i32
      scf.if %cond3A_116 {
        %dma_start3A_171 = arith.constant 1 : i32
        %dma_start3A_172 = arith.constant 1 : i32
        %dma_start3A_173 = arith.constant 0 : i32
        %dma_start3A_174 = arith.constant 0 : i32
        %dma_start3A_175 = tpu.memref_slice %arg6[%dma_start3A_171, %dma_start3A_173, %dma_start3A_174] : memref<4x128x16xf32, #tpu.memory_space<vmem>> -> memref<1x128x16xf32, #tpu.memory_space<vmem>>
        %dma_start3A_176 = tpu.memref_squeeze %dma_start3A_175 : memref<1x128x16xf32, #tpu.memory_space<vmem>> -> memref<128x16xf32, #tpu.memory_space<vmem>>
        %dma_start3A_177 = arith.constant 0 : i32
        %dma_start3A_178 = tpu.memref_slice %arg5[%add3A_111, %dma_start3A_177] : memref<80x128xi32, #tpu.memory_space<vmem>> -> memref<1x128xi32, #tpu.memory_space<vmem>>
        %dma_start3A_179 = tpu.memref_squeeze %dma_start3A_178 : memref<1x128xi32, #tpu.memory_space<vmem>> -> memref<128xi32, #tpu.memory_space<vmem>>
        %dma_start3A_180 = arith.constant 0 : i32
        %dma_start3A_181 = arith.constant 0 : i32
        %dma_start3A_182 = tpu.memref_slice %arg2[%dma_start3A_180, %dma_start3A_181] : memref<16384x16xf32, #tpu.memory_space<hbm>> -> memref<16384x16xf32, #tpu.memory_space<hbm>>
        %dma_start3A_183 = tpu.memref_slice %arg7[%dma_start3A_172] : memref<4x!tpu.dma_semaphore, #tpu.memory_space<semaphore_mem>> -> memref<1x!tpu.dma_semaphore, #tpu.memory_space<semaphore_mem>>
        %dma_start3A_184 = tpu.memref_squeeze %dma_start3A_183 : memref<1x!tpu.dma_semaphore, #tpu.memory_space<semaphore_mem>> -> memref<!tpu.dma_semaphore, #tpu.memory_space<semaphore_mem>>
        tpu.enqueue_indirect_dma source(%dma_start3A_182 : memref<16384x16xf32, #tpu.memory_space<hbm>>) target(%dma_start3A_176 : memref<128x16xf32, #tpu.memory_space<vmem>>) offsets(%dma_start3A_179 : memref<128xi32, #tpu.memory_space<vmem>>) semaphore(%dma_start3A_184 : memref<!tpu.dma_semaphore, #tpu.memory_space<semaphore_mem>>)
      } else {
      }
      %mul3A_117 = arith.constant 4 : i32
      %mul3A_118 = arith.muli %scan3A_67, %mul3A_117 : i32
      %add3A_119 = arith.constant 2 : i32
      %add3A_120 = arith.addi %mul3A_118, %add3A_119 : i32
      %dma_wait3A_121 = arith.constant 2 : i32
      %dma_wait3A_122 = arith.constant 2 : i32
      %dma_wait3A_123 = arith.constant 0 : i32
      %dma_wait3A_124 = arith.constant 0 : i32
      %dma_wait3A_125 = tpu.memref_slice %arg6[%dma_wait3A_121, %dma_wait3A_123, %dma_wait3A_124] : memref<4x128x16xf32, #tpu.memory_space<vmem>> -> memref<1x128x16xf32, #tpu.memory_space<vmem>>
      %dma_wait3A_126 = tpu.memref_squeeze %dma_wait3A_125 : memref<1x128x16xf32, #tpu.memory_space<vmem>> -> memref<128x16xf32, #tpu.memory_space<vmem>>
      %dma_wait3A_127 = arith.constant 0 : i32
      %dma_wait3A_128 = tpu.memref_slice %arg5[%add3A_120, %dma_wait3A_127] : memref<80x128xi32, #tpu.memory_space<vmem>> -> memref<1x128xi32, #tpu.memory_space<vmem>>
      %dma_wait3A_129 = tpu.memref_squeeze %dma_wait3A_128 : memref<1x128xi32, #tpu.memory_space<vmem>> -> memref<128xi32, #tpu.memory_space<vmem>>
      %dma_wait3A_130 = arith.constant 0 : i32
      %dma_wait3A_131 = arith.constant 0 : i32
      %dma_wait3A_132 = tpu.memref_slice %arg2[%dma_wait3A_130, %dma_wait3A_131] : memref<16384x16xf32, #tpu.memory_space<hbm>> -> memref<16384x16xf32, #tpu.memory_space<hbm>>
      %dma_wait3A_133 = tpu.memref_slice %arg7[%dma_wait3A_122] : memref<4x!tpu.dma_semaphore, #tpu.memory_space<semaphore_mem>> -> memref<1x!tpu.dma_semaphore, #tpu.memory_space<semaphore_mem>>
      %dma_wait3A_134 = tpu.memref_squeeze %dma_wait3A_133 : memref<1x!tpu.dma_semaphore, #tpu.memory_space<semaphore_mem>> -> memref<!tpu.dma_semaphore, #tpu.memory_space<semaphore_mem>>
      tpu.wait_indirect_dma semaphore(%dma_wait3A_134 : memref<!tpu.dma_semaphore, #tpu.memory_space<semaphore_mem>>) src(%dma_wait3A_132 : memref<16384x16xf32, #tpu.memory_space<hbm>>) dst(%dma_wait3A_126 : memref<128x16xf32, #tpu.memory_space<vmem>>)
      %add3A_135 = arith.addi %mul3A_2, %add3A_120 : i32
      %run_scoped3A_136 = arith.constant 2 : i32
      "tpu.region"() ({
        %run_scoped3A_171 = tpu.sem_alloc : memref<!tpu.dma_semaphore, #tpu.memory_space<semaphore_mem>>
        %dma_start3A_172 = arith.constant 0 : i32
        %dma_start3A_173 = arith.constant 0 : i32
        %dma_start3A_174 = tpu.memref_slice %arg6[%run_scoped3A_136, %dma_start3A_172, %dma_start3A_173] : memref<4x128x16xf32, #tpu.memory_space<vmem>> -> memref<1x128x16xf32, #tpu.memory_space<vmem>>
        %dma_start3A_175 = tpu.memref_squeeze %dma_start3A_174 : memref<1x128x16xf32, #tpu.memory_space<vmem>> -> memref<128x16xf32, #tpu.memory_space<vmem>>
        %dma_start3A_176 = arith.constant 0 : i32
        %dma_start3A_177 = arith.constant 0 : i32
        %dma_start3A_178 = tpu.memref_slice %arg4[%add3A_135, %dma_start3A_176, %dma_start3A_177] : memref<2560x128x16xf32, #tpu.memory_space<hbm>> -> memref<1x128x16xf32, #tpu.memory_space<hbm>>
        %dma_start3A_179 = tpu.memref_squeeze %dma_start3A_178 : memref<1x128x16xf32, #tpu.memory_space<hbm>> -> memref<128x16xf32, #tpu.memory_space<hbm>>
        %dma_start3A_180 = arith.constant 0 : i32
        %dma_start3A_181 = arith.constant 0 : i32
        %dma_start3A_182 = tpu.memref_slice %arg4[%add3A_135, %dma_start3A_180, %dma_start3A_181] : memref<2560x128x16xf32, #tpu.memory_space<hbm>> -> memref<1x128x16xf32, #tpu.memory_space<hbm>>
        %dma_start3A_183 = tpu.memref_squeeze %dma_start3A_182 : memref<1x128x16xf32, #tpu.memory_space<hbm>> -> memref<128x16xf32, #tpu.memory_space<hbm>>
        %dma_start3A_184 = arith.constant 0 : i32
        %dma_start3A_185 = arith.constant 0 : i32
        %dma_start3A_186 = tpu.memref_slice %arg6[%run_scoped3A_136, %dma_start3A_184, %dma_start3A_185] : memref<4x128x16xf32, #tpu.memory_space<vmem>> -> memref<1x128x16xf32, #tpu.memory_space<vmem>>
        %dma_start3A_187 = tpu.memref_squeeze %dma_start3A_186 : memref<1x128x16xf32, #tpu.memory_space<vmem>> -> memref<128x16xf32, #tpu.memory_space<vmem>>
        tpu.enqueue_dma source(%dma_start3A_187 : memref<128x16xf32, #tpu.memory_space<vmem>>) target(%dma_start3A_183 : memref<128x16xf32, #tpu.memory_space<hbm>>) target_semaphore(%run_scoped3A_171 : memref<!tpu.dma_semaphore, #tpu.memory_space<semaphore_mem>>)
        %dma_wait3A_188 = arith.constant 0 : i32
        %dma_wait3A_189 = arith.constant 0 : i32
        %dma_wait3A_190 = tpu.memref_slice %arg6[%run_scoped3A_136, %dma_wait3A_188, %dma_wait3A_189] : memref<4x128x16xf32, #tpu.memory_space<vmem>> -> memref<1x128x16xf32, #tpu.memory_space<vmem>>
        %dma_wait3A_191 = tpu.memref_squeeze %dma_wait3A_190 : memref<1x128x16xf32, #tpu.memory_space<vmem>> -> memref<128x16xf32, #tpu.memory_space<vmem>>
        %dma_wait3A_192 = arith.constant 0 : i32
        %dma_wait3A_193 = arith.constant 0 : i32
        %dma_wait3A_194 = tpu.memref_slice %arg4[%add3A_135, %dma_wait3A_192, %dma_wait3A_193] : memref<2560x128x16xf32, #tpu.memory_space<hbm>> -> memref<1x128x16xf32, #tpu.memory_space<hbm>>
        %dma_wait3A_195 = tpu.memref_squeeze %dma_wait3A_194 : memref<1x128x16xf32, #tpu.memory_space<hbm>> -> memref<128x16xf32, #tpu.memory_space<hbm>>
        %dma_wait3A_196 = arith.constant 0 : i32
        %dma_wait3A_197 = arith.constant 0 : i32
        %dma_wait3A_198 = tpu.memref_slice %arg4[%add3A_135, %dma_wait3A_196, %dma_wait3A_197] : memref<2560x128x16xf32, #tpu.memory_space<hbm>> -> memref<1x128x16xf32, #tpu.memory_space<hbm>>
        %dma_wait3A_199 = tpu.memref_squeeze %dma_wait3A_198 : memref<1x128x16xf32, #tpu.memory_space<hbm>> -> memref<128x16xf32, #tpu.memory_space<hbm>>
        %dma_wait3A_200 = arith.constant 0 : i32
        %dma_wait3A_201 = arith.constant 0 : i32
        %dma_wait3A_202 = tpu.memref_slice %arg6[%run_scoped3A_136, %dma_wait3A_200, %dma_wait3A_201] : memref<4x128x16xf32, #tpu.memory_space<vmem>> -> memref<1x128x16xf32, #tpu.memory_space<vmem>>
        %dma_wait3A_203 = tpu.memref_squeeze %dma_wait3A_202 : memref<1x128x16xf32, #tpu.memory_space<vmem>> -> memref<128x16xf32, #tpu.memory_space<vmem>>
        tpu.wait_dma2 semaphore(%run_scoped3A_171 : memref<!tpu.dma_semaphore, #tpu.memory_space<semaphore_mem>>) src(%dma_wait3A_203 : memref<128x16xf32, #tpu.memory_space<vmem>>) dst(%dma_wait3A_199 : memref<128x16xf32, #tpu.memory_space<hbm>>)
        tpu.yield
      }) : () -> ()
      %add3A_137 = arith.constant 4 : i32
      %add3A_138 = arith.addi %add3A_120, %add3A_137 : i32
      %lt3A_139 = arith.constant 80 : i32
      %lt3A_140 = arith.cmpi slt, %add3A_138, %lt3A_139 : i32
      %convert_element_type3A_141 = arith.extui %lt3A_140 : i1 to i32
      %cond3A_142 = arith.constant 0 : i32
      %cond3A_143 = arith.cmpi ne, %convert_element_type3A_141, %cond3A_142 : i32
      scf.if %cond3A_143 {
        %dma_start3A_171 = arith.constant 2 : i32
        %dma_start3A_172 = arith.constant 2 : i32
        %dma_start3A_173 = arith.constant 0 : i32
        %dma_start3A_174 = arith.constant 0 : i32
        %dma_start3A_175 = tpu.memref_slice %arg6[%dma_start3A_171, %dma_start3A_173, %dma_start3A_174] : memref<4x128x16xf32, #tpu.memory_space<vmem>> -> memref<1x128x16xf32, #tpu.memory_space<vmem>>
        %dma_start3A_176 = tpu.memref_squeeze %dma_start3A_175 : memref<1x128x16xf32, #tpu.memory_space<vmem>> -> memref<128x16xf32, #tpu.memory_space<vmem>>
        %dma_start3A_177 = arith.constant 0 : i32
        %dma_start3A_178 = tpu.memref_slice %arg5[%add3A_138, %dma_start3A_177] : memref<80x128xi32, #tpu.memory_space<vmem>> -> memref<1x128xi32, #tpu.memory_space<vmem>>
        %dma_start3A_179 = tpu.memref_squeeze %dma_start3A_178 : memref<1x128xi32, #tpu.memory_space<vmem>> -> memref<128xi32, #tpu.memory_space<vmem>>
        %dma_start3A_180 = arith.constant 0 : i32
        %dma_start3A_181 = arith.constant 0 : i32
        %dma_start3A_182 = tpu.memref_slice %arg2[%dma_start3A_180, %dma_start3A_181] : memref<16384x16xf32, #tpu.memory_space<hbm>> -> memref<16384x16xf32, #tpu.memory_space<hbm>>
        %dma_start3A_183 = tpu.memref_slice %arg7[%dma_start3A_172] : memref<4x!tpu.dma_semaphore, #tpu.memory_space<semaphore_mem>> -> memref<1x!tpu.dma_semaphore, #tpu.memory_space<semaphore_mem>>
        %dma_start3A_184 = tpu.memref_squeeze %dma_start3A_183 : memref<1x!tpu.dma_semaphore, #tpu.memory_space<semaphore_mem>> -> memref<!tpu.dma_semaphore, #tpu.memory_space<semaphore_mem>>
        tpu.enqueue_indirect_dma source(%dma_start3A_182 : memref<16384x16xf32, #tpu.memory_space<hbm>>) target(%dma_start3A_176 : memref<128x16xf32, #tpu.memory_space<vmem>>) offsets(%dma_start3A_179 : memref<128xi32, #tpu.memory_space<vmem>>) semaphore(%dma_start3A_184 : memref<!tpu.dma_semaphore, #tpu.memory_space<semaphore_mem>>)
      } else {
      }
      %mul3A_144 = arith.constant 4 : i32
      %mul3A_145 = arith.muli %scan3A_67, %mul3A_144 : i32
      %add3A_146 = arith.constant 3 : i32
      %add3A_147 = arith.addi %mul3A_145, %add3A_146 : i32
      %dma_wait3A_148 = arith.constant 3 : i32
      %dma_wait3A_149 = arith.constant 3 : i32
      %dma_wait3A_150 = arith.constant 0 : i32
      %dma_wait3A_151 = arith.constant 0 : i32
      %dma_wait3A_152 = tpu.memref_slice %arg6[%dma_wait3A_148, %dma_wait3A_150, %dma_wait3A_151] : memref<4x128x16xf32, #tpu.memory_space<vmem>> -> memref<1x128x16xf32, #tpu.memory_space<vmem>>
      %dma_wait3A_153 = tpu.memref_squeeze %dma_wait3A_152 : memref<1x128x16xf32, #tpu.memory_space<vmem>> -> memref<128x16xf32, #tpu.memory_space<vmem>>
      %dma_wait3A_154 = arith.constant 0 : i32
      %dma_wait3A_155 = tpu.memref_slice %arg5[%add3A_147, %dma_wait3A_154] : memref<80x128xi32, #tpu.memory_space<vmem>> -> memref<1x128xi32, #tpu.memory_space<vmem>>
      %dma_wait3A_156 = tpu.memref_squeeze %dma_wait3A_155 : memref<1x128xi32, #tpu.memory_space<vmem>> -> memref<128xi32, #tpu.memory_space<vmem>>
      %dma_wait3A_157 = arith.constant 0 : i32
      %dma_wait3A_158 = arith.constant 0 : i32
      %dma_wait3A_159 = tpu.memref_slice %arg2[%dma_wait3A_157, %dma_wait3A_158] : memref<16384x16xf32, #tpu.memory_space<hbm>> -> memref<16384x16xf32, #tpu.memory_space<hbm>>
      %dma_wait3A_160 = tpu.memref_slice %arg7[%dma_wait3A_149] : memref<4x!tpu.dma_semaphore, #tpu.memory_space<semaphore_mem>> -> memref<1x!tpu.dma_semaphore, #tpu.memory_space<semaphore_mem>>
      %dma_wait3A_161 = tpu.memref_squeeze %dma_wait3A_160 : memref<1x!tpu.dma_semaphore, #tpu.memory_space<semaphore_mem>> -> memref<!tpu.dma_semaphore, #tpu.memory_space<semaphore_mem>>
      tpu.wait_indirect_dma semaphore(%dma_wait3A_161 : memref<!tpu.dma_semaphore, #tpu.memory_space<semaphore_mem>>) src(%dma_wait3A_159 : memref<16384x16xf32, #tpu.memory_space<hbm>>) dst(%dma_wait3A_153 : memref<128x16xf32, #tpu.memory_space<vmem>>)
      %add3A_162 = arith.addi %mul3A_2, %add3A_147 : i32
      %run_scoped3A_163 = arith.constant 3 : i32
      "tpu.region"() ({
        %run_scoped3A_171 = tpu.sem_alloc : memref<!tpu.dma_semaphore, #tpu.memory_space<semaphore_mem>>
        %dma_start3A_172 = arith.constant 0 : i32
        %dma_start3A_173 = arith.constant 0 : i32
        %dma_start3A_174 = tpu.memref_slice %arg6[%run_scoped3A_163, %dma_start3A_172, %dma_start3A_173] : memref<4x128x16xf32, #tpu.memory_space<vmem>> -> memref<1x128x16xf32, #tpu.memory_space<vmem>>
        %dma_start3A_175 = tpu.memref_squeeze %dma_start3A_174 : memref<1x128x16xf32, #tpu.memory_space<vmem>> -> memref<128x16xf32, #tpu.memory_space<vmem>>
        %dma_start3A_176 = arith.constant 0 : i32
        %dma_start3A_177 = arith.constant 0 : i32
        %dma_start3A_178 = tpu.memref_slice %arg4[%add3A_162, %dma_start3A_176, %dma_start3A_177] : memref<2560x128x16xf32, #tpu.memory_space<hbm>> -> memref<1x128x16xf32, #tpu.memory_space<hbm>>
        %dma_start3A_179 = tpu.memref_squeeze %dma_start3A_178 : memref<1x128x16xf32, #tpu.memory_space<hbm>> -> memref<128x16xf32, #tpu.memory_space<hbm>>
        %dma_start3A_180 = arith.constant 0 : i32
        %dma_start3A_181 = arith.constant 0 : i32
        %dma_start3A_182 = tpu.memref_slice %arg4[%add3A_162, %dma_start3A_180, %dma_start3A_181] : memref<2560x128x16xf32, #tpu.memory_space<hbm>> -> memref<1x128x16xf32, #tpu.memory_space<hbm>>
        %dma_start3A_183 = tpu.memref_squeeze %dma_start3A_182 : memref<1x128x16xf32, #tpu.memory_space<hbm>> -> memref<128x16xf32, #tpu.memory_space<hbm>>
        %dma_start3A_184 = arith.constant 0 : i32
        %dma_start3A_185 = arith.constant 0 : i32
        %dma_start3A_186 = tpu.memref_slice %arg6[%run_scoped3A_163, %dma_start3A_184, %dma_start3A_185] : memref<4x128x16xf32, #tpu.memory_space<vmem>> -> memref<1x128x16xf32, #tpu.memory_space<vmem>>
        %dma_start3A_187 = tpu.memref_squeeze %dma_start3A_186 : memref<1x128x16xf32, #tpu.memory_space<vmem>> -> memref<128x16xf32, #tpu.memory_space<vmem>>
        tpu.enqueue_dma source(%dma_start3A_187 : memref<128x16xf32, #tpu.memory_space<vmem>>) target(%dma_start3A_183 : memref<128x16xf32, #tpu.memory_space<hbm>>) target_semaphore(%run_scoped3A_171 : memref<!tpu.dma_semaphore, #tpu.memory_space<semaphore_mem>>)
        %dma_wait3A_188 = arith.constant 0 : i32
        %dma_wait3A_189 = arith.constant 0 : i32
        %dma_wait3A_190 = tpu.memref_slice %arg6[%run_scoped3A_163, %dma_wait3A_188, %dma_wait3A_189] : memref<4x128x16xf32, #tpu.memory_space<vmem>> -> memref<1x128x16xf32, #tpu.memory_space<vmem>>
        %dma_wait3A_191 = tpu.memref_squeeze %dma_wait3A_190 : memref<1x128x16xf32, #tpu.memory_space<vmem>> -> memref<128x16xf32, #tpu.memory_space<vmem>>
        %dma_wait3A_192 = arith.constant 0 : i32
        %dma_wait3A_193 = arith.constant 0 : i32
        %dma_wait3A_194 = tpu.memref_slice %arg4[%add3A_162, %dma_wait3A_192, %dma_wait3A_193] : memref<2560x128x16xf32, #tpu.memory_space<hbm>> -> memref<1x128x16xf32, #tpu.memory_space<hbm>>
        %dma_wait3A_195 = tpu.memref_squeeze %dma_wait3A_194 : memref<1x128x16xf32, #tpu.memory_space<hbm>> -> memref<128x16xf32, #tpu.memory_space<hbm>>
        %dma_wait3A_196 = arith.constant 0 : i32
        %dma_wait3A_197 = arith.constant 0 : i32
        %dma_wait3A_198 = tpu.memref_slice %arg4[%add3A_162, %dma_wait3A_196, %dma_wait3A_197] : memref<2560x128x16xf32, #tpu.memory_space<hbm>> -> memref<1x128x16xf32, #tpu.memory_space<hbm>>
        %dma_wait3A_199 = tpu.memref_squeeze %dma_wait3A_198 : memref<1x128x16xf32, #tpu.memory_space<hbm>> -> memref<128x16xf32, #tpu.memory_space<hbm>>
        %dma_wait3A_200 = arith.constant 0 : i32
        %dma_wait3A_201 = arith.constant 0 : i32
        %dma_wait3A_202 = tpu.memref_slice %arg6[%run_scoped3A_163, %dma_wait3A_200, %dma_wait3A_201] : memref<4x128x16xf32, #tpu.memory_space<vmem>> -> memref<1x128x16xf32, #tpu.memory_space<vmem>>
        %dma_wait3A_203 = tpu.memref_squeeze %dma_wait3A_202 : memref<1x128x16xf32, #tpu.memory_space<vmem>> -> memref<128x16xf32, #tpu.memory_space<vmem>>
        tpu.wait_dma2 semaphore(%run_scoped3A_171 : memref<!tpu.dma_semaphore, #tpu.memory_space<semaphore_mem>>) src(%dma_wait3A_203 : memref<128x16xf32, #tpu.memory_space<vmem>>) dst(%dma_wait3A_199 : memref<128x16xf32, #tpu.memory_space<hbm>>)
        tpu.yield
      }) : () -> ()
      %add3A_164 = arith.constant 4 : i32
      %add3A_165 = arith.addi %add3A_147, %add3A_164 : i32
      %lt3A_166 = arith.constant 80 : i32
      %lt3A_167 = arith.cmpi slt, %add3A_165, %lt3A_166 : i32
      %convert_element_type3A_168 = arith.extui %lt3A_167 : i1 to i32
      %cond3A_169 = arith.constant 0 : i32
      %cond3A_170 = arith.cmpi ne, %convert_element_type3A_168, %cond3A_169 : i32
      scf.if %cond3A_170 {
        %dma_start3A_171 = arith.constant 3 : i32
        %dma_start3A_172 = arith.constant 3 : i32
        %dma_start3A_173 = arith.constant 0 : i32
        %dma_start3A_174 = arith.constant 0 : i32
        %dma_start3A_175 = tpu.memref_slice %arg6[%dma_start3A_171, %dma_start3A_173, %dma_start3A_174] : memref<4x128x16xf32, #tpu.memory_space<vmem>> -> memref<1x128x16xf32, #tpu.memory_space<vmem>>
        %dma_start3A_176 = tpu.memref_squeeze %dma_start3A_175 : memref<1x128x16xf32, #tpu.memory_space<vmem>> -> memref<128x16xf32, #tpu.memory_space<vmem>>
        %dma_start3A_177 = arith.constant 0 : i32
        %dma_start3A_178 = tpu.memref_slice %arg5[%add3A_165, %dma_start3A_177] : memref<80x128xi32, #tpu.memory_space<vmem>> -> memref<1x128xi32, #tpu.memory_space<vmem>>
        %dma_start3A_179 = tpu.memref_squeeze %dma_start3A_178 : memref<1x128xi32, #tpu.memory_space<vmem>> -> memref<128xi32, #tpu.memory_space<vmem>>
        %dma_start3A_180 = arith.constant 0 : i32
        %dma_start3A_181 = arith.constant 0 : i32
        %dma_start3A_182 = tpu.memref_slice %arg2[%dma_start3A_180, %dma_start3A_181] : memref<16384x16xf32, #tpu.memory_space<hbm>> -> memref<16384x16xf32, #tpu.memory_space<hbm>>
        %dma_start3A_183 = tpu.memref_slice %arg7[%dma_start3A_172] : memref<4x!tpu.dma_semaphore, #tpu.memory_space<semaphore_mem>> -> memref<1x!tpu.dma_semaphore, #tpu.memory_space<semaphore_mem>>
        %dma_start3A_184 = tpu.memref_squeeze %dma_start3A_183 : memref<1x!tpu.dma_semaphore, #tpu.memory_space<semaphore_mem>> -> memref<!tpu.dma_semaphore, #tpu.memory_space<semaphore_mem>>
        tpu.enqueue_indirect_dma source(%dma_start3A_182 : memref<16384x16xf32, #tpu.memory_space<hbm>>) target(%dma_start3A_176 : memref<128x16xf32, #tpu.memory_space<vmem>>) offsets(%dma_start3A_179 : memref<128xi32, #tpu.memory_space<vmem>>) semaphore(%dma_start3A_184 : memref<!tpu.dma_semaphore, #tpu.memory_space<semaphore_mem>>)
      } else {
      }
    }
    %scan3A_66 = arith.constant 20 : i32
    return
  }
}

#map = affine_map<(d0, d1) -> (0, 0)>
#map1 = affine_map<(d0, d1) -> (0, 0, 0)>
module attributes {stable_mosaic.version = 14 : i64} {
  func.func @gather_k(%arg0: i32, %arg1: i32, %arg2: memref<16384x128xf32, #tpu.memory_space<hbm>>, %arg3: memref<2560x128xi32, #tpu.memory_space<hbm>>, %arg4: memref<2560x128x128xf32, #tpu.memory_space<hbm>>, %arg5: memref<80x128xi32, #tpu.memory_space<vmem>>, %arg6: memref<4x128x128xf32, #tpu.memory_space<vmem>>, %arg7: memref<4x!tpu.dma_semaphore, #tpu.memory_space<semaphore_mem>>) attributes {dimension_semantics = [#tpu.dimension_semantics<core_parallel>, #tpu.dimension_semantics<subcore_parallel>], iteration_bounds = array<i64: 2, 16>, scalar_prefetch = 0 : i64, scratch_operands = 3 : i64, tpu.core_type = #tpu.core_type<sc_vector_subcore>, window_params = [{transform_indices = #map}, {transform_indices = #map}, {transform_indices = #map1}]} {
    %mul3A = arith.constant 2 : i32
    %mul3A_0 = arith.muli %arg1, %mul3A : i32
    %add3A = arith.addi %mul3A_0, %arg0 : i32
    %mul3A_1 = arith.constant 80 : i32
    %mul3A_2 = arith.muli %add3A, %mul3A_1 : i32
    "tpu.region"() ({
      %run_scoped3A = tpu.sem_alloc : memref<!tpu.dma_semaphore, #tpu.memory_space<semaphore_mem>>
      %dma_start3A_67 = arith.constant 0 : i32
      %dma_start3A_68 = tpu.memref_slice %arg3[%mul3A_2, %dma_start3A_67] : memref<2560x128xi32, #tpu.memory_space<hbm>> -> memref<80x128xi32, #tpu.memory_space<hbm>>
      %dma_start3A_69 = arith.constant 0 : i32
      %dma_start3A_70 = tpu.memref_slice %arg3[%mul3A_2, %dma_start3A_69] : memref<2560x128xi32, #tpu.memory_space<hbm>> -> memref<80x128xi32, #tpu.memory_space<hbm>>
      tpu.enqueue_dma source(%dma_start3A_70 : memref<80x128xi32, #tpu.memory_space<hbm>>) target(%arg5 : memref<80x128xi32, #tpu.memory_space<vmem>>) target_semaphore(%run_scoped3A : memref<!tpu.dma_semaphore, #tpu.memory_space<semaphore_mem>>)
      %dma_wait3A = arith.constant 0 : i32
      %dma_wait3A_71 = tpu.memref_slice %arg3[%mul3A_2, %dma_wait3A] : memref<2560x128xi32, #tpu.memory_space<hbm>> -> memref<80x128xi32, #tpu.memory_space<hbm>>
      %dma_wait3A_72 = arith.constant 0 : i32
      %dma_wait3A_73 = tpu.memref_slice %arg3[%mul3A_2, %dma_wait3A_72] : memref<2560x128xi32, #tpu.memory_space<hbm>> -> memref<80x128xi32, #tpu.memory_space<hbm>>
      tpu.wait_dma2 semaphore(%run_scoped3A : memref<!tpu.dma_semaphore, #tpu.memory_space<semaphore_mem>>) src(%dma_wait3A_73 : memref<80x128xi32, #tpu.memory_space<hbm>>) dst(%arg5 : memref<80x128xi32, #tpu.memory_space<vmem>>)
      tpu.yield
    }) : () -> ()
    %dma_start3A = arith.constant 0 : i32
    %dma_start3A_3 = arith.constant 0 : i32
    %dma_start3A_4 = arith.constant 0 : i32
    %dma_start3A_5 = arith.constant 0 : i32
    %dma_start3A_6 = arith.constant 0 : i32
    %dma_start3A_7 = tpu.memref_slice %arg6[%dma_start3A_3, %dma_start3A_5, %dma_start3A_6] : memref<4x128x128xf32, #tpu.memory_space<vmem>> -> memref<1x128x128xf32, #tpu.memory_space<vmem>>
    %dma_start3A_8 = tpu.memref_squeeze %dma_start3A_7 : memref<1x128x128xf32, #tpu.memory_space<vmem>> -> memref<128x128xf32, #tpu.memory_space<vmem>>
    %dma_start3A_9 = arith.constant 0 : i32
    %dma_start3A_10 = tpu.memref_slice %arg5[%dma_start3A, %dma_start3A_9] : memref<80x128xi32, #tpu.memory_space<vmem>> -> memref<1x128xi32, #tpu.memory_space<vmem>>
    %dma_start3A_11 = tpu.memref_squeeze %dma_start3A_10 : memref<1x128xi32, #tpu.memory_space<vmem>> -> memref<128xi32, #tpu.memory_space<vmem>>
    %dma_start3A_12 = arith.constant 0 : i32
    %dma_start3A_13 = arith.constant 0 : i32
    %dma_start3A_14 = tpu.memref_slice %arg2[%dma_start3A_12, %dma_start3A_13] : memref<16384x128xf32, #tpu.memory_space<hbm>> -> memref<16384x128xf32, #tpu.memory_space<hbm>>
    %dma_start3A_15 = tpu.memref_slice %arg7[%dma_start3A_4] : memref<4x!tpu.dma_semaphore, #tpu.memory_space<semaphore_mem>> -> memref<1x!tpu.dma_semaphore, #tpu.memory_space<semaphore_mem>>
    %dma_start3A_16 = tpu.memref_squeeze %dma_start3A_15 : memref<1x!tpu.dma_semaphore, #tpu.memory_space<semaphore_mem>> -> memref<!tpu.dma_semaphore, #tpu.memory_space<semaphore_mem>>
    tpu.enqueue_indirect_dma source(%dma_start3A_14 : memref<16384x128xf32, #tpu.memory_space<hbm>>) target(%dma_start3A_8 : memref<128x128xf32, #tpu.memory_space<vmem>>) offsets(%dma_start3A_11 : memref<128xi32, #tpu.memory_space<vmem>>) semaphore(%dma_start3A_16 : memref<!tpu.dma_semaphore, #tpu.memory_space<semaphore_mem>>)
    %dma_start3A_17 = arith.constant 1 : i32
    %dma_start3A_18 = arith.constant 1 : i32
    %dma_start3A_19 = arith.constant 1 : i32
    %dma_start3A_20 = arith.constant 0 : i32
    %dma_start3A_21 = arith.constant 0 : i32
    %dma_start3A_22 = tpu.memref_slice %arg6[%dma_start3A_18, %dma_start3A_20, %dma_start3A_21] : memref<4x128x128xf32, #tpu.memory_space<vmem>> -> memref<1x128x128xf32, #tpu.memory_space<vmem>>
    %dma_start3A_23 = tpu.memref_squeeze %dma_start3A_22 : memref<1x128x128xf32, #tpu.memory_space<vmem>> -> memref<128x128xf32, #tpu.memory_space<vmem>>
    %dma_start3A_24 = arith.constant 0 : i32
    %dma_start3A_25 = tpu.memref_slice %arg5[%dma_start3A_17, %dma_start3A_24] : memref<80x128xi32, #tpu.memory_space<vmem>> -> memref<1x128xi32, #tpu.memory_space<vmem>>
    %dma_start3A_26 = tpu.memref_squeeze %dma_start3A_25 : memref<1x128xi32, #tpu.memory_space<vmem>> -> memref<128xi32, #tpu.memory_space<vmem>>
    %dma_start3A_27 = arith.constant 0 : i32
    %dma_start3A_28 = arith.constant 0 : i32
    %dma_start3A_29 = tpu.memref_slice %arg2[%dma_start3A_27, %dma_start3A_28] : memref<16384x128xf32, #tpu.memory_space<hbm>> -> memref<16384x128xf32, #tpu.memory_space<hbm>>
    %dma_start3A_30 = tpu.memref_slice %arg7[%dma_start3A_19] : memref<4x!tpu.dma_semaphore, #tpu.memory_space<semaphore_mem>> -> memref<1x!tpu.dma_semaphore, #tpu.memory_space<semaphore_mem>>
    %dma_start3A_31 = tpu.memref_squeeze %dma_start3A_30 : memref<1x!tpu.dma_semaphore, #tpu.memory_space<semaphore_mem>> -> memref<!tpu.dma_semaphore, #tpu.memory_space<semaphore_mem>>
    tpu.enqueue_indirect_dma source(%dma_start3A_29 : memref<16384x128xf32, #tpu.memory_space<hbm>>) target(%dma_start3A_23 : memref<128x128xf32, #tpu.memory_space<vmem>>) offsets(%dma_start3A_26 : memref<128xi32, #tpu.memory_space<vmem>>) semaphore(%dma_start3A_31 : memref<!tpu.dma_semaphore, #tpu.memory_space<semaphore_mem>>)
    %dma_start3A_32 = arith.constant 2 : i32
    %dma_start3A_33 = arith.constant 2 : i32
    %dma_start3A_34 = arith.constant 2 : i32
    %dma_start3A_35 = arith.constant 0 : i32
    %dma_start3A_36 = arith.constant 0 : i32
    %dma_start3A_37 = tpu.memref_slice %arg6[%dma_start3A_33, %dma_start3A_35, %dma_start3A_36] : memref<4x128x128xf32, #tpu.memory_space<vmem>> -> memref<1x128x128xf32, #tpu.memory_space<vmem>>
    %dma_start3A_38 = tpu.memref_squeeze %dma_start3A_37 : memref<1x128x128xf32, #tpu.memory_space<vmem>> -> memref<128x128xf32, #tpu.memory_space<vmem>>
    %dma_start3A_39 = arith.constant 0 : i32
    %dma_start3A_40 = tpu.memref_slice %arg5[%dma_start3A_32, %dma_start3A_39] : memref<80x128xi32, #tpu.memory_space<vmem>> -> memref<1x128xi32, #tpu.memory_space<vmem>>
    %dma_start3A_41 = tpu.memref_squeeze %dma_start3A_40 : memref<1x128xi32, #tpu.memory_space<vmem>> -> memref<128xi32, #tpu.memory_space<vmem>>
    %dma_start3A_42 = arith.constant 0 : i32
    %dma_start3A_43 = arith.constant 0 : i32
    %dma_start3A_44 = tpu.memref_slice %arg2[%dma_start3A_42, %dma_start3A_43] : memref<16384x128xf32, #tpu.memory_space<hbm>> -> memref<16384x128xf32, #tpu.memory_space<hbm>>
    %dma_start3A_45 = tpu.memref_slice %arg7[%dma_start3A_34] : memref<4x!tpu.dma_semaphore, #tpu.memory_space<semaphore_mem>> -> memref<1x!tpu.dma_semaphore, #tpu.memory_space<semaphore_mem>>
    %dma_start3A_46 = tpu.memref_squeeze %dma_start3A_45 : memref<1x!tpu.dma_semaphore, #tpu.memory_space<semaphore_mem>> -> memref<!tpu.dma_semaphore, #tpu.memory_space<semaphore_mem>>
    tpu.enqueue_indirect_dma source(%dma_start3A_44 : memref<16384x128xf32, #tpu.memory_space<hbm>>) target(%dma_start3A_38 : memref<128x128xf32, #tpu.memory_space<vmem>>) offsets(%dma_start3A_41 : memref<128xi32, #tpu.memory_space<vmem>>) semaphore(%dma_start3A_46 : memref<!tpu.dma_semaphore, #tpu.memory_space<semaphore_mem>>)
    %dma_start3A_47 = arith.constant 3 : i32
    %dma_start3A_48 = arith.constant 3 : i32
    %dma_start3A_49 = arith.constant 3 : i32
    %dma_start3A_50 = arith.constant 0 : i32
    %dma_start3A_51 = arith.constant 0 : i32
    %dma_start3A_52 = tpu.memref_slice %arg6[%dma_start3A_48, %dma_start3A_50, %dma_start3A_51] : memref<4x128x128xf32, #tpu.memory_space<vmem>> -> memref<1x128x128xf32, #tpu.memory_space<vmem>>
    %dma_start3A_53 = tpu.memref_squeeze %dma_start3A_52 : memref<1x128x128xf32, #tpu.memory_space<vmem>> -> memref<128x128xf32, #tpu.memory_space<vmem>>
    %dma_start3A_54 = arith.constant 0 : i32
    %dma_start3A_55 = tpu.memref_slice %arg5[%dma_start3A_47, %dma_start3A_54] : memref<80x128xi32, #tpu.memory_space<vmem>> -> memref<1x128xi32, #tpu.memory_space<vmem>>
    %dma_start3A_56 = tpu.memref_squeeze %dma_start3A_55 : memref<1x128xi32, #tpu.memory_space<vmem>> -> memref<128xi32, #tpu.memory_space<vmem>>
    %dma_start3A_57 = arith.constant 0 : i32
    %dma_start3A_58 = arith.constant 0 : i32
    %dma_start3A_59 = tpu.memref_slice %arg2[%dma_start3A_57, %dma_start3A_58] : memref<16384x128xf32, #tpu.memory_space<hbm>> -> memref<16384x128xf32, #tpu.memory_space<hbm>>
    %dma_start3A_60 = tpu.memref_slice %arg7[%dma_start3A_49] : memref<4x!tpu.dma_semaphore, #tpu.memory_space<semaphore_mem>> -> memref<1x!tpu.dma_semaphore, #tpu.memory_space<semaphore_mem>>
    %dma_start3A_61 = tpu.memref_squeeze %dma_start3A_60 : memref<1x!tpu.dma_semaphore, #tpu.memory_space<semaphore_mem>> -> memref<!tpu.dma_semaphore, #tpu.memory_space<semaphore_mem>>
    tpu.enqueue_indirect_dma source(%dma_start3A_59 : memref<16384x128xf32, #tpu.memory_space<hbm>>) target(%dma_start3A_53 : memref<128x128xf32, #tpu.memory_space<vmem>>) offsets(%dma_start3A_56 : memref<128xi32, #tpu.memory_space<vmem>>) semaphore(%dma_start3A_61 : memref<!tpu.dma_semaphore, #tpu.memory_space<semaphore_mem>>)
    %scan3A = arith.constant 0 : i32
    %scan3A_62 = arith.constant 0 : i32
    %scan3A_63 = arith.constant 20 : i32
    %scan3A_64 = arith.addi %scan3A_62, %scan3A_63 : i32
    %scan3A_65 = arith.constant 1 : i32
    scf.for %scan3A_67 = %scan3A_62 to %scan3A_64 step %scan3A_65  : i32 {
      %mul3A_68 = arith.constant 4 : i32
      %mul3A_69 = arith.muli %scan3A_67, %mul3A_68 : i32
      %add3A_70 = arith.constant 0 : i32
      %add3A_71 = arith.addi %mul3A_69, %add3A_70 : i32
      %dma_wait3A = arith.constant 0 : i32
      %dma_wait3A_72 = arith.constant 0 : i32
      %dma_wait3A_73 = arith.constant 0 : i32
      %dma_wait3A_74 = arith.constant 0 : i32
      %dma_wait3A_75 = tpu.memref_slice %arg6[%dma_wait3A, %dma_wait3A_73, %dma_wait3A_74] : memref<4x128x128xf32, #tpu.memory_space<vmem>> -> memref<1x128x128xf32, #tpu.memory_space<vmem>>
      %dma_wait3A_76 = tpu.memref_squeeze %dma_wait3A_75 : memref<1x128x128xf32, #tpu.memory_space<vmem>> -> memref<128x128xf32, #tpu.memory_space<vmem>>
      %dma_wait3A_77 = arith.constant 0 : i32
      %dma_wait3A_78 = tpu.memref_slice %arg5[%add3A_71, %dma_wait3A_77] : memref<80x128xi32, #tpu.memory_space<vmem>> -> memref<1x128xi32, #tpu.memory_space<vmem>>
      %dma_wait3A_79 = tpu.memref_squeeze %dma_wait3A_78 : memref<1x128xi32, #tpu.memory_space<vmem>> -> memref<128xi32, #tpu.memory_space<vmem>>
      %dma_wait3A_80 = arith.constant 0 : i32
      %dma_wait3A_81 = arith.constant 0 : i32
      %dma_wait3A_82 = tpu.memref_slice %arg2[%dma_wait3A_80, %dma_wait3A_81] : memref<16384x128xf32, #tpu.memory_space<hbm>> -> memref<16384x128xf32, #tpu.memory_space<hbm>>
      %dma_wait3A_83 = tpu.memref_slice %arg7[%dma_wait3A_72] : memref<4x!tpu.dma_semaphore, #tpu.memory_space<semaphore_mem>> -> memref<1x!tpu.dma_semaphore, #tpu.memory_space<semaphore_mem>>
      %dma_wait3A_84 = tpu.memref_squeeze %dma_wait3A_83 : memref<1x!tpu.dma_semaphore, #tpu.memory_space<semaphore_mem>> -> memref<!tpu.dma_semaphore, #tpu.memory_space<semaphore_mem>>
      tpu.wait_indirect_dma semaphore(%dma_wait3A_84 : memref<!tpu.dma_semaphore, #tpu.memory_space<semaphore_mem>>) src(%dma_wait3A_82 : memref<16384x128xf32, #tpu.memory_space<hbm>>) dst(%dma_wait3A_76 : memref<128x128xf32, #tpu.memory_space<vmem>>)
      %add3A_85 = arith.addi %mul3A_2, %add3A_71 : i32
      %run_scoped3A = arith.constant 0 : i32
      "tpu.region"() ({
        %run_scoped3A_171 = tpu.sem_alloc : memref<!tpu.dma_semaphore, #tpu.memory_space<semaphore_mem>>
        %dma_start3A_172 = arith.constant 0 : i32
        %dma_start3A_173 = arith.constant 0 : i32
        %dma_start3A_174 = tpu.memref_slice %arg6[%run_scoped3A, %dma_start3A_172, %dma_start3A_173] : memref<4x128x128xf32, #tpu.memory_space<vmem>> -> memref<1x128x128xf32, #tpu.memory_space<vmem>>
        %dma_start3A_175 = tpu.memref_squeeze %dma_start3A_174 : memref<1x128x128xf32, #tpu.memory_space<vmem>> -> memref<128x128xf32, #tpu.memory_space<vmem>>
        %dma_start3A_176 = arith.constant 0 : i32
        %dma_start3A_177 = arith.constant 0 : i32
        %dma_start3A_178 = tpu.memref_slice %arg4[%add3A_85, %dma_start3A_176, %dma_start3A_177] : memref<2560x128x128xf32, #tpu.memory_space<hbm>> -> memref<1x128x128xf32, #tpu.memory_space<hbm>>
        %dma_start3A_179 = tpu.memref_squeeze %dma_start3A_178 : memref<1x128x128xf32, #tpu.memory_space<hbm>> -> memref<128x128xf32, #tpu.memory_space<hbm>>
        %dma_start3A_180 = arith.constant 0 : i32
        %dma_start3A_181 = arith.constant 0 : i32
        %dma_start3A_182 = tpu.memref_slice %arg4[%add3A_85, %dma_start3A_180, %dma_start3A_181] : memref<2560x128x128xf32, #tpu.memory_space<hbm>> -> memref<1x128x128xf32, #tpu.memory_space<hbm>>
        %dma_start3A_183 = tpu.memref_squeeze %dma_start3A_182 : memref<1x128x128xf32, #tpu.memory_space<hbm>> -> memref<128x128xf32, #tpu.memory_space<hbm>>
        %dma_start3A_184 = arith.constant 0 : i32
        %dma_start3A_185 = arith.constant 0 : i32
        %dma_start3A_186 = tpu.memref_slice %arg6[%run_scoped3A, %dma_start3A_184, %dma_start3A_185] : memref<4x128x128xf32, #tpu.memory_space<vmem>> -> memref<1x128x128xf32, #tpu.memory_space<vmem>>
        %dma_start3A_187 = tpu.memref_squeeze %dma_start3A_186 : memref<1x128x128xf32, #tpu.memory_space<vmem>> -> memref<128x128xf32, #tpu.memory_space<vmem>>
        tpu.enqueue_dma source(%dma_start3A_187 : memref<128x128xf32, #tpu.memory_space<vmem>>) target(%dma_start3A_183 : memref<128x128xf32, #tpu.memory_space<hbm>>) target_semaphore(%run_scoped3A_171 : memref<!tpu.dma_semaphore, #tpu.memory_space<semaphore_mem>>)
        %dma_wait3A_188 = arith.constant 0 : i32
        %dma_wait3A_189 = arith.constant 0 : i32
        %dma_wait3A_190 = tpu.memref_slice %arg6[%run_scoped3A, %dma_wait3A_188, %dma_wait3A_189] : memref<4x128x128xf32, #tpu.memory_space<vmem>> -> memref<1x128x128xf32, #tpu.memory_space<vmem>>
        %dma_wait3A_191 = tpu.memref_squeeze %dma_wait3A_190 : memref<1x128x128xf32, #tpu.memory_space<vmem>> -> memref<128x128xf32, #tpu.memory_space<vmem>>
        %dma_wait3A_192 = arith.constant 0 : i32
        %dma_wait3A_193 = arith.constant 0 : i32
        %dma_wait3A_194 = tpu.memref_slice %arg4[%add3A_85, %dma_wait3A_192, %dma_wait3A_193] : memref<2560x128x128xf32, #tpu.memory_space<hbm>> -> memref<1x128x128xf32, #tpu.memory_space<hbm>>
        %dma_wait3A_195 = tpu.memref_squeeze %dma_wait3A_194 : memref<1x128x128xf32, #tpu.memory_space<hbm>> -> memref<128x128xf32, #tpu.memory_space<hbm>>
        %dma_wait3A_196 = arith.constant 0 : i32
        %dma_wait3A_197 = arith.constant 0 : i32
        %dma_wait3A_198 = tpu.memref_slice %arg4[%add3A_85, %dma_wait3A_196, %dma_wait3A_197] : memref<2560x128x128xf32, #tpu.memory_space<hbm>> -> memref<1x128x128xf32, #tpu.memory_space<hbm>>
        %dma_wait3A_199 = tpu.memref_squeeze %dma_wait3A_198 : memref<1x128x128xf32, #tpu.memory_space<hbm>> -> memref<128x128xf32, #tpu.memory_space<hbm>>
        %dma_wait3A_200 = arith.constant 0 : i32
        %dma_wait3A_201 = arith.constant 0 : i32
        %dma_wait3A_202 = tpu.memref_slice %arg6[%run_scoped3A, %dma_wait3A_200, %dma_wait3A_201] : memref<4x128x128xf32, #tpu.memory_space<vmem>> -> memref<1x128x128xf32, #tpu.memory_space<vmem>>
        %dma_wait3A_203 = tpu.memref_squeeze %dma_wait3A_202 : memref<1x128x128xf32, #tpu.memory_space<vmem>> -> memref<128x128xf32, #tpu.memory_space<vmem>>
        tpu.wait_dma2 semaphore(%run_scoped3A_171 : memref<!tpu.dma_semaphore, #tpu.memory_space<semaphore_mem>>) src(%dma_wait3A_203 : memref<128x128xf32, #tpu.memory_space<vmem>>) dst(%dma_wait3A_199 : memref<128x128xf32, #tpu.memory_space<hbm>>)
        tpu.yield
      }) : () -> ()
      %add3A_86 = arith.constant 4 : i32
      %add3A_87 = arith.addi %add3A_71, %add3A_86 : i32
      %lt3A = arith.constant 80 : i32
      %lt3A_88 = arith.cmpi slt, %add3A_87, %lt3A : i32
      %convert_element_type3A = arith.extui %lt3A_88 : i1 to i32
      %cond3A = arith.constant 0 : i32
      %cond3A_89 = arith.cmpi ne, %convert_element_type3A, %cond3A : i32
      scf.if %cond3A_89 {
        %dma_start3A_171 = arith.constant 0 : i32
        %dma_start3A_172 = arith.constant 0 : i32
        %dma_start3A_173 = arith.constant 0 : i32
        %dma_start3A_174 = arith.constant 0 : i32
        %dma_start3A_175 = tpu.memref_slice %arg6[%dma_start3A_171, %dma_start3A_173, %dma_start3A_174] : memref<4x128x128xf32, #tpu.memory_space<vmem>> -> memref<1x128x128xf32, #tpu.memory_space<vmem>>
        %dma_start3A_176 = tpu.memref_squeeze %dma_start3A_175 : memref<1x128x128xf32, #tpu.memory_space<vmem>> -> memref<128x128xf32, #tpu.memory_space<vmem>>
        %dma_start3A_177 = arith.constant 0 : i32
        %dma_start3A_178 = tpu.memref_slice %arg5[%add3A_87, %dma_start3A_177] : memref<80x128xi32, #tpu.memory_space<vmem>> -> memref<1x128xi32, #tpu.memory_space<vmem>>
        %dma_start3A_179 = tpu.memref_squeeze %dma_start3A_178 : memref<1x128xi32, #tpu.memory_space<vmem>> -> memref<128xi32, #tpu.memory_space<vmem>>
        %dma_start3A_180 = arith.constant 0 : i32
        %dma_start3A_181 = arith.constant 0 : i32
        %dma_start3A_182 = tpu.memref_slice %arg2[%dma_start3A_180, %dma_start3A_181] : memref<16384x128xf32, #tpu.memory_space<hbm>> -> memref<16384x128xf32, #tpu.memory_space<hbm>>
        %dma_start3A_183 = tpu.memref_slice %arg7[%dma_start3A_172] : memref<4x!tpu.dma_semaphore, #tpu.memory_space<semaphore_mem>> -> memref<1x!tpu.dma_semaphore, #tpu.memory_space<semaphore_mem>>
        %dma_start3A_184 = tpu.memref_squeeze %dma_start3A_183 : memref<1x!tpu.dma_semaphore, #tpu.memory_space<semaphore_mem>> -> memref<!tpu.dma_semaphore, #tpu.memory_space<semaphore_mem>>
        tpu.enqueue_indirect_dma source(%dma_start3A_182 : memref<16384x128xf32, #tpu.memory_space<hbm>>) target(%dma_start3A_176 : memref<128x128xf32, #tpu.memory_space<vmem>>) offsets(%dma_start3A_179 : memref<128xi32, #tpu.memory_space<vmem>>) semaphore(%dma_start3A_184 : memref<!tpu.dma_semaphore, #tpu.memory_space<semaphore_mem>>)
      } else {
      }
      %mul3A_90 = arith.constant 4 : i32
      %mul3A_91 = arith.muli %scan3A_67, %mul3A_90 : i32
      %add3A_92 = arith.constant 1 : i32
      %add3A_93 = arith.addi %mul3A_91, %add3A_92 : i32
      %dma_wait3A_94 = arith.constant 1 : i32
      %dma_wait3A_95 = arith.constant 1 : i32
      %dma_wait3A_96 = arith.constant 0 : i32
      %dma_wait3A_97 = arith.constant 0 : i32
      %dma_wait3A_98 = tpu.memref_slice %arg6[%dma_wait3A_94, %dma_wait3A_96, %dma_wait3A_97] : memref<4x128x128xf32, #tpu.memory_space<vmem>> -> memref<1x128x128xf32, #tpu.memory_space<vmem>>
      %dma_wait3A_99 = tpu.memref_squeeze %dma_wait3A_98 : memref<1x128x128xf32, #tpu.memory_space<vmem>> -> memref<128x128xf32, #tpu.memory_space<vmem>>
      %dma_wait3A_100 = arith.constant 0 : i32
      %dma_wait3A_101 = tpu.memref_slice %arg5[%add3A_93, %dma_wait3A_100] : memref<80x128xi32, #tpu.memory_space<vmem>> -> memref<1x128xi32, #tpu.memory_space<vmem>>
      %dma_wait3A_102 = tpu.memref_squeeze %dma_wait3A_101 : memref<1x128xi32, #tpu.memory_space<vmem>> -> memref<128xi32, #tpu.memory_space<vmem>>
      %dma_wait3A_103 = arith.constant 0 : i32
      %dma_wait3A_104 = arith.constant 0 : i32
      %dma_wait3A_105 = tpu.memref_slice %arg2[%dma_wait3A_103, %dma_wait3A_104] : memref<16384x128xf32, #tpu.memory_space<hbm>> -> memref<16384x128xf32, #tpu.memory_space<hbm>>
      %dma_wait3A_106 = tpu.memref_slice %arg7[%dma_wait3A_95] : memref<4x!tpu.dma_semaphore, #tpu.memory_space<semaphore_mem>> -> memref<1x!tpu.dma_semaphore, #tpu.memory_space<semaphore_mem>>
      %dma_wait3A_107 = tpu.memref_squeeze %dma_wait3A_106 : memref<1x!tpu.dma_semaphore, #tpu.memory_space<semaphore_mem>> -> memref<!tpu.dma_semaphore, #tpu.memory_space<semaphore_mem>>
      tpu.wait_indirect_dma semaphore(%dma_wait3A_107 : memref<!tpu.dma_semaphore, #tpu.memory_space<semaphore_mem>>) src(%dma_wait3A_105 : memref<16384x128xf32, #tpu.memory_space<hbm>>) dst(%dma_wait3A_99 : memref<128x128xf32, #tpu.memory_space<vmem>>)
      %add3A_108 = arith.addi %mul3A_2, %add3A_93 : i32
      %run_scoped3A_109 = arith.constant 1 : i32
      "tpu.region"() ({
        %run_scoped3A_171 = tpu.sem_alloc : memref<!tpu.dma_semaphore, #tpu.memory_space<semaphore_mem>>
        %dma_start3A_172 = arith.constant 0 : i32
        %dma_start3A_173 = arith.constant 0 : i32
        %dma_start3A_174 = tpu.memref_slice %arg6[%run_scoped3A_109, %dma_start3A_172, %dma_start3A_173] : memref<4x128x128xf32, #tpu.memory_space<vmem>> -> memref<1x128x128xf32, #tpu.memory_space<vmem>>
        %dma_start3A_175 = tpu.memref_squeeze %dma_start3A_174 : memref<1x128x128xf32, #tpu.memory_space<vmem>> -> memref<128x128xf32, #tpu.memory_space<vmem>>
        %dma_start3A_176 = arith.constant 0 : i32
        %dma_start3A_177 = arith.constant 0 : i32
        %dma_start3A_178 = tpu.memref_slice %arg4[%add3A_108, %dma_start3A_176, %dma_start3A_177] : memref<2560x128x128xf32, #tpu.memory_space<hbm>> -> memref<1x128x128xf32, #tpu.memory_space<hbm>>
        %dma_start3A_179 = tpu.memref_squeeze %dma_start3A_178 : memref<1x128x128xf32, #tpu.memory_space<hbm>> -> memref<128x128xf32, #tpu.memory_space<hbm>>
        %dma_start3A_180 = arith.constant 0 : i32
        %dma_start3A_181 = arith.constant 0 : i32
        %dma_start3A_182 = tpu.memref_slice %arg4[%add3A_108, %dma_start3A_180, %dma_start3A_181] : memref<2560x128x128xf32, #tpu.memory_space<hbm>> -> memref<1x128x128xf32, #tpu.memory_space<hbm>>
        %dma_start3A_183 = tpu.memref_squeeze %dma_start3A_182 : memref<1x128x128xf32, #tpu.memory_space<hbm>> -> memref<128x128xf32, #tpu.memory_space<hbm>>
        %dma_start3A_184 = arith.constant 0 : i32
        %dma_start3A_185 = arith.constant 0 : i32
        %dma_start3A_186 = tpu.memref_slice %arg6[%run_scoped3A_109, %dma_start3A_184, %dma_start3A_185] : memref<4x128x128xf32, #tpu.memory_space<vmem>> -> memref<1x128x128xf32, #tpu.memory_space<vmem>>
        %dma_start3A_187 = tpu.memref_squeeze %dma_start3A_186 : memref<1x128x128xf32, #tpu.memory_space<vmem>> -> memref<128x128xf32, #tpu.memory_space<vmem>>
        tpu.enqueue_dma source(%dma_start3A_187 : memref<128x128xf32, #tpu.memory_space<vmem>>) target(%dma_start3A_183 : memref<128x128xf32, #tpu.memory_space<hbm>>) target_semaphore(%run_scoped3A_171 : memref<!tpu.dma_semaphore, #tpu.memory_space<semaphore_mem>>)
        %dma_wait3A_188 = arith.constant 0 : i32
        %dma_wait3A_189 = arith.constant 0 : i32
        %dma_wait3A_190 = tpu.memref_slice %arg6[%run_scoped3A_109, %dma_wait3A_188, %dma_wait3A_189] : memref<4x128x128xf32, #tpu.memory_space<vmem>> -> memref<1x128x128xf32, #tpu.memory_space<vmem>>
        %dma_wait3A_191 = tpu.memref_squeeze %dma_wait3A_190 : memref<1x128x128xf32, #tpu.memory_space<vmem>> -> memref<128x128xf32, #tpu.memory_space<vmem>>
        %dma_wait3A_192 = arith.constant 0 : i32
        %dma_wait3A_193 = arith.constant 0 : i32
        %dma_wait3A_194 = tpu.memref_slice %arg4[%add3A_108, %dma_wait3A_192, %dma_wait3A_193] : memref<2560x128x128xf32, #tpu.memory_space<hbm>> -> memref<1x128x128xf32, #tpu.memory_space<hbm>>
        %dma_wait3A_195 = tpu.memref_squeeze %dma_wait3A_194 : memref<1x128x128xf32, #tpu.memory_space<hbm>> -> memref<128x128xf32, #tpu.memory_space<hbm>>
        %dma_wait3A_196 = arith.constant 0 : i32
        %dma_wait3A_197 = arith.constant 0 : i32
        %dma_wait3A_198 = tpu.memref_slice %arg4[%add3A_108, %dma_wait3A_196, %dma_wait3A_197] : memref<2560x128x128xf32, #tpu.memory_space<hbm>> -> memref<1x128x128xf32, #tpu.memory_space<hbm>>
        %dma_wait3A_199 = tpu.memref_squeeze %dma_wait3A_198 : memref<1x128x128xf32, #tpu.memory_space<hbm>> -> memref<128x128xf32, #tpu.memory_space<hbm>>
        %dma_wait3A_200 = arith.constant 0 : i32
        %dma_wait3A_201 = arith.constant 0 : i32
        %dma_wait3A_202 = tpu.memref_slice %arg6[%run_scoped3A_109, %dma_wait3A_200, %dma_wait3A_201] : memref<4x128x128xf32, #tpu.memory_space<vmem>> -> memref<1x128x128xf32, #tpu.memory_space<vmem>>
        %dma_wait3A_203 = tpu.memref_squeeze %dma_wait3A_202 : memref<1x128x128xf32, #tpu.memory_space<vmem>> -> memref<128x128xf32, #tpu.memory_space<vmem>>
        tpu.wait_dma2 semaphore(%run_scoped3A_171 : memref<!tpu.dma_semaphore, #tpu.memory_space<semaphore_mem>>) src(%dma_wait3A_203 : memref<128x128xf32, #tpu.memory_space<vmem>>) dst(%dma_wait3A_199 : memref<128x128xf32, #tpu.memory_space<hbm>>)
        tpu.yield
      }) : () -> ()
      %add3A_110 = arith.constant 4 : i32
      %add3A_111 = arith.addi %add3A_93, %add3A_110 : i32
      %lt3A_112 = arith.constant 80 : i32
      %lt3A_113 = arith.cmpi slt, %add3A_111, %lt3A_112 : i32
      %convert_element_type3A_114 = arith.extui %lt3A_113 : i1 to i32
      %cond3A_115 = arith.constant 0 : i32
      %cond3A_116 = arith.cmpi ne, %convert_element_type3A_114, %cond3A_115 : i32
      scf.if %cond3A_116 {
        %dma_start3A_171 = arith.constant 1 : i32
        %dma_start3A_172 = arith.constant 1 : i32
        %dma_start3A_173 = arith.constant 0 : i32
        %dma_start3A_174 = arith.constant 0 : i32
        %dma_start3A_175 = tpu.memref_slice %arg6[%dma_start3A_171, %dma_start3A_173, %dma_start3A_174] : memref<4x128x128xf32, #tpu.memory_space<vmem>> -> memref<1x128x128xf32, #tpu.memory_space<vmem>>
        %dma_start3A_176 = tpu.memref_squeeze %dma_start3A_175 : memref<1x128x128xf32, #tpu.memory_space<vmem>> -> memref<128x128xf32, #tpu.memory_space<vmem>>
        %dma_start3A_177 = arith.constant 0 : i32
        %dma_start3A_178 = tpu.memref_slice %arg5[%add3A_111, %dma_start3A_177] : memref<80x128xi32, #tpu.memory_space<vmem>> -> memref<1x128xi32, #tpu.memory_space<vmem>>
        %dma_start3A_179 = tpu.memref_squeeze %dma_start3A_178 : memref<1x128xi32, #tpu.memory_space<vmem>> -> memref<128xi32, #tpu.memory_space<vmem>>
        %dma_start3A_180 = arith.constant 0 : i32
        %dma_start3A_181 = arith.constant 0 : i32
        %dma_start3A_182 = tpu.memref_slice %arg2[%dma_start3A_180, %dma_start3A_181] : memref<16384x128xf32, #tpu.memory_space<hbm>> -> memref<16384x128xf32, #tpu.memory_space<hbm>>
        %dma_start3A_183 = tpu.memref_slice %arg7[%dma_start3A_172] : memref<4x!tpu.dma_semaphore, #tpu.memory_space<semaphore_mem>> -> memref<1x!tpu.dma_semaphore, #tpu.memory_space<semaphore_mem>>
        %dma_start3A_184 = tpu.memref_squeeze %dma_start3A_183 : memref<1x!tpu.dma_semaphore, #tpu.memory_space<semaphore_mem>> -> memref<!tpu.dma_semaphore, #tpu.memory_space<semaphore_mem>>
        tpu.enqueue_indirect_dma source(%dma_start3A_182 : memref<16384x128xf32, #tpu.memory_space<hbm>>) target(%dma_start3A_176 : memref<128x128xf32, #tpu.memory_space<vmem>>) offsets(%dma_start3A_179 : memref<128xi32, #tpu.memory_space<vmem>>) semaphore(%dma_start3A_184 : memref<!tpu.dma_semaphore, #tpu.memory_space<semaphore_mem>>)
      } else {
      }
      %mul3A_117 = arith.constant 4 : i32
      %mul3A_118 = arith.muli %scan3A_67, %mul3A_117 : i32
      %add3A_119 = arith.constant 2 : i32
      %add3A_120 = arith.addi %mul3A_118, %add3A_119 : i32
      %dma_wait3A_121 = arith.constant 2 : i32
      %dma_wait3A_122 = arith.constant 2 : i32
      %dma_wait3A_123 = arith.constant 0 : i32
      %dma_wait3A_124 = arith.constant 0 : i32
      %dma_wait3A_125 = tpu.memref_slice %arg6[%dma_wait3A_121, %dma_wait3A_123, %dma_wait3A_124] : memref<4x128x128xf32, #tpu.memory_space<vmem>> -> memref<1x128x128xf32, #tpu.memory_space<vmem>>
      %dma_wait3A_126 = tpu.memref_squeeze %dma_wait3A_125 : memref<1x128x128xf32, #tpu.memory_space<vmem>> -> memref<128x128xf32, #tpu.memory_space<vmem>>
      %dma_wait3A_127 = arith.constant 0 : i32
      %dma_wait3A_128 = tpu.memref_slice %arg5[%add3A_120, %dma_wait3A_127] : memref<80x128xi32, #tpu.memory_space<vmem>> -> memref<1x128xi32, #tpu.memory_space<vmem>>
      %dma_wait3A_129 = tpu.memref_squeeze %dma_wait3A_128 : memref<1x128xi32, #tpu.memory_space<vmem>> -> memref<128xi32, #tpu.memory_space<vmem>>
      %dma_wait3A_130 = arith.constant 0 : i32
      %dma_wait3A_131 = arith.constant 0 : i32
      %dma_wait3A_132 = tpu.memref_slice %arg2[%dma_wait3A_130, %dma_wait3A_131] : memref<16384x128xf32, #tpu.memory_space<hbm>> -> memref<16384x128xf32, #tpu.memory_space<hbm>>
      %dma_wait3A_133 = tpu.memref_slice %arg7[%dma_wait3A_122] : memref<4x!tpu.dma_semaphore, #tpu.memory_space<semaphore_mem>> -> memref<1x!tpu.dma_semaphore, #tpu.memory_space<semaphore_mem>>
      %dma_wait3A_134 = tpu.memref_squeeze %dma_wait3A_133 : memref<1x!tpu.dma_semaphore, #tpu.memory_space<semaphore_mem>> -> memref<!tpu.dma_semaphore, #tpu.memory_space<semaphore_mem>>
      tpu.wait_indirect_dma semaphore(%dma_wait3A_134 : memref<!tpu.dma_semaphore, #tpu.memory_space<semaphore_mem>>) src(%dma_wait3A_132 : memref<16384x128xf32, #tpu.memory_space<hbm>>) dst(%dma_wait3A_126 : memref<128x128xf32, #tpu.memory_space<vmem>>)
      %add3A_135 = arith.addi %mul3A_2, %add3A_120 : i32
      %run_scoped3A_136 = arith.constant 2 : i32
      "tpu.region"() ({
        %run_scoped3A_171 = tpu.sem_alloc : memref<!tpu.dma_semaphore, #tpu.memory_space<semaphore_mem>>
        %dma_start3A_172 = arith.constant 0 : i32
        %dma_start3A_173 = arith.constant 0 : i32
        %dma_start3A_174 = tpu.memref_slice %arg6[%run_scoped3A_136, %dma_start3A_172, %dma_start3A_173] : memref<4x128x128xf32, #tpu.memory_space<vmem>> -> memref<1x128x128xf32, #tpu.memory_space<vmem>>
        %dma_start3A_175 = tpu.memref_squeeze %dma_start3A_174 : memref<1x128x128xf32, #tpu.memory_space<vmem>> -> memref<128x128xf32, #tpu.memory_space<vmem>>
        %dma_start3A_176 = arith.constant 0 : i32
        %dma_start3A_177 = arith.constant 0 : i32
        %dma_start3A_178 = tpu.memref_slice %arg4[%add3A_135, %dma_start3A_176, %dma_start3A_177] : memref<2560x128x128xf32, #tpu.memory_space<hbm>> -> memref<1x128x128xf32, #tpu.memory_space<hbm>>
        %dma_start3A_179 = tpu.memref_squeeze %dma_start3A_178 : memref<1x128x128xf32, #tpu.memory_space<hbm>> -> memref<128x128xf32, #tpu.memory_space<hbm>>
        %dma_start3A_180 = arith.constant 0 : i32
        %dma_start3A_181 = arith.constant 0 : i32
        %dma_start3A_182 = tpu.memref_slice %arg4[%add3A_135, %dma_start3A_180, %dma_start3A_181] : memref<2560x128x128xf32, #tpu.memory_space<hbm>> -> memref<1x128x128xf32, #tpu.memory_space<hbm>>
        %dma_start3A_183 = tpu.memref_squeeze %dma_start3A_182 : memref<1x128x128xf32, #tpu.memory_space<hbm>> -> memref<128x128xf32, #tpu.memory_space<hbm>>
        %dma_start3A_184 = arith.constant 0 : i32
        %dma_start3A_185 = arith.constant 0 : i32
        %dma_start3A_186 = tpu.memref_slice %arg6[%run_scoped3A_136, %dma_start3A_184, %dma_start3A_185] : memref<4x128x128xf32, #tpu.memory_space<vmem>> -> memref<1x128x128xf32, #tpu.memory_space<vmem>>
        %dma_start3A_187 = tpu.memref_squeeze %dma_start3A_186 : memref<1x128x128xf32, #tpu.memory_space<vmem>> -> memref<128x128xf32, #tpu.memory_space<vmem>>
        tpu.enqueue_dma source(%dma_start3A_187 : memref<128x128xf32, #tpu.memory_space<vmem>>) target(%dma_start3A_183 : memref<128x128xf32, #tpu.memory_space<hbm>>) target_semaphore(%run_scoped3A_171 : memref<!tpu.dma_semaphore, #tpu.memory_space<semaphore_mem>>)
        %dma_wait3A_188 = arith.constant 0 : i32
        %dma_wait3A_189 = arith.constant 0 : i32
        %dma_wait3A_190 = tpu.memref_slice %arg6[%run_scoped3A_136, %dma_wait3A_188, %dma_wait3A_189] : memref<4x128x128xf32, #tpu.memory_space<vmem>> -> memref<1x128x128xf32, #tpu.memory_space<vmem>>
        %dma_wait3A_191 = tpu.memref_squeeze %dma_wait3A_190 : memref<1x128x128xf32, #tpu.memory_space<vmem>> -> memref<128x128xf32, #tpu.memory_space<vmem>>
        %dma_wait3A_192 = arith.constant 0 : i32
        %dma_wait3A_193 = arith.constant 0 : i32
        %dma_wait3A_194 = tpu.memref_slice %arg4[%add3A_135, %dma_wait3A_192, %dma_wait3A_193] : memref<2560x128x128xf32, #tpu.memory_space<hbm>> -> memref<1x128x128xf32, #tpu.memory_space<hbm>>
        %dma_wait3A_195 = tpu.memref_squeeze %dma_wait3A_194 : memref<1x128x128xf32, #tpu.memory_space<hbm>> -> memref<128x128xf32, #tpu.memory_space<hbm>>
        %dma_wait3A_196 = arith.constant 0 : i32
        %dma_wait3A_197 = arith.constant 0 : i32
        %dma_wait3A_198 = tpu.memref_slice %arg4[%add3A_135, %dma_wait3A_196, %dma_wait3A_197] : memref<2560x128x128xf32, #tpu.memory_space<hbm>> -> memref<1x128x128xf32, #tpu.memory_space<hbm>>
        %dma_wait3A_199 = tpu.memref_squeeze %dma_wait3A_198 : memref<1x128x128xf32, #tpu.memory_space<hbm>> -> memref<128x128xf32, #tpu.memory_space<hbm>>
        %dma_wait3A_200 = arith.constant 0 : i32
        %dma_wait3A_201 = arith.constant 0 : i32
        %dma_wait3A_202 = tpu.memref_slice %arg6[%run_scoped3A_136, %dma_wait3A_200, %dma_wait3A_201] : memref<4x128x128xf32, #tpu.memory_space<vmem>> -> memref<1x128x128xf32, #tpu.memory_space<vmem>>
        %dma_wait3A_203 = tpu.memref_squeeze %dma_wait3A_202 : memref<1x128x128xf32, #tpu.memory_space<vmem>> -> memref<128x128xf32, #tpu.memory_space<vmem>>
        tpu.wait_dma2 semaphore(%run_scoped3A_171 : memref<!tpu.dma_semaphore, #tpu.memory_space<semaphore_mem>>) src(%dma_wait3A_203 : memref<128x128xf32, #tpu.memory_space<vmem>>) dst(%dma_wait3A_199 : memref<128x128xf32, #tpu.memory_space<hbm>>)
        tpu.yield
      }) : () -> ()
      %add3A_137 = arith.constant 4 : i32
      %add3A_138 = arith.addi %add3A_120, %add3A_137 : i32
      %lt3A_139 = arith.constant 80 : i32
      %lt3A_140 = arith.cmpi slt, %add3A_138, %lt3A_139 : i32
      %convert_element_type3A_141 = arith.extui %lt3A_140 : i1 to i32
      %cond3A_142 = arith.constant 0 : i32
      %cond3A_143 = arith.cmpi ne, %convert_element_type3A_141, %cond3A_142 : i32
      scf.if %cond3A_143 {
        %dma_start3A_171 = arith.constant 2 : i32
        %dma_start3A_172 = arith.constant 2 : i32
        %dma_start3A_173 = arith.constant 0 : i32
        %dma_start3A_174 = arith.constant 0 : i32
        %dma_start3A_175 = tpu.memref_slice %arg6[%dma_start3A_171, %dma_start3A_173, %dma_start3A_174] : memref<4x128x128xf32, #tpu.memory_space<vmem>> -> memref<1x128x128xf32, #tpu.memory_space<vmem>>
        %dma_start3A_176 = tpu.memref_squeeze %dma_start3A_175 : memref<1x128x128xf32, #tpu.memory_space<vmem>> -> memref<128x128xf32, #tpu.memory_space<vmem>>
        %dma_start3A_177 = arith.constant 0 : i32
        %dma_start3A_178 = tpu.memref_slice %arg5[%add3A_138, %dma_start3A_177] : memref<80x128xi32, #tpu.memory_space<vmem>> -> memref<1x128xi32, #tpu.memory_space<vmem>>
        %dma_start3A_179 = tpu.memref_squeeze %dma_start3A_178 : memref<1x128xi32, #tpu.memory_space<vmem>> -> memref<128xi32, #tpu.memory_space<vmem>>
        %dma_start3A_180 = arith.constant 0 : i32
        %dma_start3A_181 = arith.constant 0 : i32
        %dma_start3A_182 = tpu.memref_slice %arg2[%dma_start3A_180, %dma_start3A_181] : memref<16384x128xf32, #tpu.memory_space<hbm>> -> memref<16384x128xf32, #tpu.memory_space<hbm>>
        %dma_start3A_183 = tpu.memref_slice %arg7[%dma_start3A_172] : memref<4x!tpu.dma_semaphore, #tpu.memory_space<semaphore_mem>> -> memref<1x!tpu.dma_semaphore, #tpu.memory_space<semaphore_mem>>
        %dma_start3A_184 = tpu.memref_squeeze %dma_start3A_183 : memref<1x!tpu.dma_semaphore, #tpu.memory_space<semaphore_mem>> -> memref<!tpu.dma_semaphore, #tpu.memory_space<semaphore_mem>>
        tpu.enqueue_indirect_dma source(%dma_start3A_182 : memref<16384x128xf32, #tpu.memory_space<hbm>>) target(%dma_start3A_176 : memref<128x128xf32, #tpu.memory_space<vmem>>) offsets(%dma_start3A_179 : memref<128xi32, #tpu.memory_space<vmem>>) semaphore(%dma_start3A_184 : memref<!tpu.dma_semaphore, #tpu.memory_space<semaphore_mem>>)
      } else {
      }
      %mul3A_144 = arith.constant 4 : i32
      %mul3A_145 = arith.muli %scan3A_67, %mul3A_144 : i32
      %add3A_146 = arith.constant 3 : i32
      %add3A_147 = arith.addi %mul3A_145, %add3A_146 : i32
      %dma_wait3A_148 = arith.constant 3 : i32
      %dma_wait3A_149 = arith.constant 3 : i32
      %dma_wait3A_150 = arith.constant 0 : i32
      %dma_wait3A_151 = arith.constant 0 : i32
      %dma_wait3A_152 = tpu.memref_slice %arg6[%dma_wait3A_148, %dma_wait3A_150, %dma_wait3A_151] : memref<4x128x128xf32, #tpu.memory_space<vmem>> -> memref<1x128x128xf32, #tpu.memory_space<vmem>>
      %dma_wait3A_153 = tpu.memref_squeeze %dma_wait3A_152 : memref<1x128x128xf32, #tpu.memory_space<vmem>> -> memref<128x128xf32, #tpu.memory_space<vmem>>
      %dma_wait3A_154 = arith.constant 0 : i32
      %dma_wait3A_155 = tpu.memref_slice %arg5[%add3A_147, %dma_wait3A_154] : memref<80x128xi32, #tpu.memory_space<vmem>> -> memref<1x128xi32, #tpu.memory_space<vmem>>
      %dma_wait3A_156 = tpu.memref_squeeze %dma_wait3A_155 : memref<1x128xi32, #tpu.memory_space<vmem>> -> memref<128xi32, #tpu.memory_space<vmem>>
      %dma_wait3A_157 = arith.constant 0 : i32
      %dma_wait3A_158 = arith.constant 0 : i32
      %dma_wait3A_159 = tpu.memref_slice %arg2[%dma_wait3A_157, %dma_wait3A_158] : memref<16384x128xf32, #tpu.memory_space<hbm>> -> memref<16384x128xf32, #tpu.memory_space<hbm>>
      %dma_wait3A_160 = tpu.memref_slice %arg7[%dma_wait3A_149] : memref<4x!tpu.dma_semaphore, #tpu.memory_space<semaphore_mem>> -> memref<1x!tpu.dma_semaphore, #tpu.memory_space<semaphore_mem>>
      %dma_wait3A_161 = tpu.memref_squeeze %dma_wait3A_160 : memref<1x!tpu.dma_semaphore, #tpu.memory_space<semaphore_mem>> -> memref<!tpu.dma_semaphore, #tpu.memory_space<semaphore_mem>>
      tpu.wait_indirect_dma semaphore(%dma_wait3A_161 : memref<!tpu.dma_semaphore, #tpu.memory_space<semaphore_mem>>) src(%dma_wait3A_159 : memref<16384x128xf32, #tpu.memory_space<hbm>>) dst(%dma_wait3A_153 : memref<128x128xf32, #tpu.memory_space<vmem>>)
      %add3A_162 = arith.addi %mul3A_2, %add3A_147 : i32
      %run_scoped3A_163 = arith.constant 3 : i32
      "tpu.region"() ({
        %run_scoped3A_171 = tpu.sem_alloc : memref<!tpu.dma_semaphore, #tpu.memory_space<semaphore_mem>>
        %dma_start3A_172 = arith.constant 0 : i32
        %dma_start3A_173 = arith.constant 0 : i32
        %dma_start3A_174 = tpu.memref_slice %arg6[%run_scoped3A_163, %dma_start3A_172, %dma_start3A_173] : memref<4x128x128xf32, #tpu.memory_space<vmem>> -> memref<1x128x128xf32, #tpu.memory_space<vmem>>
        %dma_start3A_175 = tpu.memref_squeeze %dma_start3A_174 : memref<1x128x128xf32, #tpu.memory_space<vmem>> -> memref<128x128xf32, #tpu.memory_space<vmem>>
        %dma_start3A_176 = arith.constant 0 : i32
        %dma_start3A_177 = arith.constant 0 : i32
        %dma_start3A_178 = tpu.memref_slice %arg4[%add3A_162, %dma_start3A_176, %dma_start3A_177] : memref<2560x128x128xf32, #tpu.memory_space<hbm>> -> memref<1x128x128xf32, #tpu.memory_space<hbm>>
        %dma_start3A_179 = tpu.memref_squeeze %dma_start3A_178 : memref<1x128x128xf32, #tpu.memory_space<hbm>> -> memref<128x128xf32, #tpu.memory_space<hbm>>
        %dma_start3A_180 = arith.constant 0 : i32
        %dma_start3A_181 = arith.constant 0 : i32
        %dma_start3A_182 = tpu.memref_slice %arg4[%add3A_162, %dma_start3A_180, %dma_start3A_181] : memref<2560x128x128xf32, #tpu.memory_space<hbm>> -> memref<1x128x128xf32, #tpu.memory_space<hbm>>
        %dma_start3A_183 = tpu.memref_squeeze %dma_start3A_182 : memref<1x128x128xf32, #tpu.memory_space<hbm>> -> memref<128x128xf32, #tpu.memory_space<hbm>>
        %dma_start3A_184 = arith.constant 0 : i32
        %dma_start3A_185 = arith.constant 0 : i32
        %dma_start3A_186 = tpu.memref_slice %arg6[%run_scoped3A_163, %dma_start3A_184, %dma_start3A_185] : memref<4x128x128xf32, #tpu.memory_space<vmem>> -> memref<1x128x128xf32, #tpu.memory_space<vmem>>
        %dma_start3A_187 = tpu.memref_squeeze %dma_start3A_186 : memref<1x128x128xf32, #tpu.memory_space<vmem>> -> memref<128x128xf32, #tpu.memory_space<vmem>>
        tpu.enqueue_dma source(%dma_start3A_187 : memref<128x128xf32, #tpu.memory_space<vmem>>) target(%dma_start3A_183 : memref<128x128xf32, #tpu.memory_space<hbm>>) target_semaphore(%run_scoped3A_171 : memref<!tpu.dma_semaphore, #tpu.memory_space<semaphore_mem>>)
        %dma_wait3A_188 = arith.constant 0 : i32
        %dma_wait3A_189 = arith.constant 0 : i32
        %dma_wait3A_190 = tpu.memref_slice %arg6[%run_scoped3A_163, %dma_wait3A_188, %dma_wait3A_189] : memref<4x128x128xf32, #tpu.memory_space<vmem>> -> memref<1x128x128xf32, #tpu.memory_space<vmem>>
        %dma_wait3A_191 = tpu.memref_squeeze %dma_wait3A_190 : memref<1x128x128xf32, #tpu.memory_space<vmem>> -> memref<128x128xf32, #tpu.memory_space<vmem>>
        %dma_wait3A_192 = arith.constant 0 : i32
        %dma_wait3A_193 = arith.constant 0 : i32
        %dma_wait3A_194 = tpu.memref_slice %arg4[%add3A_162, %dma_wait3A_192, %dma_wait3A_193] : memref<2560x128x128xf32, #tpu.memory_space<hbm>> -> memref<1x128x128xf32, #tpu.memory_space<hbm>>
        %dma_wait3A_195 = tpu.memref_squeeze %dma_wait3A_194 : memref<1x128x128xf32, #tpu.memory_space<hbm>> -> memref<128x128xf32, #tpu.memory_space<hbm>>
        %dma_wait3A_196 = arith.constant 0 : i32
        %dma_wait3A_197 = arith.constant 0 : i32
        %dma_wait3A_198 = tpu.memref_slice %arg4[%add3A_162, %dma_wait3A_196, %dma_wait3A_197] : memref<2560x128x128xf32, #tpu.memory_space<hbm>> -> memref<1x128x128xf32, #tpu.memory_space<hbm>>
        %dma_wait3A_199 = tpu.memref_squeeze %dma_wait3A_198 : memref<1x128x128xf32, #tpu.memory_space<hbm>> -> memref<128x128xf32, #tpu.memory_space<hbm>>
        %dma_wait3A_200 = arith.constant 0 : i32
        %dma_wait3A_201 = arith.constant 0 : i32
        %dma_wait3A_202 = tpu.memref_slice %arg6[%run_scoped3A_163, %dma_wait3A_200, %dma_wait3A_201] : memref<4x128x128xf32, #tpu.memory_space<vmem>> -> memref<1x128x128xf32, #tpu.memory_space<vmem>>
        %dma_wait3A_203 = tpu.memref_squeeze %dma_wait3A_202 : memref<1x128x128xf32, #tpu.memory_space<vmem>> -> memref<128x128xf32, #tpu.memory_space<vmem>>
        tpu.wait_dma2 semaphore(%run_scoped3A_171 : memref<!tpu.dma_semaphore, #tpu.memory_space<semaphore_mem>>) src(%dma_wait3A_203 : memref<128x128xf32, #tpu.memory_space<vmem>>) dst(%dma_wait3A_199 : memref<128x128xf32, #tpu.memory_space<hbm>>)
        tpu.yield
      }) : () -> ()
      %add3A_164 = arith.constant 4 : i32
      %add3A_165 = arith.addi %add3A_147, %add3A_164 : i32
      %lt3A_166 = arith.constant 80 : i32
      %lt3A_167 = arith.cmpi slt, %add3A_165, %lt3A_166 : i32
      %convert_element_type3A_168 = arith.extui %lt3A_167 : i1 to i32
      %cond3A_169 = arith.constant 0 : i32
      %cond3A_170 = arith.cmpi ne, %convert_element_type3A_168, %cond3A_169 : i32
      scf.if %cond3A_170 {
        %dma_start3A_171 = arith.constant 3 : i32
        %dma_start3A_172 = arith.constant 3 : i32
        %dma_start3A_173 = arith.constant 0 : i32
        %dma_start3A_174 = arith.constant 0 : i32
        %dma_start3A_175 = tpu.memref_slice %arg6[%dma_start3A_171, %dma_start3A_173, %dma_start3A_174] : memref<4x128x128xf32, #tpu.memory_space<vmem>> -> memref<1x128x128xf32, #tpu.memory_space<vmem>>
        %dma_start3A_176 = tpu.memref_squeeze %dma_start3A_175 : memref<1x128x128xf32, #tpu.memory_space<vmem>> -> memref<128x128xf32, #tpu.memory_space<vmem>>
        %dma_start3A_177 = arith.constant 0 : i32
        %dma_start3A_178 = tpu.memref_slice %arg5[%add3A_165, %dma_start3A_177] : memref<80x128xi32, #tpu.memory_space<vmem>> -> memref<1x128xi32, #tpu.memory_space<vmem>>
        %dma_start3A_179 = tpu.memref_squeeze %dma_start3A_178 : memref<1x128xi32, #tpu.memory_space<vmem>> -> memref<128xi32, #tpu.memory_space<vmem>>
        %dma_start3A_180 = arith.constant 0 : i32
        %dma_start3A_181 = arith.constant 0 : i32
        %dma_start3A_182 = tpu.memref_slice %arg2[%dma_start3A_180, %dma_start3A_181] : memref<16384x128xf32, #tpu.memory_space<hbm>> -> memref<16384x128xf32, #tpu.memory_space<hbm>>
        %dma_start3A_183 = tpu.memref_slice %arg7[%dma_start3A_172] : memref<4x!tpu.dma_semaphore, #tpu.memory_space<semaphore_mem>> -> memref<1x!tpu.dma_semaphore, #tpu.memory_space<semaphore_mem>>
        %dma_start3A_184 = tpu.memref_squeeze %dma_start3A_183 : memref<1x!tpu.dma_semaphore, #tpu.memory_space<semaphore_mem>> -> memref<!tpu.dma_semaphore, #tpu.memory_space<semaphore_mem>>
        tpu.enqueue_indirect_dma source(%dma_start3A_182 : memref<16384x128xf32, #tpu.memory_space<hbm>>) target(%dma_start3A_176 : memref<128x128xf32, #tpu.memory_space<vmem>>) offsets(%dma_start3A_179 : memref<128xi32, #tpu.memory_space<vmem>>) semaphore(%dma_start3A_184 : memref<!tpu.dma_semaphore, #tpu.memory_space<semaphore_mem>>)
      } else {
      }
    }
    %scan3A_66 = arith.constant 20 : i32
    return
  }
}

module attributes {stable_mosaic.version = 14 : i64} {
  func.func @_knn1_kernel(%arg0: i32, %arg1: i32, %arg2: memref<1x2048x16xf32, #tpu.memory_space<vmem>>, %arg3: memref<1x8x512xf32, #tpu.memory_space<vmem>>, %arg4: memref<1x20x512xi32, #tpu.memory_space<vmem>>) attributes {dimension_semantics = [#tpu.dimension_semantics<arbitrary>, #tpu.dimension_semantics<arbitrary>], iteration_bounds = array<i64: 8, 4>, scalar_prefetch = 0 : i64, scratch_operands = 0 : i64, tpu.core_type = #tpu.core_type<tc>, window_params = [{transform_indices = @transform_0, window_bounds = array<i64: 1, 2048, 16>}, {transform_indices = @transform_1, window_bounds = array<i64: 1, 8, 512>}, {transform_indices = @transform_2, window_bounds = array<i64: 1, 20, 512>}]} {
    %get3A = arith.constant 0 : index
    %get3A_0 = arith.constant 0 : index
    %get3A_1 = arith.constant 0 : index
    %get3A_2 = vector.load %arg2[%get3A, %get3A_0, %get3A_1] : memref<1x2048x16xf32, #tpu.memory_space<vmem>>, vector<1x2048x1xf32>
    %get3A_3 = vector.shape_cast %get3A_2 : vector<1x2048x1xf32> to vector<2048x1xf32>
    %get3A_4 = arith.constant 0 : index
    %get3A_5 = arith.constant 0 : index
    %get3A_6 = arith.constant 1 : index
    %get3A_7 = vector.load %arg2[%get3A_4, %get3A_5, %get3A_6] : memref<1x2048x16xf32, #tpu.memory_space<vmem>>, vector<1x2048x1xf32>
    %get3A_8 = vector.shape_cast %get3A_7 : vector<1x2048x1xf32> to vector<2048x1xf32>
    %get3A_9 = arith.constant 0 : index
    %get3A_10 = arith.constant 0 : index
    %get3A_11 = arith.constant 0 : index
    %get3A_12 = vector.load %arg3[%get3A_9, %get3A_10, %get3A_11] : memref<1x8x512xf32, #tpu.memory_space<vmem>>, vector<1x1x512xf32>
    %get3A_13 = vector.shape_cast %get3A_12 : vector<1x1x512xf32> to vector<1x512xf32>
    %get3A_14 = arith.constant 0 : index
    %get3A_15 = arith.constant 1 : index
    %get3A_16 = arith.constant 0 : index
    %get3A_17 = vector.load %arg3[%get3A_14, %get3A_15, %get3A_16] : memref<1x8x512xf32, #tpu.memory_space<vmem>>, vector<1x1x512xf32>
    %get3A_18 = vector.shape_cast %get3A_17 : vector<1x1x512xf32> to vector<1x512xf32>
    %mul3A = arith.mulf %get3A_3, %get3A_3 : vector<2048x1xf32>
    %mul3A_19 = arith.mulf %get3A_8, %get3A_8 : vector<2048x1xf32>
    %add3A = arith.addf %mul3A, %mul3A_19 : vector<2048x1xf32>
    %mul3A_20 = vector.broadcast %get3A_3 : vector<2048x1xf32> to vector<2048x512xf32>
    %mul3A_21 = vector.broadcast %get3A_13 : vector<1x512xf32> to vector<2048x512xf32>
    %mul3A_22 = arith.mulf %mul3A_20, %mul3A_21 : vector<2048x512xf32>
    %mul3A_23 = vector.broadcast %get3A_8 : vector<2048x1xf32> to vector<2048x512xf32>
    %mul3A_24 = vector.broadcast %get3A_18 : vector<1x512xf32> to vector<2048x512xf32>
    %mul3A_25 = arith.mulf %mul3A_23, %mul3A_24 : vector<2048x512xf32>
    %add3A_26 = arith.addf %mul3A_22, %mul3A_25 : vector<2048x512xf32>
    %mul3A_27 = arith.constant 2.000000e+00 : f32
    %mul3A_28 = vector.broadcast %mul3A_27 : f32 to vector<2048x512xf32>
    %mul3A_29 = arith.mulf %mul3A_28, %add3A_26 : vector<2048x512xf32>
    %sub3A = vector.broadcast %add3A : vector<2048x1xf32> to vector<2048x512xf32>
    %sub3A_30 = arith.subf %sub3A, %mul3A_29 : vector<2048x512xf32>
    %mul3A_31 = arith.constant 2048 : i32
    %mul3A_32 = arith.muli %arg0, %mul3A_31 : i32
    %bitcast_convert_type3A = tpu.bitcast %sub3A_30 : vector<2048x512xf32> -> vector<2048x512xi32>
    %shift_right_arithmetic3A = arith.constant 31 : i32
    %shift_right_arithmetic3A_33 = vector.broadcast %shift_right_arithmetic3A : i32 to vector<2048x512xi32>
    %shift_right_arithmetic3A_34 = arith.shrsi %bitcast_convert_type3A, %shift_right_arithmetic3A_33 : vector<2048x512xi32>
    %and3A = arith.constant 2147483647 : i32
    %and3A_35 = vector.broadcast %and3A : i32 to vector<2048x512xi32>
    %and3A_36 = arith.andi %shift_right_arithmetic3A_34, %and3A_35 : vector<2048x512xi32>
    %xor3A = arith.xori %bitcast_convert_type3A, %and3A_36 : vector<2048x512xi32>
    %iota3A = tpu.iota {dimensions = array<i32: 0>} : vector<2048x512xi32>
    %and3A_37 = arith.constant -2048 : i32
    %and3A_38 = vector.broadcast %and3A_37 : i32 to vector<2048x512xi32>
    %and3A_39 = arith.andi %xor3A, %and3A_38 : vector<2048x512xi32>
    %or3A = arith.ori %and3A_39, %iota3A : vector<2048x512xi32>
    %slice3A = vector.extract_strided_slice %or3A {offsets = [0, 0], sizes = [128, 512], strides = [1, 1]} : vector<2048x512xi32> to vector<128x512xi32>
    %slice3A_40 = vector.extract_strided_slice %or3A {offsets = [128, 0], sizes = [128, 512], strides = [1, 1]} : vector<2048x512xi32> to vector<128x512xi32>
    %slice3A_41 = vector.extract_strided_slice %or3A {offsets = [256, 0], sizes = [128, 512], strides = [1, 1]} : vector<2048x512xi32> to vector<128x512xi32>
    %slice3A_42 = vector.extract_strided_slice %or3A {offsets = [384, 0], sizes = [128, 512], strides = [1, 1]} : vector<2048x512xi32> to vector<128x512xi32>
    %slice3A_43 = vector.extract_strided_slice %or3A {offsets = [512, 0], sizes = [128, 512], strides = [1, 1]} : vector<2048x512xi32> to vector<128x512xi32>
    %slice3A_44 = vector.extract_strided_slice %or3A {offsets = [640, 0], sizes = [128, 512], strides = [1, 1]} : vector<2048x512xi32> to vector<128x512xi32>
    %slice3A_45 = vector.extract_strided_slice %or3A {offsets = [768, 0], sizes = [128, 512], strides = [1, 1]} : vector<2048x512xi32> to vector<128x512xi32>
    %slice3A_46 = vector.extract_strided_slice %or3A {offsets = [896, 0], sizes = [128, 512], strides = [1, 1]} : vector<2048x512xi32> to vector<128x512xi32>
    %slice3A_47 = vector.extract_strided_slice %or3A {offsets = [1024, 0], sizes = [128, 512], strides = [1, 1]} : vector<2048x512xi32> to vector<128x512xi32>
    %slice3A_48 = vector.extract_strided_slice %or3A {offsets = [1152, 0], sizes = [128, 512], strides = [1, 1]} : vector<2048x512xi32> to vector<128x512xi32>
    %slice3A_49 = vector.extract_strided_slice %or3A {offsets = [1280, 0], sizes = [128, 512], strides = [1, 1]} : vector<2048x512xi32> to vector<128x512xi32>
    %slice3A_50 = vector.extract_strided_slice %or3A {offsets = [1408, 0], sizes = [128, 512], strides = [1, 1]} : vector<2048x512xi32> to vector<128x512xi32>
    %slice3A_51 = vector.extract_strided_slice %or3A {offsets = [1536, 0], sizes = [128, 512], strides = [1, 1]} : vector<2048x512xi32> to vector<128x512xi32>
    %slice3A_52 = vector.extract_strided_slice %or3A {offsets = [1664, 0], sizes = [128, 512], strides = [1, 1]} : vector<2048x512xi32> to vector<128x512xi32>
    %slice3A_53 = vector.extract_strided_slice %or3A {offsets = [1792, 0], sizes = [128, 512], strides = [1, 1]} : vector<2048x512xi32> to vector<128x512xi32>
    %slice3A_54 = vector.extract_strided_slice %or3A {offsets = [1920, 0], sizes = [128, 512], strides = [1, 1]} : vector<2048x512xi32> to vector<128x512xi32>
    %min3A = arith.minsi %slice3A, %slice3A_40 : vector<128x512xi32>
    %max3A = arith.maxsi %slice3A, %slice3A_40 : vector<128x512xi32>
    %min3A_55 = arith.minsi %slice3A_41, %slice3A_42 : vector<128x512xi32>
    %max3A_56 = arith.maxsi %slice3A_41, %slice3A_42 : vector<128x512xi32>
    %min3A_57 = arith.minsi %slice3A_43, %slice3A_44 : vector<128x512xi32>
    %max3A_58 = arith.maxsi %slice3A_43, %slice3A_44 : vector<128x512xi32>
    %min3A_59 = arith.minsi %slice3A_45, %slice3A_46 : vector<128x512xi32>
    %max3A_60 = arith.maxsi %slice3A_45, %slice3A_46 : vector<128x512xi32>
    %min3A_61 = arith.minsi %min3A, %min3A_55 : vector<128x512xi32>
    %max3A_62 = arith.maxsi %min3A, %min3A_55 : vector<128x512xi32>
    %min3A_63 = arith.minsi %max3A, %max3A_56 : vector<128x512xi32>
    %max3A_64 = arith.maxsi %max3A, %max3A_56 : vector<128x512xi32>
    %min3A_65 = arith.minsi %max3A_62, %min3A_63 : vector<128x512xi32>
    %max3A_66 = arith.maxsi %max3A_62, %min3A_63 : vector<128x512xi32>
    %min3A_67 = arith.minsi %min3A_57, %min3A_59 : vector<128x512xi32>
    %max3A_68 = arith.maxsi %min3A_57, %min3A_59 : vector<128x512xi32>
    %min3A_69 = arith.minsi %max3A_58, %max3A_60 : vector<128x512xi32>
    %max3A_70 = arith.maxsi %max3A_58, %max3A_60 : vector<128x512xi32>
    %min3A_71 = arith.minsi %max3A_68, %min3A_69 : vector<128x512xi32>
    %max3A_72 = arith.maxsi %max3A_68, %min3A_69 : vector<128x512xi32>
    %min3A_73 = arith.minsi %min3A_61, %max3A_70 : vector<128x512xi32>
    %min3A_74 = arith.minsi %min3A_65, %max3A_72 : vector<128x512xi32>
    %min3A_75 = arith.minsi %max3A_66, %min3A_71 : vector<128x512xi32>
    %min3A_76 = arith.minsi %max3A_64, %min3A_67 : vector<128x512xi32>
    %max3A_77 = arith.maxsi %min3A_61, %max3A_70 : vector<128x512xi32>
    %max3A_78 = arith.maxsi %min3A_65, %max3A_72 : vector<128x512xi32>
    %min3A_79 = arith.minsi %max3A_77, %max3A_78 : vector<128x512xi32>
    %max3A_80 = arith.maxsi %max3A_66, %min3A_71 : vector<128x512xi32>
    %max3A_81 = arith.maxsi %max3A_64, %min3A_67 : vector<128x512xi32>
    %min3A_82 = arith.minsi %max3A_80, %max3A_81 : vector<128x512xi32>
    %min3A_83 = arith.minsi %min3A_79, %min3A_82 : vector<128x512xi32>
    %min3A_84 = arith.minsi %min3A_73, %min3A_75 : vector<128x512xi32>
    %max3A_85 = arith.maxsi %min3A_73, %min3A_75 : vector<128x512xi32>
    %min3A_86 = arith.minsi %min3A_74, %min3A_76 : vector<128x512xi32>
    %max3A_87 = arith.maxsi %min3A_74, %min3A_76 : vector<128x512xi32>
    %min3A_88 = arith.minsi %min3A_84, %min3A_86 : vector<128x512xi32>
    %max3A_89 = arith.maxsi %min3A_84, %min3A_86 : vector<128x512xi32>
    %min3A_90 = arith.minsi %max3A_85, %max3A_87 : vector<128x512xi32>
    %max3A_91 = arith.maxsi %max3A_85, %max3A_87 : vector<128x512xi32>
    %min3A_92 = arith.minsi %slice3A_47, %slice3A_48 : vector<128x512xi32>
    %max3A_93 = arith.maxsi %slice3A_47, %slice3A_48 : vector<128x512xi32>
    %min3A_94 = arith.minsi %slice3A_49, %slice3A_50 : vector<128x512xi32>
    %max3A_95 = arith.maxsi %slice3A_49, %slice3A_50 : vector<128x512xi32>
    %min3A_96 = arith.minsi %slice3A_51, %slice3A_52 : vector<128x512xi32>
    %max3A_97 = arith.maxsi %slice3A_51, %slice3A_52 : vector<128x512xi32>
    %min3A_98 = arith.minsi %slice3A_53, %slice3A_54 : vector<128x512xi32>
    %max3A_99 = arith.maxsi %slice3A_53, %slice3A_54 : vector<128x512xi32>
    %min3A_100 = arith.minsi %min3A_92, %min3A_94 : vector<128x512xi32>
    %max3A_101 = arith.maxsi %min3A_92, %min3A_94 : vector<128x512xi32>
    %min3A_102 = arith.minsi %max3A_93, %max3A_95 : vector<128x512xi32>
    %max3A_103 = arith.maxsi %max3A_93, %max3A_95 : vector<128x512xi32>
    %min3A_104 = arith.minsi %max3A_101, %min3A_102 : vector<128x512xi32>
    %max3A_105 = arith.maxsi %max3A_101, %min3A_102 : vector<128x512xi32>
    %min3A_106 = arith.minsi %min3A_96, %min3A_98 : vector<128x512xi32>
    %max3A_107 = arith.maxsi %min3A_96, %min3A_98 : vector<128x512xi32>
    %min3A_108 = arith.minsi %max3A_97, %max3A_99 : vector<128x512xi32>
    %max3A_109 = arith.maxsi %max3A_97, %max3A_99 : vector<128x512xi32>
    %min3A_110 = arith.minsi %max3A_107, %min3A_108 : vector<128x512xi32>
    %max3A_111 = arith.maxsi %max3A_107, %min3A_108 : vector<128x512xi32>
    %min3A_112 = arith.minsi %min3A_100, %max3A_109 : vector<128x512xi32>
    %min3A_113 = arith.minsi %min3A_104, %max3A_111 : vector<128x512xi32>
    %min3A_114 = arith.minsi %max3A_105, %min3A_110 : vector<128x512xi32>
    %min3A_115 = arith.minsi %max3A_103, %min3A_106 : vector<128x512xi32>
    %max3A_116 = arith.maxsi %min3A_100, %max3A_109 : vector<128x512xi32>
    %max3A_117 = arith.maxsi %min3A_104, %max3A_111 : vector<128x512xi32>
    %min3A_118 = arith.minsi %max3A_116, %max3A_117 : vector<128x512xi32>
    %max3A_119 = arith.maxsi %max3A_105, %min3A_110 : vector<128x512xi32>
    %max3A_120 = arith.maxsi %max3A_103, %min3A_106 : vector<128x512xi32>
    %min3A_121 = arith.minsi %max3A_119, %max3A_120 : vector<128x512xi32>
    %min3A_122 = arith.minsi %min3A_118, %min3A_121 : vector<128x512xi32>
    %min3A_123 = arith.minsi %min3A_112, %min3A_114 : vector<128x512xi32>
    %max3A_124 = arith.maxsi %min3A_112, %min3A_114 : vector<128x512xi32>
    %min3A_125 = arith.minsi %min3A_113, %min3A_115 : vector<128x512xi32>
    %max3A_126 = arith.maxsi %min3A_113, %min3A_115 : vector<128x512xi32>
    %min3A_127 = arith.minsi %min3A_123, %min3A_125 : vector<128x512xi32>
    %max3A_128 = arith.maxsi %min3A_123, %min3A_125 : vector<128x512xi32>
    %min3A_129 = arith.minsi %max3A_124, %max3A_126 : vector<128x512xi32>
    %max3A_130 = arith.maxsi %max3A_124, %max3A_126 : vector<128x512xi32>
    %min3A_131 = arith.minsi %min3A_88, %min3A_127 : vector<128x512xi32>
    %reduce_min3A = arith.constant dense<2147483647> : vector<512xi32>
    %reduce_min3A_132 = vector.multi_reduction <minsi>, %min3A_131, %reduce_min3A [0] : vector<128x512xi32> to vector<512xi32>
    %and3A_133 = arith.constant 2047 : i32
    %and3A_134 = vector.broadcast %and3A_133 : i32 to vector<512xi32>
    %and3A_135 = arith.andi %reduce_min3A_132, %and3A_134 : vector<512xi32>
    %add3A_136 = vector.broadcast %mul3A_32 : i32 to vector<512xi32>
    %add3A_137 = arith.addi %and3A_135, %add3A_136 : vector<512xi32>
    %swap3A = arith.constant 0 : index
    %swap3A_138 = arith.constant 0 : index
    %swap3A_139 = arith.constant 0 : index
    %swap3A_140 = vector.load %arg4[%swap3A, %swap3A_138, %swap3A_139] : memref<1x20x512xi32, #tpu.memory_space<vmem>>, vector<1x1x512xi32>
    %swap3A_141 = vector.shape_cast %swap3A_140 : vector<1x1x512xi32> to vector<512xi32>
    %swap3A_142 = vector.shape_cast %add3A_137 : vector<512xi32> to vector<1x1x512xi32>
    tpu.vector_store %arg4[%swap3A, %swap3A_138, %swap3A_139], %swap3A_142 {strides = array<i32>} : memref<1x20x512xi32, #tpu.memory_space<vmem>>, vector<1x1x512xi32>,
    %broadcast_in_dim3A = vector.shape_cast %reduce_min3A_132 : vector<512xi32> to vector<1x512xi32>
    %eq3A = vector.broadcast %broadcast_in_dim3A : vector<1x512xi32> to vector<128x512xi32>
    %eq3A_143 = arith.cmpi eq, %min3A_88, %eq3A : vector<128x512xi32>
    %eq3A_144 = vector.broadcast %broadcast_in_dim3A : vector<1x512xi32> to vector<128x512xi32>
    %eq3A_145 = arith.cmpi eq, %min3A_127, %eq3A_144 : vector<128x512xi32>
    %select_n3A = arith.select %eq3A_143, %max3A_89, %min3A_88 : vector<128x512xi1>, vector<128x512xi32>
    %select_n3A_146 = arith.select %eq3A_143, %min3A_90, %max3A_89 : vector<128x512xi1>, vector<128x512xi32>
    %select_n3A_147 = arith.select %eq3A_143, %max3A_91, %min3A_90 : vector<128x512xi1>, vector<128x512xi32>
    %jit3A = arith.constant 2147483647 : i32
    %broadcast_in_dim3A_148 = vector.broadcast %jit3A : i32 to vector<128x512xi32>
    %select_n3A_149 = arith.select %eq3A_143, %broadcast_in_dim3A_148, %max3A_91 : vector<128x512xi1>, vector<128x512xi32>
    %select_n3A_150 = arith.select %eq3A_145, %max3A_128, %min3A_127 : vector<128x512xi1>, vector<128x512xi32>
    %select_n3A_151 = arith.select %eq3A_145, %min3A_129, %max3A_128 : vector<128x512xi1>, vector<128x512xi32>
    %select_n3A_152 = arith.select %eq3A_145, %max3A_130, %min3A_129 : vector<128x512xi1>, vector<128x512xi32>
    %jit3A_153 = arith.constant 2147483647 : i32
    %broadcast_in_dim3A_154 = vector.broadcast %jit3A_153 : i32 to vector<128x512xi32>
    %select_n3A_155 = arith.select %eq3A_145, %broadcast_in_dim3A_154, %max3A_130 : vector<128x512xi1>, vector<128x512xi32>
    %min3A_156 = arith.minsi %select_n3A, %select_n3A_150 : vector<128x512xi32>
    %reduce_min3A_157 = arith.constant dense<2147483647> : vector<512xi32>
    %reduce_min3A_158 = vector.multi_reduction <minsi>, %min3A_156, %reduce_min3A_157 [0] : vector<128x512xi32> to vector<512xi32>
    %and3A_159 = arith.constant 2047 : i32
    %and3A_160 = vector.broadcast %and3A_159 : i32 to vector<512xi32>
    %and3A_161 = arith.andi %reduce_min3A_158, %and3A_160 : vector<512xi32>
    %add3A_162 = vector.broadcast %mul3A_32 : i32 to vector<512xi32>
    %add3A_163 = arith.addi %and3A_161, %add3A_162 : vector<512xi32>
    %swap3A_164 = arith.constant 0 : index
    %swap3A_165 = arith.constant 1 : index
    %swap3A_166 = arith.constant 0 : index
    %swap3A_167 = vector.load %arg4[%swap3A_164, %swap3A_165, %swap3A_166] : memref<1x20x512xi32, #tpu.memory_space<vmem>>, vector<1x1x512xi32>
    %swap3A_168 = vector.shape_cast %swap3A_167 : vector<1x1x512xi32> to vector<512xi32>
    %swap3A_169 = vector.shape_cast %add3A_163 : vector<512xi32> to vector<1x1x512xi32>
    tpu.vector_store %arg4[%swap3A_164, %swap3A_165, %swap3A_166], %swap3A_169 {strides = array<i32>} : memref<1x20x512xi32, #tpu.memory_space<vmem>>, vector<1x1x512xi32>,
    %broadcast_in_dim3A_170 = vector.shape_cast %reduce_min3A_158 : vector<512xi32> to vector<1x512xi32>
    %eq3A_171 = vector.broadcast %broadcast_in_dim3A_170 : vector<1x512xi32> to vector<128x512xi32>
    %eq3A_172 = arith.cmpi eq, %select_n3A, %eq3A_171 : vector<128x512xi32>
    %eq3A_173 = vector.broadcast %broadcast_in_dim3A_170 : vector<1x512xi32> to vector<128x512xi32>
    %eq3A_174 = arith.cmpi eq, %select_n3A_150, %eq3A_173 : vector<128x512xi32>
    %select_n3A_175 = arith.select %eq3A_172, %select_n3A_146, %select_n3A : vector<128x512xi1>, vector<128x512xi32>
    %select_n3A_176 = arith.select %eq3A_172, %select_n3A_147, %select_n3A_146 : vector<128x512xi1>, vector<128x512xi32>
    %select_n3A_177 = arith.select %eq3A_172, %select_n3A_149, %select_n3A_147 : vector<128x512xi1>, vector<128x512xi32>
    %jit3A_178 = arith.constant 2147483647 : i32
    %broadcast_in_dim3A_179 = vector.broadcast %jit3A_178 : i32 to vector<128x512xi32>
    %select_n3A_180 = arith.select %eq3A_172, %broadcast_in_dim3A_179, %select_n3A_149 : vector<128x512xi1>, vector<128x512xi32>
    %select_n3A_181 = arith.select %eq3A_174, %select_n3A_151, %select_n3A_150 : vector<128x512xi1>, vector<128x512xi32>
    %select_n3A_182 = arith.select %eq3A_174, %select_n3A_152, %select_n3A_151 : vector<128x512xi1>, vector<128x512xi32>
    %select_n3A_183 = arith.select %eq3A_174, %select_n3A_155, %select_n3A_152 : vector<128x512xi1>, vector<128x512xi32>
    %jit3A_184 = arith.constant 2147483647 : i32
    %broadcast_in_dim3A_185 = vector.broadcast %jit3A_184 : i32 to vector<128x512xi32>
    %select_n3A_186 = arith.select %eq3A_174, %broadcast_in_dim3A_185, %select_n3A_155 : vector<128x512xi1>, vector<128x512xi32>
    %min3A_187 = arith.minsi %select_n3A_175, %select_n3A_181 : vector<128x512xi32>
    %reduce_min3A_188 = arith.constant dense<2147483647> : vector<512xi32>
    %reduce_min3A_189 = vector.multi_reduction <minsi>, %min3A_187, %reduce_min3A_188 [0] : vector<128x512xi32> to vector<512xi32>
    %and3A_190 = arith.constant 2047 : i32
    %and3A_191 = vector.broadcast %and3A_190 : i32 to vector<512xi32>
    %and3A_192 = arith.andi %reduce_min3A_189, %and3A_191 : vector<512xi32>
    %add3A_193 = vector.broadcast %mul3A_32 : i32 to vector<512xi32>
    %add3A_194 = arith.addi %and3A_192, %add3A_193 : vector<512xi32>
    %swap3A_195 = arith.constant 0 : index
    %swap3A_196 = arith.constant 2 : index
    %swap3A_197 = arith.constant 0 : index
    %swap3A_198 = vector.load %arg4[%swap3A_195, %swap3A_196, %swap3A_197] : memref<1x20x512xi32, #tpu.memory_space<vmem>>, vector<1x1x512xi32>
    %swap3A_199 = vector.shape_cast %swap3A_198 : vector<1x1x512xi32> to vector<512xi32>
    %swap3A_200 = vector.shape_cast %add3A_194 : vector<512xi32> to vector<1x1x512xi32>
    tpu.vector_store %arg4[%swap3A_195, %swap3A_196, %swap3A_197], %swap3A_200 {strides = array<i32>} : memref<1x20x512xi32, #tpu.memory_space<vmem>>, vector<1x1x512xi32>,
    %broadcast_in_dim3A_201 = vector.shape_cast %reduce_min3A_189 : vector<512xi32> to vector<1x512xi32>
    %eq3A_202 = vector.broadcast %broadcast_in_dim3A_201 : vector<1x512xi32> to vector<128x512xi32>
    %eq3A_203 = arith.cmpi eq, %select_n3A_175, %eq3A_202 : vector<128x512xi32>
    %eq3A_204 = vector.broadcast %broadcast_in_dim3A_201 : vector<1x512xi32> to vector<128x512xi32>
    %eq3A_205 = arith.cmpi eq, %select_n3A_181, %eq3A_204 : vector<128x512xi32>
    %select_n3A_206 = arith.select %eq3A_203, %select_n3A_176, %select_n3A_175 : vector<128x512xi1>, vector<128x512xi32>
    %select_n3A_207 = arith.select %eq3A_203, %select_n3A_177, %select_n3A_176 : vector<128x512xi1>, vector<128x512xi32>
    %select_n3A_208 = arith.select %eq3A_203, %select_n3A_180, %select_n3A_177 : vector<128x512xi1>, vector<128x512xi32>
    %jit3A_209 = arith.constant 2147483647 : i32
    %broadcast_in_dim3A_210 = vector.broadcast %jit3A_209 : i32 to vector<128x512xi32>
    %select_n3A_211 = arith.select %eq3A_203, %broadcast_in_dim3A_210, %select_n3A_180 : vector<128x512xi1>, vector<128x512xi32>
    %select_n3A_212 = arith.select %eq3A_205, %select_n3A_182, %select_n3A_181 : vector<128x512xi1>, vector<128x512xi32>
    %select_n3A_213 = arith.select %eq3A_205, %select_n3A_183, %select_n3A_182 : vector<128x512xi1>, vector<128x512xi32>
    %select_n3A_214 = arith.select %eq3A_205, %select_n3A_186, %select_n3A_183 : vector<128x512xi1>, vector<128x512xi32>
    %jit3A_215 = arith.constant 2147483647 : i32
    %broadcast_in_dim3A_216 = vector.broadcast %jit3A_215 : i32 to vector<128x512xi32>
    %select_n3A_217 = arith.select %eq3A_205, %broadcast_in_dim3A_216, %select_n3A_186 : vector<128x512xi1>, vector<128x512xi32>
    %min3A_218 = arith.minsi %select_n3A_206, %select_n3A_212 : vector<128x512xi32>
    %reduce_min3A_219 = arith.constant dense<2147483647> : vector<512xi32>
    %reduce_min3A_220 = vector.multi_reduction <minsi>, %min3A_218, %reduce_min3A_219 [0] : vector<128x512xi32> to vector<512xi32>
    %and3A_221 = arith.constant 2047 : i32
    %and3A_222 = vector.broadcast %and3A_221 : i32 to vector<512xi32>
    %and3A_223 = arith.andi %reduce_min3A_220, %and3A_222 : vector<512xi32>
    %add3A_224 = vector.broadcast %mul3A_32 : i32 to vector<512xi32>
    %add3A_225 = arith.addi %and3A_223, %add3A_224 : vector<512xi32>
    %swap3A_226 = arith.constant 0 : index
    %swap3A_227 = arith.constant 3 : index
    %swap3A_228 = arith.constant 0 : index
    %swap3A_229 = vector.load %arg4[%swap3A_226, %swap3A_227, %swap3A_228] : memref<1x20x512xi32, #tpu.memory_space<vmem>>, vector<1x1x512xi32>
    %swap3A_230 = vector.shape_cast %swap3A_229 : vector<1x1x512xi32> to vector<512xi32>
    %swap3A_231 = vector.shape_cast %add3A_225 : vector<512xi32> to vector<1x1x512xi32>
    tpu.vector_store %arg4[%swap3A_226, %swap3A_227, %swap3A_228], %swap3A_231 {strides = array<i32>} : memref<1x20x512xi32, #tpu.memory_space<vmem>>, vector<1x1x512xi32>,
    %broadcast_in_dim3A_232 = vector.shape_cast %reduce_min3A_220 : vector<512xi32> to vector<1x512xi32>
    %eq3A_233 = vector.broadcast %broadcast_in_dim3A_232 : vector<1x512xi32> to vector<128x512xi32>
    %eq3A_234 = arith.cmpi eq, %select_n3A_206, %eq3A_233 : vector<128x512xi32>
    %eq3A_235 = vector.broadcast %broadcast_in_dim3A_232 : vector<1x512xi32> to vector<128x512xi32>
    %eq3A_236 = arith.cmpi eq, %select_n3A_212, %eq3A_235 : vector<128x512xi32>
    %select_n3A_237 = arith.select %eq3A_234, %select_n3A_207, %select_n3A_206 : vector<128x512xi1>, vector<128x512xi32>
    %select_n3A_238 = arith.select %eq3A_234, %select_n3A_208, %select_n3A_207 : vector<128x512xi1>, vector<128x512xi32>
    %select_n3A_239 = arith.select %eq3A_234, %select_n3A_211, %select_n3A_208 : vector<128x512xi1>, vector<128x512xi32>
    %jit3A_240 = arith.constant 2147483647 : i32
    %broadcast_in_dim3A_241 = vector.broadcast %jit3A_240 : i32 to vector<128x512xi32>
    %select_n3A_242 = arith.select %eq3A_234, %broadcast_in_dim3A_241, %select_n3A_211 : vector<128x512xi1>, vector<128x512xi32>
    %select_n3A_243 = arith.select %eq3A_236, %select_n3A_213, %select_n3A_212 : vector<128x512xi1>, vector<128x512xi32>
    %select_n3A_244 = arith.select %eq3A_236, %select_n3A_214, %select_n3A_213 : vector<128x512xi1>, vector<128x512xi32>
    %select_n3A_245 = arith.select %eq3A_236, %select_n3A_217, %select_n3A_214 : vector<128x512xi1>, vector<128x512xi32>
    %jit3A_246 = arith.constant 2147483647 : i32
    %broadcast_in_dim3A_247 = vector.broadcast %jit3A_246 : i32 to vector<128x512xi32>
    %select_n3A_248 = arith.select %eq3A_236, %broadcast_in_dim3A_247, %select_n3A_217 : vector<128x512xi1>, vector<128x512xi32>
    %min3A_249 = arith.minsi %select_n3A_237, %select_n3A_243 : vector<128x512xi32>
    %reduce_min3A_250 = arith.constant dense<2147483647> : vector<512xi32>
    %reduce_min3A_251 = vector.multi_reduction <minsi>, %min3A_249, %reduce_min3A_250 [0] : vector<128x512xi32> to vector<512xi32>
    %and3A_252 = arith.constant 2047 : i32
    %and3A_253 = vector.broadcast %and3A_252 : i32 to vector<512xi32>
    %and3A_254 = arith.andi %reduce_min3A_251, %and3A_253 : vector<512xi32>
    %add3A_255 = vector.broadcast %mul3A_32 : i32 to vector<512xi32>
    %add3A_256 = arith.addi %and3A_254, %add3A_255 : vector<512xi32>
    %swap3A_257 = arith.constant 0 : index
    %swap3A_258 = arith.constant 4 : index
    %swap3A_259 = arith.constant 0 : index
    %swap3A_260 = vector.load %arg4[%swap3A_257, %swap3A_258, %swap3A_259] : memref<1x20x512xi32, #tpu.memory_space<vmem>>, vector<1x1x512xi32>
    %swap3A_261 = vector.shape_cast %swap3A_260 : vector<1x1x512xi32> to vector<512xi32>
    %swap3A_262 = vector.shape_cast %add3A_256 : vector<512xi32> to vector<1x1x512xi32>
    tpu.vector_store %arg4[%swap3A_257, %swap3A_258, %swap3A_259], %swap3A_262 {strides = array<i32>} : memref<1x20x512xi32, #tpu.memory_space<vmem>>, vector<1x1x512xi32>,
    %broadcast_in_dim3A_263 = vector.shape_cast %reduce_min3A_251 : vector<512xi32> to vector<1x512xi32>
    %eq3A_264 = vector.broadcast %broadcast_in_dim3A_263 : vector<1x512xi32> to vector<128x512xi32>
    %eq3A_265 = arith.cmpi eq, %select_n3A_237, %eq3A_264 : vector<128x512xi32>
    %eq3A_266 = vector.broadcast %broadcast_in_dim3A_263 : vector<1x512xi32> to vector<128x512xi32>
    %eq3A_267 = arith.cmpi eq, %select_n3A_243, %eq3A_266 : vector<128x512xi32>
    %select_n3A_268 = arith.select %eq3A_265, %select_n3A_238, %select_n3A_237 : vector<128x512xi1>, vector<128x512xi32>
    %select_n3A_269 = arith.select %eq3A_265, %select_n3A_239, %select_n3A_238 : vector<128x512xi1>, vector<128x512xi32>
    %select_n3A_270 = arith.select %eq3A_265, %select_n3A_242, %select_n3A_239 : vector<128x512xi1>, vector<128x512xi32>
    %jit3A_271 = arith.constant 2147483647 : i32
    %broadcast_in_dim3A_272 = vector.broadcast %jit3A_271 : i32 to vector<128x512xi32>
    %select_n3A_273 = arith.select %eq3A_265, %broadcast_in_dim3A_272, %select_n3A_242 : vector<128x512xi1>, vector<128x512xi32>
    %select_n3A_274 = arith.select %eq3A_267, %select_n3A_244, %select_n3A_243 : vector<128x512xi1>, vector<128x512xi32>
    %select_n3A_275 = arith.select %eq3A_267, %select_n3A_245, %select_n3A_244 : vector<128x512xi1>, vector<128x512xi32>
    %select_n3A_276 = arith.select %eq3A_267, %select_n3A_248, %select_n3A_245 : vector<128x512xi1>, vector<128x512xi32>
    %jit3A_277 = arith.constant 2147483647 : i32
    %broadcast_in_dim3A_278 = vector.broadcast %jit3A_277 : i32 to vector<128x512xi32>
    %select_n3A_279 = arith.select %eq3A_267, %broadcast_in_dim3A_278, %select_n3A_248 : vector<128x512xi1>, vector<128x512xi32>
    %min3A_280 = arith.minsi %select_n3A_268, %select_n3A_274 : vector<128x512xi32>
    %reduce_min3A_281 = arith.constant dense<2147483647> : vector<512xi32>
    %reduce_min3A_282 = vector.multi_reduction <minsi>, %min3A_280, %reduce_min3A_281 [0] : vector<128x512xi32> to vector<512xi32>
    %and3A_283 = arith.constant 2047 : i32
    %and3A_284 = vector.broadcast %and3A_283 : i32 to vector<512xi32>
    %and3A_285 = arith.andi %reduce_min3A_282, %and3A_284 : vector<512xi32>
    %add3A_286 = vector.broadcast %mul3A_32 : i32 to vector<512xi32>
    %add3A_287 = arith.addi %and3A_285, %add3A_286 : vector<512xi32>
    %swap3A_288 = arith.constant 0 : index
    %swap3A_289 = arith.constant 5 : index
    %swap3A_290 = arith.constant 0 : index
    %swap3A_291 = vector.load %arg4[%swap3A_288, %swap3A_289, %swap3A_290] : memref<1x20x512xi32, #tpu.memory_space<vmem>>, vector<1x1x512xi32>
    %swap3A_292 = vector.shape_cast %swap3A_291 : vector<1x1x512xi32> to vector<512xi32>
    %swap3A_293 = vector.shape_cast %add3A_287 : vector<512xi32> to vector<1x1x512xi32>
    tpu.vector_store %arg4[%swap3A_288, %swap3A_289, %swap3A_290], %swap3A_293 {strides = array<i32>} : memref<1x20x512xi32, #tpu.memory_space<vmem>>, vector<1x1x512xi32>,
    %broadcast_in_dim3A_294 = vector.shape_cast %reduce_min3A_282 : vector<512xi32> to vector<1x512xi32>
    %eq3A_295 = vector.broadcast %broadcast_in_dim3A_294 : vector<1x512xi32> to vector<128x512xi32>
    %eq3A_296 = arith.cmpi eq, %select_n3A_268, %eq3A_295 : vector<128x512xi32>
    %eq3A_297 = vector.broadcast %broadcast_in_dim3A_294 : vector<1x512xi32> to vector<128x512xi32>
    %eq3A_298 = arith.cmpi eq, %select_n3A_274, %eq3A_297 : vector<128x512xi32>
    %select_n3A_299 = arith.select %eq3A_296, %select_n3A_269, %select_n3A_268 : vector<128x512xi1>, vector<128x512xi32>
    %select_n3A_300 = arith.select %eq3A_296, %select_n3A_270, %select_n3A_269 : vector<128x512xi1>, vector<128x512xi32>
    %select_n3A_301 = arith.select %eq3A_296, %select_n3A_273, %select_n3A_270 : vector<128x512xi1>, vector<128x512xi32>
    %jit3A_302 = arith.constant 2147483647 : i32
    %broadcast_in_dim3A_303 = vector.broadcast %jit3A_302 : i32 to vector<128x512xi32>
    %select_n3A_304 = arith.select %eq3A_296, %broadcast_in_dim3A_303, %select_n3A_273 : vector<128x512xi1>, vector<128x512xi32>
    %select_n3A_305 = arith.select %eq3A_298, %select_n3A_275, %select_n3A_274 : vector<128x512xi1>, vector<128x512xi32>
    %select_n3A_306 = arith.select %eq3A_298, %select_n3A_276, %select_n3A_275 : vector<128x512xi1>, vector<128x512xi32>
    %select_n3A_307 = arith.select %eq3A_298, %select_n3A_279, %select_n3A_276 : vector<128x512xi1>, vector<128x512xi32>
    %jit3A_308 = arith.constant 2147483647 : i32
    %broadcast_in_dim3A_309 = vector.broadcast %jit3A_308 : i32 to vector<128x512xi32>
    %select_n3A_310 = arith.select %eq3A_298, %broadcast_in_dim3A_309, %select_n3A_279 : vector<128x512xi1>, vector<128x512xi32>
    %min3A_311 = arith.minsi %select_n3A_299, %select_n3A_305 : vector<128x512xi32>
    %reduce_min3A_312 = arith.constant dense<2147483647> : vector<512xi32>
    %reduce_min3A_313 = vector.multi_reduction <minsi>, %min3A_311, %reduce_min3A_312 [0] : vector<128x512xi32> to vector<512xi32>
    %and3A_314 = arith.constant 2047 : i32
    %and3A_315 = vector.broadcast %and3A_314 : i32 to vector<512xi32>
    %and3A_316 = arith.andi %reduce_min3A_313, %and3A_315 : vector<512xi32>
    %add3A_317 = vector.broadcast %mul3A_32 : i32 to vector<512xi32>
    %add3A_318 = arith.addi %and3A_316, %add3A_317 : vector<512xi32>
    %swap3A_319 = arith.constant 0 : index
    %swap3A_320 = arith.constant 6 : index
    %swap3A_321 = arith.constant 0 : index
    %swap3A_322 = vector.load %arg4[%swap3A_319, %swap3A_320, %swap3A_321] : memref<1x20x512xi32, #tpu.memory_space<vmem>>, vector<1x1x512xi32>
    %swap3A_323 = vector.shape_cast %swap3A_322 : vector<1x1x512xi32> to vector<512xi32>
    %swap3A_324 = vector.shape_cast %add3A_318 : vector<512xi32> to vector<1x1x512xi32>
    tpu.vector_store %arg4[%swap3A_319, %swap3A_320, %swap3A_321], %swap3A_324 {strides = array<i32>} : memref<1x20x512xi32, #tpu.memory_space<vmem>>, vector<1x1x512xi32>,
    %broadcast_in_dim3A_325 = vector.shape_cast %reduce_min3A_313 : vector<512xi32> to vector<1x512xi32>
    %eq3A_326 = vector.broadcast %broadcast_in_dim3A_325 : vector<1x512xi32> to vector<128x512xi32>
    %eq3A_327 = arith.cmpi eq, %select_n3A_299, %eq3A_326 : vector<128x512xi32>
    %eq3A_328 = vector.broadcast %broadcast_in_dim3A_325 : vector<1x512xi32> to vector<128x512xi32>
    %eq3A_329 = arith.cmpi eq, %select_n3A_305, %eq3A_328 : vector<128x512xi32>
    %select_n3A_330 = arith.select %eq3A_327, %select_n3A_300, %select_n3A_299 : vector<128x512xi1>, vector<128x512xi32>
    %select_n3A_331 = arith.select %eq3A_327, %select_n3A_301, %select_n3A_300 : vector<128x512xi1>, vector<128x512xi32>
    %select_n3A_332 = arith.select %eq3A_327, %select_n3A_304, %select_n3A_301 : vector<128x512xi1>, vector<128x512xi32>
    %jit3A_333 = arith.constant 2147483647 : i32
    %broadcast_in_dim3A_334 = vector.broadcast %jit3A_333 : i32 to vector<128x512xi32>
    %select_n3A_335 = arith.select %eq3A_327, %broadcast_in_dim3A_334, %select_n3A_304 : vector<128x512xi1>, vector<128x512xi32>
    %select_n3A_336 = arith.select %eq3A_329, %select_n3A_306, %select_n3A_305 : vector<128x512xi1>, vector<128x512xi32>
    %select_n3A_337 = arith.select %eq3A_329, %select_n3A_307, %select_n3A_306 : vector<128x512xi1>, vector<128x512xi32>
    %select_n3A_338 = arith.select %eq3A_329, %select_n3A_310, %select_n3A_307 : vector<128x512xi1>, vector<128x512xi32>
    %jit3A_339 = arith.constant 2147483647 : i32
    %broadcast_in_dim3A_340 = vector.broadcast %jit3A_339 : i32 to vector<128x512xi32>
    %select_n3A_341 = arith.select %eq3A_329, %broadcast_in_dim3A_340, %select_n3A_310 : vector<128x512xi1>, vector<128x512xi32>
    %min3A_342 = arith.minsi %select_n3A_330, %select_n3A_336 : vector<128x512xi32>
    %reduce_min3A_343 = arith.constant dense<2147483647> : vector<512xi32>
    %reduce_min3A_344 = vector.multi_reduction <minsi>, %min3A_342, %reduce_min3A_343 [0] : vector<128x512xi32> to vector<512xi32>
    %and3A_345 = arith.constant 2047 : i32
    %and3A_346 = vector.broadcast %and3A_345 : i32 to vector<512xi32>
    %and3A_347 = arith.andi %reduce_min3A_344, %and3A_346 : vector<512xi32>
    %add3A_348 = vector.broadcast %mul3A_32 : i32 to vector<512xi32>
    %add3A_349 = arith.addi %and3A_347, %add3A_348 : vector<512xi32>
    %swap3A_350 = arith.constant 0 : index
    %swap3A_351 = arith.constant 7 : index
    %swap3A_352 = arith.constant 0 : index
    %swap3A_353 = vector.load %arg4[%swap3A_350, %swap3A_351, %swap3A_352] : memref<1x20x512xi32, #tpu.memory_space<vmem>>, vector<1x1x512xi32>
    %swap3A_354 = vector.shape_cast %swap3A_353 : vector<1x1x512xi32> to vector<512xi32>
    %swap3A_355 = vector.shape_cast %add3A_349 : vector<512xi32> to vector<1x1x512xi32>
    tpu.vector_store %arg4[%swap3A_350, %swap3A_351, %swap3A_352], %swap3A_355 {strides = array<i32>} : memref<1x20x512xi32, #tpu.memory_space<vmem>>, vector<1x1x512xi32>,
    %broadcast_in_dim3A_356 = vector.shape_cast %reduce_min3A_344 : vector<512xi32> to vector<1x512xi32>
    %eq3A_357 = vector.broadcast %broadcast_in_dim3A_356 : vector<1x512xi32> to vector<128x512xi32>
    %eq3A_358 = arith.cmpi eq, %select_n3A_330, %eq3A_357 : vector<128x512xi32>
    %eq3A_359 = vector.broadcast %broadcast_in_dim3A_356 : vector<1x512xi32> to vector<128x512xi32>
    %eq3A_360 = arith.cmpi eq, %select_n3A_336, %eq3A_359 : vector<128x512xi32>
    %select_n3A_361 = arith.select %eq3A_358, %select_n3A_331, %select_n3A_330 : vector<128x512xi1>, vector<128x512xi32>
    %select_n3A_362 = arith.select %eq3A_358, %select_n3A_332, %select_n3A_331 : vector<128x512xi1>, vector<128x512xi32>
    %select_n3A_363 = arith.select %eq3A_358, %select_n3A_335, %select_n3A_332 : vector<128x512xi1>, vector<128x512xi32>
    %jit3A_364 = arith.constant 2147483647 : i32
    %broadcast_in_dim3A_365 = vector.broadcast %jit3A_364 : i32 to vector<128x512xi32>
    %select_n3A_366 = arith.select %eq3A_358, %broadcast_in_dim3A_365, %select_n3A_335 : vector<128x512xi1>, vector<128x512xi32>
    %select_n3A_367 = arith.select %eq3A_360, %select_n3A_337, %select_n3A_336 : vector<128x512xi1>, vector<128x512xi32>
    %select_n3A_368 = arith.select %eq3A_360, %select_n3A_338, %select_n3A_337 : vector<128x512xi1>, vector<128x512xi32>
    %select_n3A_369 = arith.select %eq3A_360, %select_n3A_341, %select_n3A_338 : vector<128x512xi1>, vector<128x512xi32>
    %jit3A_370 = arith.constant 2147483647 : i32
    %broadcast_in_dim3A_371 = vector.broadcast %jit3A_370 : i32 to vector<128x512xi32>
    %select_n3A_372 = arith.select %eq3A_360, %broadcast_in_dim3A_371, %select_n3A_341 : vector<128x512xi1>, vector<128x512xi32>
    %min3A_373 = arith.minsi %select_n3A_361, %select_n3A_367 : vector<128x512xi32>
    %reduce_min3A_374 = arith.constant dense<2147483647> : vector<512xi32>
    %reduce_min3A_375 = vector.multi_reduction <minsi>, %min3A_373, %reduce_min3A_374 [0] : vector<128x512xi32> to vector<512xi32>
    %and3A_376 = arith.constant 2047 : i32
    %and3A_377 = vector.broadcast %and3A_376 : i32 to vector<512xi32>
    %and3A_378 = arith.andi %reduce_min3A_375, %and3A_377 : vector<512xi32>
    %add3A_379 = vector.broadcast %mul3A_32 : i32 to vector<512xi32>
    %add3A_380 = arith.addi %and3A_378, %add3A_379 : vector<512xi32>
    %swap3A_381 = arith.constant 0 : index
    %swap3A_382 = arith.constant 8 : index
    %swap3A_383 = arith.constant 0 : index
    %swap3A_384 = vector.load %arg4[%swap3A_381, %swap3A_382, %swap3A_383] : memref<1x20x512xi32, #tpu.memory_space<vmem>>, vector<1x1x512xi32>
    %swap3A_385 = vector.shape_cast %swap3A_384 : vector<1x1x512xi32> to vector<512xi32>
    %swap3A_386 = vector.shape_cast %add3A_380 : vector<512xi32> to vector<1x1x512xi32>
    tpu.vector_store %arg4[%swap3A_381, %swap3A_382, %swap3A_383], %swap3A_386 {strides = array<i32>} : memref<1x20x512xi32, #tpu.memory_space<vmem>>, vector<1x1x512xi32>,
    %broadcast_in_dim3A_387 = vector.shape_cast %reduce_min3A_375 : vector<512xi32> to vector<1x512xi32>
    %eq3A_388 = vector.broadcast %broadcast_in_dim3A_387 : vector<1x512xi32> to vector<128x512xi32>
    %eq3A_389 = arith.cmpi eq, %select_n3A_361, %eq3A_388 : vector<128x512xi32>
    %eq3A_390 = vector.broadcast %broadcast_in_dim3A_387 : vector<1x512xi32> to vector<128x512xi32>
    %eq3A_391 = arith.cmpi eq, %select_n3A_367, %eq3A_390 : vector<128x512xi32>
    %select_n3A_392 = arith.select %eq3A_389, %select_n3A_362, %select_n3A_361 : vector<128x512xi1>, vector<128x512xi32>
    %select_n3A_393 = arith.select %eq3A_389, %select_n3A_363, %select_n3A_362 : vector<128x512xi1>, vector<128x512xi32>
    %select_n3A_394 = arith.select %eq3A_389, %select_n3A_366, %select_n3A_363 : vector<128x512xi1>, vector<128x512xi32>
    %jit3A_395 = arith.constant 2147483647 : i32
    %broadcast_in_dim3A_396 = vector.broadcast %jit3A_395 : i32 to vector<128x512xi32>
    %select_n3A_397 = arith.select %eq3A_389, %broadcast_in_dim3A_396, %select_n3A_366 : vector<128x512xi1>, vector<128x512xi32>
    %select_n3A_398 = arith.select %eq3A_391, %select_n3A_368, %select_n3A_367 : vector<128x512xi1>, vector<128x512xi32>
    %select_n3A_399 = arith.select %eq3A_391, %select_n3A_369, %select_n3A_368 : vector<128x512xi1>, vector<128x512xi32>
    %select_n3A_400 = arith.select %eq3A_391, %select_n3A_372, %select_n3A_369 : vector<128x512xi1>, vector<128x512xi32>
    %jit3A_401 = arith.constant 2147483647 : i32
    %broadcast_in_dim3A_402 = vector.broadcast %jit3A_401 : i32 to vector<128x512xi32>
    %select_n3A_403 = arith.select %eq3A_391, %broadcast_in_dim3A_402, %select_n3A_372 : vector<128x512xi1>, vector<128x512xi32>
    %min3A_404 = arith.minsi %select_n3A_392, %select_n3A_398 : vector<128x512xi32>
    %reduce_min3A_405 = arith.constant dense<2147483647> : vector<512xi32>
    %reduce_min3A_406 = vector.multi_reduction <minsi>, %min3A_404, %reduce_min3A_405 [0] : vector<128x512xi32> to vector<512xi32>
    %and3A_407 = arith.constant 2047 : i32
    %and3A_408 = vector.broadcast %and3A_407 : i32 to vector<512xi32>
    %and3A_409 = arith.andi %reduce_min3A_406, %and3A_408 : vector<512xi32>
    %add3A_410 = vector.broadcast %mul3A_32 : i32 to vector<512xi32>
    %add3A_411 = arith.addi %and3A_409, %add3A_410 : vector<512xi32>
    %swap3A_412 = arith.constant 0 : index
    %swap3A_413 = arith.constant 9 : index
    %swap3A_414 = arith.constant 0 : index
    %swap3A_415 = vector.load %arg4[%swap3A_412, %swap3A_413, %swap3A_414] : memref<1x20x512xi32, #tpu.memory_space<vmem>>, vector<1x1x512xi32>
    %swap3A_416 = vector.shape_cast %swap3A_415 : vector<1x1x512xi32> to vector<512xi32>
    %swap3A_417 = vector.shape_cast %add3A_411 : vector<512xi32> to vector<1x1x512xi32>
    tpu.vector_store %arg4[%swap3A_412, %swap3A_413, %swap3A_414], %swap3A_417 {strides = array<i32>} : memref<1x20x512xi32, #tpu.memory_space<vmem>>, vector<1x1x512xi32>,
    %broadcast_in_dim3A_418 = vector.shape_cast %reduce_min3A_406 : vector<512xi32> to vector<1x512xi32>
    %eq3A_419 = vector.broadcast %broadcast_in_dim3A_418 : vector<1x512xi32> to vector<128x512xi32>
    %eq3A_420 = arith.cmpi eq, %select_n3A_392, %eq3A_419 : vector<128x512xi32>
    %eq3A_421 = vector.broadcast %broadcast_in_dim3A_418 : vector<1x512xi32> to vector<128x512xi32>
    %eq3A_422 = arith.cmpi eq, %select_n3A_398, %eq3A_421 : vector<128x512xi32>
    %select_n3A_423 = arith.select %eq3A_420, %select_n3A_393, %select_n3A_392 : vector<128x512xi1>, vector<128x512xi32>
    %select_n3A_424 = arith.select %eq3A_420, %select_n3A_394, %select_n3A_393 : vector<128x512xi1>, vector<128x512xi32>
    %select_n3A_425 = arith.select %eq3A_420, %select_n3A_397, %select_n3A_394 : vector<128x512xi1>, vector<128x512xi32>
    %jit3A_426 = arith.constant 2147483647 : i32
    %broadcast_in_dim3A_427 = vector.broadcast %jit3A_426 : i32 to vector<128x512xi32>
    %select_n3A_428 = arith.select %eq3A_420, %broadcast_in_dim3A_427, %select_n3A_397 : vector<128x512xi1>, vector<128x512xi32>
    %select_n3A_429 = arith.select %eq3A_422, %select_n3A_399, %select_n3A_398 : vector<128x512xi1>, vector<128x512xi32>
    %select_n3A_430 = arith.select %eq3A_422, %select_n3A_400, %select_n3A_399 : vector<128x512xi1>, vector<128x512xi32>
    %select_n3A_431 = arith.select %eq3A_422, %select_n3A_403, %select_n3A_400 : vector<128x512xi1>, vector<128x512xi32>
    %jit3A_432 = arith.constant 2147483647 : i32
    %broadcast_in_dim3A_433 = vector.broadcast %jit3A_432 : i32 to vector<128x512xi32>
    %select_n3A_434 = arith.select %eq3A_422, %broadcast_in_dim3A_433, %select_n3A_403 : vector<128x512xi1>, vector<128x512xi32>
    %min3A_435 = arith.minsi %select_n3A_423, %select_n3A_429 : vector<128x512xi32>
    %reduce_min3A_436 = arith.constant dense<2147483647> : vector<512xi32>
    %reduce_min3A_437 = vector.multi_reduction <minsi>, %min3A_435, %reduce_min3A_436 [0] : vector<128x512xi32> to vector<512xi32>
    %and3A_438 = arith.constant 2047 : i32
    %and3A_439 = vector.broadcast %and3A_438 : i32 to vector<512xi32>
    %and3A_440 = arith.andi %reduce_min3A_437, %and3A_439 : vector<512xi32>
    %add3A_441 = vector.broadcast %mul3A_32 : i32 to vector<512xi32>
    %add3A_442 = arith.addi %and3A_440, %add3A_441 : vector<512xi32>
    %swap3A_443 = arith.constant 0 : index
    %swap3A_444 = arith.constant 10 : index
    %swap3A_445 = arith.constant 0 : index
    %swap3A_446 = vector.load %arg4[%swap3A_443, %swap3A_444, %swap3A_445] : memref<1x20x512xi32, #tpu.memory_space<vmem>>, vector<1x1x512xi32>
    %swap3A_447 = vector.shape_cast %swap3A_446 : vector<1x1x512xi32> to vector<512xi32>
    %swap3A_448 = vector.shape_cast %add3A_442 : vector<512xi32> to vector<1x1x512xi32>
    tpu.vector_store %arg4[%swap3A_443, %swap3A_444, %swap3A_445], %swap3A_448 {strides = array<i32>} : memref<1x20x512xi32, #tpu.memory_space<vmem>>, vector<1x1x512xi32>,
    %broadcast_in_dim3A_449 = vector.shape_cast %reduce_min3A_437 : vector<512xi32> to vector<1x512xi32>
    %eq3A_450 = vector.broadcast %broadcast_in_dim3A_449 : vector<1x512xi32> to vector<128x512xi32>
    %eq3A_451 = arith.cmpi eq, %select_n3A_423, %eq3A_450 : vector<128x512xi32>
    %eq3A_452 = vector.broadcast %broadcast_in_dim3A_449 : vector<1x512xi32> to vector<128x512xi32>
    %eq3A_453 = arith.cmpi eq, %select_n3A_429, %eq3A_452 : vector<128x512xi32>
    %select_n3A_454 = arith.select %eq3A_451, %select_n3A_424, %select_n3A_423 : vector<128x512xi1>, vector<128x512xi32>
    %select_n3A_455 = arith.select %eq3A_451, %select_n3A_425, %select_n3A_424 : vector<128x512xi1>, vector<128x512xi32>
    %select_n3A_456 = arith.select %eq3A_451, %select_n3A_428, %select_n3A_425 : vector<128x512xi1>, vector<128x512xi32>
    %jit3A_457 = arith.constant 2147483647 : i32
    %broadcast_in_dim3A_458 = vector.broadcast %jit3A_457 : i32 to vector<128x512xi32>
    %select_n3A_459 = arith.select %eq3A_451, %broadcast_in_dim3A_458, %select_n3A_428 : vector<128x512xi1>, vector<128x512xi32>
    %select_n3A_460 = arith.select %eq3A_453, %select_n3A_430, %select_n3A_429 : vector<128x512xi1>, vector<128x512xi32>
    %select_n3A_461 = arith.select %eq3A_453, %select_n3A_431, %select_n3A_430 : vector<128x512xi1>, vector<128x512xi32>
    %select_n3A_462 = arith.select %eq3A_453, %select_n3A_434, %select_n3A_431 : vector<128x512xi1>, vector<128x512xi32>
    %jit3A_463 = arith.constant 2147483647 : i32
    %broadcast_in_dim3A_464 = vector.broadcast %jit3A_463 : i32 to vector<128x512xi32>
    %select_n3A_465 = arith.select %eq3A_453, %broadcast_in_dim3A_464, %select_n3A_434 : vector<128x512xi1>, vector<128x512xi32>
    %min3A_466 = arith.minsi %select_n3A_454, %select_n3A_460 : vector<128x512xi32>
    %reduce_min3A_467 = arith.constant dense<2147483647> : vector<512xi32>
    %reduce_min3A_468 = vector.multi_reduction <minsi>, %min3A_466, %reduce_min3A_467 [0] : vector<128x512xi32> to vector<512xi32>
    %and3A_469 = arith.constant 2047 : i32
    %and3A_470 = vector.broadcast %and3A_469 : i32 to vector<512xi32>
    %and3A_471 = arith.andi %reduce_min3A_468, %and3A_470 : vector<512xi32>
    %add3A_472 = vector.broadcast %mul3A_32 : i32 to vector<512xi32>
    %add3A_473 = arith.addi %and3A_471, %add3A_472 : vector<512xi32>
    %swap3A_474 = arith.constant 0 : index
    %swap3A_475 = arith.constant 11 : index
    %swap3A_476 = arith.constant 0 : index
    %swap3A_477 = vector.load %arg4[%swap3A_474, %swap3A_475, %swap3A_476] : memref<1x20x512xi32, #tpu.memory_space<vmem>>, vector<1x1x512xi32>
    %swap3A_478 = vector.shape_cast %swap3A_477 : vector<1x1x512xi32> to vector<512xi32>
    %swap3A_479 = vector.shape_cast %add3A_473 : vector<512xi32> to vector<1x1x512xi32>
    tpu.vector_store %arg4[%swap3A_474, %swap3A_475, %swap3A_476], %swap3A_479 {strides = array<i32>} : memref<1x20x512xi32, #tpu.memory_space<vmem>>, vector<1x1x512xi32>,
    %broadcast_in_dim3A_480 = vector.shape_cast %reduce_min3A_468 : vector<512xi32> to vector<1x512xi32>
    %eq3A_481 = vector.broadcast %broadcast_in_dim3A_480 : vector<1x512xi32> to vector<128x512xi32>
    %eq3A_482 = arith.cmpi eq, %select_n3A_454, %eq3A_481 : vector<128x512xi32>
    %eq3A_483 = vector.broadcast %broadcast_in_dim3A_480 : vector<1x512xi32> to vector<128x512xi32>
    %eq3A_484 = arith.cmpi eq, %select_n3A_460, %eq3A_483 : vector<128x512xi32>
    %select_n3A_485 = arith.select %eq3A_482, %select_n3A_455, %select_n3A_454 : vector<128x512xi1>, vector<128x512xi32>
    %select_n3A_486 = arith.select %eq3A_482, %select_n3A_456, %select_n3A_455 : vector<128x512xi1>, vector<128x512xi32>
    %select_n3A_487 = arith.select %eq3A_482, %select_n3A_459, %select_n3A_456 : vector<128x512xi1>, vector<128x512xi32>
    %jit3A_488 = arith.constant 2147483647 : i32
    %broadcast_in_dim3A_489 = vector.broadcast %jit3A_488 : i32 to vector<128x512xi32>
    %select_n3A_490 = arith.select %eq3A_482, %broadcast_in_dim3A_489, %select_n3A_459 : vector<128x512xi1>, vector<128x512xi32>
    %select_n3A_491 = arith.select %eq3A_484, %select_n3A_461, %select_n3A_460 : vector<128x512xi1>, vector<128x512xi32>
    %select_n3A_492 = arith.select %eq3A_484, %select_n3A_462, %select_n3A_461 : vector<128x512xi1>, vector<128x512xi32>
    %select_n3A_493 = arith.select %eq3A_484, %select_n3A_465, %select_n3A_462 : vector<128x512xi1>, vector<128x512xi32>
    %jit3A_494 = arith.constant 2147483647 : i32
    %broadcast_in_dim3A_495 = vector.broadcast %jit3A_494 : i32 to vector<128x512xi32>
    %select_n3A_496 = arith.select %eq3A_484, %broadcast_in_dim3A_495, %select_n3A_465 : vector<128x512xi1>, vector<128x512xi32>
    %min3A_497 = arith.minsi %select_n3A_485, %select_n3A_491 : vector<128x512xi32>
    %reduce_min3A_498 = arith.constant dense<2147483647> : vector<512xi32>
    %reduce_min3A_499 = vector.multi_reduction <minsi>, %min3A_497, %reduce_min3A_498 [0] : vector<128x512xi32> to vector<512xi32>
    %and3A_500 = arith.constant 2047 : i32
    %and3A_501 = vector.broadcast %and3A_500 : i32 to vector<512xi32>
    %and3A_502 = arith.andi %reduce_min3A_499, %and3A_501 : vector<512xi32>
    %add3A_503 = vector.broadcast %mul3A_32 : i32 to vector<512xi32>
    %add3A_504 = arith.addi %and3A_502, %add3A_503 : vector<512xi32>
    %swap3A_505 = arith.constant 0 : index
    %swap3A_506 = arith.constant 12 : index
    %swap3A_507 = arith.constant 0 : index
    %swap3A_508 = vector.load %arg4[%swap3A_505, %swap3A_506, %swap3A_507] : memref<1x20x512xi32, #tpu.memory_space<vmem>>, vector<1x1x512xi32>
    %swap3A_509 = vector.shape_cast %swap3A_508 : vector<1x1x512xi32> to vector<512xi32>
    %swap3A_510 = vector.shape_cast %add3A_504 : vector<512xi32> to vector<1x1x512xi32>
    tpu.vector_store %arg4[%swap3A_505, %swap3A_506, %swap3A_507], %swap3A_510 {strides = array<i32>} : memref<1x20x512xi32, #tpu.memory_space<vmem>>, vector<1x1x512xi32>,
    %broadcast_in_dim3A_511 = vector.shape_cast %reduce_min3A_499 : vector<512xi32> to vector<1x512xi32>
    %eq3A_512 = vector.broadcast %broadcast_in_dim3A_511 : vector<1x512xi32> to vector<128x512xi32>
    %eq3A_513 = arith.cmpi eq, %select_n3A_485, %eq3A_512 : vector<128x512xi32>
    %eq3A_514 = vector.broadcast %broadcast_in_dim3A_511 : vector<1x512xi32> to vector<128x512xi32>
    %eq3A_515 = arith.cmpi eq, %select_n3A_491, %eq3A_514 : vector<128x512xi32>
    %select_n3A_516 = arith.select %eq3A_513, %select_n3A_486, %select_n3A_485 : vector<128x512xi1>, vector<128x512xi32>
    %select_n3A_517 = arith.select %eq3A_513, %select_n3A_487, %select_n3A_486 : vector<128x512xi1>, vector<128x512xi32>
    %select_n3A_518 = arith.select %eq3A_513, %select_n3A_490, %select_n3A_487 : vector<128x512xi1>, vector<128x512xi32>
    %jit3A_519 = arith.constant 2147483647 : i32
    %broadcast_in_dim3A_520 = vector.broadcast %jit3A_519 : i32 to vector<128x512xi32>
    %select_n3A_521 = arith.select %eq3A_513, %broadcast_in_dim3A_520, %select_n3A_490 : vector<128x512xi1>, vector<128x512xi32>
    %select_n3A_522 = arith.select %eq3A_515, %select_n3A_492, %select_n3A_491 : vector<128x512xi1>, vector<128x512xi32>
    %select_n3A_523 = arith.select %eq3A_515, %select_n3A_493, %select_n3A_492 : vector<128x512xi1>, vector<128x512xi32>
    %select_n3A_524 = arith.select %eq3A_515, %select_n3A_496, %select_n3A_493 : vector<128x512xi1>, vector<128x512xi32>
    %jit3A_525 = arith.constant 2147483647 : i32
    %broadcast_in_dim3A_526 = vector.broadcast %jit3A_525 : i32 to vector<128x512xi32>
    %select_n3A_527 = arith.select %eq3A_515, %broadcast_in_dim3A_526, %select_n3A_496 : vector<128x512xi1>, vector<128x512xi32>
    %min3A_528 = arith.minsi %select_n3A_516, %select_n3A_522 : vector<128x512xi32>
    %reduce_min3A_529 = arith.constant dense<2147483647> : vector<512xi32>
    %reduce_min3A_530 = vector.multi_reduction <minsi>, %min3A_528, %reduce_min3A_529 [0] : vector<128x512xi32> to vector<512xi32>
    %and3A_531 = arith.constant 2047 : i32
    %and3A_532 = vector.broadcast %and3A_531 : i32 to vector<512xi32>
    %and3A_533 = arith.andi %reduce_min3A_530, %and3A_532 : vector<512xi32>
    %add3A_534 = vector.broadcast %mul3A_32 : i32 to vector<512xi32>
    %add3A_535 = arith.addi %and3A_533, %add3A_534 : vector<512xi32>
    %swap3A_536 = arith.constant 0 : index
    %swap3A_537 = arith.constant 13 : index
    %swap3A_538 = arith.constant 0 : index
    %swap3A_539 = vector.load %arg4[%swap3A_536, %swap3A_537, %swap3A_538] : memref<1x20x512xi32, #tpu.memory_space<vmem>>, vector<1x1x512xi32>
    %swap3A_540 = vector.shape_cast %swap3A_539 : vector<1x1x512xi32> to vector<512xi32>
    %swap3A_541 = vector.shape_cast %add3A_535 : vector<512xi32> to vector<1x1x512xi32>
    tpu.vector_store %arg4[%swap3A_536, %swap3A_537, %swap3A_538], %swap3A_541 {strides = array<i32>} : memref<1x20x512xi32, #tpu.memory_space<vmem>>, vector<1x1x512xi32>,
    %broadcast_in_dim3A_542 = vector.shape_cast %reduce_min3A_530 : vector<512xi32> to vector<1x512xi32>
    %eq3A_543 = vector.broadcast %broadcast_in_dim3A_542 : vector<1x512xi32> to vector<128x512xi32>
    %eq3A_544 = arith.cmpi eq, %select_n3A_516, %eq3A_543 : vector<128x512xi32>
    %eq3A_545 = vector.broadcast %broadcast_in_dim3A_542 : vector<1x512xi32> to vector<128x512xi32>
    %eq3A_546 = arith.cmpi eq, %select_n3A_522, %eq3A_545 : vector<128x512xi32>
    %select_n3A_547 = arith.select %eq3A_544, %select_n3A_517, %select_n3A_516 : vector<128x512xi1>, vector<128x512xi32>
    %select_n3A_548 = arith.select %eq3A_544, %select_n3A_518, %select_n3A_517 : vector<128x512xi1>, vector<128x512xi32>
    %select_n3A_549 = arith.select %eq3A_544, %select_n3A_521, %select_n3A_518 : vector<128x512xi1>, vector<128x512xi32>
    %jit3A_550 = arith.constant 2147483647 : i32
    %broadcast_in_dim3A_551 = vector.broadcast %jit3A_550 : i32 to vector<128x512xi32>
    %select_n3A_552 = arith.select %eq3A_544, %broadcast_in_dim3A_551, %select_n3A_521 : vector<128x512xi1>, vector<128x512xi32>
    %select_n3A_553 = arith.select %eq3A_546, %select_n3A_523, %select_n3A_522 : vector<128x512xi1>, vector<128x512xi32>
    %select_n3A_554 = arith.select %eq3A_546, %select_n3A_524, %select_n3A_523 : vector<128x512xi1>, vector<128x512xi32>
    %select_n3A_555 = arith.select %eq3A_546, %select_n3A_527, %select_n3A_524 : vector<128x512xi1>, vector<128x512xi32>
    %jit3A_556 = arith.constant 2147483647 : i32
    %broadcast_in_dim3A_557 = vector.broadcast %jit3A_556 : i32 to vector<128x512xi32>
    %select_n3A_558 = arith.select %eq3A_546, %broadcast_in_dim3A_557, %select_n3A_527 : vector<128x512xi1>, vector<128x512xi32>
    %min3A_559 = arith.minsi %select_n3A_547, %select_n3A_553 : vector<128x512xi32>
    %reduce_min3A_560 = arith.constant dense<2147483647> : vector<512xi32>
    %reduce_min3A_561 = vector.multi_reduction <minsi>, %min3A_559, %reduce_min3A_560 [0] : vector<128x512xi32> to vector<512xi32>
    %and3A_562 = arith.constant 2047 : i32
    %and3A_563 = vector.broadcast %and3A_562 : i32 to vector<512xi32>
    %and3A_564 = arith.andi %reduce_min3A_561, %and3A_563 : vector<512xi32>
    %add3A_565 = vector.broadcast %mul3A_32 : i32 to vector<512xi32>
    %add3A_566 = arith.addi %and3A_564, %add3A_565 : vector<512xi32>
    %swap3A_567 = arith.constant 0 : index
    %swap3A_568 = arith.constant 14 : index
    %swap3A_569 = arith.constant 0 : index
    %swap3A_570 = vector.load %arg4[%swap3A_567, %swap3A_568, %swap3A_569] : memref<1x20x512xi32, #tpu.memory_space<vmem>>, vector<1x1x512xi32>
    %swap3A_571 = vector.shape_cast %swap3A_570 : vector<1x1x512xi32> to vector<512xi32>
    %swap3A_572 = vector.shape_cast %add3A_566 : vector<512xi32> to vector<1x1x512xi32>
    tpu.vector_store %arg4[%swap3A_567, %swap3A_568, %swap3A_569], %swap3A_572 {strides = array<i32>} : memref<1x20x512xi32, #tpu.memory_space<vmem>>, vector<1x1x512xi32>,
    %broadcast_in_dim3A_573 = vector.shape_cast %reduce_min3A_561 : vector<512xi32> to vector<1x512xi32>
    %eq3A_574 = vector.broadcast %broadcast_in_dim3A_573 : vector<1x512xi32> to vector<128x512xi32>
    %eq3A_575 = arith.cmpi eq, %select_n3A_547, %eq3A_574 : vector<128x512xi32>
    %eq3A_576 = vector.broadcast %broadcast_in_dim3A_573 : vector<1x512xi32> to vector<128x512xi32>
    %eq3A_577 = arith.cmpi eq, %select_n3A_553, %eq3A_576 : vector<128x512xi32>
    %select_n3A_578 = arith.select %eq3A_575, %select_n3A_548, %select_n3A_547 : vector<128x512xi1>, vector<128x512xi32>
    %select_n3A_579 = arith.select %eq3A_575, %select_n3A_549, %select_n3A_548 : vector<128x512xi1>, vector<128x512xi32>
    %select_n3A_580 = arith.select %eq3A_575, %select_n3A_552, %select_n3A_549 : vector<128x512xi1>, vector<128x512xi32>
    %jit3A_581 = arith.constant 2147483647 : i32
    %broadcast_in_dim3A_582 = vector.broadcast %jit3A_581 : i32 to vector<128x512xi32>
    %select_n3A_583 = arith.select %eq3A_575, %broadcast_in_dim3A_582, %select_n3A_552 : vector<128x512xi1>, vector<128x512xi32>
    %select_n3A_584 = arith.select %eq3A_577, %select_n3A_554, %select_n3A_553 : vector<128x512xi1>, vector<128x512xi32>
    %select_n3A_585 = arith.select %eq3A_577, %select_n3A_555, %select_n3A_554 : vector<128x512xi1>, vector<128x512xi32>
    %select_n3A_586 = arith.select %eq3A_577, %select_n3A_558, %select_n3A_555 : vector<128x512xi1>, vector<128x512xi32>
    %jit3A_587 = arith.constant 2147483647 : i32
    %broadcast_in_dim3A_588 = vector.broadcast %jit3A_587 : i32 to vector<128x512xi32>
    %select_n3A_589 = arith.select %eq3A_577, %broadcast_in_dim3A_588, %select_n3A_558 : vector<128x512xi1>, vector<128x512xi32>
    %min3A_590 = arith.minsi %select_n3A_578, %select_n3A_584 : vector<128x512xi32>
    %reduce_min3A_591 = arith.constant dense<2147483647> : vector<512xi32>
    %reduce_min3A_592 = vector.multi_reduction <minsi>, %min3A_590, %reduce_min3A_591 [0] : vector<128x512xi32> to vector<512xi32>
    %and3A_593 = arith.constant 2047 : i32
    %and3A_594 = vector.broadcast %and3A_593 : i32 to vector<512xi32>
    %and3A_595 = arith.andi %reduce_min3A_592, %and3A_594 : vector<512xi32>
    %add3A_596 = vector.broadcast %mul3A_32 : i32 to vector<512xi32>
    %add3A_597 = arith.addi %and3A_595, %add3A_596 : vector<512xi32>
    %swap3A_598 = arith.constant 0 : index
    %swap3A_599 = arith.constant 15 : index
    %swap3A_600 = arith.constant 0 : index
    %swap3A_601 = vector.load %arg4[%swap3A_598, %swap3A_599, %swap3A_600] : memref<1x20x512xi32, #tpu.memory_space<vmem>>, vector<1x1x512xi32>
    %swap3A_602 = vector.shape_cast %swap3A_601 : vector<1x1x512xi32> to vector<512xi32>
    %swap3A_603 = vector.shape_cast %add3A_597 : vector<512xi32> to vector<1x1x512xi32>
    tpu.vector_store %arg4[%swap3A_598, %swap3A_599, %swap3A_600], %swap3A_603 {strides = array<i32>} : memref<1x20x512xi32, #tpu.memory_space<vmem>>, vector<1x1x512xi32>,
    %broadcast_in_dim3A_604 = vector.shape_cast %reduce_min3A_592 : vector<512xi32> to vector<1x512xi32>
    %eq3A_605 = vector.broadcast %broadcast_in_dim3A_604 : vector<1x512xi32> to vector<128x512xi32>
    %eq3A_606 = arith.cmpi eq, %select_n3A_578, %eq3A_605 : vector<128x512xi32>
    %eq3A_607 = vector.broadcast %broadcast_in_dim3A_604 : vector<1x512xi32> to vector<128x512xi32>
    %eq3A_608 = arith.cmpi eq, %select_n3A_584, %eq3A_607 : vector<128x512xi32>
    %select_n3A_609 = arith.select %eq3A_606, %select_n3A_579, %select_n3A_578 : vector<128x512xi1>, vector<128x512xi32>
    %select_n3A_610 = arith.select %eq3A_606, %select_n3A_580, %select_n3A_579 : vector<128x512xi1>, vector<128x512xi32>
    %select_n3A_611 = arith.select %eq3A_606, %select_n3A_583, %select_n3A_580 : vector<128x512xi1>, vector<128x512xi32>
    %jit3A_612 = arith.constant 2147483647 : i32
    %broadcast_in_dim3A_613 = vector.broadcast %jit3A_612 : i32 to vector<128x512xi32>
    %select_n3A_614 = arith.select %eq3A_606, %broadcast_in_dim3A_613, %select_n3A_583 : vector<128x512xi1>, vector<128x512xi32>
    %select_n3A_615 = arith.select %eq3A_608, %select_n3A_585, %select_n3A_584 : vector<128x512xi1>, vector<128x512xi32>
    %select_n3A_616 = arith.select %eq3A_608, %select_n3A_586, %select_n3A_585 : vector<128x512xi1>, vector<128x512xi32>
    %select_n3A_617 = arith.select %eq3A_608, %select_n3A_589, %select_n3A_586 : vector<128x512xi1>, vector<128x512xi32>
    %jit3A_618 = arith.constant 2147483647 : i32
    %broadcast_in_dim3A_619 = vector.broadcast %jit3A_618 : i32 to vector<128x512xi32>
    %select_n3A_620 = arith.select %eq3A_608, %broadcast_in_dim3A_619, %select_n3A_589 : vector<128x512xi1>, vector<128x512xi32>
    %min3A_621 = arith.minsi %select_n3A_609, %select_n3A_615 : vector<128x512xi32>
    %reduce_min3A_622 = arith.constant dense<2147483647> : vector<512xi32>
    %reduce_min3A_623 = vector.multi_reduction <minsi>, %min3A_621, %reduce_min3A_622 [0] : vector<128x512xi32> to vector<512xi32>
    %and3A_624 = arith.constant 2047 : i32
    %and3A_625 = vector.broadcast %and3A_624 : i32 to vector<512xi32>
    %and3A_626 = arith.andi %reduce_min3A_623, %and3A_625 : vector<512xi32>
    %add3A_627 = vector.broadcast %mul3A_32 : i32 to vector<512xi32>
    %add3A_628 = arith.addi %and3A_626, %add3A_627 : vector<512xi32>
    %swap3A_629 = arith.constant 0 : index
    %swap3A_630 = arith.constant 16 : index
    %swap3A_631 = arith.constant 0 : index
    %swap3A_632 = vector.load %arg4[%swap3A_629, %swap3A_630, %swap3A_631] : memref<1x20x512xi32, #tpu.memory_space<vmem>>, vector<1x1x512xi32>
    %swap3A_633 = vector.shape_cast %swap3A_632 : vector<1x1x512xi32> to vector<512xi32>
    %swap3A_634 = vector.shape_cast %add3A_628 : vector<512xi32> to vector<1x1x512xi32>
    tpu.vector_store %arg4[%swap3A_629, %swap3A_630, %swap3A_631], %swap3A_634 {strides = array<i32>} : memref<1x20x512xi32, #tpu.memory_space<vmem>>, vector<1x1x512xi32>,
    %broadcast_in_dim3A_635 = vector.shape_cast %reduce_min3A_623 : vector<512xi32> to vector<1x512xi32>
    %eq3A_636 = vector.broadcast %broadcast_in_dim3A_635 : vector<1x512xi32> to vector<128x512xi32>
    %eq3A_637 = arith.cmpi eq, %select_n3A_609, %eq3A_636 : vector<128x512xi32>
    %eq3A_638 = vector.broadcast %broadcast_in_dim3A_635 : vector<1x512xi32> to vector<128x512xi32>
    %eq3A_639 = arith.cmpi eq, %select_n3A_615, %eq3A_638 : vector<128x512xi32>
    %select_n3A_640 = arith.select %eq3A_637, %select_n3A_610, %select_n3A_609 : vector<128x512xi1>, vector<128x512xi32>
    %select_n3A_641 = arith.select %eq3A_637, %select_n3A_611, %select_n3A_610 : vector<128x512xi1>, vector<128x512xi32>
    %select_n3A_642 = arith.select %eq3A_637, %select_n3A_614, %select_n3A_611 : vector<128x512xi1>, vector<128x512xi32>
    %select_n3A_643 = arith.select %eq3A_639, %select_n3A_616, %select_n3A_615 : vector<128x512xi1>, vector<128x512xi32>
    %select_n3A_644 = arith.select %eq3A_639, %select_n3A_617, %select_n3A_616 : vector<128x512xi1>, vector<128x512xi32>
    %select_n3A_645 = arith.select %eq3A_639, %select_n3A_620, %select_n3A_617 : vector<128x512xi1>, vector<128x512xi32>
    %min3A_646 = arith.minsi %select_n3A_640, %select_n3A_643 : vector<128x512xi32>
    %reduce_min3A_647 = arith.constant dense<2147483647> : vector<512xi32>
    %reduce_min3A_648 = vector.multi_reduction <minsi>, %min3A_646, %reduce_min3A_647 [0] : vector<128x512xi32> to vector<512xi32>
    %and3A_649 = arith.constant 2047 : i32
    %and3A_650 = vector.broadcast %and3A_649 : i32 to vector<512xi32>
    %and3A_651 = arith.andi %reduce_min3A_648, %and3A_650 : vector<512xi32>
    %add3A_652 = vector.broadcast %mul3A_32 : i32 to vector<512xi32>
    %add3A_653 = arith.addi %and3A_651, %add3A_652 : vector<512xi32>
    %swap3A_654 = arith.constant 0 : index
    %swap3A_655 = arith.constant 17 : index
    %swap3A_656 = arith.constant 0 : index
    %swap3A_657 = vector.load %arg4[%swap3A_654, %swap3A_655, %swap3A_656] : memref<1x20x512xi32, #tpu.memory_space<vmem>>, vector<1x1x512xi32>
    %swap3A_658 = vector.shape_cast %swap3A_657 : vector<1x1x512xi32> to vector<512xi32>
    %swap3A_659 = vector.shape_cast %add3A_653 : vector<512xi32> to vector<1x1x512xi32>
    tpu.vector_store %arg4[%swap3A_654, %swap3A_655, %swap3A_656], %swap3A_659 {strides = array<i32>} : memref<1x20x512xi32, #tpu.memory_space<vmem>>, vector<1x1x512xi32>,
    %broadcast_in_dim3A_660 = vector.shape_cast %reduce_min3A_648 : vector<512xi32> to vector<1x512xi32>
    %eq3A_661 = vector.broadcast %broadcast_in_dim3A_660 : vector<1x512xi32> to vector<128x512xi32>
    %eq3A_662 = arith.cmpi eq, %select_n3A_640, %eq3A_661 : vector<128x512xi32>
    %eq3A_663 = vector.broadcast %broadcast_in_dim3A_660 : vector<1x512xi32> to vector<128x512xi32>
    %eq3A_664 = arith.cmpi eq, %select_n3A_643, %eq3A_663 : vector<128x512xi32>
    %select_n3A_665 = arith.select %eq3A_662, %select_n3A_641, %select_n3A_640 : vector<128x512xi1>, vector<128x512xi32>
    %select_n3A_666 = arith.select %eq3A_662, %select_n3A_642, %select_n3A_641 : vector<128x512xi1>, vector<128x512xi32>
    %select_n3A_667 = arith.select %eq3A_664, %select_n3A_644, %select_n3A_643 : vector<128x512xi1>, vector<128x512xi32>
    %select_n3A_668 = arith.select %eq3A_664, %select_n3A_645, %select_n3A_644 : vector<128x512xi1>, vector<128x512xi32>
    %min3A_669 = arith.minsi %select_n3A_665, %select_n3A_667 : vector<128x512xi32>
    %reduce_min3A_670 = arith.constant dense<2147483647> : vector<512xi32>
    %reduce_min3A_671 = vector.multi_reduction <minsi>, %min3A_669, %reduce_min3A_670 [0] : vector<128x512xi32> to vector<512xi32>
    %and3A_672 = arith.constant 2047 : i32
    %and3A_673 = vector.broadcast %and3A_672 : i32 to vector<512xi32>
    %and3A_674 = arith.andi %reduce_min3A_671, %and3A_673 : vector<512xi32>
    %add3A_675 = vector.broadcast %mul3A_32 : i32 to vector<512xi32>
    %add3A_676 = arith.addi %and3A_674, %add3A_675 : vector<512xi32>
    %swap3A_677 = arith.constant 0 : index
    %swap3A_678 = arith.constant 18 : index
    %swap3A_679 = arith.constant 0 : index
    %swap3A_680 = vector.load %arg4[%swap3A_677, %swap3A_678, %swap3A_679] : memref<1x20x512xi32, #tpu.memory_space<vmem>>, vector<1x1x512xi32>
    %swap3A_681 = vector.shape_cast %swap3A_680 : vector<1x1x512xi32> to vector<512xi32>
    %swap3A_682 = vector.shape_cast %add3A_676 : vector<512xi32> to vector<1x1x512xi32>
    tpu.vector_store %arg4[%swap3A_677, %swap3A_678, %swap3A_679], %swap3A_682 {strides = array<i32>} : memref<1x20x512xi32, #tpu.memory_space<vmem>>, vector<1x1x512xi32>,
    %broadcast_in_dim3A_683 = vector.shape_cast %reduce_min3A_671 : vector<512xi32> to vector<1x512xi32>
    %eq3A_684 = vector.broadcast %broadcast_in_dim3A_683 : vector<1x512xi32> to vector<128x512xi32>
    %eq3A_685 = arith.cmpi eq, %select_n3A_665, %eq3A_684 : vector<128x512xi32>
    %eq3A_686 = vector.broadcast %broadcast_in_dim3A_683 : vector<1x512xi32> to vector<128x512xi32>
    %eq3A_687 = arith.cmpi eq, %select_n3A_667, %eq3A_686 : vector<128x512xi32>
    %select_n3A_688 = arith.select %eq3A_685, %select_n3A_666, %select_n3A_665 : vector<128x512xi1>, vector<128x512xi32>
    %select_n3A_689 = arith.select %eq3A_687, %select_n3A_668, %select_n3A_667 : vector<128x512xi1>, vector<128x512xi32>
    %min3A_690 = arith.minsi %select_n3A_688, %select_n3A_689 : vector<128x512xi32>
    %reduce_min3A_691 = arith.constant dense<2147483647> : vector<512xi32>
    %reduce_min3A_692 = vector.multi_reduction <minsi>, %min3A_690, %reduce_min3A_691 [0] : vector<128x512xi32> to vector<512xi32>
    %and3A_693 = arith.constant 2047 : i32
    %and3A_694 = vector.broadcast %and3A_693 : i32 to vector<512xi32>
    %and3A_695 = arith.andi %reduce_min3A_692, %and3A_694 : vector<512xi32>
    %add3A_696 = vector.broadcast %mul3A_32 : i32 to vector<512xi32>
    %add3A_697 = arith.addi %and3A_695, %add3A_696 : vector<512xi32>
    %swap3A_698 = arith.constant 0 : index
    %swap3A_699 = arith.constant 19 : index
    %swap3A_700 = arith.constant 0 : index
    %swap3A_701 = vector.load %arg4[%swap3A_698, %swap3A_699, %swap3A_700] : memref<1x20x512xi32, #tpu.memory_space<vmem>>, vector<1x1x512xi32>
    %swap3A_702 = vector.shape_cast %swap3A_701 : vector<1x1x512xi32> to vector<512xi32>
    %swap3A_703 = vector.shape_cast %add3A_697 : vector<512xi32> to vector<1x1x512xi32>
    tpu.vector_store %arg4[%swap3A_698, %swap3A_699, %swap3A_700], %swap3A_703 {strides = array<i32>} : memref<1x20x512xi32, #tpu.memory_space<vmem>>, vector<1x1x512xi32>,
    %broadcast_in_dim3A_704 = vector.shape_cast %reduce_min3A_692 : vector<512xi32> to vector<1x512xi32>
    %le3A = vector.broadcast %broadcast_in_dim3A_704 : vector<1x512xi32> to vector<128x512xi32>
    %le3A_705 = arith.cmpi sle, %min3A_83, %le3A : vector<128x512xi32>
    %reduce_or3A = arith.constant 1.000000e+00 : f32
    %reduce_or3A_706 = arith.constant 0.000000e+00 : f32
    %reduce_or3A_707 = vector.broadcast %reduce_or3A : f32 to vector<128x512xf32>
    %reduce_or3A_708 = vector.broadcast %reduce_or3A_706 : f32 to vector<128x512xf32>
    %reduce_or3A_709 = arith.select %le3A_705, %reduce_or3A_707, %reduce_or3A_708 : vector<128x512xi1>, vector<128x512xf32>
    %reduce_or3A_710 = vector.shape_cast %reduce_or3A_709 : vector<128x512xf32> to vector<1x128x512xf32>
    %reduce_or3A_711 = arith.constant dense<0xFF800000> : vector<1xf32>
    %reduce_or3A_712 = vector.multi_reduction <maximumf>, %reduce_or3A_710, %reduce_or3A_711 [1, 2] : vector<1x128x512xf32> to vector<1xf32>
    %reduce_or3A_713 = vector.shape_cast %reduce_or3A_712 : vector<1xf32> to vector<1x1x1xf32>
    %reduce_or3A_714 = vector.extract %reduce_or3A_713[0, 0, 0] : f32 from vector<1x1x1xf32>
    %reduce_or3A_715 = arith.constant 0.000000e+00 : f32
    %reduce_or3A_716 = arith.cmpf ogt, %reduce_or3A_714, %reduce_or3A_715 : f32
    %le3A_717 = vector.broadcast %broadcast_in_dim3A_704 : vector<1x512xi32> to vector<128x512xi32>
    %le3A_718 = arith.cmpi sle, %min3A_122, %le3A_717 : vector<128x512xi32>
    %reduce_or3A_719 = arith.constant 1.000000e+00 : f32
    %reduce_or3A_720 = arith.constant 0.000000e+00 : f32
    %reduce_or3A_721 = vector.broadcast %reduce_or3A_719 : f32 to vector<128x512xf32>
    %reduce_or3A_722 = vector.broadcast %reduce_or3A_720 : f32 to vector<128x512xf32>
    %reduce_or3A_723 = arith.select %le3A_718, %reduce_or3A_721, %reduce_or3A_722 : vector<128x512xi1>, vector<128x512xf32>
    %reduce_or3A_724 = vector.shape_cast %reduce_or3A_723 : vector<128x512xf32> to vector<1x128x512xf32>
    %reduce_or3A_725 = arith.constant dense<0xFF800000> : vector<1xf32>
    %reduce_or3A_726 = vector.multi_reduction <maximumf>, %reduce_or3A_724, %reduce_or3A_725 [1, 2] : vector<1x128x512xf32> to vector<1xf32>
    %reduce_or3A_727 = vector.shape_cast %reduce_or3A_726 : vector<1xf32> to vector<1x1x1xf32>
    %reduce_or3A_728 = vector.extract %reduce_or3A_727[0, 0, 0] : f32 from vector<1x1x1xf32>
    %reduce_or3A_729 = arith.constant 0.000000e+00 : f32
    %reduce_or3A_730 = arith.cmpf ogt, %reduce_or3A_728, %reduce_or3A_729 : f32
    %or3A_731 = arith.ori %reduce_or3A_716, %reduce_or3A_730 : i1
    %convert_element_type3A = arith.extui %or3A_731 : i1 to i32
    %cond3A = arith.constant 2147483647 : i32
    %cond3A_732 = arith.constant 0 : i32
    %cond3A_733 = arith.cmpi ne, %convert_element_type3A, %cond3A_732 : i32
    scf.if %cond3A_733 {
      %reduce_min3A_734 = arith.constant dense<2147483647> : vector<512xi32>
      %reduce_min3A_735 = vector.multi_reduction <minsi>, %or3A, %reduce_min3A_734 [0] : vector<2048x512xi32> to vector<512xi32>
      %and3A_736 = arith.constant 2047 : i32
      %and3A_737 = vector.broadcast %and3A_736 : i32 to vector<512xi32>
      %and3A_738 = arith.andi %reduce_min3A_735, %and3A_737 : vector<512xi32>
      %add3A_739 = vector.broadcast %mul3A_32 : i32 to vector<512xi32>
      %add3A_740 = arith.addi %and3A_738, %add3A_739 : vector<512xi32>
      %swap3A_741 = arith.constant 0 : index
      %swap3A_742 = arith.constant 0 : index
      %swap3A_743 = arith.constant 0 : index
      %swap3A_744 = vector.load %arg4[%swap3A_741, %swap3A_742, %swap3A_743] : memref<1x20x512xi32, #tpu.memory_space<vmem>>, vector<1x1x512xi32>
      %swap3A_745 = vector.shape_cast %swap3A_744 : vector<1x1x512xi32> to vector<512xi32>
      %swap3A_746 = vector.shape_cast %add3A_740 : vector<512xi32> to vector<1x1x512xi32>
      tpu.vector_store %arg4[%swap3A_741, %swap3A_742, %swap3A_743], %swap3A_746 {strides = array<i32>} : memref<1x20x512xi32, #tpu.memory_space<vmem>>, vector<1x1x512xi32>,
      %broadcast_in_dim3A_747 = vector.shape_cast %reduce_min3A_735 : vector<512xi32> to vector<1x512xi32>
      %eq3A_748 = vector.broadcast %broadcast_in_dim3A_747 : vector<1x512xi32> to vector<2048x512xi32>
      %eq3A_749 = arith.cmpi eq, %or3A, %eq3A_748 : vector<2048x512xi32>
      %broadcast_in_dim3A_750 = vector.broadcast %cond3A : i32 to vector<2048x512xi32>
      %select_n3A_751 = arith.select %eq3A_749, %broadcast_in_dim3A_750, %or3A : vector<2048x512xi1>, vector<2048x512xi32>
      %reduce_min3A_752 = arith.constant dense<2147483647> : vector<512xi32>
      %reduce_min3A_753 = vector.multi_reduction <minsi>, %select_n3A_751, %reduce_min3A_752 [0] : vector<2048x512xi32> to vector<512xi32>
      %and3A_754 = arith.constant 2047 : i32
      %and3A_755 = vector.broadcast %and3A_754 : i32 to vector<512xi32>
      %and3A_756 = arith.andi %reduce_min3A_753, %and3A_755 : vector<512xi32>
      %add3A_757 = vector.broadcast %mul3A_32 : i32 to vector<512xi32>
      %add3A_758 = arith.addi %and3A_756, %add3A_757 : vector<512xi32>
      %swap3A_759 = arith.constant 0 : index
      %swap3A_760 = arith.constant 1 : index
      %swap3A_761 = arith.constant 0 : index
      %swap3A_762 = vector.load %arg4[%swap3A_759, %swap3A_760, %swap3A_761] : memref<1x20x512xi32, #tpu.memory_space<vmem>>, vector<1x1x512xi32>
      %swap3A_763 = vector.shape_cast %swap3A_762 : vector<1x1x512xi32> to vector<512xi32>
      %swap3A_764 = vector.shape_cast %add3A_758 : vector<512xi32> to vector<1x1x512xi32>
      tpu.vector_store %arg4[%swap3A_759, %swap3A_760, %swap3A_761], %swap3A_764 {strides = array<i32>} : memref<1x20x512xi32, #tpu.memory_space<vmem>>, vector<1x1x512xi32>,
      %broadcast_in_dim3A_765 = vector.shape_cast %reduce_min3A_753 : vector<512xi32> to vector<1x512xi32>
      %eq3A_766 = vector.broadcast %broadcast_in_dim3A_765 : vector<1x512xi32> to vector<2048x512xi32>
      %eq3A_767 = arith.cmpi eq, %select_n3A_751, %eq3A_766 : vector<2048x512xi32>
      %broadcast_in_dim3A_768 = vector.broadcast %cond3A : i32 to vector<2048x512xi32>
      %select_n3A_769 = arith.select %eq3A_767, %broadcast_in_dim3A_768, %select_n3A_751 : vector<2048x512xi1>, vector<2048x512xi32>
      %reduce_min3A_770 = arith.constant dense<2147483647> : vector<512xi32>
      %reduce_min3A_771 = vector.multi_reduction <minsi>, %select_n3A_769, %reduce_min3A_770 [0] : vector<2048x512xi32> to vector<512xi32>
      %and3A_772 = arith.constant 2047 : i32
      %and3A_773 = vector.broadcast %and3A_772 : i32 to vector<512xi32>
      %and3A_774 = arith.andi %reduce_min3A_771, %and3A_773 : vector<512xi32>
      %add3A_775 = vector.broadcast %mul3A_32 : i32 to vector<512xi32>
      %add3A_776 = arith.addi %and3A_774, %add3A_775 : vector<512xi32>
      %swap3A_777 = arith.constant 0 : index
      %swap3A_778 = arith.constant 2 : index
      %swap3A_779 = arith.constant 0 : index
      %swap3A_780 = vector.load %arg4[%swap3A_777, %swap3A_778, %swap3A_779] : memref<1x20x512xi32, #tpu.memory_space<vmem>>, vector<1x1x512xi32>
      %swap3A_781 = vector.shape_cast %swap3A_780 : vector<1x1x512xi32> to vector<512xi32>
      %swap3A_782 = vector.shape_cast %add3A_776 : vector<512xi32> to vector<1x1x512xi32>
      tpu.vector_store %arg4[%swap3A_777, %swap3A_778, %swap3A_779], %swap3A_782 {strides = array<i32>} : memref<1x20x512xi32, #tpu.memory_space<vmem>>, vector<1x1x512xi32>,
      %broadcast_in_dim3A_783 = vector.shape_cast %reduce_min3A_771 : vector<512xi32> to vector<1x512xi32>
      %eq3A_784 = vector.broadcast %broadcast_in_dim3A_783 : vector<1x512xi32> to vector<2048x512xi32>
      %eq3A_785 = arith.cmpi eq, %select_n3A_769, %eq3A_784 : vector<2048x512xi32>
      %broadcast_in_dim3A_786 = vector.broadcast %cond3A : i32 to vector<2048x512xi32>
      %select_n3A_787 = arith.select %eq3A_785, %broadcast_in_dim3A_786, %select_n3A_769 : vector<2048x512xi1>, vector<2048x512xi32>
      %reduce_min3A_788 = arith.constant dense<2147483647> : vector<512xi32>
      %reduce_min3A_789 = vector.multi_reduction <minsi>, %select_n3A_787, %reduce_min3A_788 [0] : vector<2048x512xi32> to vector<512xi32>
      %and3A_790 = arith.constant 2047 : i32
      %and3A_791 = vector.broadcast %and3A_790 : i32 to vector<512xi32>
      %and3A_792 = arith.andi %reduce_min3A_789, %and3A_791 : vector<512xi32>
      %add3A_793 = vector.broadcast %mul3A_32 : i32 to vector<512xi32>
      %add3A_794 = arith.addi %and3A_792, %add3A_793 : vector<512xi32>
      %swap3A_795 = arith.constant 0 : index
      %swap3A_796 = arith.constant 3 : index
      %swap3A_797 = arith.constant 0 : index
      %swap3A_798 = vector.load %arg4[%swap3A_795, %swap3A_796, %swap3A_797] : memref<1x20x512xi32, #tpu.memory_space<vmem>>, vector<1x1x512xi32>
      %swap3A_799 = vector.shape_cast %swap3A_798 : vector<1x1x512xi32> to vector<512xi32>
      %swap3A_800 = vector.shape_cast %add3A_794 : vector<512xi32> to vector<1x1x512xi32>
      tpu.vector_store %arg4[%swap3A_795, %swap3A_796, %swap3A_797], %swap3A_800 {strides = array<i32>} : memref<1x20x512xi32, #tpu.memory_space<vmem>>, vector<1x1x512xi32>,
      %broadcast_in_dim3A_801 = vector.shape_cast %reduce_min3A_789 : vector<512xi32> to vector<1x512xi32>
      %eq3A_802 = vector.broadcast %broadcast_in_dim3A_801 : vector<1x512xi32> to vector<2048x512xi32>
      %eq3A_803 = arith.cmpi eq, %select_n3A_787, %eq3A_802 : vector<2048x512xi32>
      %broadcast_in_dim3A_804 = vector.broadcast %cond3A : i32 to vector<2048x512xi32>
      %select_n3A_805 = arith.select %eq3A_803, %broadcast_in_dim3A_804, %select_n3A_787 : vector<2048x512xi1>, vector<2048x512xi32>
      %reduce_min3A_806 = arith.constant dense<2147483647> : vector<512xi32>
      %reduce_min3A_807 = vector.multi_reduction <minsi>, %select_n3A_805, %reduce_min3A_806 [0] : vector<2048x512xi32> to vector<512xi32>
      %and3A_808 = arith.constant 2047 : i32
      %and3A_809 = vector.broadcast %and3A_808 : i32 to vector<512xi32>
      %and3A_810 = arith.andi %reduce_min3A_807, %and3A_809 : vector<512xi32>
      %add3A_811 = vector.broadcast %mul3A_32 : i32 to vector<512xi32>
      %add3A_812 = arith.addi %and3A_810, %add3A_811 : vector<512xi32>
      %swap3A_813 = arith.constant 0 : index
      %swap3A_814 = arith.constant 4 : index
      %swap3A_815 = arith.constant 0 : index
      %swap3A_816 = vector.load %arg4[%swap3A_813, %swap3A_814, %swap3A_815] : memref<1x20x512xi32, #tpu.memory_space<vmem>>, vector<1x1x512xi32>
      %swap3A_817 = vector.shape_cast %swap3A_816 : vector<1x1x512xi32> to vector<512xi32>
      %swap3A_818 = vector.shape_cast %add3A_812 : vector<512xi32> to vector<1x1x512xi32>
      tpu.vector_store %arg4[%swap3A_813, %swap3A_814, %swap3A_815], %swap3A_818 {strides = array<i32>} : memref<1x20x512xi32, #tpu.memory_space<vmem>>, vector<1x1x512xi32>,
      %broadcast_in_dim3A_819 = vector.shape_cast %reduce_min3A_807 : vector<512xi32> to vector<1x512xi32>
      %eq3A_820 = vector.broadcast %broadcast_in_dim3A_819 : vector<1x512xi32> to vector<2048x512xi32>
      %eq3A_821 = arith.cmpi eq, %select_n3A_805, %eq3A_820 : vector<2048x512xi32>
      %broadcast_in_dim3A_822 = vector.broadcast %cond3A : i32 to vector<2048x512xi32>
      %select_n3A_823 = arith.select %eq3A_821, %broadcast_in_dim3A_822, %select_n3A_805 : vector<2048x512xi1>, vector<2048x512xi32>
      %reduce_min3A_824 = arith.constant dense<2147483647> : vector<512xi32>
      %reduce_min3A_825 = vector.multi_reduction <minsi>, %select_n3A_823, %reduce_min3A_824 [0] : vector<2048x512xi32> to vector<512xi32>
      %and3A_826 = arith.constant 2047 : i32
      %and3A_827 = vector.broadcast %and3A_826 : i32 to vector<512xi32>
      %and3A_828 = arith.andi %reduce_min3A_825, %and3A_827 : vector<512xi32>
      %add3A_829 = vector.broadcast %mul3A_32 : i32 to vector<512xi32>
      %add3A_830 = arith.addi %and3A_828, %add3A_829 : vector<512xi32>
      %swap3A_831 = arith.constant 0 : index
      %swap3A_832 = arith.constant 5 : index
      %swap3A_833 = arith.constant 0 : index
      %swap3A_834 = vector.load %arg4[%swap3A_831, %swap3A_832, %swap3A_833] : memref<1x20x512xi32, #tpu.memory_space<vmem>>, vector<1x1x512xi32>
      %swap3A_835 = vector.shape_cast %swap3A_834 : vector<1x1x512xi32> to vector<512xi32>
      %swap3A_836 = vector.shape_cast %add3A_830 : vector<512xi32> to vector<1x1x512xi32>
      tpu.vector_store %arg4[%swap3A_831, %swap3A_832, %swap3A_833], %swap3A_836 {strides = array<i32>} : memref<1x20x512xi32, #tpu.memory_space<vmem>>, vector<1x1x512xi32>,
      %broadcast_in_dim3A_837 = vector.shape_cast %reduce_min3A_825 : vector<512xi32> to vector<1x512xi32>
      %eq3A_838 = vector.broadcast %broadcast_in_dim3A_837 : vector<1x512xi32> to vector<2048x512xi32>
      %eq3A_839 = arith.cmpi eq, %select_n3A_823, %eq3A_838 : vector<2048x512xi32>
      %broadcast_in_dim3A_840 = vector.broadcast %cond3A : i32 to vector<2048x512xi32>
      %select_n3A_841 = arith.select %eq3A_839, %broadcast_in_dim3A_840, %select_n3A_823 : vector<2048x512xi1>, vector<2048x512xi32>
      %reduce_min3A_842 = arith.constant dense<2147483647> : vector<512xi32>
      %reduce_min3A_843 = vector.multi_reduction <minsi>, %select_n3A_841, %reduce_min3A_842 [0] : vector<2048x512xi32> to vector<512xi32>
      %and3A_844 = arith.constant 2047 : i32
      %and3A_845 = vector.broadcast %and3A_844 : i32 to vector<512xi32>
      %and3A_846 = arith.andi %reduce_min3A_843, %and3A_845 : vector<512xi32>
      %add3A_847 = vector.broadcast %mul3A_32 : i32 to vector<512xi32>
      %add3A_848 = arith.addi %and3A_846, %add3A_847 : vector<512xi32>
      %swap3A_849 = arith.constant 0 : index
      %swap3A_850 = arith.constant 6 : index
      %swap3A_851 = arith.constant 0 : index
      %swap3A_852 = vector.load %arg4[%swap3A_849, %swap3A_850, %swap3A_851] : memref<1x20x512xi32, #tpu.memory_space<vmem>>, vector<1x1x512xi32>
      %swap3A_853 = vector.shape_cast %swap3A_852 : vector<1x1x512xi32> to vector<512xi32>
      %swap3A_854 = vector.shape_cast %add3A_848 : vector<512xi32> to vector<1x1x512xi32>
      tpu.vector_store %arg4[%swap3A_849, %swap3A_850, %swap3A_851], %swap3A_854 {strides = array<i32>} : memref<1x20x512xi32, #tpu.memory_space<vmem>>, vector<1x1x512xi32>,
      %broadcast_in_dim3A_855 = vector.shape_cast %reduce_min3A_843 : vector<512xi32> to vector<1x512xi32>
      %eq3A_856 = vector.broadcast %broadcast_in_dim3A_855 : vector<1x512xi32> to vector<2048x512xi32>
      %eq3A_857 = arith.cmpi eq, %select_n3A_841, %eq3A_856 : vector<2048x512xi32>
      %broadcast_in_dim3A_858 = vector.broadcast %cond3A : i32 to vector<2048x512xi32>
      %select_n3A_859 = arith.select %eq3A_857, %broadcast_in_dim3A_858, %select_n3A_841 : vector<2048x512xi1>, vector<2048x512xi32>
      %reduce_min3A_860 = arith.constant dense<2147483647> : vector<512xi32>
      %reduce_min3A_861 = vector.multi_reduction <minsi>, %select_n3A_859, %reduce_min3A_860 [0] : vector<2048x512xi32> to vector<512xi32>
      %and3A_862 = arith.constant 2047 : i32
      %and3A_863 = vector.broadcast %and3A_862 : i32 to vector<512xi32>
      %and3A_864 = arith.andi %reduce_min3A_861, %and3A_863 : vector<512xi32>
      %add3A_865 = vector.broadcast %mul3A_32 : i32 to vector<512xi32>
      %add3A_866 = arith.addi %and3A_864, %add3A_865 : vector<512xi32>
      %swap3A_867 = arith.constant 0 : index
      %swap3A_868 = arith.constant 7 : index
      %swap3A_869 = arith.constant 0 : index
      %swap3A_870 = vector.load %arg4[%swap3A_867, %swap3A_868, %swap3A_869] : memref<1x20x512xi32, #tpu.memory_space<vmem>>, vector<1x1x512xi32>
      %swap3A_871 = vector.shape_cast %swap3A_870 : vector<1x1x512xi32> to vector<512xi32>
      %swap3A_872 = vector.shape_cast %add3A_866 : vector<512xi32> to vector<1x1x512xi32>
      tpu.vector_store %arg4[%swap3A_867, %swap3A_868, %swap3A_869], %swap3A_872 {strides = array<i32>} : memref<1x20x512xi32, #tpu.memory_space<vmem>>, vector<1x1x512xi32>,
      %broadcast_in_dim3A_873 = vector.shape_cast %reduce_min3A_861 : vector<512xi32> to vector<1x512xi32>
      %eq3A_874 = vector.broadcast %broadcast_in_dim3A_873 : vector<1x512xi32> to vector<2048x512xi32>
      %eq3A_875 = arith.cmpi eq, %select_n3A_859, %eq3A_874 : vector<2048x512xi32>
      %broadcast_in_dim3A_876 = vector.broadcast %cond3A : i32 to vector<2048x512xi32>
      %select_n3A_877 = arith.select %eq3A_875, %broadcast_in_dim3A_876, %select_n3A_859 : vector<2048x512xi1>, vector<2048x512xi32>
      %reduce_min3A_878 = arith.constant dense<2147483647> : vector<512xi32>
      %reduce_min3A_879 = vector.multi_reduction <minsi>, %select_n3A_877, %reduce_min3A_878 [0] : vector<2048x512xi32> to vector<512xi32>
      %and3A_880 = arith.constant 2047 : i32
      %and3A_881 = vector.broadcast %and3A_880 : i32 to vector<512xi32>
      %and3A_882 = arith.andi %reduce_min3A_879, %and3A_881 : vector<512xi32>
      %add3A_883 = vector.broadcast %mul3A_32 : i32 to vector<512xi32>
      %add3A_884 = arith.addi %and3A_882, %add3A_883 : vector<512xi32>
      %swap3A_885 = arith.constant 0 : index
      %swap3A_886 = arith.constant 8 : index
      %swap3A_887 = arith.constant 0 : index
      %swap3A_888 = vector.load %arg4[%swap3A_885, %swap3A_886, %swap3A_887] : memref<1x20x512xi32, #tpu.memory_space<vmem>>, vector<1x1x512xi32>
      %swap3A_889 = vector.shape_cast %swap3A_888 : vector<1x1x512xi32> to vector<512xi32>
      %swap3A_890 = vector.shape_cast %add3A_884 : vector<512xi32> to vector<1x1x512xi32>
      tpu.vector_store %arg4[%swap3A_885, %swap3A_886, %swap3A_887], %swap3A_890 {strides = array<i32>} : memref<1x20x512xi32, #tpu.memory_space<vmem>>, vector<1x1x512xi32>,
      %broadcast_in_dim3A_891 = vector.shape_cast %reduce_min3A_879 : vector<512xi32> to vector<1x512xi32>
      %eq3A_892 = vector.broadcast %broadcast_in_dim3A_891 : vector<1x512xi32> to vector<2048x512xi32>
      %eq3A_893 = arith.cmpi eq, %select_n3A_877, %eq3A_892 : vector<2048x512xi32>
      %broadcast_in_dim3A_894 = vector.broadcast %cond3A : i32 to vector<2048x512xi32>
      %select_n3A_895 = arith.select %eq3A_893, %broadcast_in_dim3A_894, %select_n3A_877 : vector<2048x512xi1>, vector<2048x512xi32>
      %reduce_min3A_896 = arith.constant dense<2147483647> : vector<512xi32>
      %reduce_min3A_897 = vector.multi_reduction <minsi>, %select_n3A_895, %reduce_min3A_896 [0] : vector<2048x512xi32> to vector<512xi32>
      %and3A_898 = arith.constant 2047 : i32
      %and3A_899 = vector.broadcast %and3A_898 : i32 to vector<512xi32>
      %and3A_900 = arith.andi %reduce_min3A_897, %and3A_899 : vector<512xi32>
      %add3A_901 = vector.broadcast %mul3A_32 : i32 to vector<512xi32>
      %add3A_902 = arith.addi %and3A_900, %add3A_901 : vector<512xi32>
      %swap3A_903 = arith.constant 0 : index
      %swap3A_904 = arith.constant 9 : index
      %swap3A_905 = arith.constant 0 : index
      %swap3A_906 = vector.load %arg4[%swap3A_903, %swap3A_904, %swap3A_905] : memref<1x20x512xi32, #tpu.memory_space<vmem>>, vector<1x1x512xi32>
      %swap3A_907 = vector.shape_cast %swap3A_906 : vector<1x1x512xi32> to vector<512xi32>
      %swap3A_908 = vector.shape_cast %add3A_902 : vector<512xi32> to vector<1x1x512xi32>
      tpu.vector_store %arg4[%swap3A_903, %swap3A_904, %swap3A_905], %swap3A_908 {strides = array<i32>} : memref<1x20x512xi32, #tpu.memory_space<vmem>>, vector<1x1x512xi32>,
      %broadcast_in_dim3A_909 = vector.shape_cast %reduce_min3A_897 : vector<512xi32> to vector<1x512xi32>
      %eq3A_910 = vector.broadcast %broadcast_in_dim3A_909 : vector<1x512xi32> to vector<2048x512xi32>
      %eq3A_911 = arith.cmpi eq, %select_n3A_895, %eq3A_910 : vector<2048x512xi32>
      %broadcast_in_dim3A_912 = vector.broadcast %cond3A : i32 to vector<2048x512xi32>
      %select_n3A_913 = arith.select %eq3A_911, %broadcast_in_dim3A_912, %select_n3A_895 : vector<2048x512xi1>, vector<2048x512xi32>
      %reduce_min3A_914 = arith.constant dense<2147483647> : vector<512xi32>
      %reduce_min3A_915 = vector.multi_reduction <minsi>, %select_n3A_913, %reduce_min3A_914 [0] : vector<2048x512xi32> to vector<512xi32>
      %and3A_916 = arith.constant 2047 : i32
      %and3A_917 = vector.broadcast %and3A_916 : i32 to vector<512xi32>
      %and3A_918 = arith.andi %reduce_min3A_915, %and3A_917 : vector<512xi32>
      %add3A_919 = vector.broadcast %mul3A_32 : i32 to vector<512xi32>
      %add3A_920 = arith.addi %and3A_918, %add3A_919 : vector<512xi32>
      %swap3A_921 = arith.constant 0 : index
      %swap3A_922 = arith.constant 10 : index
      %swap3A_923 = arith.constant 0 : index
      %swap3A_924 = vector.load %arg4[%swap3A_921, %swap3A_922, %swap3A_923] : memref<1x20x512xi32, #tpu.memory_space<vmem>>, vector<1x1x512xi32>
      %swap3A_925 = vector.shape_cast %swap3A_924 : vector<1x1x512xi32> to vector<512xi32>
      %swap3A_926 = vector.shape_cast %add3A_920 : vector<512xi32> to vector<1x1x512xi32>
      tpu.vector_store %arg4[%swap3A_921, %swap3A_922, %swap3A_923], %swap3A_926 {strides = array<i32>} : memref<1x20x512xi32, #tpu.memory_space<vmem>>, vector<1x1x512xi32>,
      %broadcast_in_dim3A_927 = vector.shape_cast %reduce_min3A_915 : vector<512xi32> to vector<1x512xi32>
      %eq3A_928 = vector.broadcast %broadcast_in_dim3A_927 : vector<1x512xi32> to vector<2048x512xi32>
      %eq3A_929 = arith.cmpi eq, %select_n3A_913, %eq3A_928 : vector<2048x512xi32>
      %broadcast_in_dim3A_930 = vector.broadcast %cond3A : i32 to vector<2048x512xi32>
      %select_n3A_931 = arith.select %eq3A_929, %broadcast_in_dim3A_930, %select_n3A_913 : vector<2048x512xi1>, vector<2048x512xi32>
      %reduce_min3A_932 = arith.constant dense<2147483647> : vector<512xi32>
      %reduce_min3A_933 = vector.multi_reduction <minsi>, %select_n3A_931, %reduce_min3A_932 [0] : vector<2048x512xi32> to vector<512xi32>
      %and3A_934 = arith.constant 2047 : i32
      %and3A_935 = vector.broadcast %and3A_934 : i32 to vector<512xi32>
      %and3A_936 = arith.andi %reduce_min3A_933, %and3A_935 : vector<512xi32>
      %add3A_937 = vector.broadcast %mul3A_32 : i32 to vector<512xi32>
      %add3A_938 = arith.addi %and3A_936, %add3A_937 : vector<512xi32>
      %swap3A_939 = arith.constant 0 : index
      %swap3A_940 = arith.constant 11 : index
      %swap3A_941 = arith.constant 0 : index
      %swap3A_942 = vector.load %arg4[%swap3A_939, %swap3A_940, %swap3A_941] : memref<1x20x512xi32, #tpu.memory_space<vmem>>, vector<1x1x512xi32>
      %swap3A_943 = vector.shape_cast %swap3A_942 : vector<1x1x512xi32> to vector<512xi32>
      %swap3A_944 = vector.shape_cast %add3A_938 : vector<512xi32> to vector<1x1x512xi32>
      tpu.vector_store %arg4[%swap3A_939, %swap3A_940, %swap3A_941], %swap3A_944 {strides = array<i32>} : memref<1x20x512xi32, #tpu.memory_space<vmem>>, vector<1x1x512xi32>,
      %broadcast_in_dim3A_945 = vector.shape_cast %reduce_min3A_933 : vector<512xi32> to vector<1x512xi32>
      %eq3A_946 = vector.broadcast %broadcast_in_dim3A_945 : vector<1x512xi32> to vector<2048x512xi32>
      %eq3A_947 = arith.cmpi eq, %select_n3A_931, %eq3A_946 : vector<2048x512xi32>
      %broadcast_in_dim3A_948 = vector.broadcast %cond3A : i32 to vector<2048x512xi32>
      %select_n3A_949 = arith.select %eq3A_947, %broadcast_in_dim3A_948, %select_n3A_931 : vector<2048x512xi1>, vector<2048x512xi32>
      %reduce_min3A_950 = arith.constant dense<2147483647> : vector<512xi32>
      %reduce_min3A_951 = vector.multi_reduction <minsi>, %select_n3A_949, %reduce_min3A_950 [0] : vector<2048x512xi32> to vector<512xi32>
      %and3A_952 = arith.constant 2047 : i32
      %and3A_953 = vector.broadcast %and3A_952 : i32 to vector<512xi32>
      %and3A_954 = arith.andi %reduce_min3A_951, %and3A_953 : vector<512xi32>
      %add3A_955 = vector.broadcast %mul3A_32 : i32 to vector<512xi32>
      %add3A_956 = arith.addi %and3A_954, %add3A_955 : vector<512xi32>
      %swap3A_957 = arith.constant 0 : index
      %swap3A_958 = arith.constant 12 : index
      %swap3A_959 = arith.constant 0 : index
      %swap3A_960 = vector.load %arg4[%swap3A_957, %swap3A_958, %swap3A_959] : memref<1x20x512xi32, #tpu.memory_space<vmem>>, vector<1x1x512xi32>
      %swap3A_961 = vector.shape_cast %swap3A_960 : vector<1x1x512xi32> to vector<512xi32>
      %swap3A_962 = vector.shape_cast %add3A_956 : vector<512xi32> to vector<1x1x512xi32>
      tpu.vector_store %arg4[%swap3A_957, %swap3A_958, %swap3A_959], %swap3A_962 {strides = array<i32>} : memref<1x20x512xi32, #tpu.memory_space<vmem>>, vector<1x1x512xi32>,
      %broadcast_in_dim3A_963 = vector.shape_cast %reduce_min3A_951 : vector<512xi32> to vector<1x512xi32>
      %eq3A_964 = vector.broadcast %broadcast_in_dim3A_963 : vector<1x512xi32> to vector<2048x512xi32>
      %eq3A_965 = arith.cmpi eq, %select_n3A_949, %eq3A_964 : vector<2048x512xi32>
      %broadcast_in_dim3A_966 = vector.broadcast %cond3A : i32 to vector<2048x512xi32>
      %select_n3A_967 = arith.select %eq3A_965, %broadcast_in_dim3A_966, %select_n3A_949 : vector<2048x512xi1>, vector<2048x512xi32>
      %reduce_min3A_968 = arith.constant dense<2147483647> : vector<512xi32>
      %reduce_min3A_969 = vector.multi_reduction <minsi>, %select_n3A_967, %reduce_min3A_968 [0] : vector<2048x512xi32> to vector<512xi32>
      %and3A_970 = arith.constant 2047 : i32
      %and3A_971 = vector.broadcast %and3A_970 : i32 to vector<512xi32>
      %and3A_972 = arith.andi %reduce_min3A_969, %and3A_971 : vector<512xi32>
      %add3A_973 = vector.broadcast %mul3A_32 : i32 to vector<512xi32>
      %add3A_974 = arith.addi %and3A_972, %add3A_973 : vector<512xi32>
      %swap3A_975 = arith.constant 0 : index
      %swap3A_976 = arith.constant 13 : index
      %swap3A_977 = arith.constant 0 : index
      %swap3A_978 = vector.load %arg4[%swap3A_975, %swap3A_976, %swap3A_977] : memref<1x20x512xi32, #tpu.memory_space<vmem>>, vector<1x1x512xi32>
      %swap3A_979 = vector.shape_cast %swap3A_978 : vector<1x1x512xi32> to vector<512xi32>
      %swap3A_980 = vector.shape_cast %add3A_974 : vector<512xi32> to vector<1x1x512xi32>
      tpu.vector_store %arg4[%swap3A_975, %swap3A_976, %swap3A_977], %swap3A_980 {strides = array<i32>} : memref<1x20x512xi32, #tpu.memory_space<vmem>>, vector<1x1x512xi32>,
      %broadcast_in_dim3A_981 = vector.shape_cast %reduce_min3A_969 : vector<512xi32> to vector<1x512xi32>
      %eq3A_982 = vector.broadcast %broadcast_in_dim3A_981 : vector<1x512xi32> to vector<2048x512xi32>
      %eq3A_983 = arith.cmpi eq, %select_n3A_967, %eq3A_982 : vector<2048x512xi32>
      %broadcast_in_dim3A_984 = vector.broadcast %cond3A : i32 to vector<2048x512xi32>
      %select_n3A_985 = arith.select %eq3A_983, %broadcast_in_dim3A_984, %select_n3A_967 : vector<2048x512xi1>, vector<2048x512xi32>
      %reduce_min3A_986 = arith.constant dense<2147483647> : vector<512xi32>
      %reduce_min3A_987 = vector.multi_reduction <minsi>, %select_n3A_985, %reduce_min3A_986 [0] : vector<2048x512xi32> to vector<512xi32>
      %and3A_988 = arith.constant 2047 : i32
      %and3A_989 = vector.broadcast %and3A_988 : i32 to vector<512xi32>
      %and3A_990 = arith.andi %reduce_min3A_987, %and3A_989 : vector<512xi32>
      %add3A_991 = vector.broadcast %mul3A_32 : i32 to vector<512xi32>
      %add3A_992 = arith.addi %and3A_990, %add3A_991 : vector<512xi32>
      %swap3A_993 = arith.constant 0 : index
      %swap3A_994 = arith.constant 14 : index
      %swap3A_995 = arith.constant 0 : index
      %swap3A_996 = vector.load %arg4[%swap3A_993, %swap3A_994, %swap3A_995] : memref<1x20x512xi32, #tpu.memory_space<vmem>>, vector<1x1x512xi32>
      %swap3A_997 = vector.shape_cast %swap3A_996 : vector<1x1x512xi32> to vector<512xi32>
      %swap3A_998 = vector.shape_cast %add3A_992 : vector<512xi32> to vector<1x1x512xi32>
      tpu.vector_store %arg4[%swap3A_993, %swap3A_994, %swap3A_995], %swap3A_998 {strides = array<i32>} : memref<1x20x512xi32, #tpu.memory_space<vmem>>, vector<1x1x512xi32>,
      %broadcast_in_dim3A_999 = vector.shape_cast %reduce_min3A_987 : vector<512xi32> to vector<1x512xi32>
      %eq3A_1000 = vector.broadcast %broadcast_in_dim3A_999 : vector<1x512xi32> to vector<2048x512xi32>
      %eq3A_1001 = arith.cmpi eq, %select_n3A_985, %eq3A_1000 : vector<2048x512xi32>
      %broadcast_in_dim3A_1002 = vector.broadcast %cond3A : i32 to vector<2048x512xi32>
      %select_n3A_1003 = arith.select %eq3A_1001, %broadcast_in_dim3A_1002, %select_n3A_985 : vector<2048x512xi1>, vector<2048x512xi32>
      %reduce_min3A_1004 = arith.constant dense<2147483647> : vector<512xi32>
      %reduce_min3A_1005 = vector.multi_reduction <minsi>, %select_n3A_1003, %reduce_min3A_1004 [0] : vector<2048x512xi32> to vector<512xi32>
      %and3A_1006 = arith.constant 2047 : i32
      %and3A_1007 = vector.broadcast %and3A_1006 : i32 to vector<512xi32>
      %and3A_1008 = arith.andi %reduce_min3A_1005, %and3A_1007 : vector<512xi32>
      %add3A_1009 = vector.broadcast %mul3A_32 : i32 to vector<512xi32>
      %add3A_1010 = arith.addi %and3A_1008, %add3A_1009 : vector<512xi32>
      %swap3A_1011 = arith.constant 0 : index
      %swap3A_1012 = arith.constant 15 : index
      %swap3A_1013 = arith.constant 0 : index
      %swap3A_1014 = vector.load %arg4[%swap3A_1011, %swap3A_1012, %swap3A_1013] : memref<1x20x512xi32, #tpu.memory_space<vmem>>, vector<1x1x512xi32>
      %swap3A_1015 = vector.shape_cast %swap3A_1014 : vector<1x1x512xi32> to vector<512xi32>
      %swap3A_1016 = vector.shape_cast %add3A_1010 : vector<512xi32> to vector<1x1x512xi32>
      tpu.vector_store %arg4[%swap3A_1011, %swap3A_1012, %swap3A_1013], %swap3A_1016 {strides = array<i32>} : memref<1x20x512xi32, #tpu.memory_space<vmem>>, vector<1x1x512xi32>,
      %broadcast_in_dim3A_1017 = vector.shape_cast %reduce_min3A_1005 : vector<512xi32> to vector<1x512xi32>
      %eq3A_1018 = vector.broadcast %broadcast_in_dim3A_1017 : vector<1x512xi32> to vector<2048x512xi32>
      %eq3A_1019 = arith.cmpi eq, %select_n3A_1003, %eq3A_1018 : vector<2048x512xi32>
      %broadcast_in_dim3A_1020 = vector.broadcast %cond3A : i32 to vector<2048x512xi32>
      %select_n3A_1021 = arith.select %eq3A_1019, %broadcast_in_dim3A_1020, %select_n3A_1003 : vector<2048x512xi1>, vector<2048x512xi32>
      %reduce_min3A_1022 = arith.constant dense<2147483647> : vector<512xi32>
      %reduce_min3A_1023 = vector.multi_reduction <minsi>, %select_n3A_1021, %reduce_min3A_1022 [0] : vector<2048x512xi32> to vector<512xi32>
      %and3A_1024 = arith.constant 2047 : i32
      %and3A_1025 = vector.broadcast %and3A_1024 : i32 to vector<512xi32>
      %and3A_1026 = arith.andi %reduce_min3A_1023, %and3A_1025 : vector<512xi32>
      %add3A_1027 = vector.broadcast %mul3A_32 : i32 to vector<512xi32>
      %add3A_1028 = arith.addi %and3A_1026, %add3A_1027 : vector<512xi32>
      %swap3A_1029 = arith.constant 0 : index
      %swap3A_1030 = arith.constant 16 : index
      %swap3A_1031 = arith.constant 0 : index
      %swap3A_1032 = vector.load %arg4[%swap3A_1029, %swap3A_1030, %swap3A_1031] : memref<1x20x512xi32, #tpu.memory_space<vmem>>, vector<1x1x512xi32>
      %swap3A_1033 = vector.shape_cast %swap3A_1032 : vector<1x1x512xi32> to vector<512xi32>
      %swap3A_1034 = vector.shape_cast %add3A_1028 : vector<512xi32> to vector<1x1x512xi32>
      tpu.vector_store %arg4[%swap3A_1029, %swap3A_1030, %swap3A_1031], %swap3A_1034 {strides = array<i32>} : memref<1x20x512xi32, #tpu.memory_space<vmem>>, vector<1x1x512xi32>,
      %broadcast_in_dim3A_1035 = vector.shape_cast %reduce_min3A_1023 : vector<512xi32> to vector<1x512xi32>
      %eq3A_1036 = vector.broadcast %broadcast_in_dim3A_1035 : vector<1x512xi32> to vector<2048x512xi32>
      %eq3A_1037 = arith.cmpi eq, %select_n3A_1021, %eq3A_1036 : vector<2048x512xi32>
      %broadcast_in_dim3A_1038 = vector.broadcast %cond3A : i32 to vector<2048x512xi32>
      %select_n3A_1039 = arith.select %eq3A_1037, %broadcast_in_dim3A_1038, %select_n3A_1021 : vector<2048x512xi1>, vector<2048x512xi32>
      %reduce_min3A_1040 = arith.constant dense<2147483647> : vector<512xi32>
      %reduce_min3A_1041 = vector.multi_reduction <minsi>, %select_n3A_1039, %reduce_min3A_1040 [0] : vector<2048x512xi32> to vector<512xi32>
      %and3A_1042 = arith.constant 2047 : i32
      %and3A_1043 = vector.broadcast %and3A_1042 : i32 to vector<512xi32>
      %and3A_1044 = arith.andi %reduce_min3A_1041, %and3A_1043 : vector<512xi32>
      %add3A_1045 = vector.broadcast %mul3A_32 : i32 to vector<512xi32>
      %add3A_1046 = arith.addi %and3A_1044, %add3A_1045 : vector<512xi32>
      %swap3A_1047 = arith.constant 0 : index
      %swap3A_1048 = arith.constant 17 : index
      %swap3A_1049 = arith.constant 0 : index
      %swap3A_1050 = vector.load %arg4[%swap3A_1047, %swap3A_1048, %swap3A_1049] : memref<1x20x512xi32, #tpu.memory_space<vmem>>, vector<1x1x512xi32>
      %swap3A_1051 = vector.shape_cast %swap3A_1050 : vector<1x1x512xi32> to vector<512xi32>
      %swap3A_1052 = vector.shape_cast %add3A_1046 : vector<512xi32> to vector<1x1x512xi32>
      tpu.vector_store %arg4[%swap3A_1047, %swap3A_1048, %swap3A_1049], %swap3A_1052 {strides = array<i32>} : memref<1x20x512xi32, #tpu.memory_space<vmem>>, vector<1x1x512xi32>,
      %broadcast_in_dim3A_1053 = vector.shape_cast %reduce_min3A_1041 : vector<512xi32> to vector<1x512xi32>
      %eq3A_1054 = vector.broadcast %broadcast_in_dim3A_1053 : vector<1x512xi32> to vector<2048x512xi32>
      %eq3A_1055 = arith.cmpi eq, %select_n3A_1039, %eq3A_1054 : vector<2048x512xi32>
      %broadcast_in_dim3A_1056 = vector.broadcast %cond3A : i32 to vector<2048x512xi32>
      %select_n3A_1057 = arith.select %eq3A_1055, %broadcast_in_dim3A_1056, %select_n3A_1039 : vector<2048x512xi1>, vector<2048x512xi32>
      %reduce_min3A_1058 = arith.constant dense<2147483647> : vector<512xi32>
      %reduce_min3A_1059 = vector.multi_reduction <minsi>, %select_n3A_1057, %reduce_min3A_1058 [0] : vector<2048x512xi32> to vector<512xi32>
      %and3A_1060 = arith.constant 2047 : i32
      %and3A_1061 = vector.broadcast %and3A_1060 : i32 to vector<512xi32>
      %and3A_1062 = arith.andi %reduce_min3A_1059, %and3A_1061 : vector<512xi32>
      %add3A_1063 = vector.broadcast %mul3A_32 : i32 to vector<512xi32>
      %add3A_1064 = arith.addi %and3A_1062, %add3A_1063 : vector<512xi32>
      %swap3A_1065 = arith.constant 0 : index
      %swap3A_1066 = arith.constant 18 : index
      %swap3A_1067 = arith.constant 0 : index
      %swap3A_1068 = vector.load %arg4[%swap3A_1065, %swap3A_1066, %swap3A_1067] : memref<1x20x512xi32, #tpu.memory_space<vmem>>, vector<1x1x512xi32>
      %swap3A_1069 = vector.shape_cast %swap3A_1068 : vector<1x1x512xi32> to vector<512xi32>
      %swap3A_1070 = vector.shape_cast %add3A_1064 : vector<512xi32> to vector<1x1x512xi32>
      tpu.vector_store %arg4[%swap3A_1065, %swap3A_1066, %swap3A_1067], %swap3A_1070 {strides = array<i32>} : memref<1x20x512xi32, #tpu.memory_space<vmem>>, vector<1x1x512xi32>,
      %broadcast_in_dim3A_1071 = vector.shape_cast %reduce_min3A_1059 : vector<512xi32> to vector<1x512xi32>
      %eq3A_1072 = vector.broadcast %broadcast_in_dim3A_1071 : vector<1x512xi32> to vector<2048x512xi32>
      %eq3A_1073 = arith.cmpi eq, %select_n3A_1057, %eq3A_1072 : vector<2048x512xi32>
      %broadcast_in_dim3A_1074 = vector.broadcast %cond3A : i32 to vector<2048x512xi32>
      %select_n3A_1075 = arith.select %eq3A_1073, %broadcast_in_dim3A_1074, %select_n3A_1057 : vector<2048x512xi1>, vector<2048x512xi32>
      %reduce_min3A_1076 = arith.constant dense<2147483647> : vector<512xi32>
      %reduce_min3A_1077 = vector.multi_reduction <minsi>, %select_n3A_1075, %reduce_min3A_1076 [0] : vector<2048x512xi32> to vector<512xi32>
      %and3A_1078 = arith.constant 2047 : i32
      %and3A_1079 = vector.broadcast %and3A_1078 : i32 to vector<512xi32>
      %and3A_1080 = arith.andi %reduce_min3A_1077, %and3A_1079 : vector<512xi32>
      %add3A_1081 = vector.broadcast %mul3A_32 : i32 to vector<512xi32>
      %add3A_1082 = arith.addi %and3A_1080, %add3A_1081 : vector<512xi32>
      %swap3A_1083 = arith.constant 0 : index
      %swap3A_1084 = arith.constant 19 : index
      %swap3A_1085 = arith.constant 0 : index
      %swap3A_1086 = vector.load %arg4[%swap3A_1083, %swap3A_1084, %swap3A_1085] : memref<1x20x512xi32, #tpu.memory_space<vmem>>, vector<1x1x512xi32>
      %swap3A_1087 = vector.shape_cast %swap3A_1086 : vector<1x1x512xi32> to vector<512xi32>
      %swap3A_1088 = vector.shape_cast %add3A_1082 : vector<512xi32> to vector<1x1x512xi32>
      tpu.vector_store %arg4[%swap3A_1083, %swap3A_1084, %swap3A_1085], %swap3A_1088 {strides = array<i32>} : memref<1x20x512xi32, #tpu.memory_space<vmem>>, vector<1x1x512xi32>,
    } else {
    }
    return
  }
  func.func @transform_0(%arg0: i32, %arg1: i32) -> (i32, i32, i32) {
    %c0_i32 = arith.constant 0 : i32
    %c0_i32_0 = arith.constant 0 : i32
    %c0_i32_1 = arith.constant 0 : i32
    return %arg0, %c0_i32, %c0_i32_0 : i32, i32, i32
  }
  func.func @transform_1(%arg0: i32, %arg1: i32) -> (i32, i32, i32) {
    %c0_i32 = arith.constant 0 : i32
    %c0_i32_0 = arith.constant 0 : i32
    return %arg0, %c0_i32, %arg1 : i32, i32, i32
  }
  func.func @transform_2(%arg0: i32, %arg1: i32) -> (i32, i32, i32) {
    %c0_i32 = arith.constant 0 : i32
    %c0_i32_0 = arith.constant 0 : i32
    return %arg0, %c0_i32, %arg1 : i32, i32, i32
  }
}

module attributes {stable_mosaic.version = 14 : i64} {
  func.func @_conv1_kernel(%arg0: i32, %arg1: i32, %arg2: memref<1x512x16xf32, #tpu.memory_space<vmem>>, %arg3: memref<1x20x512x16xf32, #tpu.memory_space<vmem>>, %arg4: memref<4x64xf32, #tpu.memory_space<vmem>>, %arg5: memref<1x64xf32, #tpu.memory_space<vmem>>, %arg6: memref<64x64xf32, #tpu.memory_space<vmem>>, %arg7: memref<1x64xf32, #tpu.memory_space<vmem>>, %arg8: memref<64x64xf32, #tpu.memory_space<vmem>>, %arg9: memref<1x64xf32, #tpu.memory_space<vmem>>, %arg10: memref<1x512x64xf32, #tpu.memory_space<vmem>>) attributes {dimension_semantics = [#tpu.dimension_semantics<arbitrary>, #tpu.dimension_semantics<arbitrary>], iteration_bounds = array<i64: 8, 4>, scalar_prefetch = 0 : i64, scratch_operands = 0 : i64, tpu.core_type = #tpu.core_type<tc>, window_params = [{transform_indices = @transform_0, window_bounds = array<i64: 1, 512, 16>}, {transform_indices = @transform_1, window_bounds = array<i64: 1, 20, 512, 16>}, {pipeline_mode = #tpu.pipeline_mode<synchronous>, transform_indices = @transform_2, window_bounds = array<i64: 4, 64>}, {pipeline_mode = #tpu.pipeline_mode<synchronous>, transform_indices = @transform_3, window_bounds = array<i64: 1, 64>}, {pipeline_mode = #tpu.pipeline_mode<synchronous>, transform_indices = @transform_4, window_bounds = array<i64: 64, 64>}, {pipeline_mode = #tpu.pipeline_mode<synchronous>, transform_indices = @transform_5, window_bounds = array<i64: 1, 64>}, {pipeline_mode = #tpu.pipeline_mode<synchronous>, transform_indices = @transform_6, window_bounds = array<i64: 64, 64>}, {pipeline_mode = #tpu.pipeline_mode<synchronous>, transform_indices = @transform_7, window_bounds = array<i64: 1, 64>}, {transform_indices = @transform_8, window_bounds = array<i64: 1, 512, 64>}]} {
    %get3A = arith.constant 0 : index
    %get3A_0 = arith.constant 0 : index
    %get3A_1 = arith.constant 0 : index
    %get3A_2 = vector.load %arg2[%get3A, %get3A_0, %get3A_1] : memref<1x512x16xf32, #tpu.memory_space<vmem>>, vector<1x512x1xf32>
    %get3A_3 = vector.shape_cast %get3A_2 : vector<1x512x1xf32> to vector<512x1xf32>
    %get3A_4 = arith.constant 0 : index
    %get3A_5 = arith.constant 0 : index
    %get3A_6 = arith.constant 1 : index
    %get3A_7 = vector.load %arg2[%get3A_4, %get3A_5, %get3A_6] : memref<1x512x16xf32, #tpu.memory_space<vmem>>, vector<1x512x1xf32>
    %get3A_8 = vector.shape_cast %get3A_7 : vector<1x512x1xf32> to vector<512x1xf32>
    %get3A_9 = arith.constant 0 : index
    %get3A_10 = arith.constant 0 : index
    %get3A_11 = arith.constant 0 : index
    %get3A_12 = arith.constant 0 : index
    %get3A_13 = vector.load %arg3[%get3A_9, %get3A_10, %get3A_11, %get3A_12] : memref<1x20x512x16xf32, #tpu.memory_space<vmem>>, vector<1x20x512x1xf32>
    %get3A_14 = vector.shape_cast %get3A_13 : vector<1x20x512x1xf32> to vector<20x512x1xf32>
    %get3A_15 = arith.constant 0 : index
    %get3A_16 = arith.constant 0 : index
    %get3A_17 = arith.constant 0 : index
    %get3A_18 = arith.constant 1 : index
    %get3A_19 = vector.load %arg3[%get3A_15, %get3A_16, %get3A_17, %get3A_18] : memref<1x20x512x16xf32, #tpu.memory_space<vmem>>, vector<1x20x512x1xf32>
    %get3A_20 = vector.shape_cast %get3A_19 : vector<1x20x512x1xf32> to vector<20x512x1xf32>
    %get3A_21 = arith.constant 0 : index
    %get3A_22 = arith.constant 0 : index
    %get3A_23 = vector.load %arg4[%get3A_21, %get3A_22] : memref<4x64xf32, #tpu.memory_space<vmem>>, vector<4x64xf32>
    %slice3A = vector.extract_strided_slice %get3A_23 {offsets = [2, 0], sizes = [1, 64], strides = [1, 1]} : vector<4x64xf32> to vector<1x64xf32>
    %reshape3A = vector.shape_cast %slice3A : vector<1x64xf32> to vector<1x1x64xf32>
    %slice3A_24 = vector.extract_strided_slice %get3A_23 {offsets = [3, 0], sizes = [1, 64], strides = [1, 1]} : vector<4x64xf32> to vector<1x64xf32>
    %reshape3A_25 = vector.shape_cast %slice3A_24 : vector<1x64xf32> to vector<1x1x64xf32>
    %slice3A_26 = vector.extract_strided_slice %get3A_23 {offsets = [0, 0], sizes = [1, 64], strides = [1, 1]} : vector<4x64xf32> to vector<1x64xf32>
    %slice3A_27 = vector.extract_strided_slice %get3A_23 {offsets = [2, 0], sizes = [1, 64], strides = [1, 1]} : vector<4x64xf32> to vector<1x64xf32>
    %sub3A = arith.subf %slice3A_26, %slice3A_27 : vector<1x64xf32>
    %mul3A = vector.broadcast %get3A_3 : vector<512x1xf32> to vector<512x64xf32>
    %mul3A_28 = vector.broadcast %sub3A : vector<1x64xf32> to vector<512x64xf32>
    %mul3A_29 = arith.mulf %mul3A, %mul3A_28 : vector<512x64xf32>
    %slice3A_30 = vector.extract_strided_slice %get3A_23 {offsets = [1, 0], sizes = [1, 64], strides = [1, 1]} : vector<4x64xf32> to vector<1x64xf32>
    %slice3A_31 = vector.extract_strided_slice %get3A_23 {offsets = [3, 0], sizes = [1, 64], strides = [1, 1]} : vector<4x64xf32> to vector<1x64xf32>
    %sub3A_32 = arith.subf %slice3A_30, %slice3A_31 : vector<1x64xf32>
    %mul3A_33 = vector.broadcast %get3A_8 : vector<512x1xf32> to vector<512x64xf32>
    %mul3A_34 = vector.broadcast %sub3A_32 : vector<1x64xf32> to vector<512x64xf32>
    %mul3A_35 = arith.mulf %mul3A_33, %mul3A_34 : vector<512x64xf32>
    %add3A = arith.addf %mul3A_29, %mul3A_35 : vector<512x64xf32>
    %get3A_36 = arith.constant 0 : index
    %get3A_37 = arith.constant 0 : index
    %get3A_38 = vector.load %arg5[%get3A_36, %get3A_37] : memref<1x64xf32, #tpu.memory_space<vmem>>, vector<1x64xf32>
    %add3A_39 = vector.broadcast %get3A_38 : vector<1x64xf32> to vector<512x64xf32>
    %add3A_40 = arith.addf %add3A, %add3A_39 : vector<512x64xf32>
    %broadcast_in_dim3A = vector.shape_cast %add3A_40 : vector<512x64xf32> to vector<1x512x64xf32>
    %mul3A_41 = vector.broadcast %get3A_14 : vector<20x512x1xf32> to vector<20x512x64xf32>
    %mul3A_42 = vector.broadcast %reshape3A : vector<1x1x64xf32> to vector<20x512x64xf32>
    %mul3A_43 = arith.mulf %mul3A_41, %mul3A_42 : vector<20x512x64xf32>
    %add3A_44 = vector.broadcast %broadcast_in_dim3A : vector<1x512x64xf32> to vector<20x512x64xf32>
    %add3A_45 = arith.addf %add3A_44, %mul3A_43 : vector<20x512x64xf32>
    %mul3A_46 = vector.broadcast %get3A_20 : vector<20x512x1xf32> to vector<20x512x64xf32>
    %mul3A_47 = vector.broadcast %reshape3A_25 : vector<1x1x64xf32> to vector<20x512x64xf32>
    %mul3A_48 = arith.mulf %mul3A_46, %mul3A_47 : vector<20x512x64xf32>
    %add3A_49 = arith.addf %add3A_45, %mul3A_48 : vector<20x512x64xf32>
    %max3A = arith.constant 0.000000e+00 : f32
    %max3A_50 = vector.broadcast %max3A : f32 to vector<20x512x64xf32>
    %max3A_51 = arith.maximumf %add3A_49, %max3A_50 : vector<20x512x64xf32>
    %reshape3A_52 = vector.shape_cast %max3A_51 : vector<20x512x64xf32> to vector<10240x64xf32>
    %get3A_53 = arith.constant 0 : index
    %get3A_54 = arith.constant 0 : index
    %get3A_55 = vector.load %arg6[%get3A_53, %get3A_54] : memref<64x64xf32, #tpu.memory_space<vmem>>, vector<64x64xf32>
    %dot_general3A = arith.constant dense<0.000000e+00> : vector<10240x64xf32>
    %dot_general3A_56 = tpu.matmul %reshape3A_52, %get3A_55, %dot_general3A {dimension_numbers = #tpu.dot_dimension_numbers<[1], [0], [0], [1], [0, 0, 1, 1], [], []>, transpose_lhs_hint = false} : vector<10240x64xf32>, vector<64x64xf32>, vector<10240x64xf32> -> vector<10240x64xf32>
    %get3A_57 = arith.constant 0 : index
    %get3A_58 = arith.constant 0 : index
    %get3A_59 = vector.load %arg7[%get3A_57, %get3A_58] : memref<1x64xf32, #tpu.memory_space<vmem>>, vector<1x64xf32>
    %add3A_60 = vector.broadcast %get3A_59 : vector<1x64xf32> to vector<10240x64xf32>
    %add3A_61 = arith.addf %dot_general3A_56, %add3A_60 : vector<10240x64xf32>
    %max3A_62 = arith.constant 0.000000e+00 : f32
    %max3A_63 = vector.broadcast %max3A_62 : f32 to vector<10240x64xf32>
    %max3A_64 = arith.maximumf %add3A_61, %max3A_63 : vector<10240x64xf32>
    %get3A_65 = arith.constant 0 : index
    %get3A_66 = arith.constant 0 : index
    %get3A_67 = vector.load %arg8[%get3A_65, %get3A_66] : memref<64x64xf32, #tpu.memory_space<vmem>>, vector<64x64xf32>
    %dot_general3A_68 = arith.constant dense<0.000000e+00> : vector<10240x64xf32>
    %dot_general3A_69 = tpu.matmul %max3A_64, %get3A_67, %dot_general3A_68 {dimension_numbers = #tpu.dot_dimension_numbers<[1], [0], [0], [1], [0, 0, 1, 1], [], []>, transpose_lhs_hint = false} : vector<10240x64xf32>, vector<64x64xf32>, vector<10240x64xf32> -> vector<10240x64xf32>
    %get3A_70 = arith.constant 0 : index
    %get3A_71 = arith.constant 0 : index
    %get3A_72 = vector.load %arg9[%get3A_70, %get3A_71] : memref<1x64xf32, #tpu.memory_space<vmem>>, vector<1x64xf32>
    %add3A_73 = vector.broadcast %get3A_72 : vector<1x64xf32> to vector<10240x64xf32>
    %add3A_74 = arith.addf %dot_general3A_69, %add3A_73 : vector<10240x64xf32>
    %max3A_75 = arith.constant 0.000000e+00 : f32
    %max3A_76 = vector.broadcast %max3A_75 : f32 to vector<10240x64xf32>
    %max3A_77 = arith.maximumf %add3A_74, %max3A_76 : vector<10240x64xf32>
    %reshape3A_78 = vector.shape_cast %max3A_77 : vector<10240x64xf32> to vector<20x512x64xf32>
    %reduce_max3A = arith.constant dense<0xFF800000> : vector<512x64xf32>
    %reduce_max3A_79 = vector.multi_reduction <maximumf>, %reshape3A_78, %reduce_max3A [0] : vector<20x512x64xf32> to vector<512x64xf32>
    %swap3A = arith.constant 0 : index
    %swap3A_80 = arith.constant 0 : index
    %swap3A_81 = arith.constant 0 : index
    %swap3A_82 = vector.load %arg10[%swap3A, %swap3A_80, %swap3A_81] : memref<1x512x64xf32, #tpu.memory_space<vmem>>, vector<1x512x64xf32>
    %swap3A_83 = vector.shape_cast %swap3A_82 : vector<1x512x64xf32> to vector<512x64xf32>
    %swap3A_84 = vector.shape_cast %reduce_max3A_79 : vector<512x64xf32> to vector<1x512x64xf32>
    tpu.vector_store %arg10[%swap3A, %swap3A_80, %swap3A_81], %swap3A_84 {strides = array<i32>} : memref<1x512x64xf32, #tpu.memory_space<vmem>>, vector<1x512x64xf32>,
    return
  }
  func.func @transform_0(%arg0: i32, %arg1: i32) -> (i32, i32, i32) {
    %c0_i32 = arith.constant 0 : i32
    %c0_i32_0 = arith.constant 0 : i32
    return %arg0, %arg1, %c0_i32 : i32, i32, i32
  }
  func.func @transform_1(%arg0: i32, %arg1: i32) -> (i32, i32, i32, i32) {
    %c0_i32 = arith.constant 0 : i32
    %c0_i32_0 = arith.constant 0 : i32
    %c0_i32_1 = arith.constant 0 : i32
    return %arg0, %c0_i32, %arg1, %c0_i32_0 : i32, i32, i32, i32
  }
  func.func @transform_2(%arg0: i32, %arg1: i32) -> (i32, i32) {
    %c0_i32 = arith.constant 0 : i32
    %c0_i32_0 = arith.constant 0 : i32
    %c0_i32_1 = arith.constant 0 : i32
    return %c0_i32, %c0_i32_0 : i32, i32
  }
  func.func @transform_3(%arg0: i32, %arg1: i32) -> (i32, i32) {
    %c0_i32 = arith.constant 0 : i32
    %c0_i32_0 = arith.constant 0 : i32
    %c0_i32_1 = arith.constant 0 : i32
    return %c0_i32, %c0_i32_0 : i32, i32
  }
  func.func @transform_4(%arg0: i32, %arg1: i32) -> (i32, i32) {
    %c0_i32 = arith.constant 0 : i32
    %c0_i32_0 = arith.constant 0 : i32
    %c0_i32_1 = arith.constant 0 : i32
    return %c0_i32, %c0_i32_0 : i32, i32
  }
  func.func @transform_5(%arg0: i32, %arg1: i32) -> (i32, i32) {
    %c0_i32 = arith.constant 0 : i32
    %c0_i32_0 = arith.constant 0 : i32
    %c0_i32_1 = arith.constant 0 : i32
    return %c0_i32, %c0_i32_0 : i32, i32
  }
  func.func @transform_6(%arg0: i32, %arg1: i32) -> (i32, i32) {
    %c0_i32 = arith.constant 0 : i32
    %c0_i32_0 = arith.constant 0 : i32
    %c0_i32_1 = arith.constant 0 : i32
    return %c0_i32, %c0_i32_0 : i32, i32
  }
  func.func @transform_7(%arg0: i32, %arg1: i32) -> (i32, i32) {
    %c0_i32 = arith.constant 0 : i32
    %c0_i32_0 = arith.constant 0 : i32
    %c0_i32_1 = arith.constant 0 : i32
    return %c0_i32, %c0_i32_0 : i32, i32
  }
  func.func @transform_8(%arg0: i32, %arg1: i32) -> (i32, i32, i32) {
    %c0_i32 = arith.constant 0 : i32
    %c0_i32_0 = arith.constant 0 : i32
    return %arg0, %arg1, %c0_i32 : i32, i32, i32
  }
}

module attributes {stable_mosaic.version = 14 : i64} {
  func.func @_knn2_kernel(%arg0: i32, %arg1: i32, %arg2: memref<1x2048x64xf32, #tpu.memory_space<vmem>>, %arg3: memref<1x512x64xf32, #tpu.memory_space<vmem>>, %arg4: memref<64x128xf32, #tpu.memory_space<vmem>>, %arg5: memref<64x128xf32, #tpu.memory_space<vmem>>, %arg6: memref<1x128xf32, #tpu.memory_space<vmem>>, %arg7: memref<1x20x512xi32, #tpu.memory_space<vmem>>, %arg8: memref<1x512x128xf32, #tpu.memory_space<vmem>>, %arg9: memref<1x512x128xf32, #tpu.memory_space<vmem>>) attributes {dimension_semantics = [#tpu.dimension_semantics<arbitrary>, #tpu.dimension_semantics<arbitrary>], iteration_bounds = array<i64: 8, 4>, scalar_prefetch = 0 : i64, scratch_operands = 0 : i64, tpu.core_type = #tpu.core_type<tc>, window_params = [{transform_indices = @transform_0, window_bounds = array<i64: 1, 2048, 64>}, {transform_indices = @transform_1, window_bounds = array<i64: 1, 512, 64>}, {pipeline_mode = #tpu.pipeline_mode<synchronous>, transform_indices = @transform_2, window_bounds = array<i64: 64, 128>}, {pipeline_mode = #tpu.pipeline_mode<synchronous>, transform_indices = @transform_3, window_bounds = array<i64: 64, 128>}, {pipeline_mode = #tpu.pipeline_mode<synchronous>, transform_indices = @transform_4, window_bounds = array<i64: 1, 128>}, {transform_indices = @transform_5, window_bounds = array<i64: 1, 20, 512>}, {transform_indices = @transform_6, window_bounds = array<i64: 1, 512, 128>}, {transform_indices = @transform_7, window_bounds = array<i64: 1, 512, 128>}]} {
    %get3A = arith.constant 0 : index
    %get3A_0 = arith.constant 0 : index
    %get3A_1 = arith.constant 0 : index
    %get3A_2 = vector.load %arg2[%get3A, %get3A_0, %get3A_1] : memref<1x2048x64xf32, #tpu.memory_space<vmem>>, vector<1x2048x64xf32>
    %get3A_3 = vector.shape_cast %get3A_2 : vector<1x2048x64xf32> to vector<2048x64xf32>
    %get3A_4 = arith.constant 0 : index
    %get3A_5 = arith.constant 0 : index
    %get3A_6 = arith.constant 0 : index
    %get3A_7 = vector.load %arg3[%get3A_4, %get3A_5, %get3A_6] : memref<1x512x64xf32, #tpu.memory_space<vmem>>, vector<1x512x64xf32>
    %get3A_8 = vector.shape_cast %get3A_7 : vector<1x512x64xf32> to vector<512x64xf32>
    %mul3A = arith.mulf %get3A_3, %get3A_3 : vector<2048x64xf32>
    %reduce_sum3A = arith.constant dense<0.000000e+00> : vector<2048xf32>
    %reduce_sum3A_9 = vector.multi_reduction <add>, %mul3A, %reduce_sum3A [1] : vector<2048x64xf32> to vector<2048xf32>
    %broadcast_in_dim3A = vector.shape_cast %reduce_sum3A_9 : vector<2048xf32> to vector<2048x1xf32>
    %convert_element_type3A = arith.truncf %get3A_3 : vector<2048x64xf32> to vector<2048x64xbf16>
    %convert_element_type3A_10 = arith.truncf %get3A_8 : vector<512x64xf32> to vector<512x64xbf16>
    %dot_general3A = arith.constant dense<0.000000e+00> : vector<2048x512xf32>
    %dot_general3A_11 = tpu.matmul %convert_element_type3A, %convert_element_type3A_10, %dot_general3A {dimension_numbers = #tpu.dot_dimension_numbers<[1], [1], [0], [0], [0, 0, 1, 0], [], []>, transpose_lhs_hint = false} : vector<2048x64xbf16>, vector<512x64xbf16>, vector<2048x512xf32> -> vector<2048x512xf32>
    %mul3A_12 = arith.constant 2.000000e+00 : f32
    %mul3A_13 = vector.broadcast %mul3A_12 : f32 to vector<2048x512xf32>
    %mul3A_14 = arith.mulf %mul3A_13, %dot_general3A_11 : vector<2048x512xf32>
    %sub3A = vector.broadcast %broadcast_in_dim3A : vector<2048x1xf32> to vector<2048x512xf32>
    %sub3A_15 = arith.subf %sub3A, %mul3A_14 : vector<2048x512xf32>
    %mul3A_16 = arith.constant 2048 : i32
    %mul3A_17 = arith.muli %arg0, %mul3A_16 : i32
    %bitcast_convert_type3A = tpu.bitcast %sub3A_15 : vector<2048x512xf32> -> vector<2048x512xi32>
    %shift_right_arithmetic3A = arith.constant 31 : i32
    %shift_right_arithmetic3A_18 = vector.broadcast %shift_right_arithmetic3A : i32 to vector<2048x512xi32>
    %shift_right_arithmetic3A_19 = arith.shrsi %bitcast_convert_type3A, %shift_right_arithmetic3A_18 : vector<2048x512xi32>
    %and3A = arith.constant 2147483647 : i32
    %and3A_20 = vector.broadcast %and3A : i32 to vector<2048x512xi32>
    %and3A_21 = arith.andi %shift_right_arithmetic3A_19, %and3A_20 : vector<2048x512xi32>
    %xor3A = arith.xori %bitcast_convert_type3A, %and3A_21 : vector<2048x512xi32>
    %iota3A = tpu.iota {dimensions = array<i32: 0>} : vector<2048x512xi32>
    %and3A_22 = arith.constant -2048 : i32
    %and3A_23 = vector.broadcast %and3A_22 : i32 to vector<2048x512xi32>
    %and3A_24 = arith.andi %xor3A, %and3A_23 : vector<2048x512xi32>
    %or3A = arith.ori %and3A_24, %iota3A : vector<2048x512xi32>
    %slice3A = vector.extract_strided_slice %or3A {offsets = [0, 0], sizes = [128, 512], strides = [1, 1]} : vector<2048x512xi32> to vector<128x512xi32>
    %slice3A_25 = vector.extract_strided_slice %or3A {offsets = [128, 0], sizes = [128, 512], strides = [1, 1]} : vector<2048x512xi32> to vector<128x512xi32>
    %slice3A_26 = vector.extract_strided_slice %or3A {offsets = [256, 0], sizes = [128, 512], strides = [1, 1]} : vector<2048x512xi32> to vector<128x512xi32>
    %slice3A_27 = vector.extract_strided_slice %or3A {offsets = [384, 0], sizes = [128, 512], strides = [1, 1]} : vector<2048x512xi32> to vector<128x512xi32>
    %slice3A_28 = vector.extract_strided_slice %or3A {offsets = [512, 0], sizes = [128, 512], strides = [1, 1]} : vector<2048x512xi32> to vector<128x512xi32>
    %slice3A_29 = vector.extract_strided_slice %or3A {offsets = [640, 0], sizes = [128, 512], strides = [1, 1]} : vector<2048x512xi32> to vector<128x512xi32>
    %slice3A_30 = vector.extract_strided_slice %or3A {offsets = [768, 0], sizes = [128, 512], strides = [1, 1]} : vector<2048x512xi32> to vector<128x512xi32>
    %slice3A_31 = vector.extract_strided_slice %or3A {offsets = [896, 0], sizes = [128, 512], strides = [1, 1]} : vector<2048x512xi32> to vector<128x512xi32>
    %slice3A_32 = vector.extract_strided_slice %or3A {offsets = [1024, 0], sizes = [128, 512], strides = [1, 1]} : vector<2048x512xi32> to vector<128x512xi32>
    %slice3A_33 = vector.extract_strided_slice %or3A {offsets = [1152, 0], sizes = [128, 512], strides = [1, 1]} : vector<2048x512xi32> to vector<128x512xi32>
    %slice3A_34 = vector.extract_strided_slice %or3A {offsets = [1280, 0], sizes = [128, 512], strides = [1, 1]} : vector<2048x512xi32> to vector<128x512xi32>
    %slice3A_35 = vector.extract_strided_slice %or3A {offsets = [1408, 0], sizes = [128, 512], strides = [1, 1]} : vector<2048x512xi32> to vector<128x512xi32>
    %slice3A_36 = vector.extract_strided_slice %or3A {offsets = [1536, 0], sizes = [128, 512], strides = [1, 1]} : vector<2048x512xi32> to vector<128x512xi32>
    %slice3A_37 = vector.extract_strided_slice %or3A {offsets = [1664, 0], sizes = [128, 512], strides = [1, 1]} : vector<2048x512xi32> to vector<128x512xi32>
    %slice3A_38 = vector.extract_strided_slice %or3A {offsets = [1792, 0], sizes = [128, 512], strides = [1, 1]} : vector<2048x512xi32> to vector<128x512xi32>
    %slice3A_39 = vector.extract_strided_slice %or3A {offsets = [1920, 0], sizes = [128, 512], strides = [1, 1]} : vector<2048x512xi32> to vector<128x512xi32>
    %min3A = arith.minsi %slice3A, %slice3A_25 : vector<128x512xi32>
    %max3A = arith.maxsi %slice3A, %slice3A_25 : vector<128x512xi32>
    %min3A_40 = arith.minsi %slice3A_26, %slice3A_27 : vector<128x512xi32>
    %max3A_41 = arith.maxsi %slice3A_26, %slice3A_27 : vector<128x512xi32>
    %min3A_42 = arith.minsi %slice3A_28, %slice3A_29 : vector<128x512xi32>
    %max3A_43 = arith.maxsi %slice3A_28, %slice3A_29 : vector<128x512xi32>
    %min3A_44 = arith.minsi %slice3A_30, %slice3A_31 : vector<128x512xi32>
    %max3A_45 = arith.maxsi %slice3A_30, %slice3A_31 : vector<128x512xi32>
    %min3A_46 = arith.minsi %min3A, %min3A_40 : vector<128x512xi32>
    %max3A_47 = arith.maxsi %min3A, %min3A_40 : vector<128x512xi32>
    %min3A_48 = arith.minsi %max3A, %max3A_41 : vector<128x512xi32>
    %max3A_49 = arith.maxsi %max3A, %max3A_41 : vector<128x512xi32>
    %min3A_50 = arith.minsi %max3A_47, %min3A_48 : vector<128x512xi32>
    %max3A_51 = arith.maxsi %max3A_47, %min3A_48 : vector<128x512xi32>
    %min3A_52 = arith.minsi %min3A_42, %min3A_44 : vector<128x512xi32>
    %max3A_53 = arith.maxsi %min3A_42, %min3A_44 : vector<128x512xi32>
    %min3A_54 = arith.minsi %max3A_43, %max3A_45 : vector<128x512xi32>
    %max3A_55 = arith.maxsi %max3A_43, %max3A_45 : vector<128x512xi32>
    %min3A_56 = arith.minsi %max3A_53, %min3A_54 : vector<128x512xi32>
    %max3A_57 = arith.maxsi %max3A_53, %min3A_54 : vector<128x512xi32>
    %min3A_58 = arith.minsi %min3A_46, %max3A_55 : vector<128x512xi32>
    %min3A_59 = arith.minsi %min3A_50, %max3A_57 : vector<128x512xi32>
    %min3A_60 = arith.minsi %max3A_51, %min3A_56 : vector<128x512xi32>
    %min3A_61 = arith.minsi %max3A_49, %min3A_52 : vector<128x512xi32>
    %max3A_62 = arith.maxsi %min3A_46, %max3A_55 : vector<128x512xi32>
    %max3A_63 = arith.maxsi %min3A_50, %max3A_57 : vector<128x512xi32>
    %min3A_64 = arith.minsi %max3A_62, %max3A_63 : vector<128x512xi32>
    %max3A_65 = arith.maxsi %max3A_51, %min3A_56 : vector<128x512xi32>
    %max3A_66 = arith.maxsi %max3A_49, %min3A_52 : vector<128x512xi32>
    %min3A_67 = arith.minsi %max3A_65, %max3A_66 : vector<128x512xi32>
    %min3A_68 = arith.minsi %min3A_64, %min3A_67 : vector<128x512xi32>
    %min3A_69 = arith.minsi %min3A_58, %min3A_60 : vector<128x512xi32>
    %max3A_70 = arith.maxsi %min3A_58, %min3A_60 : vector<128x512xi32>
    %min3A_71 = arith.minsi %min3A_59, %min3A_61 : vector<128x512xi32>
    %max3A_72 = arith.maxsi %min3A_59, %min3A_61 : vector<128x512xi32>
    %min3A_73 = arith.minsi %min3A_69, %min3A_71 : vector<128x512xi32>
    %max3A_74 = arith.maxsi %min3A_69, %min3A_71 : vector<128x512xi32>
    %min3A_75 = arith.minsi %max3A_70, %max3A_72 : vector<128x512xi32>
    %max3A_76 = arith.maxsi %max3A_70, %max3A_72 : vector<128x512xi32>
    %min3A_77 = arith.minsi %slice3A_32, %slice3A_33 : vector<128x512xi32>
    %max3A_78 = arith.maxsi %slice3A_32, %slice3A_33 : vector<128x512xi32>
    %min3A_79 = arith.minsi %slice3A_34, %slice3A_35 : vector<128x512xi32>
    %max3A_80 = arith.maxsi %slice3A_34, %slice3A_35 : vector<128x512xi32>
    %min3A_81 = arith.minsi %slice3A_36, %slice3A_37 : vector<128x512xi32>
    %max3A_82 = arith.maxsi %slice3A_36, %slice3A_37 : vector<128x512xi32>
    %min3A_83 = arith.minsi %slice3A_38, %slice3A_39 : vector<128x512xi32>
    %max3A_84 = arith.maxsi %slice3A_38, %slice3A_39 : vector<128x512xi32>
    %min3A_85 = arith.minsi %min3A_77, %min3A_79 : vector<128x512xi32>
    %max3A_86 = arith.maxsi %min3A_77, %min3A_79 : vector<128x512xi32>
    %min3A_87 = arith.minsi %max3A_78, %max3A_80 : vector<128x512xi32>
    %max3A_88 = arith.maxsi %max3A_78, %max3A_80 : vector<128x512xi32>
    %min3A_89 = arith.minsi %max3A_86, %min3A_87 : vector<128x512xi32>
    %max3A_90 = arith.maxsi %max3A_86, %min3A_87 : vector<128x512xi32>
    %min3A_91 = arith.minsi %min3A_81, %min3A_83 : vector<128x512xi32>
    %max3A_92 = arith.maxsi %min3A_81, %min3A_83 : vector<128x512xi32>
    %min3A_93 = arith.minsi %max3A_82, %max3A_84 : vector<128x512xi32>
    %max3A_94 = arith.maxsi %max3A_82, %max3A_84 : vector<128x512xi32>
    %min3A_95 = arith.minsi %max3A_92, %min3A_93 : vector<128x512xi32>
    %max3A_96 = arith.maxsi %max3A_92, %min3A_93 : vector<128x512xi32>
    %min3A_97 = arith.minsi %min3A_85, %max3A_94 : vector<128x512xi32>
    %min3A_98 = arith.minsi %min3A_89, %max3A_96 : vector<128x512xi32>
    %min3A_99 = arith.minsi %max3A_90, %min3A_95 : vector<128x512xi32>
    %min3A_100 = arith.minsi %max3A_88, %min3A_91 : vector<128x512xi32>
    %max3A_101 = arith.maxsi %min3A_85, %max3A_94 : vector<128x512xi32>
    %max3A_102 = arith.maxsi %min3A_89, %max3A_96 : vector<128x512xi32>
    %min3A_103 = arith.minsi %max3A_101, %max3A_102 : vector<128x512xi32>
    %max3A_104 = arith.maxsi %max3A_90, %min3A_95 : vector<128x512xi32>
    %max3A_105 = arith.maxsi %max3A_88, %min3A_91 : vector<128x512xi32>
    %min3A_106 = arith.minsi %max3A_104, %max3A_105 : vector<128x512xi32>
    %min3A_107 = arith.minsi %min3A_103, %min3A_106 : vector<128x512xi32>
    %min3A_108 = arith.minsi %min3A_97, %min3A_99 : vector<128x512xi32>
    %max3A_109 = arith.maxsi %min3A_97, %min3A_99 : vector<128x512xi32>
    %min3A_110 = arith.minsi %min3A_98, %min3A_100 : vector<128x512xi32>
    %max3A_111 = arith.maxsi %min3A_98, %min3A_100 : vector<128x512xi32>
    %min3A_112 = arith.minsi %min3A_108, %min3A_110 : vector<128x512xi32>
    %max3A_113 = arith.maxsi %min3A_108, %min3A_110 : vector<128x512xi32>
    %min3A_114 = arith.minsi %max3A_109, %max3A_111 : vector<128x512xi32>
    %max3A_115 = arith.maxsi %max3A_109, %max3A_111 : vector<128x512xi32>
    %min3A_116 = arith.minsi %min3A_73, %min3A_112 : vector<128x512xi32>
    %reduce_min3A = arith.constant dense<2147483647> : vector<512xi32>
    %reduce_min3A_117 = vector.multi_reduction <minsi>, %min3A_116, %reduce_min3A [0] : vector<128x512xi32> to vector<512xi32>
    %and3A_118 = arith.constant 2047 : i32
    %and3A_119 = vector.broadcast %and3A_118 : i32 to vector<512xi32>
    %and3A_120 = arith.andi %reduce_min3A_117, %and3A_119 : vector<512xi32>
    %add3A = vector.broadcast %mul3A_17 : i32 to vector<512xi32>
    %add3A_121 = arith.addi %and3A_120, %add3A : vector<512xi32>
    %swap3A = arith.constant 0 : index
    %swap3A_122 = arith.constant 0 : index
    %swap3A_123 = arith.constant 0 : index
    %swap3A_124 = vector.load %arg7[%swap3A, %swap3A_122, %swap3A_123] : memref<1x20x512xi32, #tpu.memory_space<vmem>>, vector<1x1x512xi32>
    %swap3A_125 = vector.shape_cast %swap3A_124 : vector<1x1x512xi32> to vector<512xi32>
    %swap3A_126 = vector.shape_cast %add3A_121 : vector<512xi32> to vector<1x1x512xi32>
    tpu.vector_store %arg7[%swap3A, %swap3A_122, %swap3A_123], %swap3A_126 {strides = array<i32>} : memref<1x20x512xi32, #tpu.memory_space<vmem>>, vector<1x1x512xi32>,
    %broadcast_in_dim3A_127 = vector.shape_cast %reduce_min3A_117 : vector<512xi32> to vector<1x512xi32>
    %eq3A = vector.broadcast %broadcast_in_dim3A_127 : vector<1x512xi32> to vector<128x512xi32>
    %eq3A_128 = arith.cmpi eq, %min3A_73, %eq3A : vector<128x512xi32>
    %eq3A_129 = vector.broadcast %broadcast_in_dim3A_127 : vector<1x512xi32> to vector<128x512xi32>
    %eq3A_130 = arith.cmpi eq, %min3A_112, %eq3A_129 : vector<128x512xi32>
    %select_n3A = arith.select %eq3A_128, %max3A_74, %min3A_73 : vector<128x512xi1>, vector<128x512xi32>
    %select_n3A_131 = arith.select %eq3A_128, %min3A_75, %max3A_74 : vector<128x512xi1>, vector<128x512xi32>
    %select_n3A_132 = arith.select %eq3A_128, %max3A_76, %min3A_75 : vector<128x512xi1>, vector<128x512xi32>
    %jit3A = arith.constant 2147483647 : i32
    %broadcast_in_dim3A_133 = vector.broadcast %jit3A : i32 to vector<128x512xi32>
    %select_n3A_134 = arith.select %eq3A_128, %broadcast_in_dim3A_133, %max3A_76 : vector<128x512xi1>, vector<128x512xi32>
    %select_n3A_135 = arith.select %eq3A_130, %max3A_113, %min3A_112 : vector<128x512xi1>, vector<128x512xi32>
    %select_n3A_136 = arith.select %eq3A_130, %min3A_114, %max3A_113 : vector<128x512xi1>, vector<128x512xi32>
    %select_n3A_137 = arith.select %eq3A_130, %max3A_115, %min3A_114 : vector<128x512xi1>, vector<128x512xi32>
    %jit3A_138 = arith.constant 2147483647 : i32
    %broadcast_in_dim3A_139 = vector.broadcast %jit3A_138 : i32 to vector<128x512xi32>
    %select_n3A_140 = arith.select %eq3A_130, %broadcast_in_dim3A_139, %max3A_115 : vector<128x512xi1>, vector<128x512xi32>
    %min3A_141 = arith.minsi %select_n3A, %select_n3A_135 : vector<128x512xi32>
    %reduce_min3A_142 = arith.constant dense<2147483647> : vector<512xi32>
    %reduce_min3A_143 = vector.multi_reduction <minsi>, %min3A_141, %reduce_min3A_142 [0] : vector<128x512xi32> to vector<512xi32>
    %and3A_144 = arith.constant 2047 : i32
    %and3A_145 = vector.broadcast %and3A_144 : i32 to vector<512xi32>
    %and3A_146 = arith.andi %reduce_min3A_143, %and3A_145 : vector<512xi32>
    %add3A_147 = vector.broadcast %mul3A_17 : i32 to vector<512xi32>
    %add3A_148 = arith.addi %and3A_146, %add3A_147 : vector<512xi32>
    %swap3A_149 = arith.constant 0 : index
    %swap3A_150 = arith.constant 1 : index
    %swap3A_151 = arith.constant 0 : index
    %swap3A_152 = vector.load %arg7[%swap3A_149, %swap3A_150, %swap3A_151] : memref<1x20x512xi32, #tpu.memory_space<vmem>>, vector<1x1x512xi32>
    %swap3A_153 = vector.shape_cast %swap3A_152 : vector<1x1x512xi32> to vector<512xi32>
    %swap3A_154 = vector.shape_cast %add3A_148 : vector<512xi32> to vector<1x1x512xi32>
    tpu.vector_store %arg7[%swap3A_149, %swap3A_150, %swap3A_151], %swap3A_154 {strides = array<i32>} : memref<1x20x512xi32, #tpu.memory_space<vmem>>, vector<1x1x512xi32>,
    %broadcast_in_dim3A_155 = vector.shape_cast %reduce_min3A_143 : vector<512xi32> to vector<1x512xi32>
    %eq3A_156 = vector.broadcast %broadcast_in_dim3A_155 : vector<1x512xi32> to vector<128x512xi32>
    %eq3A_157 = arith.cmpi eq, %select_n3A, %eq3A_156 : vector<128x512xi32>
    %eq3A_158 = vector.broadcast %broadcast_in_dim3A_155 : vector<1x512xi32> to vector<128x512xi32>
    %eq3A_159 = arith.cmpi eq, %select_n3A_135, %eq3A_158 : vector<128x512xi32>
    %select_n3A_160 = arith.select %eq3A_157, %select_n3A_131, %select_n3A : vector<128x512xi1>, vector<128x512xi32>
    %select_n3A_161 = arith.select %eq3A_157, %select_n3A_132, %select_n3A_131 : vector<128x512xi1>, vector<128x512xi32>
    %select_n3A_162 = arith.select %eq3A_157, %select_n3A_134, %select_n3A_132 : vector<128x512xi1>, vector<128x512xi32>
    %jit3A_163 = arith.constant 2147483647 : i32
    %broadcast_in_dim3A_164 = vector.broadcast %jit3A_163 : i32 to vector<128x512xi32>
    %select_n3A_165 = arith.select %eq3A_157, %broadcast_in_dim3A_164, %select_n3A_134 : vector<128x512xi1>, vector<128x512xi32>
    %select_n3A_166 = arith.select %eq3A_159, %select_n3A_136, %select_n3A_135 : vector<128x512xi1>, vector<128x512xi32>
    %select_n3A_167 = arith.select %eq3A_159, %select_n3A_137, %select_n3A_136 : vector<128x512xi1>, vector<128x512xi32>
    %select_n3A_168 = arith.select %eq3A_159, %select_n3A_140, %select_n3A_137 : vector<128x512xi1>, vector<128x512xi32>
    %jit3A_169 = arith.constant 2147483647 : i32
    %broadcast_in_dim3A_170 = vector.broadcast %jit3A_169 : i32 to vector<128x512xi32>
    %select_n3A_171 = arith.select %eq3A_159, %broadcast_in_dim3A_170, %select_n3A_140 : vector<128x512xi1>, vector<128x512xi32>
    %min3A_172 = arith.minsi %select_n3A_160, %select_n3A_166 : vector<128x512xi32>
    %reduce_min3A_173 = arith.constant dense<2147483647> : vector<512xi32>
    %reduce_min3A_174 = vector.multi_reduction <minsi>, %min3A_172, %reduce_min3A_173 [0] : vector<128x512xi32> to vector<512xi32>
    %and3A_175 = arith.constant 2047 : i32
    %and3A_176 = vector.broadcast %and3A_175 : i32 to vector<512xi32>
    %and3A_177 = arith.andi %reduce_min3A_174, %and3A_176 : vector<512xi32>
    %add3A_178 = vector.broadcast %mul3A_17 : i32 to vector<512xi32>
    %add3A_179 = arith.addi %and3A_177, %add3A_178 : vector<512xi32>
    %swap3A_180 = arith.constant 0 : index
    %swap3A_181 = arith.constant 2 : index
    %swap3A_182 = arith.constant 0 : index
    %swap3A_183 = vector.load %arg7[%swap3A_180, %swap3A_181, %swap3A_182] : memref<1x20x512xi32, #tpu.memory_space<vmem>>, vector<1x1x512xi32>
    %swap3A_184 = vector.shape_cast %swap3A_183 : vector<1x1x512xi32> to vector<512xi32>
    %swap3A_185 = vector.shape_cast %add3A_179 : vector<512xi32> to vector<1x1x512xi32>
    tpu.vector_store %arg7[%swap3A_180, %swap3A_181, %swap3A_182], %swap3A_185 {strides = array<i32>} : memref<1x20x512xi32, #tpu.memory_space<vmem>>, vector<1x1x512xi32>,
    %broadcast_in_dim3A_186 = vector.shape_cast %reduce_min3A_174 : vector<512xi32> to vector<1x512xi32>
    %eq3A_187 = vector.broadcast %broadcast_in_dim3A_186 : vector<1x512xi32> to vector<128x512xi32>
    %eq3A_188 = arith.cmpi eq, %select_n3A_160, %eq3A_187 : vector<128x512xi32>
    %eq3A_189 = vector.broadcast %broadcast_in_dim3A_186 : vector<1x512xi32> to vector<128x512xi32>
    %eq3A_190 = arith.cmpi eq, %select_n3A_166, %eq3A_189 : vector<128x512xi32>
    %select_n3A_191 = arith.select %eq3A_188, %select_n3A_161, %select_n3A_160 : vector<128x512xi1>, vector<128x512xi32>
    %select_n3A_192 = arith.select %eq3A_188, %select_n3A_162, %select_n3A_161 : vector<128x512xi1>, vector<128x512xi32>
    %select_n3A_193 = arith.select %eq3A_188, %select_n3A_165, %select_n3A_162 : vector<128x512xi1>, vector<128x512xi32>
    %jit3A_194 = arith.constant 2147483647 : i32
    %broadcast_in_dim3A_195 = vector.broadcast %jit3A_194 : i32 to vector<128x512xi32>
    %select_n3A_196 = arith.select %eq3A_188, %broadcast_in_dim3A_195, %select_n3A_165 : vector<128x512xi1>, vector<128x512xi32>
    %select_n3A_197 = arith.select %eq3A_190, %select_n3A_167, %select_n3A_166 : vector<128x512xi1>, vector<128x512xi32>
    %select_n3A_198 = arith.select %eq3A_190, %select_n3A_168, %select_n3A_167 : vector<128x512xi1>, vector<128x512xi32>
    %select_n3A_199 = arith.select %eq3A_190, %select_n3A_171, %select_n3A_168 : vector<128x512xi1>, vector<128x512xi32>
    %jit3A_200 = arith.constant 2147483647 : i32
    %broadcast_in_dim3A_201 = vector.broadcast %jit3A_200 : i32 to vector<128x512xi32>
    %select_n3A_202 = arith.select %eq3A_190, %broadcast_in_dim3A_201, %select_n3A_171 : vector<128x512xi1>, vector<128x512xi32>
    %min3A_203 = arith.minsi %select_n3A_191, %select_n3A_197 : vector<128x512xi32>
    %reduce_min3A_204 = arith.constant dense<2147483647> : vector<512xi32>
    %reduce_min3A_205 = vector.multi_reduction <minsi>, %min3A_203, %reduce_min3A_204 [0] : vector<128x512xi32> to vector<512xi32>
    %and3A_206 = arith.constant 2047 : i32
    %and3A_207 = vector.broadcast %and3A_206 : i32 to vector<512xi32>
    %and3A_208 = arith.andi %reduce_min3A_205, %and3A_207 : vector<512xi32>
    %add3A_209 = vector.broadcast %mul3A_17 : i32 to vector<512xi32>
    %add3A_210 = arith.addi %and3A_208, %add3A_209 : vector<512xi32>
    %swap3A_211 = arith.constant 0 : index
    %swap3A_212 = arith.constant 3 : index
    %swap3A_213 = arith.constant 0 : index
    %swap3A_214 = vector.load %arg7[%swap3A_211, %swap3A_212, %swap3A_213] : memref<1x20x512xi32, #tpu.memory_space<vmem>>, vector<1x1x512xi32>
    %swap3A_215 = vector.shape_cast %swap3A_214 : vector<1x1x512xi32> to vector<512xi32>
    %swap3A_216 = vector.shape_cast %add3A_210 : vector<512xi32> to vector<1x1x512xi32>
    tpu.vector_store %arg7[%swap3A_211, %swap3A_212, %swap3A_213], %swap3A_216 {strides = array<i32>} : memref<1x20x512xi32, #tpu.memory_space<vmem>>, vector<1x1x512xi32>,
    %broadcast_in_dim3A_217 = vector.shape_cast %reduce_min3A_205 : vector<512xi32> to vector<1x512xi32>
    %eq3A_218 = vector.broadcast %broadcast_in_dim3A_217 : vector<1x512xi32> to vector<128x512xi32>
    %eq3A_219 = arith.cmpi eq, %select_n3A_191, %eq3A_218 : vector<128x512xi32>
    %eq3A_220 = vector.broadcast %broadcast_in_dim3A_217 : vector<1x512xi32> to vector<128x512xi32>
    %eq3A_221 = arith.cmpi eq, %select_n3A_197, %eq3A_220 : vector<128x512xi32>
    %select_n3A_222 = arith.select %eq3A_219, %select_n3A_192, %select_n3A_191 : vector<128x512xi1>, vector<128x512xi32>
    %select_n3A_223 = arith.select %eq3A_219, %select_n3A_193, %select_n3A_192 : vector<128x512xi1>, vector<128x512xi32>
    %select_n3A_224 = arith.select %eq3A_219, %select_n3A_196, %select_n3A_193 : vector<128x512xi1>, vector<128x512xi32>
    %jit3A_225 = arith.constant 2147483647 : i32
    %broadcast_in_dim3A_226 = vector.broadcast %jit3A_225 : i32 to vector<128x512xi32>
    %select_n3A_227 = arith.select %eq3A_219, %broadcast_in_dim3A_226, %select_n3A_196 : vector<128x512xi1>, vector<128x512xi32>
    %select_n3A_228 = arith.select %eq3A_221, %select_n3A_198, %select_n3A_197 : vector<128x512xi1>, vector<128x512xi32>
    %select_n3A_229 = arith.select %eq3A_221, %select_n3A_199, %select_n3A_198 : vector<128x512xi1>, vector<128x512xi32>
    %select_n3A_230 = arith.select %eq3A_221, %select_n3A_202, %select_n3A_199 : vector<128x512xi1>, vector<128x512xi32>
    %jit3A_231 = arith.constant 2147483647 : i32
    %broadcast_in_dim3A_232 = vector.broadcast %jit3A_231 : i32 to vector<128x512xi32>
    %select_n3A_233 = arith.select %eq3A_221, %broadcast_in_dim3A_232, %select_n3A_202 : vector<128x512xi1>, vector<128x512xi32>
    %min3A_234 = arith.minsi %select_n3A_222, %select_n3A_228 : vector<128x512xi32>
    %reduce_min3A_235 = arith.constant dense<2147483647> : vector<512xi32>
    %reduce_min3A_236 = vector.multi_reduction <minsi>, %min3A_234, %reduce_min3A_235 [0] : vector<128x512xi32> to vector<512xi32>
    %and3A_237 = arith.constant 2047 : i32
    %and3A_238 = vector.broadcast %and3A_237 : i32 to vector<512xi32>
    %and3A_239 = arith.andi %reduce_min3A_236, %and3A_238 : vector<512xi32>
    %add3A_240 = vector.broadcast %mul3A_17 : i32 to vector<512xi32>
    %add3A_241 = arith.addi %and3A_239, %add3A_240 : vector<512xi32>
    %swap3A_242 = arith.constant 0 : index
    %swap3A_243 = arith.constant 4 : index
    %swap3A_244 = arith.constant 0 : index
    %swap3A_245 = vector.load %arg7[%swap3A_242, %swap3A_243, %swap3A_244] : memref<1x20x512xi32, #tpu.memory_space<vmem>>, vector<1x1x512xi32>
    %swap3A_246 = vector.shape_cast %swap3A_245 : vector<1x1x512xi32> to vector<512xi32>
    %swap3A_247 = vector.shape_cast %add3A_241 : vector<512xi32> to vector<1x1x512xi32>
    tpu.vector_store %arg7[%swap3A_242, %swap3A_243, %swap3A_244], %swap3A_247 {strides = array<i32>} : memref<1x20x512xi32, #tpu.memory_space<vmem>>, vector<1x1x512xi32>,
    %broadcast_in_dim3A_248 = vector.shape_cast %reduce_min3A_236 : vector<512xi32> to vector<1x512xi32>
    %eq3A_249 = vector.broadcast %broadcast_in_dim3A_248 : vector<1x512xi32> to vector<128x512xi32>
    %eq3A_250 = arith.cmpi eq, %select_n3A_222, %eq3A_249 : vector<128x512xi32>
    %eq3A_251 = vector.broadcast %broadcast_in_dim3A_248 : vector<1x512xi32> to vector<128x512xi32>
    %eq3A_252 = arith.cmpi eq, %select_n3A_228, %eq3A_251 : vector<128x512xi32>
    %select_n3A_253 = arith.select %eq3A_250, %select_n3A_223, %select_n3A_222 : vector<128x512xi1>, vector<128x512xi32>
    %select_n3A_254 = arith.select %eq3A_250, %select_n3A_224, %select_n3A_223 : vector<128x512xi1>, vector<128x512xi32>
    %select_n3A_255 = arith.select %eq3A_250, %select_n3A_227, %select_n3A_224 : vector<128x512xi1>, vector<128x512xi32>
    %jit3A_256 = arith.constant 2147483647 : i32
    %broadcast_in_dim3A_257 = vector.broadcast %jit3A_256 : i32 to vector<128x512xi32>
    %select_n3A_258 = arith.select %eq3A_250, %broadcast_in_dim3A_257, %select_n3A_227 : vector<128x512xi1>, vector<128x512xi32>
    %select_n3A_259 = arith.select %eq3A_252, %select_n3A_229, %select_n3A_228 : vector<128x512xi1>, vector<128x512xi32>
    %select_n3A_260 = arith.select %eq3A_252, %select_n3A_230, %select_n3A_229 : vector<128x512xi1>, vector<128x512xi32>
    %select_n3A_261 = arith.select %eq3A_252, %select_n3A_233, %select_n3A_230 : vector<128x512xi1>, vector<128x512xi32>
    %jit3A_262 = arith.constant 2147483647 : i32
    %broadcast_in_dim3A_263 = vector.broadcast %jit3A_262 : i32 to vector<128x512xi32>
    %select_n3A_264 = arith.select %eq3A_252, %broadcast_in_dim3A_263, %select_n3A_233 : vector<128x512xi1>, vector<128x512xi32>
    %min3A_265 = arith.minsi %select_n3A_253, %select_n3A_259 : vector<128x512xi32>
    %reduce_min3A_266 = arith.constant dense<2147483647> : vector<512xi32>
    %reduce_min3A_267 = vector.multi_reduction <minsi>, %min3A_265, %reduce_min3A_266 [0] : vector<128x512xi32> to vector<512xi32>
    %and3A_268 = arith.constant 2047 : i32
    %and3A_269 = vector.broadcast %and3A_268 : i32 to vector<512xi32>
    %and3A_270 = arith.andi %reduce_min3A_267, %and3A_269 : vector<512xi32>
    %add3A_271 = vector.broadcast %mul3A_17 : i32 to vector<512xi32>
    %add3A_272 = arith.addi %and3A_270, %add3A_271 : vector<512xi32>
    %swap3A_273 = arith.constant 0 : index
    %swap3A_274 = arith.constant 5 : index
    %swap3A_275 = arith.constant 0 : index
    %swap3A_276 = vector.load %arg7[%swap3A_273, %swap3A_274, %swap3A_275] : memref<1x20x512xi32, #tpu.memory_space<vmem>>, vector<1x1x512xi32>
    %swap3A_277 = vector.shape_cast %swap3A_276 : vector<1x1x512xi32> to vector<512xi32>
    %swap3A_278 = vector.shape_cast %add3A_272 : vector<512xi32> to vector<1x1x512xi32>
    tpu.vector_store %arg7[%swap3A_273, %swap3A_274, %swap3A_275], %swap3A_278 {strides = array<i32>} : memref<1x20x512xi32, #tpu.memory_space<vmem>>, vector<1x1x512xi32>,
    %broadcast_in_dim3A_279 = vector.shape_cast %reduce_min3A_267 : vector<512xi32> to vector<1x512xi32>
    %eq3A_280 = vector.broadcast %broadcast_in_dim3A_279 : vector<1x512xi32> to vector<128x512xi32>
    %eq3A_281 = arith.cmpi eq, %select_n3A_253, %eq3A_280 : vector<128x512xi32>
    %eq3A_282 = vector.broadcast %broadcast_in_dim3A_279 : vector<1x512xi32> to vector<128x512xi32>
    %eq3A_283 = arith.cmpi eq, %select_n3A_259, %eq3A_282 : vector<128x512xi32>
    %select_n3A_284 = arith.select %eq3A_281, %select_n3A_254, %select_n3A_253 : vector<128x512xi1>, vector<128x512xi32>
    %select_n3A_285 = arith.select %eq3A_281, %select_n3A_255, %select_n3A_254 : vector<128x512xi1>, vector<128x512xi32>
    %select_n3A_286 = arith.select %eq3A_281, %select_n3A_258, %select_n3A_255 : vector<128x512xi1>, vector<128x512xi32>
    %jit3A_287 = arith.constant 2147483647 : i32
    %broadcast_in_dim3A_288 = vector.broadcast %jit3A_287 : i32 to vector<128x512xi32>
    %select_n3A_289 = arith.select %eq3A_281, %broadcast_in_dim3A_288, %select_n3A_258 : vector<128x512xi1>, vector<128x512xi32>
    %select_n3A_290 = arith.select %eq3A_283, %select_n3A_260, %select_n3A_259 : vector<128x512xi1>, vector<128x512xi32>
    %select_n3A_291 = arith.select %eq3A_283, %select_n3A_261, %select_n3A_260 : vector<128x512xi1>, vector<128x512xi32>
    %select_n3A_292 = arith.select %eq3A_283, %select_n3A_264, %select_n3A_261 : vector<128x512xi1>, vector<128x512xi32>
    %jit3A_293 = arith.constant 2147483647 : i32
    %broadcast_in_dim3A_294 = vector.broadcast %jit3A_293 : i32 to vector<128x512xi32>
    %select_n3A_295 = arith.select %eq3A_283, %broadcast_in_dim3A_294, %select_n3A_264 : vector<128x512xi1>, vector<128x512xi32>
    %min3A_296 = arith.minsi %select_n3A_284, %select_n3A_290 : vector<128x512xi32>
    %reduce_min3A_297 = arith.constant dense<2147483647> : vector<512xi32>
    %reduce_min3A_298 = vector.multi_reduction <minsi>, %min3A_296, %reduce_min3A_297 [0] : vector<128x512xi32> to vector<512xi32>
    %and3A_299 = arith.constant 2047 : i32
    %and3A_300 = vector.broadcast %and3A_299 : i32 to vector<512xi32>
    %and3A_301 = arith.andi %reduce_min3A_298, %and3A_300 : vector<512xi32>
    %add3A_302 = vector.broadcast %mul3A_17 : i32 to vector<512xi32>
    %add3A_303 = arith.addi %and3A_301, %add3A_302 : vector<512xi32>
    %swap3A_304 = arith.constant 0 : index
    %swap3A_305 = arith.constant 6 : index
    %swap3A_306 = arith.constant 0 : index
    %swap3A_307 = vector.load %arg7[%swap3A_304, %swap3A_305, %swap3A_306] : memref<1x20x512xi32, #tpu.memory_space<vmem>>, vector<1x1x512xi32>
    %swap3A_308 = vector.shape_cast %swap3A_307 : vector<1x1x512xi32> to vector<512xi32>
    %swap3A_309 = vector.shape_cast %add3A_303 : vector<512xi32> to vector<1x1x512xi32>
    tpu.vector_store %arg7[%swap3A_304, %swap3A_305, %swap3A_306], %swap3A_309 {strides = array<i32>} : memref<1x20x512xi32, #tpu.memory_space<vmem>>, vector<1x1x512xi32>,
    %broadcast_in_dim3A_310 = vector.shape_cast %reduce_min3A_298 : vector<512xi32> to vector<1x512xi32>
    %eq3A_311 = vector.broadcast %broadcast_in_dim3A_310 : vector<1x512xi32> to vector<128x512xi32>
    %eq3A_312 = arith.cmpi eq, %select_n3A_284, %eq3A_311 : vector<128x512xi32>
    %eq3A_313 = vector.broadcast %broadcast_in_dim3A_310 : vector<1x512xi32> to vector<128x512xi32>
    %eq3A_314 = arith.cmpi eq, %select_n3A_290, %eq3A_313 : vector<128x512xi32>
    %select_n3A_315 = arith.select %eq3A_312, %select_n3A_285, %select_n3A_284 : vector<128x512xi1>, vector<128x512xi32>
    %select_n3A_316 = arith.select %eq3A_312, %select_n3A_286, %select_n3A_285 : vector<128x512xi1>, vector<128x512xi32>
    %select_n3A_317 = arith.select %eq3A_312, %select_n3A_289, %select_n3A_286 : vector<128x512xi1>, vector<128x512xi32>
    %jit3A_318 = arith.constant 2147483647 : i32
    %broadcast_in_dim3A_319 = vector.broadcast %jit3A_318 : i32 to vector<128x512xi32>
    %select_n3A_320 = arith.select %eq3A_312, %broadcast_in_dim3A_319, %select_n3A_289 : vector<128x512xi1>, vector<128x512xi32>
    %select_n3A_321 = arith.select %eq3A_314, %select_n3A_291, %select_n3A_290 : vector<128x512xi1>, vector<128x512xi32>
    %select_n3A_322 = arith.select %eq3A_314, %select_n3A_292, %select_n3A_291 : vector<128x512xi1>, vector<128x512xi32>
    %select_n3A_323 = arith.select %eq3A_314, %select_n3A_295, %select_n3A_292 : vector<128x512xi1>, vector<128x512xi32>
    %jit3A_324 = arith.constant 2147483647 : i32
    %broadcast_in_dim3A_325 = vector.broadcast %jit3A_324 : i32 to vector<128x512xi32>
    %select_n3A_326 = arith.select %eq3A_314, %broadcast_in_dim3A_325, %select_n3A_295 : vector<128x512xi1>, vector<128x512xi32>
    %min3A_327 = arith.minsi %select_n3A_315, %select_n3A_321 : vector<128x512xi32>
    %reduce_min3A_328 = arith.constant dense<2147483647> : vector<512xi32>
    %reduce_min3A_329 = vector.multi_reduction <minsi>, %min3A_327, %reduce_min3A_328 [0] : vector<128x512xi32> to vector<512xi32>
    %and3A_330 = arith.constant 2047 : i32
    %and3A_331 = vector.broadcast %and3A_330 : i32 to vector<512xi32>
    %and3A_332 = arith.andi %reduce_min3A_329, %and3A_331 : vector<512xi32>
    %add3A_333 = vector.broadcast %mul3A_17 : i32 to vector<512xi32>
    %add3A_334 = arith.addi %and3A_332, %add3A_333 : vector<512xi32>
    %swap3A_335 = arith.constant 0 : index
    %swap3A_336 = arith.constant 7 : index
    %swap3A_337 = arith.constant 0 : index
    %swap3A_338 = vector.load %arg7[%swap3A_335, %swap3A_336, %swap3A_337] : memref<1x20x512xi32, #tpu.memory_space<vmem>>, vector<1x1x512xi32>
    %swap3A_339 = vector.shape_cast %swap3A_338 : vector<1x1x512xi32> to vector<512xi32>
    %swap3A_340 = vector.shape_cast %add3A_334 : vector<512xi32> to vector<1x1x512xi32>
    tpu.vector_store %arg7[%swap3A_335, %swap3A_336, %swap3A_337], %swap3A_340 {strides = array<i32>} : memref<1x20x512xi32, #tpu.memory_space<vmem>>, vector<1x1x512xi32>,
    %broadcast_in_dim3A_341 = vector.shape_cast %reduce_min3A_329 : vector<512xi32> to vector<1x512xi32>
    %eq3A_342 = vector.broadcast %broadcast_in_dim3A_341 : vector<1x512xi32> to vector<128x512xi32>
    %eq3A_343 = arith.cmpi eq, %select_n3A_315, %eq3A_342 : vector<128x512xi32>
    %eq3A_344 = vector.broadcast %broadcast_in_dim3A_341 : vector<1x512xi32> to vector<128x512xi32>
    %eq3A_345 = arith.cmpi eq, %select_n3A_321, %eq3A_344 : vector<128x512xi32>
    %select_n3A_346 = arith.select %eq3A_343, %select_n3A_316, %select_n3A_315 : vector<128x512xi1>, vector<128x512xi32>
    %select_n3A_347 = arith.select %eq3A_343, %select_n3A_317, %select_n3A_316 : vector<128x512xi1>, vector<128x512xi32>
    %select_n3A_348 = arith.select %eq3A_343, %select_n3A_320, %select_n3A_317 : vector<128x512xi1>, vector<128x512xi32>
    %jit3A_349 = arith.constant 2147483647 : i32
    %broadcast_in_dim3A_350 = vector.broadcast %jit3A_349 : i32 to vector<128x512xi32>
    %select_n3A_351 = arith.select %eq3A_343, %broadcast_in_dim3A_350, %select_n3A_320 : vector<128x512xi1>, vector<128x512xi32>
    %select_n3A_352 = arith.select %eq3A_345, %select_n3A_322, %select_n3A_321 : vector<128x512xi1>, vector<128x512xi32>
    %select_n3A_353 = arith.select %eq3A_345, %select_n3A_323, %select_n3A_322 : vector<128x512xi1>, vector<128x512xi32>
    %select_n3A_354 = arith.select %eq3A_345, %select_n3A_326, %select_n3A_323 : vector<128x512xi1>, vector<128x512xi32>
    %jit3A_355 = arith.constant 2147483647 : i32
    %broadcast_in_dim3A_356 = vector.broadcast %jit3A_355 : i32 to vector<128x512xi32>
    %select_n3A_357 = arith.select %eq3A_345, %broadcast_in_dim3A_356, %select_n3A_326 : vector<128x512xi1>, vector<128x512xi32>
    %min3A_358 = arith.minsi %select_n3A_346, %select_n3A_352 : vector<128x512xi32>
    %reduce_min3A_359 = arith.constant dense<2147483647> : vector<512xi32>
    %reduce_min3A_360 = vector.multi_reduction <minsi>, %min3A_358, %reduce_min3A_359 [0] : vector<128x512xi32> to vector<512xi32>
    %and3A_361 = arith.constant 2047 : i32
    %and3A_362 = vector.broadcast %and3A_361 : i32 to vector<512xi32>
    %and3A_363 = arith.andi %reduce_min3A_360, %and3A_362 : vector<512xi32>
    %add3A_364 = vector.broadcast %mul3A_17 : i32 to vector<512xi32>
    %add3A_365 = arith.addi %and3A_363, %add3A_364 : vector<512xi32>
    %swap3A_366 = arith.constant 0 : index
    %swap3A_367 = arith.constant 8 : index
    %swap3A_368 = arith.constant 0 : index
    %swap3A_369 = vector.load %arg7[%swap3A_366, %swap3A_367, %swap3A_368] : memref<1x20x512xi32, #tpu.memory_space<vmem>>, vector<1x1x512xi32>
    %swap3A_370 = vector.shape_cast %swap3A_369 : vector<1x1x512xi32> to vector<512xi32>
    %swap3A_371 = vector.shape_cast %add3A_365 : vector<512xi32> to vector<1x1x512xi32>
    tpu.vector_store %arg7[%swap3A_366, %swap3A_367, %swap3A_368], %swap3A_371 {strides = array<i32>} : memref<1x20x512xi32, #tpu.memory_space<vmem>>, vector<1x1x512xi32>,
    %broadcast_in_dim3A_372 = vector.shape_cast %reduce_min3A_360 : vector<512xi32> to vector<1x512xi32>
    %eq3A_373 = vector.broadcast %broadcast_in_dim3A_372 : vector<1x512xi32> to vector<128x512xi32>
    %eq3A_374 = arith.cmpi eq, %select_n3A_346, %eq3A_373 : vector<128x512xi32>
    %eq3A_375 = vector.broadcast %broadcast_in_dim3A_372 : vector<1x512xi32> to vector<128x512xi32>
    %eq3A_376 = arith.cmpi eq, %select_n3A_352, %eq3A_375 : vector<128x512xi32>
    %select_n3A_377 = arith.select %eq3A_374, %select_n3A_347, %select_n3A_346 : vector<128x512xi1>, vector<128x512xi32>
    %select_n3A_378 = arith.select %eq3A_374, %select_n3A_348, %select_n3A_347 : vector<128x512xi1>, vector<128x512xi32>
    %select_n3A_379 = arith.select %eq3A_374, %select_n3A_351, %select_n3A_348 : vector<128x512xi1>, vector<128x512xi32>
    %jit3A_380 = arith.constant 2147483647 : i32
    %broadcast_in_dim3A_381 = vector.broadcast %jit3A_380 : i32 to vector<128x512xi32>
    %select_n3A_382 = arith.select %eq3A_374, %broadcast_in_dim3A_381, %select_n3A_351 : vector<128x512xi1>, vector<128x512xi32>
    %select_n3A_383 = arith.select %eq3A_376, %select_n3A_353, %select_n3A_352 : vector<128x512xi1>, vector<128x512xi32>
    %select_n3A_384 = arith.select %eq3A_376, %select_n3A_354, %select_n3A_353 : vector<128x512xi1>, vector<128x512xi32>
    %select_n3A_385 = arith.select %eq3A_376, %select_n3A_357, %select_n3A_354 : vector<128x512xi1>, vector<128x512xi32>
    %jit3A_386 = arith.constant 2147483647 : i32
    %broadcast_in_dim3A_387 = vector.broadcast %jit3A_386 : i32 to vector<128x512xi32>
    %select_n3A_388 = arith.select %eq3A_376, %broadcast_in_dim3A_387, %select_n3A_357 : vector<128x512xi1>, vector<128x512xi32>
    %min3A_389 = arith.minsi %select_n3A_377, %select_n3A_383 : vector<128x512xi32>
    %reduce_min3A_390 = arith.constant dense<2147483647> : vector<512xi32>
    %reduce_min3A_391 = vector.multi_reduction <minsi>, %min3A_389, %reduce_min3A_390 [0] : vector<128x512xi32> to vector<512xi32>
    %and3A_392 = arith.constant 2047 : i32
    %and3A_393 = vector.broadcast %and3A_392 : i32 to vector<512xi32>
    %and3A_394 = arith.andi %reduce_min3A_391, %and3A_393 : vector<512xi32>
    %add3A_395 = vector.broadcast %mul3A_17 : i32 to vector<512xi32>
    %add3A_396 = arith.addi %and3A_394, %add3A_395 : vector<512xi32>
    %swap3A_397 = arith.constant 0 : index
    %swap3A_398 = arith.constant 9 : index
    %swap3A_399 = arith.constant 0 : index
    %swap3A_400 = vector.load %arg7[%swap3A_397, %swap3A_398, %swap3A_399] : memref<1x20x512xi32, #tpu.memory_space<vmem>>, vector<1x1x512xi32>
    %swap3A_401 = vector.shape_cast %swap3A_400 : vector<1x1x512xi32> to vector<512xi32>
    %swap3A_402 = vector.shape_cast %add3A_396 : vector<512xi32> to vector<1x1x512xi32>
    tpu.vector_store %arg7[%swap3A_397, %swap3A_398, %swap3A_399], %swap3A_402 {strides = array<i32>} : memref<1x20x512xi32, #tpu.memory_space<vmem>>, vector<1x1x512xi32>,
    %broadcast_in_dim3A_403 = vector.shape_cast %reduce_min3A_391 : vector<512xi32> to vector<1x512xi32>
    %eq3A_404 = vector.broadcast %broadcast_in_dim3A_403 : vector<1x512xi32> to vector<128x512xi32>
    %eq3A_405 = arith.cmpi eq, %select_n3A_377, %eq3A_404 : vector<128x512xi32>
    %eq3A_406 = vector.broadcast %broadcast_in_dim3A_403 : vector<1x512xi32> to vector<128x512xi32>
    %eq3A_407 = arith.cmpi eq, %select_n3A_383, %eq3A_406 : vector<128x512xi32>
    %select_n3A_408 = arith.select %eq3A_405, %select_n3A_378, %select_n3A_377 : vector<128x512xi1>, vector<128x512xi32>
    %select_n3A_409 = arith.select %eq3A_405, %select_n3A_379, %select_n3A_378 : vector<128x512xi1>, vector<128x512xi32>
    %select_n3A_410 = arith.select %eq3A_405, %select_n3A_382, %select_n3A_379 : vector<128x512xi1>, vector<128x512xi32>
    %jit3A_411 = arith.constant 2147483647 : i32
    %broadcast_in_dim3A_412 = vector.broadcast %jit3A_411 : i32 to vector<128x512xi32>
    %select_n3A_413 = arith.select %eq3A_405, %broadcast_in_dim3A_412, %select_n3A_382 : vector<128x512xi1>, vector<128x512xi32>
    %select_n3A_414 = arith.select %eq3A_407, %select_n3A_384, %select_n3A_383 : vector<128x512xi1>, vector<128x512xi32>
    %select_n3A_415 = arith.select %eq3A_407, %select_n3A_385, %select_n3A_384 : vector<128x512xi1>, vector<128x512xi32>
    %select_n3A_416 = arith.select %eq3A_407, %select_n3A_388, %select_n3A_385 : vector<128x512xi1>, vector<128x512xi32>
    %jit3A_417 = arith.constant 2147483647 : i32
    %broadcast_in_dim3A_418 = vector.broadcast %jit3A_417 : i32 to vector<128x512xi32>
    %select_n3A_419 = arith.select %eq3A_407, %broadcast_in_dim3A_418, %select_n3A_388 : vector<128x512xi1>, vector<128x512xi32>
    %min3A_420 = arith.minsi %select_n3A_408, %select_n3A_414 : vector<128x512xi32>
    %reduce_min3A_421 = arith.constant dense<2147483647> : vector<512xi32>
    %reduce_min3A_422 = vector.multi_reduction <minsi>, %min3A_420, %reduce_min3A_421 [0] : vector<128x512xi32> to vector<512xi32>
    %and3A_423 = arith.constant 2047 : i32
    %and3A_424 = vector.broadcast %and3A_423 : i32 to vector<512xi32>
    %and3A_425 = arith.andi %reduce_min3A_422, %and3A_424 : vector<512xi32>
    %add3A_426 = vector.broadcast %mul3A_17 : i32 to vector<512xi32>
    %add3A_427 = arith.addi %and3A_425, %add3A_426 : vector<512xi32>
    %swap3A_428 = arith.constant 0 : index
    %swap3A_429 = arith.constant 10 : index
    %swap3A_430 = arith.constant 0 : index
    %swap3A_431 = vector.load %arg7[%swap3A_428, %swap3A_429, %swap3A_430] : memref<1x20x512xi32, #tpu.memory_space<vmem>>, vector<1x1x512xi32>
    %swap3A_432 = vector.shape_cast %swap3A_431 : vector<1x1x512xi32> to vector<512xi32>
    %swap3A_433 = vector.shape_cast %add3A_427 : vector<512xi32> to vector<1x1x512xi32>
    tpu.vector_store %arg7[%swap3A_428, %swap3A_429, %swap3A_430], %swap3A_433 {strides = array<i32>} : memref<1x20x512xi32, #tpu.memory_space<vmem>>, vector<1x1x512xi32>,
    %broadcast_in_dim3A_434 = vector.shape_cast %reduce_min3A_422 : vector<512xi32> to vector<1x512xi32>
    %eq3A_435 = vector.broadcast %broadcast_in_dim3A_434 : vector<1x512xi32> to vector<128x512xi32>
    %eq3A_436 = arith.cmpi eq, %select_n3A_408, %eq3A_435 : vector<128x512xi32>
    %eq3A_437 = vector.broadcast %broadcast_in_dim3A_434 : vector<1x512xi32> to vector<128x512xi32>
    %eq3A_438 = arith.cmpi eq, %select_n3A_414, %eq3A_437 : vector<128x512xi32>
    %select_n3A_439 = arith.select %eq3A_436, %select_n3A_409, %select_n3A_408 : vector<128x512xi1>, vector<128x512xi32>
    %select_n3A_440 = arith.select %eq3A_436, %select_n3A_410, %select_n3A_409 : vector<128x512xi1>, vector<128x512xi32>
    %select_n3A_441 = arith.select %eq3A_436, %select_n3A_413, %select_n3A_410 : vector<128x512xi1>, vector<128x512xi32>
    %jit3A_442 = arith.constant 2147483647 : i32
    %broadcast_in_dim3A_443 = vector.broadcast %jit3A_442 : i32 to vector<128x512xi32>
    %select_n3A_444 = arith.select %eq3A_436, %broadcast_in_dim3A_443, %select_n3A_413 : vector<128x512xi1>, vector<128x512xi32>
    %select_n3A_445 = arith.select %eq3A_438, %select_n3A_415, %select_n3A_414 : vector<128x512xi1>, vector<128x512xi32>
    %select_n3A_446 = arith.select %eq3A_438, %select_n3A_416, %select_n3A_415 : vector<128x512xi1>, vector<128x512xi32>
    %select_n3A_447 = arith.select %eq3A_438, %select_n3A_419, %select_n3A_416 : vector<128x512xi1>, vector<128x512xi32>
    %jit3A_448 = arith.constant 2147483647 : i32
    %broadcast_in_dim3A_449 = vector.broadcast %jit3A_448 : i32 to vector<128x512xi32>
    %select_n3A_450 = arith.select %eq3A_438, %broadcast_in_dim3A_449, %select_n3A_419 : vector<128x512xi1>, vector<128x512xi32>
    %min3A_451 = arith.minsi %select_n3A_439, %select_n3A_445 : vector<128x512xi32>
    %reduce_min3A_452 = arith.constant dense<2147483647> : vector<512xi32>
    %reduce_min3A_453 = vector.multi_reduction <minsi>, %min3A_451, %reduce_min3A_452 [0] : vector<128x512xi32> to vector<512xi32>
    %and3A_454 = arith.constant 2047 : i32
    %and3A_455 = vector.broadcast %and3A_454 : i32 to vector<512xi32>
    %and3A_456 = arith.andi %reduce_min3A_453, %and3A_455 : vector<512xi32>
    %add3A_457 = vector.broadcast %mul3A_17 : i32 to vector<512xi32>
    %add3A_458 = arith.addi %and3A_456, %add3A_457 : vector<512xi32>
    %swap3A_459 = arith.constant 0 : index
    %swap3A_460 = arith.constant 11 : index
    %swap3A_461 = arith.constant 0 : index
    %swap3A_462 = vector.load %arg7[%swap3A_459, %swap3A_460, %swap3A_461] : memref<1x20x512xi32, #tpu.memory_space<vmem>>, vector<1x1x512xi32>
    %swap3A_463 = vector.shape_cast %swap3A_462 : vector<1x1x512xi32> to vector<512xi32>
    %swap3A_464 = vector.shape_cast %add3A_458 : vector<512xi32> to vector<1x1x512xi32>
    tpu.vector_store %arg7[%swap3A_459, %swap3A_460, %swap3A_461], %swap3A_464 {strides = array<i32>} : memref<1x20x512xi32, #tpu.memory_space<vmem>>, vector<1x1x512xi32>,
    %broadcast_in_dim3A_465 = vector.shape_cast %reduce_min3A_453 : vector<512xi32> to vector<1x512xi32>
    %eq3A_466 = vector.broadcast %broadcast_in_dim3A_465 : vector<1x512xi32> to vector<128x512xi32>
    %eq3A_467 = arith.cmpi eq, %select_n3A_439, %eq3A_466 : vector<128x512xi32>
    %eq3A_468 = vector.broadcast %broadcast_in_dim3A_465 : vector<1x512xi32> to vector<128x512xi32>
    %eq3A_469 = arith.cmpi eq, %select_n3A_445, %eq3A_468 : vector<128x512xi32>
    %select_n3A_470 = arith.select %eq3A_467, %select_n3A_440, %select_n3A_439 : vector<128x512xi1>, vector<128x512xi32>
    %select_n3A_471 = arith.select %eq3A_467, %select_n3A_441, %select_n3A_440 : vector<128x512xi1>, vector<128x512xi32>
    %select_n3A_472 = arith.select %eq3A_467, %select_n3A_444, %select_n3A_441 : vector<128x512xi1>, vector<128x512xi32>
    %jit3A_473 = arith.constant 2147483647 : i32
    %broadcast_in_dim3A_474 = vector.broadcast %jit3A_473 : i32 to vector<128x512xi32>
    %select_n3A_475 = arith.select %eq3A_467, %broadcast_in_dim3A_474, %select_n3A_444 : vector<128x512xi1>, vector<128x512xi32>
    %select_n3A_476 = arith.select %eq3A_469, %select_n3A_446, %select_n3A_445 : vector<128x512xi1>, vector<128x512xi32>
    %select_n3A_477 = arith.select %eq3A_469, %select_n3A_447, %select_n3A_446 : vector<128x512xi1>, vector<128x512xi32>
    %select_n3A_478 = arith.select %eq3A_469, %select_n3A_450, %select_n3A_447 : vector<128x512xi1>, vector<128x512xi32>
    %jit3A_479 = arith.constant 2147483647 : i32
    %broadcast_in_dim3A_480 = vector.broadcast %jit3A_479 : i32 to vector<128x512xi32>
    %select_n3A_481 = arith.select %eq3A_469, %broadcast_in_dim3A_480, %select_n3A_450 : vector<128x512xi1>, vector<128x512xi32>
    %min3A_482 = arith.minsi %select_n3A_470, %select_n3A_476 : vector<128x512xi32>
    %reduce_min3A_483 = arith.constant dense<2147483647> : vector<512xi32>
    %reduce_min3A_484 = vector.multi_reduction <minsi>, %min3A_482, %reduce_min3A_483 [0] : vector<128x512xi32> to vector<512xi32>
    %and3A_485 = arith.constant 2047 : i32
    %and3A_486 = vector.broadcast %and3A_485 : i32 to vector<512xi32>
    %and3A_487 = arith.andi %reduce_min3A_484, %and3A_486 : vector<512xi32>
    %add3A_488 = vector.broadcast %mul3A_17 : i32 to vector<512xi32>
    %add3A_489 = arith.addi %and3A_487, %add3A_488 : vector<512xi32>
    %swap3A_490 = arith.constant 0 : index
    %swap3A_491 = arith.constant 12 : index
    %swap3A_492 = arith.constant 0 : index
    %swap3A_493 = vector.load %arg7[%swap3A_490, %swap3A_491, %swap3A_492] : memref<1x20x512xi32, #tpu.memory_space<vmem>>, vector<1x1x512xi32>
    %swap3A_494 = vector.shape_cast %swap3A_493 : vector<1x1x512xi32> to vector<512xi32>
    %swap3A_495 = vector.shape_cast %add3A_489 : vector<512xi32> to vector<1x1x512xi32>
    tpu.vector_store %arg7[%swap3A_490, %swap3A_491, %swap3A_492], %swap3A_495 {strides = array<i32>} : memref<1x20x512xi32, #tpu.memory_space<vmem>>, vector<1x1x512xi32>,
    %broadcast_in_dim3A_496 = vector.shape_cast %reduce_min3A_484 : vector<512xi32> to vector<1x512xi32>
    %eq3A_497 = vector.broadcast %broadcast_in_dim3A_496 : vector<1x512xi32> to vector<128x512xi32>
    %eq3A_498 = arith.cmpi eq, %select_n3A_470, %eq3A_497 : vector<128x512xi32>
    %eq3A_499 = vector.broadcast %broadcast_in_dim3A_496 : vector<1x512xi32> to vector<128x512xi32>
    %eq3A_500 = arith.cmpi eq, %select_n3A_476, %eq3A_499 : vector<128x512xi32>
    %select_n3A_501 = arith.select %eq3A_498, %select_n3A_471, %select_n3A_470 : vector<128x512xi1>, vector<128x512xi32>
    %select_n3A_502 = arith.select %eq3A_498, %select_n3A_472, %select_n3A_471 : vector<128x512xi1>, vector<128x512xi32>
    %select_n3A_503 = arith.select %eq3A_498, %select_n3A_475, %select_n3A_472 : vector<128x512xi1>, vector<128x512xi32>
    %jit3A_504 = arith.constant 2147483647 : i32
    %broadcast_in_dim3A_505 = vector.broadcast %jit3A_504 : i32 to vector<128x512xi32>
    %select_n3A_506 = arith.select %eq3A_498, %broadcast_in_dim3A_505, %select_n3A_475 : vector<128x512xi1>, vector<128x512xi32>
    %select_n3A_507 = arith.select %eq3A_500, %select_n3A_477, %select_n3A_476 : vector<128x512xi1>, vector<128x512xi32>
    %select_n3A_508 = arith.select %eq3A_500, %select_n3A_478, %select_n3A_477 : vector<128x512xi1>, vector<128x512xi32>
    %select_n3A_509 = arith.select %eq3A_500, %select_n3A_481, %select_n3A_478 : vector<128x512xi1>, vector<128x512xi32>
    %jit3A_510 = arith.constant 2147483647 : i32
    %broadcast_in_dim3A_511 = vector.broadcast %jit3A_510 : i32 to vector<128x512xi32>
    %select_n3A_512 = arith.select %eq3A_500, %broadcast_in_dim3A_511, %select_n3A_481 : vector<128x512xi1>, vector<128x512xi32>
    %min3A_513 = arith.minsi %select_n3A_501, %select_n3A_507 : vector<128x512xi32>
    %reduce_min3A_514 = arith.constant dense<2147483647> : vector<512xi32>
    %reduce_min3A_515 = vector.multi_reduction <minsi>, %min3A_513, %reduce_min3A_514 [0] : vector<128x512xi32> to vector<512xi32>
    %and3A_516 = arith.constant 2047 : i32
    %and3A_517 = vector.broadcast %and3A_516 : i32 to vector<512xi32>
    %and3A_518 = arith.andi %reduce_min3A_515, %and3A_517 : vector<512xi32>
    %add3A_519 = vector.broadcast %mul3A_17 : i32 to vector<512xi32>
    %add3A_520 = arith.addi %and3A_518, %add3A_519 : vector<512xi32>
    %swap3A_521 = arith.constant 0 : index
    %swap3A_522 = arith.constant 13 : index
    %swap3A_523 = arith.constant 0 : index
    %swap3A_524 = vector.load %arg7[%swap3A_521, %swap3A_522, %swap3A_523] : memref<1x20x512xi32, #tpu.memory_space<vmem>>, vector<1x1x512xi32>
    %swap3A_525 = vector.shape_cast %swap3A_524 : vector<1x1x512xi32> to vector<512xi32>
    %swap3A_526 = vector.shape_cast %add3A_520 : vector<512xi32> to vector<1x1x512xi32>
    tpu.vector_store %arg7[%swap3A_521, %swap3A_522, %swap3A_523], %swap3A_526 {strides = array<i32>} : memref<1x20x512xi32, #tpu.memory_space<vmem>>, vector<1x1x512xi32>,
    %broadcast_in_dim3A_527 = vector.shape_cast %reduce_min3A_515 : vector<512xi32> to vector<1x512xi32>
    %eq3A_528 = vector.broadcast %broadcast_in_dim3A_527 : vector<1x512xi32> to vector<128x512xi32>
    %eq3A_529 = arith.cmpi eq, %select_n3A_501, %eq3A_528 : vector<128x512xi32>
    %eq3A_530 = vector.broadcast %broadcast_in_dim3A_527 : vector<1x512xi32> to vector<128x512xi32>
    %eq3A_531 = arith.cmpi eq, %select_n3A_507, %eq3A_530 : vector<128x512xi32>
    %select_n3A_532 = arith.select %eq3A_529, %select_n3A_502, %select_n3A_501 : vector<128x512xi1>, vector<128x512xi32>
    %select_n3A_533 = arith.select %eq3A_529, %select_n3A_503, %select_n3A_502 : vector<128x512xi1>, vector<128x512xi32>
    %select_n3A_534 = arith.select %eq3A_529, %select_n3A_506, %select_n3A_503 : vector<128x512xi1>, vector<128x512xi32>
    %jit3A_535 = arith.constant 2147483647 : i32
    %broadcast_in_dim3A_536 = vector.broadcast %jit3A_535 : i32 to vector<128x512xi32>
    %select_n3A_537 = arith.select %eq3A_529, %broadcast_in_dim3A_536, %select_n3A_506 : vector<128x512xi1>, vector<128x512xi32>
    %select_n3A_538 = arith.select %eq3A_531, %select_n3A_508, %select_n3A_507 : vector<128x512xi1>, vector<128x512xi32>
    %select_n3A_539 = arith.select %eq3A_531, %select_n3A_509, %select_n3A_508 : vector<128x512xi1>, vector<128x512xi32>
    %select_n3A_540 = arith.select %eq3A_531, %select_n3A_512, %select_n3A_509 : vector<128x512xi1>, vector<128x512xi32>
    %jit3A_541 = arith.constant 2147483647 : i32
    %broadcast_in_dim3A_542 = vector.broadcast %jit3A_541 : i32 to vector<128x512xi32>
    %select_n3A_543 = arith.select %eq3A_531, %broadcast_in_dim3A_542, %select_n3A_512 : vector<128x512xi1>, vector<128x512xi32>
    %min3A_544 = arith.minsi %select_n3A_532, %select_n3A_538 : vector<128x512xi32>
    %reduce_min3A_545 = arith.constant dense<2147483647> : vector<512xi32>
    %reduce_min3A_546 = vector.multi_reduction <minsi>, %min3A_544, %reduce_min3A_545 [0] : vector<128x512xi32> to vector<512xi32>
    %and3A_547 = arith.constant 2047 : i32
    %and3A_548 = vector.broadcast %and3A_547 : i32 to vector<512xi32>
    %and3A_549 = arith.andi %reduce_min3A_546, %and3A_548 : vector<512xi32>
    %add3A_550 = vector.broadcast %mul3A_17 : i32 to vector<512xi32>
    %add3A_551 = arith.addi %and3A_549, %add3A_550 : vector<512xi32>
    %swap3A_552 = arith.constant 0 : index
    %swap3A_553 = arith.constant 14 : index
    %swap3A_554 = arith.constant 0 : index
    %swap3A_555 = vector.load %arg7[%swap3A_552, %swap3A_553, %swap3A_554] : memref<1x20x512xi32, #tpu.memory_space<vmem>>, vector<1x1x512xi32>
    %swap3A_556 = vector.shape_cast %swap3A_555 : vector<1x1x512xi32> to vector<512xi32>
    %swap3A_557 = vector.shape_cast %add3A_551 : vector<512xi32> to vector<1x1x512xi32>
    tpu.vector_store %arg7[%swap3A_552, %swap3A_553, %swap3A_554], %swap3A_557 {strides = array<i32>} : memref<1x20x512xi32, #tpu.memory_space<vmem>>, vector<1x1x512xi32>,
    %broadcast_in_dim3A_558 = vector.shape_cast %reduce_min3A_546 : vector<512xi32> to vector<1x512xi32>
    %eq3A_559 = vector.broadcast %broadcast_in_dim3A_558 : vector<1x512xi32> to vector<128x512xi32>
    %eq3A_560 = arith.cmpi eq, %select_n3A_532, %eq3A_559 : vector<128x512xi32>
    %eq3A_561 = vector.broadcast %broadcast_in_dim3A_558 : vector<1x512xi32> to vector<128x512xi32>
    %eq3A_562 = arith.cmpi eq, %select_n3A_538, %eq3A_561 : vector<128x512xi32>
    %select_n3A_563 = arith.select %eq3A_560, %select_n3A_533, %select_n3A_532 : vector<128x512xi1>, vector<128x512xi32>
    %select_n3A_564 = arith.select %eq3A_560, %select_n3A_534, %select_n3A_533 : vector<128x512xi1>, vector<128x512xi32>
    %select_n3A_565 = arith.select %eq3A_560, %select_n3A_537, %select_n3A_534 : vector<128x512xi1>, vector<128x512xi32>
    %jit3A_566 = arith.constant 2147483647 : i32
    %broadcast_in_dim3A_567 = vector.broadcast %jit3A_566 : i32 to vector<128x512xi32>
    %select_n3A_568 = arith.select %eq3A_560, %broadcast_in_dim3A_567, %select_n3A_537 : vector<128x512xi1>, vector<128x512xi32>
    %select_n3A_569 = arith.select %eq3A_562, %select_n3A_539, %select_n3A_538 : vector<128x512xi1>, vector<128x512xi32>
    %select_n3A_570 = arith.select %eq3A_562, %select_n3A_540, %select_n3A_539 : vector<128x512xi1>, vector<128x512xi32>
    %select_n3A_571 = arith.select %eq3A_562, %select_n3A_543, %select_n3A_540 : vector<128x512xi1>, vector<128x512xi32>
    %jit3A_572 = arith.constant 2147483647 : i32
    %broadcast_in_dim3A_573 = vector.broadcast %jit3A_572 : i32 to vector<128x512xi32>
    %select_n3A_574 = arith.select %eq3A_562, %broadcast_in_dim3A_573, %select_n3A_543 : vector<128x512xi1>, vector<128x512xi32>
    %min3A_575 = arith.minsi %select_n3A_563, %select_n3A_569 : vector<128x512xi32>
    %reduce_min3A_576 = arith.constant dense<2147483647> : vector<512xi32>
    %reduce_min3A_577 = vector.multi_reduction <minsi>, %min3A_575, %reduce_min3A_576 [0] : vector<128x512xi32> to vector<512xi32>
    %and3A_578 = arith.constant 2047 : i32
    %and3A_579 = vector.broadcast %and3A_578 : i32 to vector<512xi32>
    %and3A_580 = arith.andi %reduce_min3A_577, %and3A_579 : vector<512xi32>
    %add3A_581 = vector.broadcast %mul3A_17 : i32 to vector<512xi32>
    %add3A_582 = arith.addi %and3A_580, %add3A_581 : vector<512xi32>
    %swap3A_583 = arith.constant 0 : index
    %swap3A_584 = arith.constant 15 : index
    %swap3A_585 = arith.constant 0 : index
    %swap3A_586 = vector.load %arg7[%swap3A_583, %swap3A_584, %swap3A_585] : memref<1x20x512xi32, #tpu.memory_space<vmem>>, vector<1x1x512xi32>
    %swap3A_587 = vector.shape_cast %swap3A_586 : vector<1x1x512xi32> to vector<512xi32>
    %swap3A_588 = vector.shape_cast %add3A_582 : vector<512xi32> to vector<1x1x512xi32>
    tpu.vector_store %arg7[%swap3A_583, %swap3A_584, %swap3A_585], %swap3A_588 {strides = array<i32>} : memref<1x20x512xi32, #tpu.memory_space<vmem>>, vector<1x1x512xi32>,
    %broadcast_in_dim3A_589 = vector.shape_cast %reduce_min3A_577 : vector<512xi32> to vector<1x512xi32>
    %eq3A_590 = vector.broadcast %broadcast_in_dim3A_589 : vector<1x512xi32> to vector<128x512xi32>
    %eq3A_591 = arith.cmpi eq, %select_n3A_563, %eq3A_590 : vector<128x512xi32>
    %eq3A_592 = vector.broadcast %broadcast_in_dim3A_589 : vector<1x512xi32> to vector<128x512xi32>
    %eq3A_593 = arith.cmpi eq, %select_n3A_569, %eq3A_592 : vector<128x512xi32>
    %select_n3A_594 = arith.select %eq3A_591, %select_n3A_564, %select_n3A_563 : vector<128x512xi1>, vector<128x512xi32>
    %select_n3A_595 = arith.select %eq3A_591, %select_n3A_565, %select_n3A_564 : vector<128x512xi1>, vector<128x512xi32>
    %select_n3A_596 = arith.select %eq3A_591, %select_n3A_568, %select_n3A_565 : vector<128x512xi1>, vector<128x512xi32>
    %jit3A_597 = arith.constant 2147483647 : i32
    %broadcast_in_dim3A_598 = vector.broadcast %jit3A_597 : i32 to vector<128x512xi32>
    %select_n3A_599 = arith.select %eq3A_591, %broadcast_in_dim3A_598, %select_n3A_568 : vector<128x512xi1>, vector<128x512xi32>
    %select_n3A_600 = arith.select %eq3A_593, %select_n3A_570, %select_n3A_569 : vector<128x512xi1>, vector<128x512xi32>
    %select_n3A_601 = arith.select %eq3A_593, %select_n3A_571, %select_n3A_570 : vector<128x512xi1>, vector<128x512xi32>
    %select_n3A_602 = arith.select %eq3A_593, %select_n3A_574, %select_n3A_571 : vector<128x512xi1>, vector<128x512xi32>
    %jit3A_603 = arith.constant 2147483647 : i32
    %broadcast_in_dim3A_604 = vector.broadcast %jit3A_603 : i32 to vector<128x512xi32>
    %select_n3A_605 = arith.select %eq3A_593, %broadcast_in_dim3A_604, %select_n3A_574 : vector<128x512xi1>, vector<128x512xi32>
    %min3A_606 = arith.minsi %select_n3A_594, %select_n3A_600 : vector<128x512xi32>
    %reduce_min3A_607 = arith.constant dense<2147483647> : vector<512xi32>
    %reduce_min3A_608 = vector.multi_reduction <minsi>, %min3A_606, %reduce_min3A_607 [0] : vector<128x512xi32> to vector<512xi32>
    %and3A_609 = arith.constant 2047 : i32
    %and3A_610 = vector.broadcast %and3A_609 : i32 to vector<512xi32>
    %and3A_611 = arith.andi %reduce_min3A_608, %and3A_610 : vector<512xi32>
    %add3A_612 = vector.broadcast %mul3A_17 : i32 to vector<512xi32>
    %add3A_613 = arith.addi %and3A_611, %add3A_612 : vector<512xi32>
    %swap3A_614 = arith.constant 0 : index
    %swap3A_615 = arith.constant 16 : index
    %swap3A_616 = arith.constant 0 : index
    %swap3A_617 = vector.load %arg7[%swap3A_614, %swap3A_615, %swap3A_616] : memref<1x20x512xi32, #tpu.memory_space<vmem>>, vector<1x1x512xi32>
    %swap3A_618 = vector.shape_cast %swap3A_617 : vector<1x1x512xi32> to vector<512xi32>
    %swap3A_619 = vector.shape_cast %add3A_613 : vector<512xi32> to vector<1x1x512xi32>
    tpu.vector_store %arg7[%swap3A_614, %swap3A_615, %swap3A_616], %swap3A_619 {strides = array<i32>} : memref<1x20x512xi32, #tpu.memory_space<vmem>>, vector<1x1x512xi32>,
    %broadcast_in_dim3A_620 = vector.shape_cast %reduce_min3A_608 : vector<512xi32> to vector<1x512xi32>
    %eq3A_621 = vector.broadcast %broadcast_in_dim3A_620 : vector<1x512xi32> to vector<128x512xi32>
    %eq3A_622 = arith.cmpi eq, %select_n3A_594, %eq3A_621 : vector<128x512xi32>
    %eq3A_623 = vector.broadcast %broadcast_in_dim3A_620 : vector<1x512xi32> to vector<128x512xi32>
    %eq3A_624 = arith.cmpi eq, %select_n3A_600, %eq3A_623 : vector<128x512xi32>
    %select_n3A_625 = arith.select %eq3A_622, %select_n3A_595, %select_n3A_594 : vector<128x512xi1>, vector<128x512xi32>
    %select_n3A_626 = arith.select %eq3A_622, %select_n3A_596, %select_n3A_595 : vector<128x512xi1>, vector<128x512xi32>
    %select_n3A_627 = arith.select %eq3A_622, %select_n3A_599, %select_n3A_596 : vector<128x512xi1>, vector<128x512xi32>
    %select_n3A_628 = arith.select %eq3A_624, %select_n3A_601, %select_n3A_600 : vector<128x512xi1>, vector<128x512xi32>
    %select_n3A_629 = arith.select %eq3A_624, %select_n3A_602, %select_n3A_601 : vector<128x512xi1>, vector<128x512xi32>
    %select_n3A_630 = arith.select %eq3A_624, %select_n3A_605, %select_n3A_602 : vector<128x512xi1>, vector<128x512xi32>
    %min3A_631 = arith.minsi %select_n3A_625, %select_n3A_628 : vector<128x512xi32>
    %reduce_min3A_632 = arith.constant dense<2147483647> : vector<512xi32>
    %reduce_min3A_633 = vector.multi_reduction <minsi>, %min3A_631, %reduce_min3A_632 [0] : vector<128x512xi32> to vector<512xi32>
    %and3A_634 = arith.constant 2047 : i32
    %and3A_635 = vector.broadcast %and3A_634 : i32 to vector<512xi32>
    %and3A_636 = arith.andi %reduce_min3A_633, %and3A_635 : vector<512xi32>
    %add3A_637 = vector.broadcast %mul3A_17 : i32 to vector<512xi32>
    %add3A_638 = arith.addi %and3A_636, %add3A_637 : vector<512xi32>
    %swap3A_639 = arith.constant 0 : index
    %swap3A_640 = arith.constant 17 : index
    %swap3A_641 = arith.constant 0 : index
    %swap3A_642 = vector.load %arg7[%swap3A_639, %swap3A_640, %swap3A_641] : memref<1x20x512xi32, #tpu.memory_space<vmem>>, vector<1x1x512xi32>
    %swap3A_643 = vector.shape_cast %swap3A_642 : vector<1x1x512xi32> to vector<512xi32>
    %swap3A_644 = vector.shape_cast %add3A_638 : vector<512xi32> to vector<1x1x512xi32>
    tpu.vector_store %arg7[%swap3A_639, %swap3A_640, %swap3A_641], %swap3A_644 {strides = array<i32>} : memref<1x20x512xi32, #tpu.memory_space<vmem>>, vector<1x1x512xi32>,
    %broadcast_in_dim3A_645 = vector.shape_cast %reduce_min3A_633 : vector<512xi32> to vector<1x512xi32>
    %eq3A_646 = vector.broadcast %broadcast_in_dim3A_645 : vector<1x512xi32> to vector<128x512xi32>
    %eq3A_647 = arith.cmpi eq, %select_n3A_625, %eq3A_646 : vector<128x512xi32>
    %eq3A_648 = vector.broadcast %broadcast_in_dim3A_645 : vector<1x512xi32> to vector<128x512xi32>
    %eq3A_649 = arith.cmpi eq, %select_n3A_628, %eq3A_648 : vector<128x512xi32>
    %select_n3A_650 = arith.select %eq3A_647, %select_n3A_626, %select_n3A_625 : vector<128x512xi1>, vector<128x512xi32>
    %select_n3A_651 = arith.select %eq3A_647, %select_n3A_627, %select_n3A_626 : vector<128x512xi1>, vector<128x512xi32>
    %select_n3A_652 = arith.select %eq3A_649, %select_n3A_629, %select_n3A_628 : vector<128x512xi1>, vector<128x512xi32>
    %select_n3A_653 = arith.select %eq3A_649, %select_n3A_630, %select_n3A_629 : vector<128x512xi1>, vector<128x512xi32>
    %min3A_654 = arith.minsi %select_n3A_650, %select_n3A_652 : vector<128x512xi32>
    %reduce_min3A_655 = arith.constant dense<2147483647> : vector<512xi32>
    %reduce_min3A_656 = vector.multi_reduction <minsi>, %min3A_654, %reduce_min3A_655 [0] : vector<128x512xi32> to vector<512xi32>
    %and3A_657 = arith.constant 2047 : i32
    %and3A_658 = vector.broadcast %and3A_657 : i32 to vector<512xi32>
    %and3A_659 = arith.andi %reduce_min3A_656, %and3A_658 : vector<512xi32>
    %add3A_660 = vector.broadcast %mul3A_17 : i32 to vector<512xi32>
    %add3A_661 = arith.addi %and3A_659, %add3A_660 : vector<512xi32>
    %swap3A_662 = arith.constant 0 : index
    %swap3A_663 = arith.constant 18 : index
    %swap3A_664 = arith.constant 0 : index
    %swap3A_665 = vector.load %arg7[%swap3A_662, %swap3A_663, %swap3A_664] : memref<1x20x512xi32, #tpu.memory_space<vmem>>, vector<1x1x512xi32>
    %swap3A_666 = vector.shape_cast %swap3A_665 : vector<1x1x512xi32> to vector<512xi32>
    %swap3A_667 = vector.shape_cast %add3A_661 : vector<512xi32> to vector<1x1x512xi32>
    tpu.vector_store %arg7[%swap3A_662, %swap3A_663, %swap3A_664], %swap3A_667 {strides = array<i32>} : memref<1x20x512xi32, #tpu.memory_space<vmem>>, vector<1x1x512xi32>,
    %broadcast_in_dim3A_668 = vector.shape_cast %reduce_min3A_656 : vector<512xi32> to vector<1x512xi32>
    %eq3A_669 = vector.broadcast %broadcast_in_dim3A_668 : vector<1x512xi32> to vector<128x512xi32>
    %eq3A_670 = arith.cmpi eq, %select_n3A_650, %eq3A_669 : vector<128x512xi32>
    %eq3A_671 = vector.broadcast %broadcast_in_dim3A_668 : vector<1x512xi32> to vector<128x512xi32>
    %eq3A_672 = arith.cmpi eq, %select_n3A_652, %eq3A_671 : vector<128x512xi32>
    %select_n3A_673 = arith.select %eq3A_670, %select_n3A_651, %select_n3A_650 : vector<128x512xi1>, vector<128x512xi32>
    %select_n3A_674 = arith.select %eq3A_672, %select_n3A_653, %select_n3A_652 : vector<128x512xi1>, vector<128x512xi32>
    %min3A_675 = arith.minsi %select_n3A_673, %select_n3A_674 : vector<128x512xi32>
    %reduce_min3A_676 = arith.constant dense<2147483647> : vector<512xi32>
    %reduce_min3A_677 = vector.multi_reduction <minsi>, %min3A_675, %reduce_min3A_676 [0] : vector<128x512xi32> to vector<512xi32>
    %and3A_678 = arith.constant 2047 : i32
    %and3A_679 = vector.broadcast %and3A_678 : i32 to vector<512xi32>
    %and3A_680 = arith.andi %reduce_min3A_677, %and3A_679 : vector<512xi32>
    %add3A_681 = vector.broadcast %mul3A_17 : i32 to vector<512xi32>
    %add3A_682 = arith.addi %and3A_680, %add3A_681 : vector<512xi32>
    %swap3A_683 = arith.constant 0 : index
    %swap3A_684 = arith.constant 19 : index
    %swap3A_685 = arith.constant 0 : index
    %swap3A_686 = vector.load %arg7[%swap3A_683, %swap3A_684, %swap3A_685] : memref<1x20x512xi32, #tpu.memory_space<vmem>>, vector<1x1x512xi32>
    %swap3A_687 = vector.shape_cast %swap3A_686 : vector<1x1x512xi32> to vector<512xi32>
    %swap3A_688 = vector.shape_cast %add3A_682 : vector<512xi32> to vector<1x1x512xi32>
    tpu.vector_store %arg7[%swap3A_683, %swap3A_684, %swap3A_685], %swap3A_688 {strides = array<i32>} : memref<1x20x512xi32, #tpu.memory_space<vmem>>, vector<1x1x512xi32>,
    %broadcast_in_dim3A_689 = vector.shape_cast %reduce_min3A_677 : vector<512xi32> to vector<1x512xi32>
    %le3A = vector.broadcast %broadcast_in_dim3A_689 : vector<1x512xi32> to vector<128x512xi32>
    %le3A_690 = arith.cmpi sle, %min3A_68, %le3A : vector<128x512xi32>
    %reduce_or3A = arith.constant 1.000000e+00 : f32
    %reduce_or3A_691 = arith.constant 0.000000e+00 : f32
    %reduce_or3A_692 = vector.broadcast %reduce_or3A : f32 to vector<128x512xf32>
    %reduce_or3A_693 = vector.broadcast %reduce_or3A_691 : f32 to vector<128x512xf32>
    %reduce_or3A_694 = arith.select %le3A_690, %reduce_or3A_692, %reduce_or3A_693 : vector<128x512xi1>, vector<128x512xf32>
    %reduce_or3A_695 = vector.shape_cast %reduce_or3A_694 : vector<128x512xf32> to vector<1x128x512xf32>
    %reduce_or3A_696 = arith.constant dense<0xFF800000> : vector<1xf32>
    %reduce_or3A_697 = vector.multi_reduction <maximumf>, %reduce_or3A_695, %reduce_or3A_696 [1, 2] : vector<1x128x512xf32> to vector<1xf32>
    %reduce_or3A_698 = vector.shape_cast %reduce_or3A_697 : vector<1xf32> to vector<1x1x1xf32>
    %reduce_or3A_699 = vector.extract %reduce_or3A_698[0, 0, 0] : f32 from vector<1x1x1xf32>
    %reduce_or3A_700 = arith.constant 0.000000e+00 : f32
    %reduce_or3A_701 = arith.cmpf ogt, %reduce_or3A_699, %reduce_or3A_700 : f32
    %le3A_702 = vector.broadcast %broadcast_in_dim3A_689 : vector<1x512xi32> to vector<128x512xi32>
    %le3A_703 = arith.cmpi sle, %min3A_107, %le3A_702 : vector<128x512xi32>
    %reduce_or3A_704 = arith.constant 1.000000e+00 : f32
    %reduce_or3A_705 = arith.constant 0.000000e+00 : f32
    %reduce_or3A_706 = vector.broadcast %reduce_or3A_704 : f32 to vector<128x512xf32>
    %reduce_or3A_707 = vector.broadcast %reduce_or3A_705 : f32 to vector<128x512xf32>
    %reduce_or3A_708 = arith.select %le3A_703, %reduce_or3A_706, %reduce_or3A_707 : vector<128x512xi1>, vector<128x512xf32>
    %reduce_or3A_709 = vector.shape_cast %reduce_or3A_708 : vector<128x512xf32> to vector<1x128x512xf32>
    %reduce_or3A_710 = arith.constant dense<0xFF800000> : vector<1xf32>
    %reduce_or3A_711 = vector.multi_reduction <maximumf>, %reduce_or3A_709, %reduce_or3A_710 [1, 2] : vector<1x128x512xf32> to vector<1xf32>
    %reduce_or3A_712 = vector.shape_cast %reduce_or3A_711 : vector<1xf32> to vector<1x1x1xf32>
    %reduce_or3A_713 = vector.extract %reduce_or3A_712[0, 0, 0] : f32 from vector<1x1x1xf32>
    %reduce_or3A_714 = arith.constant 0.000000e+00 : f32
    %reduce_or3A_715 = arith.cmpf ogt, %reduce_or3A_713, %reduce_or3A_714 : f32
    %or3A_716 = arith.ori %reduce_or3A_701, %reduce_or3A_715 : i1
    %convert_element_type3A_717 = arith.extui %or3A_716 : i1 to i32
    %cond3A = arith.constant 2147483647 : i32
    %cond3A_718 = arith.constant 0 : i32
    %cond3A_719 = arith.cmpi ne, %convert_element_type3A_717, %cond3A_718 : i32
    scf.if %cond3A_719 {
      %reduce_min3A_747 = arith.constant dense<2147483647> : vector<512xi32>
      %reduce_min3A_748 = vector.multi_reduction <minsi>, %or3A, %reduce_min3A_747 [0] : vector<2048x512xi32> to vector<512xi32>
      %and3A_749 = arith.constant 2047 : i32
      %and3A_750 = vector.broadcast %and3A_749 : i32 to vector<512xi32>
      %and3A_751 = arith.andi %reduce_min3A_748, %and3A_750 : vector<512xi32>
      %add3A_752 = vector.broadcast %mul3A_17 : i32 to vector<512xi32>
      %add3A_753 = arith.addi %and3A_751, %add3A_752 : vector<512xi32>
      %swap3A_754 = arith.constant 0 : index
      %swap3A_755 = arith.constant 0 : index
      %swap3A_756 = arith.constant 0 : index
      %swap3A_757 = vector.load %arg7[%swap3A_754, %swap3A_755, %swap3A_756] : memref<1x20x512xi32, #tpu.memory_space<vmem>>, vector<1x1x512xi32>
      %swap3A_758 = vector.shape_cast %swap3A_757 : vector<1x1x512xi32> to vector<512xi32>
      %swap3A_759 = vector.shape_cast %add3A_753 : vector<512xi32> to vector<1x1x512xi32>
      tpu.vector_store %arg7[%swap3A_754, %swap3A_755, %swap3A_756], %swap3A_759 {strides = array<i32>} : memref<1x20x512xi32, #tpu.memory_space<vmem>>, vector<1x1x512xi32>,
      %broadcast_in_dim3A_760 = vector.shape_cast %reduce_min3A_748 : vector<512xi32> to vector<1x512xi32>
      %eq3A_761 = vector.broadcast %broadcast_in_dim3A_760 : vector<1x512xi32> to vector<2048x512xi32>
      %eq3A_762 = arith.cmpi eq, %or3A, %eq3A_761 : vector<2048x512xi32>
      %broadcast_in_dim3A_763 = vector.broadcast %cond3A : i32 to vector<2048x512xi32>
      %select_n3A_764 = arith.select %eq3A_762, %broadcast_in_dim3A_763, %or3A : vector<2048x512xi1>, vector<2048x512xi32>
      %reduce_min3A_765 = arith.constant dense<2147483647> : vector<512xi32>
      %reduce_min3A_766 = vector.multi_reduction <minsi>, %select_n3A_764, %reduce_min3A_765 [0] : vector<2048x512xi32> to vector<512xi32>
      %and3A_767 = arith.constant 2047 : i32
      %and3A_768 = vector.broadcast %and3A_767 : i32 to vector<512xi32>
      %and3A_769 = arith.andi %reduce_min3A_766, %and3A_768 : vector<512xi32>
      %add3A_770 = vector.broadcast %mul3A_17 : i32 to vector<512xi32>
      %add3A_771 = arith.addi %and3A_769, %add3A_770 : vector<512xi32>
      %swap3A_772 = arith.constant 0 : index
      %swap3A_773 = arith.constant 1 : index
      %swap3A_774 = arith.constant 0 : index
      %swap3A_775 = vector.load %arg7[%swap3A_772, %swap3A_773, %swap3A_774] : memref<1x20x512xi32, #tpu.memory_space<vmem>>, vector<1x1x512xi32>
      %swap3A_776 = vector.shape_cast %swap3A_775 : vector<1x1x512xi32> to vector<512xi32>
      %swap3A_777 = vector.shape_cast %add3A_771 : vector<512xi32> to vector<1x1x512xi32>
      tpu.vector_store %arg7[%swap3A_772, %swap3A_773, %swap3A_774], %swap3A_777 {strides = array<i32>} : memref<1x20x512xi32, #tpu.memory_space<vmem>>, vector<1x1x512xi32>,
      %broadcast_in_dim3A_778 = vector.shape_cast %reduce_min3A_766 : vector<512xi32> to vector<1x512xi32>
      %eq3A_779 = vector.broadcast %broadcast_in_dim3A_778 : vector<1x512xi32> to vector<2048x512xi32>
      %eq3A_780 = arith.cmpi eq, %select_n3A_764, %eq3A_779 : vector<2048x512xi32>
      %broadcast_in_dim3A_781 = vector.broadcast %cond3A : i32 to vector<2048x512xi32>
      %select_n3A_782 = arith.select %eq3A_780, %broadcast_in_dim3A_781, %select_n3A_764 : vector<2048x512xi1>, vector<2048x512xi32>
      %reduce_min3A_783 = arith.constant dense<2147483647> : vector<512xi32>
      %reduce_min3A_784 = vector.multi_reduction <minsi>, %select_n3A_782, %reduce_min3A_783 [0] : vector<2048x512xi32> to vector<512xi32>
      %and3A_785 = arith.constant 2047 : i32
      %and3A_786 = vector.broadcast %and3A_785 : i32 to vector<512xi32>
      %and3A_787 = arith.andi %reduce_min3A_784, %and3A_786 : vector<512xi32>
      %add3A_788 = vector.broadcast %mul3A_17 : i32 to vector<512xi32>
      %add3A_789 = arith.addi %and3A_787, %add3A_788 : vector<512xi32>
      %swap3A_790 = arith.constant 0 : index
      %swap3A_791 = arith.constant 2 : index
      %swap3A_792 = arith.constant 0 : index
      %swap3A_793 = vector.load %arg7[%swap3A_790, %swap3A_791, %swap3A_792] : memref<1x20x512xi32, #tpu.memory_space<vmem>>, vector<1x1x512xi32>
      %swap3A_794 = vector.shape_cast %swap3A_793 : vector<1x1x512xi32> to vector<512xi32>
      %swap3A_795 = vector.shape_cast %add3A_789 : vector<512xi32> to vector<1x1x512xi32>
      tpu.vector_store %arg7[%swap3A_790, %swap3A_791, %swap3A_792], %swap3A_795 {strides = array<i32>} : memref<1x20x512xi32, #tpu.memory_space<vmem>>, vector<1x1x512xi32>,
      %broadcast_in_dim3A_796 = vector.shape_cast %reduce_min3A_784 : vector<512xi32> to vector<1x512xi32>
      %eq3A_797 = vector.broadcast %broadcast_in_dim3A_796 : vector<1x512xi32> to vector<2048x512xi32>
      %eq3A_798 = arith.cmpi eq, %select_n3A_782, %eq3A_797 : vector<2048x512xi32>
      %broadcast_in_dim3A_799 = vector.broadcast %cond3A : i32 to vector<2048x512xi32>
      %select_n3A_800 = arith.select %eq3A_798, %broadcast_in_dim3A_799, %select_n3A_782 : vector<2048x512xi1>, vector<2048x512xi32>
      %reduce_min3A_801 = arith.constant dense<2147483647> : vector<512xi32>
      %reduce_min3A_802 = vector.multi_reduction <minsi>, %select_n3A_800, %reduce_min3A_801 [0] : vector<2048x512xi32> to vector<512xi32>
      %and3A_803 = arith.constant 2047 : i32
      %and3A_804 = vector.broadcast %and3A_803 : i32 to vector<512xi32>
      %and3A_805 = arith.andi %reduce_min3A_802, %and3A_804 : vector<512xi32>
      %add3A_806 = vector.broadcast %mul3A_17 : i32 to vector<512xi32>
      %add3A_807 = arith.addi %and3A_805, %add3A_806 : vector<512xi32>
      %swap3A_808 = arith.constant 0 : index
      %swap3A_809 = arith.constant 3 : index
      %swap3A_810 = arith.constant 0 : index
      %swap3A_811 = vector.load %arg7[%swap3A_808, %swap3A_809, %swap3A_810] : memref<1x20x512xi32, #tpu.memory_space<vmem>>, vector<1x1x512xi32>
      %swap3A_812 = vector.shape_cast %swap3A_811 : vector<1x1x512xi32> to vector<512xi32>
      %swap3A_813 = vector.shape_cast %add3A_807 : vector<512xi32> to vector<1x1x512xi32>
      tpu.vector_store %arg7[%swap3A_808, %swap3A_809, %swap3A_810], %swap3A_813 {strides = array<i32>} : memref<1x20x512xi32, #tpu.memory_space<vmem>>, vector<1x1x512xi32>,
      %broadcast_in_dim3A_814 = vector.shape_cast %reduce_min3A_802 : vector<512xi32> to vector<1x512xi32>
      %eq3A_815 = vector.broadcast %broadcast_in_dim3A_814 : vector<1x512xi32> to vector<2048x512xi32>
      %eq3A_816 = arith.cmpi eq, %select_n3A_800, %eq3A_815 : vector<2048x512xi32>
      %broadcast_in_dim3A_817 = vector.broadcast %cond3A : i32 to vector<2048x512xi32>
      %select_n3A_818 = arith.select %eq3A_816, %broadcast_in_dim3A_817, %select_n3A_800 : vector<2048x512xi1>, vector<2048x512xi32>
      %reduce_min3A_819 = arith.constant dense<2147483647> : vector<512xi32>
      %reduce_min3A_820 = vector.multi_reduction <minsi>, %select_n3A_818, %reduce_min3A_819 [0] : vector<2048x512xi32> to vector<512xi32>
      %and3A_821 = arith.constant 2047 : i32
      %and3A_822 = vector.broadcast %and3A_821 : i32 to vector<512xi32>
      %and3A_823 = arith.andi %reduce_min3A_820, %and3A_822 : vector<512xi32>
      %add3A_824 = vector.broadcast %mul3A_17 : i32 to vector<512xi32>
      %add3A_825 = arith.addi %and3A_823, %add3A_824 : vector<512xi32>
      %swap3A_826 = arith.constant 0 : index
      %swap3A_827 = arith.constant 4 : index
      %swap3A_828 = arith.constant 0 : index
      %swap3A_829 = vector.load %arg7[%swap3A_826, %swap3A_827, %swap3A_828] : memref<1x20x512xi32, #tpu.memory_space<vmem>>, vector<1x1x512xi32>
      %swap3A_830 = vector.shape_cast %swap3A_829 : vector<1x1x512xi32> to vector<512xi32>
      %swap3A_831 = vector.shape_cast %add3A_825 : vector<512xi32> to vector<1x1x512xi32>
      tpu.vector_store %arg7[%swap3A_826, %swap3A_827, %swap3A_828], %swap3A_831 {strides = array<i32>} : memref<1x20x512xi32, #tpu.memory_space<vmem>>, vector<1x1x512xi32>,
      %broadcast_in_dim3A_832 = vector.shape_cast %reduce_min3A_820 : vector<512xi32> to vector<1x512xi32>
      %eq3A_833 = vector.broadcast %broadcast_in_dim3A_832 : vector<1x512xi32> to vector<2048x512xi32>
      %eq3A_834 = arith.cmpi eq, %select_n3A_818, %eq3A_833 : vector<2048x512xi32>
      %broadcast_in_dim3A_835 = vector.broadcast %cond3A : i32 to vector<2048x512xi32>
      %select_n3A_836 = arith.select %eq3A_834, %broadcast_in_dim3A_835, %select_n3A_818 : vector<2048x512xi1>, vector<2048x512xi32>
      %reduce_min3A_837 = arith.constant dense<2147483647> : vector<512xi32>
      %reduce_min3A_838 = vector.multi_reduction <minsi>, %select_n3A_836, %reduce_min3A_837 [0] : vector<2048x512xi32> to vector<512xi32>
      %and3A_839 = arith.constant 2047 : i32
      %and3A_840 = vector.broadcast %and3A_839 : i32 to vector<512xi32>
      %and3A_841 = arith.andi %reduce_min3A_838, %and3A_840 : vector<512xi32>
      %add3A_842 = vector.broadcast %mul3A_17 : i32 to vector<512xi32>
      %add3A_843 = arith.addi %and3A_841, %add3A_842 : vector<512xi32>
      %swap3A_844 = arith.constant 0 : index
      %swap3A_845 = arith.constant 5 : index
      %swap3A_846 = arith.constant 0 : index
      %swap3A_847 = vector.load %arg7[%swap3A_844, %swap3A_845, %swap3A_846] : memref<1x20x512xi32, #tpu.memory_space<vmem>>, vector<1x1x512xi32>
      %swap3A_848 = vector.shape_cast %swap3A_847 : vector<1x1x512xi32> to vector<512xi32>
      %swap3A_849 = vector.shape_cast %add3A_843 : vector<512xi32> to vector<1x1x512xi32>
      tpu.vector_store %arg7[%swap3A_844, %swap3A_845, %swap3A_846], %swap3A_849 {strides = array<i32>} : memref<1x20x512xi32, #tpu.memory_space<vmem>>, vector<1x1x512xi32>,
      %broadcast_in_dim3A_850 = vector.shape_cast %reduce_min3A_838 : vector<512xi32> to vector<1x512xi32>
      %eq3A_851 = vector.broadcast %broadcast_in_dim3A_850 : vector<1x512xi32> to vector<2048x512xi32>
      %eq3A_852 = arith.cmpi eq, %select_n3A_836, %eq3A_851 : vector<2048x512xi32>
      %broadcast_in_dim3A_853 = vector.broadcast %cond3A : i32 to vector<2048x512xi32>
      %select_n3A_854 = arith.select %eq3A_852, %broadcast_in_dim3A_853, %select_n3A_836 : vector<2048x512xi1>, vector<2048x512xi32>
      %reduce_min3A_855 = arith.constant dense<2147483647> : vector<512xi32>
      %reduce_min3A_856 = vector.multi_reduction <minsi>, %select_n3A_854, %reduce_min3A_855 [0] : vector<2048x512xi32> to vector<512xi32>
      %and3A_857 = arith.constant 2047 : i32
      %and3A_858 = vector.broadcast %and3A_857 : i32 to vector<512xi32>
      %and3A_859 = arith.andi %reduce_min3A_856, %and3A_858 : vector<512xi32>
      %add3A_860 = vector.broadcast %mul3A_17 : i32 to vector<512xi32>
      %add3A_861 = arith.addi %and3A_859, %add3A_860 : vector<512xi32>
      %swap3A_862 = arith.constant 0 : index
      %swap3A_863 = arith.constant 6 : index
      %swap3A_864 = arith.constant 0 : index
      %swap3A_865 = vector.load %arg7[%swap3A_862, %swap3A_863, %swap3A_864] : memref<1x20x512xi32, #tpu.memory_space<vmem>>, vector<1x1x512xi32>
      %swap3A_866 = vector.shape_cast %swap3A_865 : vector<1x1x512xi32> to vector<512xi32>
      %swap3A_867 = vector.shape_cast %add3A_861 : vector<512xi32> to vector<1x1x512xi32>
      tpu.vector_store %arg7[%swap3A_862, %swap3A_863, %swap3A_864], %swap3A_867 {strides = array<i32>} : memref<1x20x512xi32, #tpu.memory_space<vmem>>, vector<1x1x512xi32>,
      %broadcast_in_dim3A_868 = vector.shape_cast %reduce_min3A_856 : vector<512xi32> to vector<1x512xi32>
      %eq3A_869 = vector.broadcast %broadcast_in_dim3A_868 : vector<1x512xi32> to vector<2048x512xi32>
      %eq3A_870 = arith.cmpi eq, %select_n3A_854, %eq3A_869 : vector<2048x512xi32>
      %broadcast_in_dim3A_871 = vector.broadcast %cond3A : i32 to vector<2048x512xi32>
      %select_n3A_872 = arith.select %eq3A_870, %broadcast_in_dim3A_871, %select_n3A_854 : vector<2048x512xi1>, vector<2048x512xi32>
      %reduce_min3A_873 = arith.constant dense<2147483647> : vector<512xi32>
      %reduce_min3A_874 = vector.multi_reduction <minsi>, %select_n3A_872, %reduce_min3A_873 [0] : vector<2048x512xi32> to vector<512xi32>
      %and3A_875 = arith.constant 2047 : i32
      %and3A_876 = vector.broadcast %and3A_875 : i32 to vector<512xi32>
      %and3A_877 = arith.andi %reduce_min3A_874, %and3A_876 : vector<512xi32>
      %add3A_878 = vector.broadcast %mul3A_17 : i32 to vector<512xi32>
      %add3A_879 = arith.addi %and3A_877, %add3A_878 : vector<512xi32>
      %swap3A_880 = arith.constant 0 : index
      %swap3A_881 = arith.constant 7 : index
      %swap3A_882 = arith.constant 0 : index
      %swap3A_883 = vector.load %arg7[%swap3A_880, %swap3A_881, %swap3A_882] : memref<1x20x512xi32, #tpu.memory_space<vmem>>, vector<1x1x512xi32>
      %swap3A_884 = vector.shape_cast %swap3A_883 : vector<1x1x512xi32> to vector<512xi32>
      %swap3A_885 = vector.shape_cast %add3A_879 : vector<512xi32> to vector<1x1x512xi32>
      tpu.vector_store %arg7[%swap3A_880, %swap3A_881, %swap3A_882], %swap3A_885 {strides = array<i32>} : memref<1x20x512xi32, #tpu.memory_space<vmem>>, vector<1x1x512xi32>,
      %broadcast_in_dim3A_886 = vector.shape_cast %reduce_min3A_874 : vector<512xi32> to vector<1x512xi32>
      %eq3A_887 = vector.broadcast %broadcast_in_dim3A_886 : vector<1x512xi32> to vector<2048x512xi32>
      %eq3A_888 = arith.cmpi eq, %select_n3A_872, %eq3A_887 : vector<2048x512xi32>
      %broadcast_in_dim3A_889 = vector.broadcast %cond3A : i32 to vector<2048x512xi32>
      %select_n3A_890 = arith.select %eq3A_888, %broadcast_in_dim3A_889, %select_n3A_872 : vector<2048x512xi1>, vector<2048x512xi32>
      %reduce_min3A_891 = arith.constant dense<2147483647> : vector<512xi32>
      %reduce_min3A_892 = vector.multi_reduction <minsi>, %select_n3A_890, %reduce_min3A_891 [0] : vector<2048x512xi32> to vector<512xi32>
      %and3A_893 = arith.constant 2047 : i32
      %and3A_894 = vector.broadcast %and3A_893 : i32 to vector<512xi32>
      %and3A_895 = arith.andi %reduce_min3A_892, %and3A_894 : vector<512xi32>
      %add3A_896 = vector.broadcast %mul3A_17 : i32 to vector<512xi32>
      %add3A_897 = arith.addi %and3A_895, %add3A_896 : vector<512xi32>
      %swap3A_898 = arith.constant 0 : index
      %swap3A_899 = arith.constant 8 : index
      %swap3A_900 = arith.constant 0 : index
      %swap3A_901 = vector.load %arg7[%swap3A_898, %swap3A_899, %swap3A_900] : memref<1x20x512xi32, #tpu.memory_space<vmem>>, vector<1x1x512xi32>
      %swap3A_902 = vector.shape_cast %swap3A_901 : vector<1x1x512xi32> to vector<512xi32>
      %swap3A_903 = vector.shape_cast %add3A_897 : vector<512xi32> to vector<1x1x512xi32>
      tpu.vector_store %arg7[%swap3A_898, %swap3A_899, %swap3A_900], %swap3A_903 {strides = array<i32>} : memref<1x20x512xi32, #tpu.memory_space<vmem>>, vector<1x1x512xi32>,
      %broadcast_in_dim3A_904 = vector.shape_cast %reduce_min3A_892 : vector<512xi32> to vector<1x512xi32>
      %eq3A_905 = vector.broadcast %broadcast_in_dim3A_904 : vector<1x512xi32> to vector<2048x512xi32>
      %eq3A_906 = arith.cmpi eq, %select_n3A_890, %eq3A_905 : vector<2048x512xi32>
      %broadcast_in_dim3A_907 = vector.broadcast %cond3A : i32 to vector<2048x512xi32>
      %select_n3A_908 = arith.select %eq3A_906, %broadcast_in_dim3A_907, %select_n3A_890 : vector<2048x512xi1>, vector<2048x512xi32>
      %reduce_min3A_909 = arith.constant dense<2147483647> : vector<512xi32>
      %reduce_min3A_910 = vector.multi_reduction <minsi>, %select_n3A_908, %reduce_min3A_909 [0] : vector<2048x512xi32> to vector<512xi32>
      %and3A_911 = arith.constant 2047 : i32
      %and3A_912 = vector.broadcast %and3A_911 : i32 to vector<512xi32>
      %and3A_913 = arith.andi %reduce_min3A_910, %and3A_912 : vector<512xi32>
      %add3A_914 = vector.broadcast %mul3A_17 : i32 to vector<512xi32>
      %add3A_915 = arith.addi %and3A_913, %add3A_914 : vector<512xi32>
      %swap3A_916 = arith.constant 0 : index
      %swap3A_917 = arith.constant 9 : index
      %swap3A_918 = arith.constant 0 : index
      %swap3A_919 = vector.load %arg7[%swap3A_916, %swap3A_917, %swap3A_918] : memref<1x20x512xi32, #tpu.memory_space<vmem>>, vector<1x1x512xi32>
      %swap3A_920 = vector.shape_cast %swap3A_919 : vector<1x1x512xi32> to vector<512xi32>
      %swap3A_921 = vector.shape_cast %add3A_915 : vector<512xi32> to vector<1x1x512xi32>
      tpu.vector_store %arg7[%swap3A_916, %swap3A_917, %swap3A_918], %swap3A_921 {strides = array<i32>} : memref<1x20x512xi32, #tpu.memory_space<vmem>>, vector<1x1x512xi32>,
      %broadcast_in_dim3A_922 = vector.shape_cast %reduce_min3A_910 : vector<512xi32> to vector<1x512xi32>
      %eq3A_923 = vector.broadcast %broadcast_in_dim3A_922 : vector<1x512xi32> to vector<2048x512xi32>
      %eq3A_924 = arith.cmpi eq, %select_n3A_908, %eq3A_923 : vector<2048x512xi32>
      %broadcast_in_dim3A_925 = vector.broadcast %cond3A : i32 to vector<2048x512xi32>
      %select_n3A_926 = arith.select %eq3A_924, %broadcast_in_dim3A_925, %select_n3A_908 : vector<2048x512xi1>, vector<2048x512xi32>
      %reduce_min3A_927 = arith.constant dense<2147483647> : vector<512xi32>
      %reduce_min3A_928 = vector.multi_reduction <minsi>, %select_n3A_926, %reduce_min3A_927 [0] : vector<2048x512xi32> to vector<512xi32>
      %and3A_929 = arith.constant 2047 : i32
      %and3A_930 = vector.broadcast %and3A_929 : i32 to vector<512xi32>
      %and3A_931 = arith.andi %reduce_min3A_928, %and3A_930 : vector<512xi32>
      %add3A_932 = vector.broadcast %mul3A_17 : i32 to vector<512xi32>
      %add3A_933 = arith.addi %and3A_931, %add3A_932 : vector<512xi32>
      %swap3A_934 = arith.constant 0 : index
      %swap3A_935 = arith.constant 10 : index
      %swap3A_936 = arith.constant 0 : index
      %swap3A_937 = vector.load %arg7[%swap3A_934, %swap3A_935, %swap3A_936] : memref<1x20x512xi32, #tpu.memory_space<vmem>>, vector<1x1x512xi32>
      %swap3A_938 = vector.shape_cast %swap3A_937 : vector<1x1x512xi32> to vector<512xi32>
      %swap3A_939 = vector.shape_cast %add3A_933 : vector<512xi32> to vector<1x1x512xi32>
      tpu.vector_store %arg7[%swap3A_934, %swap3A_935, %swap3A_936], %swap3A_939 {strides = array<i32>} : memref<1x20x512xi32, #tpu.memory_space<vmem>>, vector<1x1x512xi32>,
      %broadcast_in_dim3A_940 = vector.shape_cast %reduce_min3A_928 : vector<512xi32> to vector<1x512xi32>
      %eq3A_941 = vector.broadcast %broadcast_in_dim3A_940 : vector<1x512xi32> to vector<2048x512xi32>
      %eq3A_942 = arith.cmpi eq, %select_n3A_926, %eq3A_941 : vector<2048x512xi32>
      %broadcast_in_dim3A_943 = vector.broadcast %cond3A : i32 to vector<2048x512xi32>
      %select_n3A_944 = arith.select %eq3A_942, %broadcast_in_dim3A_943, %select_n3A_926 : vector<2048x512xi1>, vector<2048x512xi32>
      %reduce_min3A_945 = arith.constant dense<2147483647> : vector<512xi32>
      %reduce_min3A_946 = vector.multi_reduction <minsi>, %select_n3A_944, %reduce_min3A_945 [0] : vector<2048x512xi32> to vector<512xi32>
      %and3A_947 = arith.constant 2047 : i32
      %and3A_948 = vector.broadcast %and3A_947 : i32 to vector<512xi32>
      %and3A_949 = arith.andi %reduce_min3A_946, %and3A_948 : vector<512xi32>
      %add3A_950 = vector.broadcast %mul3A_17 : i32 to vector<512xi32>
      %add3A_951 = arith.addi %and3A_949, %add3A_950 : vector<512xi32>
      %swap3A_952 = arith.constant 0 : index
      %swap3A_953 = arith.constant 11 : index
      %swap3A_954 = arith.constant 0 : index
      %swap3A_955 = vector.load %arg7[%swap3A_952, %swap3A_953, %swap3A_954] : memref<1x20x512xi32, #tpu.memory_space<vmem>>, vector<1x1x512xi32>
      %swap3A_956 = vector.shape_cast %swap3A_955 : vector<1x1x512xi32> to vector<512xi32>
      %swap3A_957 = vector.shape_cast %add3A_951 : vector<512xi32> to vector<1x1x512xi32>
      tpu.vector_store %arg7[%swap3A_952, %swap3A_953, %swap3A_954], %swap3A_957 {strides = array<i32>} : memref<1x20x512xi32, #tpu.memory_space<vmem>>, vector<1x1x512xi32>,
      %broadcast_in_dim3A_958 = vector.shape_cast %reduce_min3A_946 : vector<512xi32> to vector<1x512xi32>
      %eq3A_959 = vector.broadcast %broadcast_in_dim3A_958 : vector<1x512xi32> to vector<2048x512xi32>
      %eq3A_960 = arith.cmpi eq, %select_n3A_944, %eq3A_959 : vector<2048x512xi32>
      %broadcast_in_dim3A_961 = vector.broadcast %cond3A : i32 to vector<2048x512xi32>
      %select_n3A_962 = arith.select %eq3A_960, %broadcast_in_dim3A_961, %select_n3A_944 : vector<2048x512xi1>, vector<2048x512xi32>
      %reduce_min3A_963 = arith.constant dense<2147483647> : vector<512xi32>
      %reduce_min3A_964 = vector.multi_reduction <minsi>, %select_n3A_962, %reduce_min3A_963 [0] : vector<2048x512xi32> to vector<512xi32>
      %and3A_965 = arith.constant 2047 : i32
      %and3A_966 = vector.broadcast %and3A_965 : i32 to vector<512xi32>
      %and3A_967 = arith.andi %reduce_min3A_964, %and3A_966 : vector<512xi32>
      %add3A_968 = vector.broadcast %mul3A_17 : i32 to vector<512xi32>
      %add3A_969 = arith.addi %and3A_967, %add3A_968 : vector<512xi32>
      %swap3A_970 = arith.constant 0 : index
      %swap3A_971 = arith.constant 12 : index
      %swap3A_972 = arith.constant 0 : index
      %swap3A_973 = vector.load %arg7[%swap3A_970, %swap3A_971, %swap3A_972] : memref<1x20x512xi32, #tpu.memory_space<vmem>>, vector<1x1x512xi32>
      %swap3A_974 = vector.shape_cast %swap3A_973 : vector<1x1x512xi32> to vector<512xi32>
      %swap3A_975 = vector.shape_cast %add3A_969 : vector<512xi32> to vector<1x1x512xi32>
      tpu.vector_store %arg7[%swap3A_970, %swap3A_971, %swap3A_972], %swap3A_975 {strides = array<i32>} : memref<1x20x512xi32, #tpu.memory_space<vmem>>, vector<1x1x512xi32>,
      %broadcast_in_dim3A_976 = vector.shape_cast %reduce_min3A_964 : vector<512xi32> to vector<1x512xi32>
      %eq3A_977 = vector.broadcast %broadcast_in_dim3A_976 : vector<1x512xi32> to vector<2048x512xi32>
      %eq3A_978 = arith.cmpi eq, %select_n3A_962, %eq3A_977 : vector<2048x512xi32>
      %broadcast_in_dim3A_979 = vector.broadcast %cond3A : i32 to vector<2048x512xi32>
      %select_n3A_980 = arith.select %eq3A_978, %broadcast_in_dim3A_979, %select_n3A_962 : vector<2048x512xi1>, vector<2048x512xi32>
      %reduce_min3A_981 = arith.constant dense<2147483647> : vector<512xi32>
      %reduce_min3A_982 = vector.multi_reduction <minsi>, %select_n3A_980, %reduce_min3A_981 [0] : vector<2048x512xi32> to vector<512xi32>
      %and3A_983 = arith.constant 2047 : i32
      %and3A_984 = vector.broadcast %and3A_983 : i32 to vector<512xi32>
      %and3A_985 = arith.andi %reduce_min3A_982, %and3A_984 : vector<512xi32>
      %add3A_986 = vector.broadcast %mul3A_17 : i32 to vector<512xi32>
      %add3A_987 = arith.addi %and3A_985, %add3A_986 : vector<512xi32>
      %swap3A_988 = arith.constant 0 : index
      %swap3A_989 = arith.constant 13 : index
      %swap3A_990 = arith.constant 0 : index
      %swap3A_991 = vector.load %arg7[%swap3A_988, %swap3A_989, %swap3A_990] : memref<1x20x512xi32, #tpu.memory_space<vmem>>, vector<1x1x512xi32>
      %swap3A_992 = vector.shape_cast %swap3A_991 : vector<1x1x512xi32> to vector<512xi32>
      %swap3A_993 = vector.shape_cast %add3A_987 : vector<512xi32> to vector<1x1x512xi32>
      tpu.vector_store %arg7[%swap3A_988, %swap3A_989, %swap3A_990], %swap3A_993 {strides = array<i32>} : memref<1x20x512xi32, #tpu.memory_space<vmem>>, vector<1x1x512xi32>,
      %broadcast_in_dim3A_994 = vector.shape_cast %reduce_min3A_982 : vector<512xi32> to vector<1x512xi32>
      %eq3A_995 = vector.broadcast %broadcast_in_dim3A_994 : vector<1x512xi32> to vector<2048x512xi32>
      %eq3A_996 = arith.cmpi eq, %select_n3A_980, %eq3A_995 : vector<2048x512xi32>
      %broadcast_in_dim3A_997 = vector.broadcast %cond3A : i32 to vector<2048x512xi32>
      %select_n3A_998 = arith.select %eq3A_996, %broadcast_in_dim3A_997, %select_n3A_980 : vector<2048x512xi1>, vector<2048x512xi32>
      %reduce_min3A_999 = arith.constant dense<2147483647> : vector<512xi32>
      %reduce_min3A_1000 = vector.multi_reduction <minsi>, %select_n3A_998, %reduce_min3A_999 [0] : vector<2048x512xi32> to vector<512xi32>
      %and3A_1001 = arith.constant 2047 : i32
      %and3A_1002 = vector.broadcast %and3A_1001 : i32 to vector<512xi32>
      %and3A_1003 = arith.andi %reduce_min3A_1000, %and3A_1002 : vector<512xi32>
      %add3A_1004 = vector.broadcast %mul3A_17 : i32 to vector<512xi32>
      %add3A_1005 = arith.addi %and3A_1003, %add3A_1004 : vector<512xi32>
      %swap3A_1006 = arith.constant 0 : index
      %swap3A_1007 = arith.constant 14 : index
      %swap3A_1008 = arith.constant 0 : index
      %swap3A_1009 = vector.load %arg7[%swap3A_1006, %swap3A_1007, %swap3A_1008] : memref<1x20x512xi32, #tpu.memory_space<vmem>>, vector<1x1x512xi32>
      %swap3A_1010 = vector.shape_cast %swap3A_1009 : vector<1x1x512xi32> to vector<512xi32>
      %swap3A_1011 = vector.shape_cast %add3A_1005 : vector<512xi32> to vector<1x1x512xi32>
      tpu.vector_store %arg7[%swap3A_1006, %swap3A_1007, %swap3A_1008], %swap3A_1011 {strides = array<i32>} : memref<1x20x512xi32, #tpu.memory_space<vmem>>, vector<1x1x512xi32>,
      %broadcast_in_dim3A_1012 = vector.shape_cast %reduce_min3A_1000 : vector<512xi32> to vector<1x512xi32>
      %eq3A_1013 = vector.broadcast %broadcast_in_dim3A_1012 : vector<1x512xi32> to vector<2048x512xi32>
      %eq3A_1014 = arith.cmpi eq, %select_n3A_998, %eq3A_1013 : vector<2048x512xi32>
      %broadcast_in_dim3A_1015 = vector.broadcast %cond3A : i32 to vector<2048x512xi32>
      %select_n3A_1016 = arith.select %eq3A_1014, %broadcast_in_dim3A_1015, %select_n3A_998 : vector<2048x512xi1>, vector<2048x512xi32>
      %reduce_min3A_1017 = arith.constant dense<2147483647> : vector<512xi32>
      %reduce_min3A_1018 = vector.multi_reduction <minsi>, %select_n3A_1016, %reduce_min3A_1017 [0] : vector<2048x512xi32> to vector<512xi32>
      %and3A_1019 = arith.constant 2047 : i32
      %and3A_1020 = vector.broadcast %and3A_1019 : i32 to vector<512xi32>
      %and3A_1021 = arith.andi %reduce_min3A_1018, %and3A_1020 : vector<512xi32>
      %add3A_1022 = vector.broadcast %mul3A_17 : i32 to vector<512xi32>
      %add3A_1023 = arith.addi %and3A_1021, %add3A_1022 : vector<512xi32>
      %swap3A_1024 = arith.constant 0 : index
      %swap3A_1025 = arith.constant 15 : index
      %swap3A_1026 = arith.constant 0 : index
      %swap3A_1027 = vector.load %arg7[%swap3A_1024, %swap3A_1025, %swap3A_1026] : memref<1x20x512xi32, #tpu.memory_space<vmem>>, vector<1x1x512xi32>
      %swap3A_1028 = vector.shape_cast %swap3A_1027 : vector<1x1x512xi32> to vector<512xi32>
      %swap3A_1029 = vector.shape_cast %add3A_1023 : vector<512xi32> to vector<1x1x512xi32>
      tpu.vector_store %arg7[%swap3A_1024, %swap3A_1025, %swap3A_1026], %swap3A_1029 {strides = array<i32>} : memref<1x20x512xi32, #tpu.memory_space<vmem>>, vector<1x1x512xi32>,
      %broadcast_in_dim3A_1030 = vector.shape_cast %reduce_min3A_1018 : vector<512xi32> to vector<1x512xi32>
      %eq3A_1031 = vector.broadcast %broadcast_in_dim3A_1030 : vector<1x512xi32> to vector<2048x512xi32>
      %eq3A_1032 = arith.cmpi eq, %select_n3A_1016, %eq3A_1031 : vector<2048x512xi32>
      %broadcast_in_dim3A_1033 = vector.broadcast %cond3A : i32 to vector<2048x512xi32>
      %select_n3A_1034 = arith.select %eq3A_1032, %broadcast_in_dim3A_1033, %select_n3A_1016 : vector<2048x512xi1>, vector<2048x512xi32>
      %reduce_min3A_1035 = arith.constant dense<2147483647> : vector<512xi32>
      %reduce_min3A_1036 = vector.multi_reduction <minsi>, %select_n3A_1034, %reduce_min3A_1035 [0] : vector<2048x512xi32> to vector<512xi32>
      %and3A_1037 = arith.constant 2047 : i32
      %and3A_1038 = vector.broadcast %and3A_1037 : i32 to vector<512xi32>
      %and3A_1039 = arith.andi %reduce_min3A_1036, %and3A_1038 : vector<512xi32>
      %add3A_1040 = vector.broadcast %mul3A_17 : i32 to vector<512xi32>
      %add3A_1041 = arith.addi %and3A_1039, %add3A_1040 : vector<512xi32>
      %swap3A_1042 = arith.constant 0 : index
      %swap3A_1043 = arith.constant 16 : index
      %swap3A_1044 = arith.constant 0 : index
      %swap3A_1045 = vector.load %arg7[%swap3A_1042, %swap3A_1043, %swap3A_1044] : memref<1x20x512xi32, #tpu.memory_space<vmem>>, vector<1x1x512xi32>
      %swap3A_1046 = vector.shape_cast %swap3A_1045 : vector<1x1x512xi32> to vector<512xi32>
      %swap3A_1047 = vector.shape_cast %add3A_1041 : vector<512xi32> to vector<1x1x512xi32>
      tpu.vector_store %arg7[%swap3A_1042, %swap3A_1043, %swap3A_1044], %swap3A_1047 {strides = array<i32>} : memref<1x20x512xi32, #tpu.memory_space<vmem>>, vector<1x1x512xi32>,
      %broadcast_in_dim3A_1048 = vector.shape_cast %reduce_min3A_1036 : vector<512xi32> to vector<1x512xi32>
      %eq3A_1049 = vector.broadcast %broadcast_in_dim3A_1048 : vector<1x512xi32> to vector<2048x512xi32>
      %eq3A_1050 = arith.cmpi eq, %select_n3A_1034, %eq3A_1049 : vector<2048x512xi32>
      %broadcast_in_dim3A_1051 = vector.broadcast %cond3A : i32 to vector<2048x512xi32>
      %select_n3A_1052 = arith.select %eq3A_1050, %broadcast_in_dim3A_1051, %select_n3A_1034 : vector<2048x512xi1>, vector<2048x512xi32>
      %reduce_min3A_1053 = arith.constant dense<2147483647> : vector<512xi32>
      %reduce_min3A_1054 = vector.multi_reduction <minsi>, %select_n3A_1052, %reduce_min3A_1053 [0] : vector<2048x512xi32> to vector<512xi32>
      %and3A_1055 = arith.constant 2047 : i32
      %and3A_1056 = vector.broadcast %and3A_1055 : i32 to vector<512xi32>
      %and3A_1057 = arith.andi %reduce_min3A_1054, %and3A_1056 : vector<512xi32>
      %add3A_1058 = vector.broadcast %mul3A_17 : i32 to vector<512xi32>
      %add3A_1059 = arith.addi %and3A_1057, %add3A_1058 : vector<512xi32>
      %swap3A_1060 = arith.constant 0 : index
      %swap3A_1061 = arith.constant 17 : index
      %swap3A_1062 = arith.constant 0 : index
      %swap3A_1063 = vector.load %arg7[%swap3A_1060, %swap3A_1061, %swap3A_1062] : memref<1x20x512xi32, #tpu.memory_space<vmem>>, vector<1x1x512xi32>
      %swap3A_1064 = vector.shape_cast %swap3A_1063 : vector<1x1x512xi32> to vector<512xi32>
      %swap3A_1065 = vector.shape_cast %add3A_1059 : vector<512xi32> to vector<1x1x512xi32>
      tpu.vector_store %arg7[%swap3A_1060, %swap3A_1061, %swap3A_1062], %swap3A_1065 {strides = array<i32>} : memref<1x20x512xi32, #tpu.memory_space<vmem>>, vector<1x1x512xi32>,
      %broadcast_in_dim3A_1066 = vector.shape_cast %reduce_min3A_1054 : vector<512xi32> to vector<1x512xi32>
      %eq3A_1067 = vector.broadcast %broadcast_in_dim3A_1066 : vector<1x512xi32> to vector<2048x512xi32>
      %eq3A_1068 = arith.cmpi eq, %select_n3A_1052, %eq3A_1067 : vector<2048x512xi32>
      %broadcast_in_dim3A_1069 = vector.broadcast %cond3A : i32 to vector<2048x512xi32>
      %select_n3A_1070 = arith.select %eq3A_1068, %broadcast_in_dim3A_1069, %select_n3A_1052 : vector<2048x512xi1>, vector<2048x512xi32>
      %reduce_min3A_1071 = arith.constant dense<2147483647> : vector<512xi32>
      %reduce_min3A_1072 = vector.multi_reduction <minsi>, %select_n3A_1070, %reduce_min3A_1071 [0] : vector<2048x512xi32> to vector<512xi32>
      %and3A_1073 = arith.constant 2047 : i32
      %and3A_1074 = vector.broadcast %and3A_1073 : i32 to vector<512xi32>
      %and3A_1075 = arith.andi %reduce_min3A_1072, %and3A_1074 : vector<512xi32>
      %add3A_1076 = vector.broadcast %mul3A_17 : i32 to vector<512xi32>
      %add3A_1077 = arith.addi %and3A_1075, %add3A_1076 : vector<512xi32>
      %swap3A_1078 = arith.constant 0 : index
      %swap3A_1079 = arith.constant 18 : index
      %swap3A_1080 = arith.constant 0 : index
      %swap3A_1081 = vector.load %arg7[%swap3A_1078, %swap3A_1079, %swap3A_1080] : memref<1x20x512xi32, #tpu.memory_space<vmem>>, vector<1x1x512xi32>
      %swap3A_1082 = vector.shape_cast %swap3A_1081 : vector<1x1x512xi32> to vector<512xi32>
      %swap3A_1083 = vector.shape_cast %add3A_1077 : vector<512xi32> to vector<1x1x512xi32>
      tpu.vector_store %arg7[%swap3A_1078, %swap3A_1079, %swap3A_1080], %swap3A_1083 {strides = array<i32>} : memref<1x20x512xi32, #tpu.memory_space<vmem>>, vector<1x1x512xi32>,
      %broadcast_in_dim3A_1084 = vector.shape_cast %reduce_min3A_1072 : vector<512xi32> to vector<1x512xi32>
      %eq3A_1085 = vector.broadcast %broadcast_in_dim3A_1084 : vector<1x512xi32> to vector<2048x512xi32>
      %eq3A_1086 = arith.cmpi eq, %select_n3A_1070, %eq3A_1085 : vector<2048x512xi32>
      %broadcast_in_dim3A_1087 = vector.broadcast %cond3A : i32 to vector<2048x512xi32>
      %select_n3A_1088 = arith.select %eq3A_1086, %broadcast_in_dim3A_1087, %select_n3A_1070 : vector<2048x512xi1>, vector<2048x512xi32>
      %reduce_min3A_1089 = arith.constant dense<2147483647> : vector<512xi32>
      %reduce_min3A_1090 = vector.multi_reduction <minsi>, %select_n3A_1088, %reduce_min3A_1089 [0] : vector<2048x512xi32> to vector<512xi32>
      %and3A_1091 = arith.constant 2047 : i32
      %and3A_1092 = vector.broadcast %and3A_1091 : i32 to vector<512xi32>
      %and3A_1093 = arith.andi %reduce_min3A_1090, %and3A_1092 : vector<512xi32>
      %add3A_1094 = vector.broadcast %mul3A_17 : i32 to vector<512xi32>
      %add3A_1095 = arith.addi %and3A_1093, %add3A_1094 : vector<512xi32>
      %swap3A_1096 = arith.constant 0 : index
      %swap3A_1097 = arith.constant 19 : index
      %swap3A_1098 = arith.constant 0 : index
      %swap3A_1099 = vector.load %arg7[%swap3A_1096, %swap3A_1097, %swap3A_1098] : memref<1x20x512xi32, #tpu.memory_space<vmem>>, vector<1x1x512xi32>
      %swap3A_1100 = vector.shape_cast %swap3A_1099 : vector<1x1x512xi32> to vector<512xi32>
      %swap3A_1101 = vector.shape_cast %add3A_1095 : vector<512xi32> to vector<1x1x512xi32>
      tpu.vector_store %arg7[%swap3A_1096, %swap3A_1097, %swap3A_1098], %swap3A_1101 {strides = array<i32>} : memref<1x20x512xi32, #tpu.memory_space<vmem>>, vector<1x1x512xi32>,
    } else {
    }
    %get3A_720 = arith.constant 0 : index
    %get3A_721 = arith.constant 0 : index
    %get3A_722 = vector.load %arg4[%get3A_720, %get3A_721] : memref<64x128xf32, #tpu.memory_space<vmem>>, vector<64x128xf32>
    %dot_general3A_723 = arith.constant dense<0.000000e+00> : vector<512x128xf32>
    %dot_general3A_724 = tpu.matmul %get3A_8, %get3A_722, %dot_general3A_723 {dimension_numbers = #tpu.dot_dimension_numbers<[1], [0], [0], [1], [0, 0, 1, 1], [], []>, transpose_lhs_hint = false} : vector<512x64xf32>, vector<64x128xf32>, vector<512x128xf32> -> vector<512x128xf32>
    %swap3A_725 = arith.constant 0 : index
    %swap3A_726 = arith.constant 0 : index
    %swap3A_727 = arith.constant 0 : index
    %swap3A_728 = vector.load %arg8[%swap3A_725, %swap3A_726, %swap3A_727] : memref<1x512x128xf32, #tpu.memory_space<vmem>>, vector<1x512x128xf32>
    %swap3A_729 = vector.shape_cast %swap3A_728 : vector<1x512x128xf32> to vector<512x128xf32>
    %swap3A_730 = vector.shape_cast %dot_general3A_724 : vector<512x128xf32> to vector<1x512x128xf32>
    tpu.vector_store %arg8[%swap3A_725, %swap3A_726, %swap3A_727], %swap3A_730 {strides = array<i32>} : memref<1x512x128xf32, #tpu.memory_space<vmem>>, vector<1x512x128xf32>,
    %get3A_731 = arith.constant 0 : index
    %get3A_732 = arith.constant 0 : index
    %get3A_733 = vector.load %arg5[%get3A_731, %get3A_732] : memref<64x128xf32, #tpu.memory_space<vmem>>, vector<64x128xf32>
    %dot_general3A_734 = arith.constant dense<0.000000e+00> : vector<512x128xf32>
    %dot_general3A_735 = tpu.matmul %get3A_8, %get3A_733, %dot_general3A_734 {dimension_numbers = #tpu.dot_dimension_numbers<[1], [0], [0], [1], [0, 0, 1, 1], [], []>, transpose_lhs_hint = false} : vector<512x64xf32>, vector<64x128xf32>, vector<512x128xf32> -> vector<512x128xf32>
    %get3A_736 = arith.constant 0 : index
    %get3A_737 = arith.constant 0 : index
    %get3A_738 = vector.load %arg6[%get3A_736, %get3A_737] : memref<1x128xf32, #tpu.memory_space<vmem>>, vector<1x128xf32>
    %add3A_739 = vector.broadcast %get3A_738 : vector<1x128xf32> to vector<512x128xf32>
    %add3A_740 = arith.addf %dot_general3A_735, %add3A_739 : vector<512x128xf32>
    %swap3A_741 = arith.constant 0 : index
    %swap3A_742 = arith.constant 0 : index
    %swap3A_743 = arith.constant 0 : index
    %swap3A_744 = vector.load %arg9[%swap3A_741, %swap3A_742, %swap3A_743] : memref<1x512x128xf32, #tpu.memory_space<vmem>>, vector<1x512x128xf32>
    %swap3A_745 = vector.shape_cast %swap3A_744 : vector<1x512x128xf32> to vector<512x128xf32>
    %swap3A_746 = vector.shape_cast %add3A_740 : vector<512x128xf32> to vector<1x512x128xf32>
    tpu.vector_store %arg9[%swap3A_741, %swap3A_742, %swap3A_743], %swap3A_746 {strides = array<i32>} : memref<1x512x128xf32, #tpu.memory_space<vmem>>, vector<1x512x128xf32>,
    return
  }
  func.func @transform_0(%arg0: i32, %arg1: i32) -> (i32, i32, i32) {
    %c0_i32 = arith.constant 0 : i32
    %c0_i32_0 = arith.constant 0 : i32
    %c0_i32_1 = arith.constant 0 : i32
    return %arg0, %c0_i32, %c0_i32_0 : i32, i32, i32
  }
  func.func @transform_1(%arg0: i32, %arg1: i32) -> (i32, i32, i32) {
    %c0_i32 = arith.constant 0 : i32
    %c0_i32_0 = arith.constant 0 : i32
    return %arg0, %arg1, %c0_i32 : i32, i32, i32
  }
  func.func @transform_2(%arg0: i32, %arg1: i32) -> (i32, i32) {
    %c0_i32 = arith.constant 0 : i32
    %c0_i32_0 = arith.constant 0 : i32
    %c0_i32_1 = arith.constant 0 : i32
    return %c0_i32, %c0_i32_0 : i32, i32
  }
  func.func @transform_3(%arg0: i32, %arg1: i32) -> (i32, i32) {
    %c0_i32 = arith.constant 0 : i32
    %c0_i32_0 = arith.constant 0 : i32
    %c0_i32_1 = arith.constant 0 : i32
    return %c0_i32, %c0_i32_0 : i32, i32
  }
  func.func @transform_4(%arg0: i32, %arg1: i32) -> (i32, i32) {
    %c0_i32 = arith.constant 0 : i32
    %c0_i32_0 = arith.constant 0 : i32
    %c0_i32_1 = arith.constant 0 : i32
    return %c0_i32, %c0_i32_0 : i32, i32
  }
  func.func @transform_5(%arg0: i32, %arg1: i32) -> (i32, i32, i32) {
    %c0_i32 = arith.constant 0 : i32
    %c0_i32_0 = arith.constant 0 : i32
    return %arg0, %c0_i32, %arg1 : i32, i32, i32
  }
  func.func @transform_6(%arg0: i32, %arg1: i32) -> (i32, i32, i32) {
    %c0_i32 = arith.constant 0 : i32
    %c0_i32_0 = arith.constant 0 : i32
    return %arg0, %arg1, %c0_i32 : i32, i32, i32
  }
  func.func @transform_7(%arg0: i32, %arg1: i32) -> (i32, i32, i32) {
    %c0_i32 = arith.constant 0 : i32
    %c0_i32_0 = arith.constant 0 : i32
    return %arg0, %arg1, %c0_i32 : i32, i32, i32
  }
}

module attributes {stable_mosaic.version = 14 : i64} {
  func.func @_lin1pool_kernel(%arg0: i32, %arg1: i32, %arg2: memref<1x512x64xf32, #tpu.memory_space<vmem>>, %arg3: memref<1x512x128xf32, #tpu.memory_space<vmem>>, %arg4: memref<1x20x512x128xf32, #tpu.memory_space<vmem>>, %arg5: memref<64x1024xf32, #tpu.memory_space<vmem>>, %arg6: memref<128x1024xf32, #tpu.memory_space<vmem>>, %arg7: memref<1x1024xf32, #tpu.memory_space<vmem>>, %arg8: memref<1024x512xf32, #tpu.memory_space<vmem>>, %arg9: memref<1x512xf32, #tpu.memory_space<vmem>>, %arg10: memref<512x256xf32, #tpu.memory_space<vmem>>, %arg11: memref<1x256xf32, #tpu.memory_space<vmem>>, %arg12: memref<256x10xf32, #tpu.memory_space<vmem>>, %arg13: memref<1x10xf32, #tpu.memory_space<vmem>>, %arg14: memref<8x1024xf32, #tpu.memory_space<vmem>>, %arg15: memref<8x10xf32, #tpu.memory_space<vmem>>) attributes {dimension_semantics = [#tpu.dimension_semantics<arbitrary>, #tpu.dimension_semantics<arbitrary>], iteration_bounds = array<i64: 8, 4>, scalar_prefetch = 0 : i64, scratch_operands = 0 : i64, tpu.core_type = #tpu.core_type<tc>, window_params = [{transform_indices = @transform_0, window_bounds = array<i64: 1, 512, 64>}, {transform_indices = @transform_1, window_bounds = array<i64: 1, 512, 128>}, {transform_indices = @transform_2, window_bounds = array<i64: 1, 20, 512, 128>}, {pipeline_mode = #tpu.pipeline_mode<synchronous>, transform_indices = @transform_3, window_bounds = array<i64: 64, 1024>}, {pipeline_mode = #tpu.pipeline_mode<synchronous>, transform_indices = @transform_4, window_bounds = array<i64: 128, 1024>}, {pipeline_mode = #tpu.pipeline_mode<synchronous>, transform_indices = @transform_5, window_bounds = array<i64: 1, 1024>}, {pipeline_mode = #tpu.pipeline_mode<synchronous>, transform_indices = @transform_6, window_bounds = array<i64: 1024, 512>}, {pipeline_mode = #tpu.pipeline_mode<synchronous>, transform_indices = @transform_7, window_bounds = array<i64: 1, 512>}, {pipeline_mode = #tpu.pipeline_mode<synchronous>, transform_indices = @transform_8, window_bounds = array<i64: 512, 256>}, {pipeline_mode = #tpu.pipeline_mode<synchronous>, transform_indices = @transform_9, window_bounds = array<i64: 1, 256>}, {pipeline_mode = #tpu.pipeline_mode<synchronous>, transform_indices = @transform_10, window_bounds = array<i64: 256, 10>}, {pipeline_mode = #tpu.pipeline_mode<synchronous>, transform_indices = @transform_11, window_bounds = array<i64: 1, 10>}, {pipeline_mode = #tpu.pipeline_mode<synchronous>, transform_indices = @transform_12, window_bounds = array<i64: 8, 1024>}, {pipeline_mode = #tpu.pipeline_mode<synchronous>, transform_indices = @transform_13, window_bounds = array<i64: 8, 10>}]} {
    %get3A = arith.constant 0 : index
    %get3A_0 = arith.constant 0 : index
    %get3A_1 = arith.constant 0 : index
    %get3A_2 = arith.constant 0 : index
    %get3A_3 = vector.load %arg4[%get3A, %get3A_0, %get3A_1, %get3A_2] : memref<1x20x512x128xf32, #tpu.memory_space<vmem>>, vector<1x20x512x128xf32>
    %get3A_4 = vector.shape_cast %get3A_3 : vector<1x20x512x128xf32> to vector<20x512x128xf32>
    %reduce_max3A = arith.constant dense<0xFF800000> : vector<512x128xf32>
    %reduce_max3A_5 = vector.multi_reduction <maximumf>, %get3A_4, %reduce_max3A [0] : vector<20x512x128xf32> to vector<512x128xf32>
    %get3A_6 = arith.constant 0 : index
    %get3A_7 = arith.constant 0 : index
    %get3A_8 = arith.constant 0 : index
    %get3A_9 = vector.load %arg3[%get3A_6, %get3A_7, %get3A_8] : memref<1x512x128xf32, #tpu.memory_space<vmem>>, vector<1x512x128xf32>
    %get3A_10 = vector.shape_cast %get3A_9 : vector<1x512x128xf32> to vector<512x128xf32>
    %add3A = arith.addf %get3A_10, %reduce_max3A_5 : vector<512x128xf32>
    %max3A = arith.constant 0.000000e+00 : f32
    %max3A_11 = vector.broadcast %max3A : f32 to vector<512x128xf32>
    %max3A_12 = arith.maximumf %add3A, %max3A_11 : vector<512x128xf32>
    %get3A_13 = arith.constant 0 : index
    %get3A_14 = arith.constant 0 : index
    %get3A_15 = arith.constant 0 : index
    %get3A_16 = vector.load %arg2[%get3A_13, %get3A_14, %get3A_15] : memref<1x512x64xf32, #tpu.memory_space<vmem>>, vector<1x512x64xf32>
    %get3A_17 = vector.shape_cast %get3A_16 : vector<1x512x64xf32> to vector<512x64xf32>
    %get3A_18 = arith.constant 0 : index
    %get3A_19 = arith.constant 0 : index
    %get3A_20 = vector.load %arg5[%get3A_18, %get3A_19] : memref<64x1024xf32, #tpu.memory_space<vmem>>, vector<64x1024xf32>
    %dot_general3A = arith.constant dense<0.000000e+00> : vector<512x1024xf32>
    %dot_general3A_21 = tpu.matmul %get3A_17, %get3A_20, %dot_general3A {dimension_numbers = #tpu.dot_dimension_numbers<[1], [0], [0], [1], [0, 0, 1, 1], [], []>, transpose_lhs_hint = false} : vector<512x64xf32>, vector<64x1024xf32>, vector<512x1024xf32> -> vector<512x1024xf32>
    %get3A_22 = arith.constant 0 : index
    %get3A_23 = arith.constant 0 : index
    %get3A_24 = vector.load %arg6[%get3A_22, %get3A_23] : memref<128x1024xf32, #tpu.memory_space<vmem>>, vector<128x1024xf32>
    %dot_general3A_25 = arith.constant dense<0.000000e+00> : vector<512x1024xf32>
    %dot_general3A_26 = tpu.matmul %max3A_12, %get3A_24, %dot_general3A_25 {dimension_numbers = #tpu.dot_dimension_numbers<[1], [0], [0], [1], [0, 0, 1, 1], [], []>, transpose_lhs_hint = false} : vector<512x128xf32>, vector<128x1024xf32>, vector<512x1024xf32> -> vector<512x1024xf32>
    %add3A_27 = arith.addf %dot_general3A_21, %dot_general3A_26 : vector<512x1024xf32>
    %get3A_28 = arith.constant 0 : index
    %get3A_29 = arith.constant 0 : index
    %get3A_30 = vector.load %arg7[%get3A_28, %get3A_29] : memref<1x1024xf32, #tpu.memory_space<vmem>>, vector<1x1024xf32>
    %add3A_31 = vector.broadcast %get3A_30 : vector<1x1024xf32> to vector<512x1024xf32>
    %add3A_32 = arith.addf %add3A_27, %add3A_31 : vector<512x1024xf32>
    %reduce_max3A_33 = arith.constant dense<0xFF800000> : vector<1024xf32>
    %reduce_max3A_34 = vector.multi_reduction <maximumf>, %add3A_32, %reduce_max3A_33 [0] : vector<512x1024xf32> to vector<1024xf32>
    %broadcast_in_dim3A = vector.shape_cast %reduce_max3A_34 : vector<1024xf32> to vector<1x1024xf32>
    %eq3A = arith.constant 0 : i32
    %eq3A_35 = arith.cmpi eq, %arg1, %eq3A : i32
    %convert_element_type3A = arith.extui %eq3A_35 : i1 to i32
    %cond3A = arith.constant 0 : i32
    %cond3A_36 = arith.cmpi ne, %convert_element_type3A, %cond3A : i32
    scf.if %cond3A_36 {
      %swap3A = arith.index_cast %arg0 : i32 to index
      %swap3A_48 = arith.constant 0 : index
      %swap3A_49 = vector.load %arg14[%swap3A, %swap3A_48] : memref<8x1024xf32, #tpu.memory_space<vmem>>, vector<1x1024xf32>
      tpu.vector_store %arg14[%swap3A, %swap3A_48], %broadcast_in_dim3A {strides = array<i32>} : memref<8x1024xf32, #tpu.memory_space<vmem>>, vector<1x1024xf32>,
    } else {
    }
    %ne3A = arith.constant 0 : i32
    %ne3A_37 = arith.cmpi ne, %arg1, %ne3A : i32
    %convert_element_type3A_38 = arith.extui %ne3A_37 : i1 to i32
    %cond3A_39 = arith.constant 0 : i32
    %cond3A_40 = arith.cmpi ne, %convert_element_type3A_38, %cond3A_39 : i32
    scf.if %cond3A_40 {
      %get3A_48 = arith.index_cast %arg0 : i32 to index
      %get3A_49 = arith.constant 0 : index
      %get3A_50 = vector.load %arg14[%get3A_48, %get3A_49] : memref<8x1024xf32, #tpu.memory_space<vmem>>, vector<1x1024xf32>
      %max3A_51 = arith.maximumf %get3A_50, %broadcast_in_dim3A : vector<1x1024xf32>
      %swap3A = arith.index_cast %arg0 : i32 to index
      %swap3A_52 = arith.constant 0 : index
      %swap3A_53 = vector.load %arg14[%swap3A, %swap3A_52] : memref<8x1024xf32, #tpu.memory_space<vmem>>, vector<1x1024xf32>
      tpu.vector_store %arg14[%swap3A, %swap3A_52], %max3A_51 {strides = array<i32>} : memref<8x1024xf32, #tpu.memory_space<vmem>>, vector<1x1024xf32>,
    } else {
    }
    %eq3A_41 = arith.constant 7 : i32
    %eq3A_42 = arith.cmpi eq, %arg0, %eq3A_41 : i32
    %eq3A_43 = arith.constant 3 : i32
    %eq3A_44 = arith.cmpi eq, %arg1, %eq3A_43 : i32
    %and3A = arith.andi %eq3A_42, %eq3A_44 : i1
    %convert_element_type3A_45 = arith.extui %and3A : i1 to i32
    %cond3A_46 = arith.constant 0 : i32
    %cond3A_47 = arith.cmpi ne, %convert_element_type3A_45, %cond3A_46 : i32
    scf.if %cond3A_47 {
      %get3A_48 = arith.constant 0 : index
      %get3A_49 = arith.constant 0 : index
      %get3A_50 = vector.load %arg14[%get3A_48, %get3A_49] : memref<8x1024xf32, #tpu.memory_space<vmem>>, vector<8x1024xf32>
      %get3A_51 = arith.constant 0 : index
      %get3A_52 = arith.constant 0 : index
      %get3A_53 = vector.load %arg8[%get3A_51, %get3A_52] : memref<1024x512xf32, #tpu.memory_space<vmem>>, vector<1024x512xf32>
      %dot_general3A_54 = arith.constant dense<0.000000e+00> : vector<8x512xf32>
      %dot_general3A_55 = tpu.matmul %get3A_50, %get3A_53, %dot_general3A_54 {dimension_numbers = #tpu.dot_dimension_numbers<[1], [0], [0], [1], [0, 0, 1, 1], [], []>, transpose_lhs_hint = false} : vector<8x1024xf32>, vector<1024x512xf32>, vector<8x512xf32> -> vector<8x512xf32>
      %get3A_56 = arith.constant 0 : index
      %get3A_57 = arith.constant 0 : index
      %get3A_58 = vector.load %arg9[%get3A_56, %get3A_57] : memref<1x512xf32, #tpu.memory_space<vmem>>, vector<1x512xf32>
      %add3A_59 = vector.broadcast %get3A_58 : vector<1x512xf32> to vector<8x512xf32>
      %add3A_60 = arith.addf %dot_general3A_55, %add3A_59 : vector<8x512xf32>
      %max3A_61 = arith.constant 0.000000e+00 : f32
      %max3A_62 = vector.broadcast %max3A_61 : f32 to vector<8x512xf32>
      %max3A_63 = arith.maximumf %add3A_60, %max3A_62 : vector<8x512xf32>
      %get3A_64 = arith.constant 0 : index
      %get3A_65 = arith.constant 0 : index
      %get3A_66 = vector.load %arg10[%get3A_64, %get3A_65] : memref<512x256xf32, #tpu.memory_space<vmem>>, vector<512x256xf32>
      %dot_general3A_67 = arith.constant dense<0.000000e+00> : vector<8x256xf32>
      %dot_general3A_68 = tpu.matmul %max3A_63, %get3A_66, %dot_general3A_67 {dimension_numbers = #tpu.dot_dimension_numbers<[1], [0], [0], [1], [0, 0, 1, 1], [], []>, transpose_lhs_hint = false} : vector<8x512xf32>, vector<512x256xf32>, vector<8x256xf32> -> vector<8x256xf32>
      %get3A_69 = arith.constant 0 : index
      %get3A_70 = arith.constant 0 : index
      %get3A_71 = vector.load %arg11[%get3A_69, %get3A_70] : memref<1x256xf32, #tpu.memory_space<vmem>>, vector<1x256xf32>
      %add3A_72 = vector.broadcast %get3A_71 : vector<1x256xf32> to vector<8x256xf32>
      %add3A_73 = arith.addf %dot_general3A_68, %add3A_72 : vector<8x256xf32>
      %max3A_74 = arith.constant 0.000000e+00 : f32
      %max3A_75 = vector.broadcast %max3A_74 : f32 to vector<8x256xf32>
      %max3A_76 = arith.maximumf %add3A_73, %max3A_75 : vector<8x256xf32>
      %get3A_77 = arith.constant 0 : index
      %get3A_78 = arith.constant 0 : index
      %get3A_79 = vector.load %arg12[%get3A_77, %get3A_78] : memref<256x10xf32, #tpu.memory_space<vmem>>, vector<256x10xf32>
      %dot_general3A_80 = arith.constant dense<0.000000e+00> : vector<8x10xf32>
      %dot_general3A_81 = tpu.matmul %max3A_76, %get3A_79, %dot_general3A_80 {dimension_numbers = #tpu.dot_dimension_numbers<[1], [0], [0], [1], [0, 0, 1, 1], [], []>, transpose_lhs_hint = false} : vector<8x256xf32>, vector<256x10xf32>, vector<8x10xf32> -> vector<8x10xf32>
      %get3A_82 = arith.constant 0 : index
      %get3A_83 = arith.constant 0 : index
      %get3A_84 = vector.load %arg13[%get3A_82, %get3A_83] : memref<1x10xf32, #tpu.memory_space<vmem>>, vector<1x10xf32>
      %add3A_85 = vector.broadcast %get3A_84 : vector<1x10xf32> to vector<8x10xf32>
      %add3A_86 = arith.addf %dot_general3A_81, %add3A_85 : vector<8x10xf32>
      %reduce_max3A_87 = arith.constant dense<0xFF800000> : vector<8xf32>
      %reduce_max3A_88 = vector.multi_reduction <maximumf>, %add3A_86, %reduce_max3A_87 [1] : vector<8x10xf32> to vector<8xf32>
      %broadcast_in_dim3A_89 = vector.shape_cast %reduce_max3A_88 : vector<8xf32> to vector<8x1xf32>
      %sub3A = vector.broadcast %broadcast_in_dim3A_89 : vector<8x1xf32> to vector<8x10xf32>
      %sub3A_90 = arith.subf %add3A_86, %sub3A : vector<8x10xf32>
      %exp3A = math.exp %sub3A_90 : vector<8x10xf32>
      %reduce_sum3A = arith.constant dense<0.000000e+00> : vector<8xf32>
      %reduce_sum3A_91 = vector.multi_reduction <add>, %exp3A, %reduce_sum3A [1] : vector<8x10xf32> to vector<8xf32>
      %broadcast_in_dim3A_92 = vector.shape_cast %reduce_sum3A_91 : vector<8xf32> to vector<8x1xf32>
      %log3A = math.log %broadcast_in_dim3A_92 : vector<8x1xf32>
      %sub3A_93 = vector.broadcast %log3A : vector<8x1xf32> to vector<8x10xf32>
      %sub3A_94 = arith.subf %sub3A_90, %sub3A_93 : vector<8x10xf32>
      %swap3A = arith.constant 0 : index
      %swap3A_95 = arith.constant 0 : index
      %swap3A_96 = vector.load %arg15[%swap3A, %swap3A_95] : memref<8x10xf32, #tpu.memory_space<vmem>>, vector<8x10xf32>
      tpu.vector_store %arg15[%swap3A, %swap3A_95], %sub3A_94 {strides = array<i32>} : memref<8x10xf32, #tpu.memory_space<vmem>>, vector<8x10xf32>,
    } else {
    }
    return
  }
  func.func @transform_0(%arg0: i32, %arg1: i32) -> (i32, i32, i32) {
    %c0_i32 = arith.constant 0 : i32
    %c0_i32_0 = arith.constant 0 : i32
    return %arg0, %arg1, %c0_i32 : i32, i32, i32
  }
  func.func @transform_1(%arg0: i32, %arg1: i32) -> (i32, i32, i32) {
    %c0_i32 = arith.constant 0 : i32
    %c0_i32_0 = arith.constant 0 : i32
    return %arg0, %arg1, %c0_i32 : i32, i32, i32
  }
  func.func @transform_2(%arg0: i32, %arg1: i32) -> (i32, i32, i32, i32) {
    %c0_i32 = arith.constant 0 : i32
    %c0_i32_0 = arith.constant 0 : i32
    %c0_i32_1 = arith.constant 0 : i32
    return %arg0, %c0_i32, %arg1, %c0_i32_0 : i32, i32, i32, i32
  }
  func.func @transform_3(%arg0: i32, %arg1: i32) -> (i32, i32) {
    %c0_i32 = arith.constant 0 : i32
    %c0_i32_0 = arith.constant 0 : i32
    %c0_i32_1 = arith.constant 0 : i32
    return %c0_i32, %c0_i32_0 : i32, i32
  }
  func.func @transform_4(%arg0: i32, %arg1: i32) -> (i32, i32) {
    %c0_i32 = arith.constant 0 : i32
    %c0_i32_0 = arith.constant 0 : i32
    %c0_i32_1 = arith.constant 0 : i32
    return %c0_i32, %c0_i32_0 : i32, i32
  }
  func.func @transform_5(%arg0: i32, %arg1: i32) -> (i32, i32) {
    %c0_i32 = arith.constant 0 : i32
    %c0_i32_0 = arith.constant 0 : i32
    %c0_i32_1 = arith.constant 0 : i32
    return %c0_i32, %c0_i32_0 : i32, i32
  }
  func.func @transform_6(%arg0: i32, %arg1: i32) -> (i32, i32) {
    %c0_i32 = arith.constant 0 : i32
    %c0_i32_0 = arith.constant 0 : i32
    %c0_i32_1 = arith.constant 0 : i32
    return %c0_i32, %c0_i32_0 : i32, i32
  }
  func.func @transform_7(%arg0: i32, %arg1: i32) -> (i32, i32) {
    %c0_i32 = arith.constant 0 : i32
    %c0_i32_0 = arith.constant 0 : i32
    %c0_i32_1 = arith.constant 0 : i32
    return %c0_i32, %c0_i32_0 : i32, i32
  }
  func.func @transform_8(%arg0: i32, %arg1: i32) -> (i32, i32) {
    %c0_i32 = arith.constant 0 : i32
    %c0_i32_0 = arith.constant 0 : i32
    %c0_i32_1 = arith.constant 0 : i32
    return %c0_i32, %c0_i32_0 : i32, i32
  }
  func.func @transform_9(%arg0: i32, %arg1: i32) -> (i32, i32) {
    %c0_i32 = arith.constant 0 : i32
    %c0_i32_0 = arith.constant 0 : i32
    %c0_i32_1 = arith.constant 0 : i32
    return %c0_i32, %c0_i32_0 : i32, i32
  }
  func.func @transform_10(%arg0: i32, %arg1: i32) -> (i32, i32) {
    %c0_i32 = arith.constant 0 : i32
    %c0_i32_0 = arith.constant 0 : i32
    %c0_i32_1 = arith.constant 0 : i32
    return %c0_i32, %c0_i32_0 : i32, i32
  }
  func.func @transform_11(%arg0: i32, %arg1: i32) -> (i32, i32) {
    %c0_i32 = arith.constant 0 : i32
    %c0_i32_0 = arith.constant 0 : i32
    %c0_i32_1 = arith.constant 0 : i32
    return %c0_i32, %c0_i32_0 : i32, i32
  }
  func.func @transform_12(%arg0: i32, %arg1: i32) -> (i32, i32) {
    %c0_i32 = arith.constant 0 : i32
    %c0_i32_0 = arith.constant 0 : i32
    %c0_i32_1 = arith.constant 0 : i32
    return %c0_i32, %c0_i32_0 : i32, i32
  }
  func.func @transform_13(%arg0: i32, %arg1: i32) -> (i32, i32) {
    %c0_i32 = arith.constant 0 : i32
    %c0_i32_0 = arith.constant 0 : i32
    %c0_i32_1 = arith.constant 0 : i32
    return %c0_i32, %c0_i32_0 : i32, i32
  }
}

</mosaic_0001>

<sc_bundles>
// kernel: kernel.11.cloned.1.call-start
scs
__scs_entry_jumppad:
0x0: {  	(pc) =	sbr.rel $0x88, $3  }
0x1: {  	(tag) =	ssettag $0x0;
	lr =	simm.s32 $0x1  }
0x2: {  	[smem:$0x3F90] =	sst lr;
	_ =	strace $0xD0000000  }
0x3: {  	_ = 	snop  }
0x4: {  	_ = 	snop  }
0x5: {  	_ = 	snop  }
0x6: {  	_ = 	snop  }
0x7: {  	_ = 	snop  }
__scs_overlays_trampoline_lowered:
0x8: {  	[smem:$0x3F9F] =	sst s0  }
0x9: {  	[smem:$0x3FA0] =	sst s1  }
0xa: {  	[smem:$0x3FA1] =	sst s2  }
0xb: {  	[smem:$0x3FA2] =	sst s3  }
0xc: {  	[smem:$0x3FA3] =	sst s4  }
0xd: {  	[smem:$0x3FA4] =	sst s5  }
0xe: {  	[smem:$0x3FA5] =	sst s6  }
0xf: {  	[smem:$0x3FA6] =	sst s7  }
0x10: {  	[smem:$0x3FA7] =	sst s8  }
0x11: {  	[smem:$0x3FA8] =	sst s9;
	s0 =	simm.s32 @!p0 $0x0  }
0x12: {  	s1 =	sld [smem:$0x3F8E];
	s0 =	simm.s32 @p0 $0x1  }
0x13: {  	[smem:$0x3FA9] =	sst s0;
	s0 =	simm.s32 @!p1 $0x0  }
0x14: {  	s2 =	sld [smem:$0x3F8D];
	s0 =	simm.s32 @p1 $0x1  }
0x15: {  	[smem:$0x3FAA] =	sst s0;
	s0 =	simm.s32 @!p2 $0x0  }
0x16: {  	s3 =	sld [smem:$0x3FDB];
	s0 =	simm.s32 @p2 $0x1  }
0x17: {  	s4 =	simm.s32 $0x1BF5;
	[smem:$0x3FAC] =	sst s0  }
0x18: {  	s0 =	sld [smem:$0x3F8F];
	_ =	swait.ge [sflag:s4], $0x0  }
0x19: {  	s7 =	sld [smem:$0x3F90]  }
0x1a: {  	s8 =	sadd.s32 $0xFFFFE003, lr  }
0x1b: {  	s9 =	sadd.s32 $0xFFFFFEF7, lr;
	s5 =	simm.s32 $0xFFFFFFFF;
	p2 =	slt.u32 s8, $0xFFFFF086  }
0x1c: {  	p1 =	slt.u32 s9, $0xF7A;
	s5 =	simm.s32 @!p2 $0x0  }
0x1d: {  	s5 =	simm.s32 @p1 $0x1;
	p0 =	seq.s32 s7, s2  }
0x1e: {  	s7 =	smul.u32 @!p0 $0xF7A, s2;
	p2 =	seq.s32 @!p0 s5, $0x0  }
0x1f: {  	s9 =	smul.u32 $0xF7A, s1;
	s8 =	simm.s32 @!p0 $0x1BF5;
	p2 =	por !p2, p0  }
0x20: {  	[sflag:s8] =	ssyncset.s32 @!p0 $0xFFFFF086;
	s6 =	sadd.s32 @!p0 s3, s7;
	s7 =	simm.s32 @!p0 $0x108  }
0x21: {  	s3 =	sadd.s32 s3, s9;
	s6 =	sadd.s32 @!p0 $0x88, s6;
	s7 =	simm.s32 @p2 $0x1082  }
0x22: {  	[simem:s7], [sflag:s8] =	dma.local @!p0 [hbm:s6], $0xF7A  }
0x23: {  	s9 =	sor.u32 $0xD0000000, s2;
	s6 =	simm.s32 $0x108;
	_ =	swait.ge @!p0 [sflag:s8], $0x0  }
0x24: {  	s3 =	sadd.s32 $0x88, s3;
	s6 =	simm.s32 @!p1 $0x1082;
	[sflag:s4] =	ssyncset.s32 $0xFFFFF086  }
0x25: {  	[simem:s6], [sflag:s4] =	dma.local [hbm:s3], $0xF7A  }
0x26: {  	[smem:$0x3F90] =	sst s1;
	(tag) =	ssettag s2;
	_ =	strace s9  }
0x27: {  	s1 =	sld [smem:$0x3FA0]  }
0x28: {  	s2 =	sld [smem:$0x3FA1]  }
0x29: {  	s4 =	sld [smem:$0x3FA3]  }
0x2a: {  	p0 =	seq.s32 s5, $0x0;
	s5 =	sld [smem:$0x3FA4]  }
0x2b: {  	s6 =	sld [smem:$0x3FA5]  }
0x2c: {  	s7 =	sld [smem:$0x3FA6]  }
0x2d: {  	s3 =	simm.s32 $0x108;
	s8 =	sld [smem:$0x3FA7]  }
0x2e: {  	s3 =	simm.s32 @!p0 $0x1082;
	s9 =	sld [smem:$0x3FA8]  }
0x2f: {  	lr =	sadd.s32 s0, s3;
	s0 =	sld [smem:$0x3F9F]  }
0x30: {  	s3 =	sld [smem:$0x3FA2]  }
0x31: {  	[smem:$0x3FAB] =	sst s10  }
0x32: {  	s10 =	sld [smem:$0x3FA9];
	_ =	sdelay $0x3  }
0x33: {  	p0 =	seq.s32 s10, $0x1;
	s10 =	sld [smem:$0x3FAB];
	_ =	sdelay $0x3  }
0x34: {  	[smem:$0x3FAB] =	sst s10  }
0x35: {  	s10 =	sld [smem:$0x3FAA];
	_ =	sdelay $0x3  }
0x36: {  	p1 =	seq.s32 s10, $0x1;
	s10 =	sld [smem:$0x3FAB];
	_ =	sdelay $0x3  }
0x37: {  	[smem:$0x3FAB] =	sst s10  }
0x38: {  	s10 =	sld [smem:$0x3FAC]  }
0x39: {  	_ = 	snop;
	(pc) =	sbr.ind lr, $3  }
0x3a: {  	_ = 	snop  }
0x3b: {  	_ = 	snop  }
0x3c: {  	p2 =	seq.s32 s10, $0x1;
	s10 =	sld [smem:$0x3FAB]  }
0x3d: {  	_ =	shalt  }
0x3e: {  	_ =	shalt  }
0x3f: {  	_ =	shalt  }
0x40: {  	_ =	shalt  }
0x41: {  	_ =	shalt  }
0x42: {  	_ =	shalt  }
0x43: {  	_ =	shalt  }
0x44: {  	_ =	shalt  }
0x45: {  	_ =	shalt  }
0x46: {  	_ =	shalt  }
0x47: {  	_ =	shalt  }
0x48: {  	_ =	shalt  }
0x49: {  	_ =	shalt  }
0x4a: {  	_ =	shalt  }
0x4b: {  	_ =	shalt  }
0x4c: {  	_ =	shalt  }
0x4d: {  	_ =	shalt  }
0x4e: {  	_ =	shalt  }
0x4f: {  	_ =	shalt  }
0x50: {  	_ =	shalt  }
0x51: {  	_ =	shalt  }
0x52: {  	_ =	shalt  }
0x53: {  	_ =	shalt  }
0x54: {  	_ =	shalt  }
0x55: {  	_ =	shalt  }
0x56: {  	_ =	shalt  }
0x57: {  	_ =	shalt  }
0x58: {  	_ =	shalt  }
0x59: {  	_ =	shalt  }
0x5a: {  	_ =	shalt  }
0x5b: {  	_ =	shalt  }
0x5c: {  	_ =	shalt  }
0x5d: {  	_ =	shalt  }
0x5e: {  	_ =	shalt  }
0x5f: {  	_ =	shalt  }
0x60: {  	_ =	shalt  }
0x61: {  	_ =	shalt  }
0x62: {  	_ =	shalt  }
0x63: {  	_ =	shalt  }
0x64: {  	_ =	shalt  }
0x65: {  	_ =	shalt  }
0x66: {  	_ =	shalt  }
0x67: {  	_ =	shalt  }
0x68: {  	_ =	shalt  }
0x69: {  	_ =	shalt  }
0x6a: {  	_ =	shalt  }
0x6b: {  	_ =	shalt  }
0x6c: {  	_ =	shalt  }
0x6d: {  	_ =	shalt  }
0x6e: {  	_ =	shalt  }
0x6f: {  	_ =	shalt  }
0x70: {  	_ =	shalt  }
0x71: {  	_ =	shalt  }
0x72: {  	_ =	shalt  }
0x73: {  	_ =	shalt  }
0x74: {  	_ =	shalt  }
0x75: {  	_ =	shalt  }
0x76: {  	_ =	shalt  }
0x77: {  	_ =	shalt  }
0x78: {  	_ =	shalt  }
0x79: {  	_ =	shalt  }
0x7a: {  	_ =	shalt  }
0x7b: {  	_ =	shalt  }
0x7c: {  	_ =	shalt  }
0x7d: {  	_ =	shalt  }
0x7e: {  	_ =	shalt  }
0x7f: {  	_ =	shalt  }
0x80: {  	_ =	shalt  }
0x81: {  	_ =	shalt  }
0x82: {  	_ =	shalt  }
0x83: {  	_ =	shalt  }
0x84: {  	_ =	shalt  }
0x85: {  	_ =	shalt  }
0x86: {  	_ =	shalt  }
0x87: {  	_ =	shalt  }
.Lfunc_end0:
.L_simem_size_0:
called_computation.1_lowered:
.L_overlay_start_0:
0x88: {  	s2 =	sld [smem:$0x3FD9]  }
0x89: {  	s3 =	sld [smem:$0x3FFE];
	_ =	sdelay $0x1  }
0x8a: {  	s1 =	srdreg.scid  }
0x8b: {  	s0 =	sand.u32 $0x1, s1  }
0x8c: {  	s16 =	sshll.u32 s0, $0xA;
	s2 =	sadd.s32 s3, s2  }
0x8d: {  	s2 =	sadd.s32 s2, s16  }
0x8e: {  	[smem:$0x3FB7] =	sst s2  }
0x8f: {  	_ = 	snop  }
0x90: {  	(tm) =	ssettm $0x1  }
0x91: {  	s17 =	sld [smem:$0x3FFB];
	_ =	sdelay $0x3  }
0x92: {  	_ =	strace s17  }
0x93: {  	s2 =	sld [smem:$0x3FFC];
	_ =	sdelay $0x3  }
0x94: {  	_ =	strace s2  }
0x95: {  	s2 =	sld [smem:$0x3FFD];
	_ =	sdelay $0x3  }
0x96: {  	_ =	strace s2  }
0x97: {  	_ =	strace $0x8FFFFFFF  }
0x98: {  	s18 =	sld [smem:$0x3FDB];
	_ =	sdelay $0x1  }
0x99: {  	s19 =	simm.s32 $_scs_section_size  }
0x9a: {  	s4 =	simm.s32 $_size__tile_overlayer_lowered;
	s5 =	simm.s32 $_tile_overlayer_lowered  }
0x9b: {  	s22 =	simm.s32 $0x1BFF;
	s21 =	sshll.u32 s5, $0x1;
	s2 =	sadd.s32 s19, s18  }
0x9c: {  	s6 =	simm.s32 $0x0;
	s20 =	sshll.u32 s4, $0x1;
	s4 =	sadd.s32 s21, s2  }
0x9d: {  	[timem:s6], [sflag:s22] =	dma.local [hbm:s4], s20  }
0x9e: {  	_ =	swait.ge [sflag:s22], s20  }
0x9f: {  	s3 =	ssub.s32 $0x0, s20;
	[sflag:s22] =	ssyncset.done $0x0  }
0xa0: {  	[sflag:s22] =	ssyncadd.s32 s3;
	_ =	sdelay $0x1  }
0xa1: {  	s23 =	simm.s32 $0x1B8B  }
0xa2: {  	_ =	swait.ge [sflag:s23], $0x1  }
0xa3: {  	[sflag:s23] =	ssyncset.done $0x0  }
0xa4: {  	s25 =	simm.s32 $0x1B8E;
	s24 =	sld [smem:$0x3FFE];
	[sflag:s23] =	ssyncadd.s32 $0xFFFFFFFF  }
0xa5: {  	s26 =	simm.s32 $execute0_lowered;
	[smem:$0x3FD2] =	sst s25  }
0xa6: {  	s4 =	sshll.u32 s26, $0x1;
	_ =	strace $0x80000049;
	[dreg:$0x1] =	wrdreg $0xFFFFFFFF  }
0xa7: {  	s28 =	simm.s32 $_size_execute0_lowered;
	s2 =	sadd.s32 s2, s4;
	[dreg:$0x0] =	wrdreg $0x0  }
0xa8: {  	s4 =	sshll.u32 s28, $0x1;
	[dreg:$0x2] =	wrdreg s2  }
0xa9: {  	[dreg:$0x3] =	wrdreg s4  }
0xaa: {  	[dreg:$0x4] =	wrdreg $0xC0  }
0xab: {  	_ =	task [dreg:s6], $0x5FFFF  }
0xac: {  	[dreg:$0x1] =	wrdreg $0xFFFFFFFF  }
0xad: {  	[dreg:$0x0] =	wrdreg $0x60  }
0xae: {  	[dreg:$0x2] =	wrdreg s24  }
0xaf: {  	[dreg:$0x3] =	wrdreg $0x9  }
0xb0: {  	_ =	task.clear_ibuf [dreg:s6], $0x4FFFF;
	_ =	strace $0x90000049  }
0xb1: {  	s29 =	simm.s32 $0x9;
	_ =	strace $0x8000004B  }
0xb2: {  	_ =	swait.ge [sflag:s29], $0x1  }
0xb3: {  	[sflag:s29] =	ssyncadd.s32 $0xFFFFFFFF  }
0xb4: {  	_ =	strace $0x9000004B  }
0xb5: {  	_ =	sfence  }
0xb6: {  	s30 =	sld [smem:$0x0];
	_ =	sdelay $0x2  }
0xb7: {  	s31 =	sshll.u32 s1, $0xD;
	s1 =	sshrl.u32 s1, $0x2  }
0xb8: {  	s3 =	sand.u32 $0x4000, s31;
	s1 =	sadd.s32 s1, s30  }
0xb9: {  	s0 =	sor.u32 s3, s0;
	s1 =	sshll.u32 s1, $0x11  }
0xba: {  	s0 =	sor.u32 s1, s0  }
0xbb: {  	s0 =	sadd.s32 $0x8F2B, s0  }
0xbc: {  	[sflag:s0] =	ssyncadd.remote.s32 $0x1  }
0xbd: {  	_ =	sfence.sel $0xFFFF  }
0xbe: {  	[dreg:$0x0] =	wrdreg $0xFFFFFFFF;
	(pc) =	sbr.abs _section_cstart, $3  }
0xbf: {  	[dreg:$0x1] =	wrdreg $0xFFFFFFFF  }
0xc0: {  	_ =	task.clear_ibuf [dreg:s6], $0x2FFFF;
	_ =	strace $0x9FFFFFFF  }
0xc1: {  	(tm) =	ssettm $0x7FFFFFFF  }
tec
execute0_lowered:
.L_overlay_start_1:
0x0: {  	(tag) =	ssettag $0x1  }
0x1: {  	s1 =	srdreg.scid;
	s0 =	stileid.u32  }
0x2: {  	s4 =	rddreg [dreg:$0x0];
	s2 =	simm.s32 $0x0;
	s12 =	simm.s32 $0x6800  }
0x3: {  	s13 =	simm.s32 $0x100;
	s14 =	simm.s32 $0xA800;
	s15 =	simm.s32 $0x180  }
0x4: {  	s16 =	simm.s32 $0xE800;
	s17 =	simm.s32 $0x1;
	s18 =	simm.s32 $0x2  }
0x5: {  	s19 =	simm.s32 $0x3;
	s20 =	simm.s32 $0x4;
	s21 =	simm.s32 $0x0  }
0x6: {  	s5 =	sand.u32 $0x1, s1;
	s1 =	rddreg [dreg:$0x1];
	s7 =	smul.u32 $0xA0, s0  }
0x7: {  	s26 =	sshll.u32 s0, $0x1;
	[smem:$0x7FF] =	sst s2;
	s30 =	smul.u32 $0x50000, s0  }
0x8: {  	s10 =	sadd.s32 $0xCDA00, s4;
	s3 =	sor.u32 s5, s26;
	s8 =	smul.u32 $0x50, s5  }
0x9: {  	_ =	strace $0x8000004A;
	s9 =	ssub.s32 $0x2, s5;
	s11 =	smul.u32 $0x28000, s5  }
0xa: {  	s6 =	smul.u32 $0x500, s3;
	s3 =	sadd.s32 $0x43A00, s4;
	s28 =	sshrl.u32 s9, $0x1  }
.Ltmp0:
0xb: {  	s31 =	sadd.s32 s30, s10;
	s7 =	sadd.s32 s8, s7;
	(pc) =	sbr.rel .LBB2_1-.Ltmp0, $4  }
0xc: {  	s29 =	ssub.s32 s9, s28;
	s8 =	sadd.s32 s11, s31;
	s9 =	simm.s32 $0x5  }
0xd: {  	s11 =	simm.s32 $0x2800;
	s6 =	sadd.s32 s6, s4;
	s7 =	sshll.u32 s7, $0xB  }
0xe: {  	s5 =	smax.u32 s29, $0x1;
	s4 =	sadd.s32 $0xC3A00, s6;
	s7 =	sadd.s32 s7, s10  }
0xf: {  	s10 =	simm.s32 $0x80;
	s6 =	sadd.s32 $0x1800, s7;
	s7 =	sadd.s32 $0x1000, s7  }
.LBB2_4:
0x10: {  	s21 =	sadd.s32 $0x1, s21  }
0x11: {  	p0 =	sne.s32 s21, s5  }
.Ltmp1:
0x12: {  	_ = 	snop;
	(pc) =	sbr.rel @!p0 .LBB2_5-.Ltmp1, $1  }
0x13: {  	_ =	sdelay $0x3  }
.LBB2_1:
0x14: {  	[tilespmem:s2], [sflag:$0x5] =	stream.linear.gather [hbm4b:s4+s2], $0x2800, $0x38;
	[tilespmem:$0x12800] =	vst v63  }
0x15: {  	_ =	swait.ge [sflag:s9], $0x2800  }
0x16: {  	[sflag:s9] =	ssyncset.done $0x0  }
0x17: {  	[sflag:s9] =	ssyncadd.s32 $0xFFFFD800  }
0x18: {  	[tilespmem:s11], [sflag:$0x1] =	stream.indirect.gather [hbm4b:s3+s10], $0x80, s2, s10, $0xb8;
	[tilespmem:$0x12800] =	vst v63  }
0x19: {  	_ = 	snop  }
0x1a: {  	[tilespmem:s12], [sflag:$0x2] =	stream.indirect.gather [hbm4b:s3+s10], $0x80, s10, s10, $0xb8;
	[tilespmem:$0x12800] =	vst v63  }
0x1b: {  	s22 =	smov.u32 s8  }
0x1c: {  	[tilespmem:s14], [sflag:$0x3] =	stream.indirect.gather [hbm4b:s3+s10], $0x80, s13, s10, $0xb8;
	[tilespmem:$0x12800] =	vst v63  }
0x1d: {  	s23 =	smov.u32 s7;
	s24 =	smov.u32 s6;
	s25 =	simm.s32 $0x0  }
0x1e: {  	[tilespmem:s16], [sflag:$0x4] =	stream.indirect.gather [hbm4b:s3+s10], $0x80, s15, s10, $0xb8;
	[tilespmem:$0x12800] =	vst v63  }
.LBB2_2:
0x1f: {  	_ =	swait.ge [sflag:s17], $0x4000  }
0x20: {  	[sflag:s17] =	ssyncset.done $0x0  }
0x21: {  	[sflag:s17] =	ssyncadd.s32 $0xFFFFC000  }
0x22: {  	[hbm4b:s22+s2] =	stream.linear.scatter [tilespmem:s11], [sflag:$0x5], $0x4000, $0x38;
	[tilespmem:$0x12800] =	vst v63  }
0x23: {  	p0 =	seq.s32 s25, $0x9800;
	_ =	swait.ge [sflag:s9], $0x4000  }
0x24: {  	s26 =	sshra.s32 @!p0 s25, $0x2;
	s29 =	simm.s32 @!p0 $0x80;
	[sflag:s9] =	ssyncset.done $0x0  }
0x25: {  	s30 =	simm.s32 @!p0 $0x2800;
	s28 =	sadd.s32 @!p0 $0x200, s26;
	[sflag:s9] =	ssyncadd.s32 $0xFFFFC000  }
0x26: {  	[tilespmem:s30], [sflag:$0x1] =	stream.indirect.gather @!p0 [hbm4b:s3+s29], $0x80, s28, s29, $0xb8;
	[tilespmem:$0x12800] =	vst v63  }
0x27: {  	_ =	swait.ge [sflag:s18], $0x4000  }
0x28: {  	[sflag:s18] =	ssyncset.done $0x0  }
0x29: {  	s31 =	sadd.s32 $0xFFFFF000, s24;
	[sflag:s18] =	ssyncadd.s32 $0xFFFFC000  }
0x2a: {  	[hbm4b:s31+s2] =	stream.linear.scatter [tilespmem:s12], [sflag:$0x5], $0x4000, $0x38;
	[tilespmem:$0x12800] =	vst v63  }
0x2b: {  	_ =	swait.ge [sflag:s9], $0x4000  }
0x2c: {  	[sflag:s9] =	ssyncset.done $0x0  }
0x2d: {  	s28 =	sadd.s32 @!p0 $0x280, s26;
	s30 =	simm.s32 @!p0 $0x6800;
	[sflag:s9] =	ssyncadd.s32 $0xFFFFC000  }
0x2e: {  	[tilespmem:s30], [sflag:$0x2] =	stream.indirect.gather @!p0 [hbm4b:s3+s29], $0x80, s28, s29, $0xb8;
	[tilespmem:$0x12800] =	vst v63  }
0x2f: {  	_ =	swait.ge [sflag:s19], $0x4000  }
0x30: {  	[sflag:s19] =	ssyncset.done $0x0  }
0x31: {  	[sflag:s19] =	ssyncadd.s32 $0xFFFFC000  }
0x32: {  	[hbm4b:s23+s2] =	stream.linear.scatter [tilespmem:s14], [sflag:$0x5], $0x4000, $0x38;
	[tilespmem:$0x12800] =	vst v63  }
0x33: {  	_ =	swait.ge [sflag:s9], $0x4000  }
0x34: {  	[sflag:s9] =	ssyncset.done $0x0  }
0x35: {  	s26 =	sadd.s32 @!p0 $0x300, s26;
	s28 =	simm.s32 @!p0 $0xA800;
	[sflag:s9] =	ssyncadd.s32 $0xFFFFC000  }
0x36: {  	[tilespmem:s28], [sflag:$0x3] =	stream.indirect.gather @!p0 [hbm4b:s3+s29], $0x80, s26, s29, $0xb8;
	[tilespmem:$0x12800] =	vst v63  }
0x37: {  	_ =	swait.ge [sflag:s20], $0x4000  }
0x38: {  	[sflag:s20] =	ssyncset.done $0x0  }
.Ltmp2:
0x39: {  	[sflag:s20] =	ssyncadd.s32 $0xFFFFC000;
	(pc) =	sbr.rel @p0 .LBB2_4-.Ltmp2, $4  }
0x3a: {  	[hbm4b:s24+s2] =	stream.linear.scatter [tilespmem:s16], [sflag:$0x5], $0x4000, $0x38;
	[tilespmem:$0x12800] =	vst v63  }
0x3b: {  	_ =	swait.ge [sflag:s9], $0x4000  }
0x3c: {  	[sflag:s9] =	ssyncset.done $0x0  }
0x3d: {  	[sflag:s9] =	ssyncadd.s32 $0xFFFFC000  }
.Ltmp3:
0x3e: {  	(pc) =	sbr.rel .LBB2_2-.Ltmp3, $4  }
0x3f: {  	_ = 	snop  }
0x40: {  	s26 =	sshra.s32 s25, $0x2;
	s25 =	sadd.s32 $0x800, s25;
	s24 =	sadd.s32 $0x2000, s24  }
0x41: {  	s23 =	sadd.s32 $0x2000, s23;
	s22 =	sadd.s32 $0x2000, s22;
	s26 =	sadd.s32 $0x380, s26  }
0x42: {  	[tilespmem:s16], [sflag:$0x4] =	stream.indirect.gather [hbm4b:s3+s10], $0x80, s26, s10, $0xb8;
	[tilespmem:$0x12800] =	vst v63  }
.LBB2_5:
0x43: {  	_ =	sfence.sel $0x180000  }
0x44: {  	[bflag:$0x0] =	sbarrier.arrive $0xFFFF  }
0x45: {  	p0 =	sne.s32 s0, $0x0;
	_ =	strace $0x9000004A  }
0x46: {  	s0 =	sadd.s32 @!p0 $0x100000, s1;
	[bflag:$0x2] =	sbarrier.arrive $0xFFFF  }
0x47: {  	[sflag:s0] =	ssyncadd.tile.s32 @!p0 $0x1;
	_ =	shalt  }
.Lfunc_end2:
_tile_overlayer_lowered:
.L_overlay_start_2:
0x48: {  	(tag) =	ssettag $0x2  }
0x49: {  	s0 =	rddreg [dreg:$0x0];
	s2 =	stileid.u32  }
0x4a: {  	s1 =	rddreg [dreg:$0x1];
	p0 =	sne.s32 s2, $0x0  }
0x4b: {  	s3 =	rddreg [dreg:$0x2];
	[bflag:$0x3] =	sbarrier.arrive $0xFFFF;
	s2 =	simm.s32 @!p0 $0x1C05  }
0x4c: {  	[timem:s3], [sflag:s2] =	dma.local @!p0 [hbm:s0], s1  }
0x4d: {  	s0 =	simm.s32 @!p0 $0x5  }
0x4e: {  	_ =	swait.ge @!p0 [sflag:s0], s1  }
0x4f: {  	s1 =	ssub.s32 @!p0 $0x0, s1;
	[sflag:s0] =	ssyncset.done @!p0 $0x0  }
0x50: {  	[sflag:s0] =	ssyncadd.s32 @!p0 s1  }
0x51: {  	[bflag:$0x3] =	sbarrier.arrive $0xFFFF  }
0x52: {  	_ =	shalt  }

// kernel: kernel.8.cloned.1.call-start
scs
__scs_entry_jumppad:
0x0: {  	(pc) =	sbr.rel $0x88, $3  }
0x1: {  	(tag) =	ssettag $0x0;
	lr =	simm.s32 $0x1  }
0x2: {  	[smem:$0x3F90] =	sst lr;
	_ =	strace $0xD0000000  }
0x3: {  	_ = 	snop  }
0x4: {  	_ = 	snop  }
0x5: {  	_ = 	snop  }
0x6: {  	_ = 	snop  }
0x7: {  	_ = 	snop  }
__scs_overlays_trampoline_lowered:
0x8: {  	[smem:$0x3F9F] =	sst s0  }
0x9: {  	[smem:$0x3FA0] =	sst s1  }
0xa: {  	[smem:$0x3FA1] =	sst s2  }
0xb: {  	[smem:$0x3FA2] =	sst s3  }
0xc: {  	[smem:$0x3FA3] =	sst s4  }
0xd: {  	[smem:$0x3FA4] =	sst s5  }
0xe: {  	[smem:$0x3FA5] =	sst s6  }
0xf: {  	[smem:$0x3FA6] =	sst s7  }
0x10: {  	[smem:$0x3FA7] =	sst s8  }
0x11: {  	[smem:$0x3FA8] =	sst s9;
	s0 =	simm.s32 @!p0 $0x0  }
0x12: {  	s1 =	sld [smem:$0x3F8E];
	s0 =	simm.s32 @p0 $0x1  }
0x13: {  	[smem:$0x3FA9] =	sst s0;
	s0 =	simm.s32 @!p1 $0x0  }
0x14: {  	s2 =	sld [smem:$0x3F8D];
	s0 =	simm.s32 @p1 $0x1  }
0x15: {  	[smem:$0x3FAA] =	sst s0;
	s0 =	simm.s32 @!p2 $0x0  }
0x16: {  	s3 =	sld [smem:$0x3FDB];
	s0 =	simm.s32 @p2 $0x1  }
0x17: {  	s4 =	simm.s32 $0x1BF5;
	[smem:$0x3FAC] =	sst s0  }
0x18: {  	s0 =	sld [smem:$0x3F8F];
	_ =	swait.ge [sflag:s4], $0x0  }
0x19: {  	s7 =	sld [smem:$0x3F90]  }
0x1a: {  	s8 =	sadd.s32 $0xFFFFE003, lr  }
0x1b: {  	s9 =	sadd.s32 $0xFFFFFEF7, lr;
	s5 =	simm.s32 $0xFFFFFFFF;
	p2 =	slt.u32 s8, $0xFFFFF086  }
0x1c: {  	p1 =	slt.u32 s9, $0xF7A;
	s5 =	simm.s32 @!p2 $0x0  }
0x1d: {  	s5 =	simm.s32 @p1 $0x1;
	p0 =	seq.s32 s7, s2  }
0x1e: {  	s7 =	smul.u32 @!p0 $0xF7A, s2;
	p2 =	seq.s32 @!p0 s5, $0x0  }
0x1f: {  	s9 =	smul.u32 $0xF7A, s1;
	s8 =	simm.s32 @!p0 $0x1BF5;
	p2 =	por !p2, p0  }
0x20: {  	[sflag:s8] =	ssyncset.s32 @!p0 $0xFFFFF086;
	s6 =	sadd.s32 @!p0 s3, s7;
	s7 =	simm.s32 @!p0 $0x108  }
0x21: {  	s3 =	sadd.s32 s3, s9;
	s6 =	sadd.s32 @!p0 $0x88, s6;
	s7 =	simm.s32 @p2 $0x1082  }
0x22: {  	[simem:s7], [sflag:s8] =	dma.local @!p0 [hbm:s6], $0xF7A  }
0x23: {  	s9 =	sor.u32 $0xD0000000, s2;
	s6 =	simm.s32 $0x108;
	_ =	swait.ge @!p0 [sflag:s8], $0x0  }
0x24: {  	s3 =	sadd.s32 $0x88, s3;
	s6 =	simm.s32 @!p1 $0x1082;
	[sflag:s4] =	ssyncset.s32 $0xFFFFF086  }
0x25: {  	[simem:s6], [sflag:s4] =	dma.local [hbm:s3], $0xF7A  }
0x26: {  	[smem:$0x3F90] =	sst s1;
	(tag) =	ssettag s2;
	_ =	strace s9  }
0x27: {  	s1 =	sld [smem:$0x3FA0]  }
0x28: {  	s2 =	sld [smem:$0x3FA1]  }
0x29: {  	s4 =	sld [smem:$0x3FA3]  }
0x2a: {  	p0 =	seq.s32 s5, $0x0;
	s5 =	sld [smem:$0x3FA4]  }
0x2b: {  	s6 =	sld [smem:$0x3FA5]  }
0x2c: {  	s7 =	sld [smem:$0x3FA6]  }
0x2d: {  	s3 =	simm.s32 $0x108;
	s8 =	sld [smem:$0x3FA7]  }
0x2e: {  	s3 =	simm.s32 @!p0 $0x1082;
	s9 =	sld [smem:$0x3FA8]  }
0x2f: {  	lr =	sadd.s32 s0, s3;
	s0 =	sld [smem:$0x3F9F]  }
0x30: {  	s3 =	sld [smem:$0x3FA2]  }
0x31: {  	[smem:$0x3FAB] =	sst s10  }
0x32: {  	s10 =	sld [smem:$0x3FA9];
	_ =	sdelay $0x3  }
0x33: {  	p0 =	seq.s32 s10, $0x1;
	s10 =	sld [smem:$0x3FAB];
	_ =	sdelay $0x3  }
0x34: {  	[smem:$0x3FAB] =	sst s10  }
0x35: {  	s10 =	sld [smem:$0x3FAA];
	_ =	sdelay $0x3  }
0x36: {  	p1 =	seq.s32 s10, $0x1;
	s10 =	sld [smem:$0x3FAB];
	_ =	sdelay $0x3  }
0x37: {  	[smem:$0x3FAB] =	sst s10  }
0x38: {  	s10 =	sld [smem:$0x3FAC]  }
0x39: {  	_ = 	snop;
	(pc) =	sbr.ind lr, $3  }
0x3a: {  	_ = 	snop  }
0x3b: {  	_ = 	snop  }
0x3c: {  	p2 =	seq.s32 s10, $0x1;
	s10 =	sld [smem:$0x3FAB]  }
0x3d: {  	_ =	shalt  }
0x3e: {  	_ =	shalt  }
0x3f: {  	_ =	shalt  }
0x40: {  	_ =	shalt  }
0x41: {  	_ =	shalt  }
0x42: {  	_ =	shalt  }
0x43: {  	_ =	shalt  }
0x44: {  	_ =	shalt  }
0x45: {  	_ =	shalt  }
0x46: {  	_ =	shalt  }
0x47: {  	_ =	shalt  }
0x48: {  	_ =	shalt  }
0x49: {  	_ =	shalt  }
0x4a: {  	_ =	shalt  }
0x4b: {  	_ =	shalt  }
0x4c: {  	_ =	shalt  }
0x4d: {  	_ =	shalt  }
0x4e: {  	_ =	shalt  }
0x4f: {  	_ =	shalt  }
0x50: {  	_ =	shalt  }
0x51: {  	_ =	shalt  }
0x52: {  	_ =	shalt  }
0x53: {  	_ =	shalt  }
0x54: {  	_ =	shalt  }
0x55: {  	_ =	shalt  }
0x56: {  	_ =	shalt  }
0x57: {  	_ =	shalt  }
0x58: {  	_ =	shalt  }
0x59: {  	_ =	shalt  }
0x5a: {  	_ =	shalt  }
0x5b: {  	_ =	shalt  }
0x5c: {  	_ =	shalt  }
0x5d: {  	_ =	shalt  }
0x5e: {  	_ =	shalt  }
0x5f: {  	_ =	shalt  }
0x60: {  	_ =	shalt  }
0x61: {  	_ =	shalt  }
0x62: {  	_ =	shalt  }
0x63: {  	_ =	shalt  }
0x64: {  	_ =	shalt  }
0x65: {  	_ =	shalt  }
0x66: {  	_ =	shalt  }
0x67: {  	_ =	shalt  }
0x68: {  	_ =	shalt  }
0x69: {  	_ =	shalt  }
0x6a: {  	_ =	shalt  }
0x6b: {  	_ =	shalt  }
0x6c: {  	_ =	shalt  }
0x6d: {  	_ =	shalt  }
0x6e: {  	_ =	shalt  }
0x6f: {  	_ =	shalt  }
0x70: {  	_ =	shalt  }
0x71: {  	_ =	shalt  }
0x72: {  	_ =	shalt  }
0x73: {  	_ =	shalt  }
0x74: {  	_ =	shalt  }
0x75: {  	_ =	shalt  }
0x76: {  	_ =	shalt  }
0x77: {  	_ =	shalt  }
0x78: {  	_ =	shalt  }
0x79: {  	_ =	shalt  }
0x7a: {  	_ =	shalt  }
0x7b: {  	_ =	shalt  }
0x7c: {  	_ =	shalt  }
0x7d: {  	_ =	shalt  }
0x7e: {  	_ =	shalt  }
0x7f: {  	_ =	shalt  }
0x80: {  	_ =	shalt  }
0x81: {  	_ =	shalt  }
0x82: {  	_ =	shalt  }
0x83: {  	_ =	shalt  }
0x84: {  	_ =	shalt  }
0x85: {  	_ =	shalt  }
0x86: {  	_ =	shalt  }
0x87: {  	_ =	shalt  }
.Lfunc_end0:
.L_simem_size_0:
called_computation_lowered:
.L_overlay_start_0:
0x88: {  	s2 =	sld [smem:$0x3FD9]  }
0x89: {  	s3 =	sld [smem:$0x3FFE];
	_ =	sdelay $0x1  }
0x8a: {  	s1 =	srdreg.scid  }
0x8b: {  	s0 =	sand.u32 $0x1, s1  }
0x8c: {  	s16 =	sshll.u32 s0, $0xA;
	s2 =	sadd.s32 s3, s2  }
0x8d: {  	s2 =	sadd.s32 s2, s16  }
0x8e: {  	[smem:$0x3FB7] =	sst s2  }
0x8f: {  	_ = 	snop  }
0x90: {  	(tm) =	ssettm $0x1  }
0x91: {  	s17 =	sld [smem:$0x3FFB];
	_ =	sdelay $0x3  }
0x92: {  	_ =	strace s17  }
0x93: {  	s2 =	sld [smem:$0x3FFC];
	_ =	sdelay $0x3  }
0x94: {  	_ =	strace s2  }
0x95: {  	s2 =	sld [smem:$0x3FFD];
	_ =	sdelay $0x3  }
0x96: {  	_ =	strace s2  }
0x97: {  	_ =	strace $0x8FFFFFFF  }
0x98: {  	s18 =	sld [smem:$0x3FDB];
	_ =	sdelay $0x1  }
0x99: {  	s19 =	simm.s32 $_scs_section_size  }
0x9a: {  	s4 =	simm.s32 $_size__tile_overlayer_lowered;
	s5 =	simm.s32 $_tile_overlayer_lowered  }
0x9b: {  	s22 =	simm.s32 $0x1BFF;
	s21 =	sshll.u32 s5, $0x1;
	s2 =	sadd.s32 s19, s18  }
0x9c: {  	s6 =	simm.s32 $0x0;
	s20 =	sshll.u32 s4, $0x1;
	s4 =	sadd.s32 s21, s2  }
0x9d: {  	[timem:s6], [sflag:s22] =	dma.local [hbm:s4], s20  }
0x9e: {  	_ =	swait.ge [sflag:s22], s20  }
0x9f: {  	s3 =	ssub.s32 $0x0, s20;
	[sflag:s22] =	ssyncset.done $0x0  }
0xa0: {  	[sflag:s22] =	ssyncadd.s32 s3;
	_ =	sdelay $0x1  }
0xa1: {  	s23 =	simm.s32 $0x1B8B  }
0xa2: {  	_ =	swait.ge [sflag:s23], $0x1  }
0xa3: {  	[sflag:s23] =	ssyncset.done $0x0  }
0xa4: {  	s25 =	simm.s32 $0x1B8E;
	s24 =	sld [smem:$0x3FFE];
	[sflag:s23] =	ssyncadd.s32 $0xFFFFFFFF  }
0xa5: {  	s26 =	simm.s32 $execute0_lowered;
	[smem:$0x3FD2] =	sst s25  }
0xa6: {  	s4 =	sshll.u32 s26, $0x1;
	_ =	strace $0x80000046;
	[dreg:$0x1] =	wrdreg $0xFFFFFFFF  }
0xa7: {  	s28 =	simm.s32 $_size_execute0_lowered;
	s2 =	sadd.s32 s2, s4;
	[dreg:$0x0] =	wrdreg $0x0  }
0xa8: {  	s4 =	sshll.u32 s28, $0x1;
	[dreg:$0x2] =	wrdreg s2  }
0xa9: {  	[dreg:$0x3] =	wrdreg s4  }
0xaa: {  	[dreg:$0x4] =	wrdreg $0xC0  }
0xab: {  	_ =	task [dreg:s6], $0x5FFFF  }
0xac: {  	[dreg:$0x1] =	wrdreg $0xFFFFFFFF  }
0xad: {  	[dreg:$0x0] =	wrdreg $0x60  }
0xae: {  	[dreg:$0x2] =	wrdreg s24  }
0xaf: {  	[dreg:$0x3] =	wrdreg $0x9  }
0xb0: {  	_ =	task.clear_ibuf [dreg:s6], $0x4FFFF;
	_ =	strace $0x90000046  }
0xb1: {  	s29 =	simm.s32 $0x9;
	_ =	strace $0x80000048  }
0xb2: {  	_ =	swait.ge [sflag:s29], $0x1  }
0xb3: {  	[sflag:s29] =	ssyncadd.s32 $0xFFFFFFFF  }
0xb4: {  	_ =	strace $0x90000048  }
0xb5: {  	_ =	sfence  }
0xb6: {  	s30 =	sld [smem:$0x0];
	_ =	sdelay $0x2  }
0xb7: {  	s31 =	sshll.u32 s1, $0xD;
	s1 =	sshrl.u32 s1, $0x2  }
0xb8: {  	s3 =	sand.u32 $0x4000, s31;
	s1 =	sadd.s32 s1, s30  }
0xb9: {  	s0 =	sor.u32 s3, s0;
	s1 =	sshll.u32 s1, $0x11  }
0xba: {  	s0 =	sor.u32 s1, s0  }
0xbb: {  	s0 =	sadd.s32 $0x8F2B, s0  }
0xbc: {  	[sflag:s0] =	ssyncadd.remote.s32 $0x1  }
0xbd: {  	_ =	sfence.sel $0xFFFF  }
0xbe: {  	[dreg:$0x0] =	wrdreg $0xFFFFFFFF;
	(pc) =	sbr.abs _section_cstart, $3  }
0xbf: {  	[dreg:$0x1] =	wrdreg $0xFFFFFFFF  }
0xc0: {  	_ =	task.clear_ibuf [dreg:s6], $0x2FFFF;
	_ =	strace $0x9FFFFFFF  }
0xc1: {  	(tm) =	ssettm $0x7FFFFFFF  }
tec
execute0_lowered:
.L_overlay_start_1:
0x0: {  	(tag) =	ssettag $0x1  }
0x1: {  	s1 =	srdreg.scid;
	s0 =	stileid.u32  }
0x2: {  	s4 =	rddreg [dreg:$0x0];
	s2 =	simm.s32 $0x0;
	s12 =	simm.s32 $0x3000  }
0x3: {  	s13 =	simm.s32 $0x100;
	s14 =	simm.s32 $0x3800;
	s15 =	simm.s32 $0x180  }
0x4: {  	s16 =	simm.s32 $0x4000;
	s17 =	simm.s32 $0x1;
	s18 =	simm.s32 $0x2  }
0x5: {  	s19 =	simm.s32 $0x3;
	s20 =	simm.s32 $0x4;
	s21 =	simm.s32 $0x0  }
0x6: {  	s5 =	sand.u32 $0x1, s1;
	s1 =	rddreg [dreg:$0x1];
	s7 =	smul.u32 $0xA0, s0  }
0x7: {  	s26 =	sshll.u32 s0, $0x1;
	[smem:$0x7FF] =	sst s2;
	s30 =	smul.u32 $0xA000, s0  }
0x8: {  	s10 =	sadd.s32 $0x15A00, s4;
	s3 =	sor.u32 s5, s26;
	s8 =	smul.u32 $0x50, s5  }
0x9: {  	_ =	strace $0x80000047;
	s9 =	ssub.s32 $0x2, s5;
	s11 =	smul.u32 $0x5000, s5  }
0xa: {  	s6 =	smul.u32 $0x500, s3;
	s3 =	sadd.s32 $0xDA00, s4;
	s28 =	sshrl.u32 s9, $0x1  }
.Ltmp0:
0xb: {  	s31 =	sadd.s32 s30, s10;
	s7 =	sadd.s32 s8, s7;
	(pc) =	sbr.rel .LBB2_1-.Ltmp0, $4  }
0xc: {  	s29 =	ssub.s32 s9, s28;
	s8 =	sadd.s32 s11, s31;
	s9 =	simm.s32 $0x5  }
0xd: {  	s11 =	simm.s32 $0x2800;
	s6 =	sadd.s32 s6, s4;
	s7 =	sshll.u32 s7, $0x8  }
0xe: {  	s5 =	smax.u32 s29, $0x1;
	s4 =	sadd.s32 $0x3A00, s6;
	s7 =	sadd.s32 s7, s10  }
0xf: {  	s10 =	simm.s32 $0x80;
	s6 =	sadd.s32 $0x300, s7;
	s7 =	sadd.s32 $0x200, s7  }
.LBB2_4:
0x10: {  	s21 =	sadd.s32 $0x1, s21  }
0x11: {  	p0 =	sne.s32 s21, s5  }
.Ltmp1:
0x12: {  	_ = 	snop;
	(pc) =	sbr.rel @!p0 .LBB2_5-.Ltmp1, $1  }
0x13: {  	_ =	sdelay $0x3  }
.LBB2_1:
0x14: {  	[tilespmem:s2], [sflag:$0x5] =	stream.linear.gather [hbm4b:s4+s2], $0x2800, $0x38;
	[tilespmem:$0x4800] =	vst v63  }
0x15: {  	_ =	swait.ge [sflag:s9], $0x2800  }
0x16: {  	[sflag:s9] =	ssyncset.done $0x0  }
0x17: {  	[sflag:s9] =	ssyncadd.s32 $0xFFFFD800  }
0x18: {  	[tilespmem:s11], [sflag:$0x1] =	stream.indirect.gather [hbm4b:s3+s10], $0x10, s2, s10, $0xb8;
	[tilespmem:$0x4800] =	vst v63  }
0x19: {  	_ = 	snop  }
0x1a: {  	[tilespmem:s12], [sflag:$0x2] =	stream.indirect.gather [hbm4b:s3+s10], $0x10, s10, s10, $0xb8;
	[tilespmem:$0x4800] =	vst v63  }
0x1b: {  	s22 =	smov.u32 s8  }
0x1c: {  	[tilespmem:s14], [sflag:$0x3] =	stream.indirect.gather [hbm4b:s3+s10], $0x10, s13, s10, $0xb8;
	[tilespmem:$0x4800] =	vst v63  }
0x1d: {  	s23 =	smov.u32 s7;
	s24 =	smov.u32 s6;
	s25 =	simm.s32 $0x0  }
0x1e: {  	[tilespmem:s16], [sflag:$0x4] =	stream.indirect.gather [hbm4b:s3+s10], $0x10, s15, s10, $0xb8;
	[tilespmem:$0x4800] =	vst v63  }
.LBB2_2:
0x1f: {  	_ =	swait.ge [sflag:s17], $0x800  }
0x20: {  	[sflag:s17] =	ssyncset.done $0x0  }
0x21: {  	[sflag:s17] =	ssyncadd.s32 $0xFFFFF800  }
0x22: {  	[hbm4b:s22+s2] =	stream.linear.scatter [tilespmem:s11], [sflag:$0x5], $0x800, $0x38;
	[tilespmem:$0x4800] =	vst v63  }
0x23: {  	p0 =	seq.s32 s25, $0x9800;
	_ =	swait.ge [sflag:s9], $0x800  }
0x24: {  	s26 =	sshra.s32 @!p0 s25, $0x2;
	s29 =	simm.s32 @!p0 $0x80;
	[sflag:s9] =	ssyncset.done $0x0  }
0x25: {  	s30 =	simm.s32 @!p0 $0x2800;
	s28 =	sadd.s32 @!p0 $0x200, s26;
	[sflag:s9] =	ssyncadd.s32 $0xFFFFF800  }
0x26: {  	[tilespmem:s30], [sflag:$0x1] =	stream.indirect.gather @!p0 [hbm4b:s3+s29], $0x10, s28, s29, $0xb8;
	[tilespmem:$0x4800] =	vst v63  }
0x27: {  	_ =	swait.ge [sflag:s18], $0x800  }
0x28: {  	[sflag:s18] =	ssyncset.done $0x0  }
0x29: {  	s31 =	sadd.s32 $0xFFFFFE00, s24;
	[sflag:s18] =	ssyncadd.s32 $0xFFFFF800  }
0x2a: {  	[hbm4b:s31+s2] =	stream.linear.scatter [tilespmem:s12], [sflag:$0x5], $0x800, $0x38;
	[tilespmem:$0x4800] =	vst v63  }
0x2b: {  	_ =	swait.ge [sflag:s9], $0x800  }
0x2c: {  	[sflag:s9] =	ssyncset.done $0x0  }
0x2d: {  	s28 =	sadd.s32 @!p0 $0x280, s26;
	s30 =	simm.s32 @!p0 $0x3000;
	[sflag:s9] =	ssyncadd.s32 $0xFFFFF800  }
0x2e: {  	[tilespmem:s30], [sflag:$0x2] =	stream.indirect.gather @!p0 [hbm4b:s3+s29], $0x10, s28, s29, $0xb8;
	[tilespmem:$0x4800] =	vst v63  }
0x2f: {  	_ =	swait.ge [sflag:s19], $0x800  }
0x30: {  	[sflag:s19] =	ssyncset.done $0x0  }
0x31: {  	[sflag:s19] =	ssyncadd.s32 $0xFFFFF800  }
0x32: {  	[hbm4b:s23+s2] =	stream.linear.scatter [tilespmem:s14], [sflag:$0x5], $0x800, $0x38;
	[tilespmem:$0x4800] =	vst v63  }
0x33: {  	_ =	swait.ge [sflag:s9], $0x800  }
0x34: {  	[sflag:s9] =	ssyncset.done $0x0  }
0x35: {  	s26 =	sadd.s32 @!p0 $0x300, s26;
	s28 =	simm.s32 @!p0 $0x3800;
	[sflag:s9] =	ssyncadd.s32 $0xFFFFF800  }
0x36: {  	[tilespmem:s28], [sflag:$0x3] =	stream.indirect.gather @!p0 [hbm4b:s3+s29], $0x10, s26, s29, $0xb8;
	[tilespmem:$0x4800] =	vst v63  }
0x37: {  	_ =	swait.ge [sflag:s20], $0x800  }
0x38: {  	[sflag:s20] =	ssyncset.done $0x0  }
.Ltmp2:
0x39: {  	[sflag:s20] =	ssyncadd.s32 $0xFFFFF800;
	(pc) =	sbr.rel @p0 .LBB2_4-.Ltmp2, $4  }
0x3a: {  	[hbm4b:s24+s2] =	stream.linear.scatter [tilespmem:s16], [sflag:$0x5], $0x800, $0x38;
	[tilespmem:$0x4800] =	vst v63  }
0x3b: {  	_ =	swait.ge [sflag:s9], $0x800  }
0x3c: {  	[sflag:s9] =	ssyncset.done $0x0  }
0x3d: {  	[sflag:s9] =	ssyncadd.s32 $0xFFFFF800  }
.Ltmp3:
0x3e: {  	(pc) =	sbr.rel .LBB2_2-.Ltmp3, $4  }
0x3f: {  	_ = 	snop  }
0x40: {  	s26 =	sshra.s32 s25, $0x2;
	s25 =	sadd.s32 $0x800, s25;
	s24 =	sadd.s32 $0x400, s24  }
0x41: {  	s23 =	sadd.s32 $0x400, s23;
	s22 =	sadd.s32 $0x400, s22;
	s26 =	sadd.s32 $0x380, s26  }
0x42: {  	[tilespmem:s16], [sflag:$0x4] =	stream.indirect.gather [hbm4b:s3+s10], $0x10, s26, s10, $0xb8;
	[tilespmem:$0x4800] =	vst v63  }
.LBB2_5:
0x43: {  	_ =	sfence.sel $0x180000  }
0x44: {  	[bflag:$0x0] =	sbarrier.arrive $0xFFFF  }
0x45: {  	p0 =	sne.s32 s0, $0x0;
	_ =	strace $0x90000047  }
0x46: {  	s0 =	sadd.s32 @!p0 $0x100000, s1;
	[bflag:$0x2] =	sbarrier.arrive $0xFFFF  }
0x47: {  	[sflag:s0] =	ssyncadd.tile.s32 @!p0 $0x1;
	_ =	shalt  }
.Lfunc_end2:
_tile_overlayer_lowered:
.L_overlay_start_2:
0x48: {  	(tag) =	ssettag $0x2  }
0x49: {  	s0 =	rddreg [dreg:$0x0];
	s2 =	stileid.u32  }
0x4a: {  	s1 =	rddreg [dreg:$0x1];
	p0 =	sne.s32 s2, $0x0  }
0x4b: {  	s3 =	rddreg [dreg:$0x2];
	[bflag:$0x3] =	sbarrier.arrive $0xFFFF;
	s2 =	simm.s32 @!p0 $0x1C05  }
0x4c: {  	[timem:s3], [sflag:s2] =	dma.local @!p0 [hbm:s0], s1  }
0x4d: {  	s0 =	simm.s32 @!p0 $0x5  }
0x4e: {  	_ =	swait.ge @!p0 [sflag:s0], s1  }
0x4f: {  	s1 =	ssub.s32 @!p0 $0x0, s1;
	[sflag:s0] =	ssyncset.done @!p0 $0x0  }
0x50: {  	[sflag:s0] =	ssyncadd.s32 @!p0 s1  }
0x51: {  	[bflag:$0x3] =	sbarrier.arrive $0xFFFF  }
0x52: {  	_ =	shalt  }

</sc_bundles>
